<compile_context>
chip_gen: v7x
topology: tpu7x:2x2x1
jax: 0.10.2.dev20260603
libtpu: 0.0.44.dev20260713+nightly
codegen_flags: <defaults>
</compile_context>

<pallas_src>
import functools

import jax
import jax.numpy as jnp
from jax import lax
from jax.experimental import pallas as pl
from jax.experimental.pallas import tpu as pltpu
from jax.experimental.pallas import tpu_sc as plsc

IN_C = 128
SPIRAL = 32
OUT_C = 128
N_PTS = 10000

_info = plsc.get_sparse_core_info()
NC = _info.num_cores
NS = _info.num_subcores
L = _info.num_lanes
NW = NC * NS

PC = 16
RPC = PC * SPIRAL
NCHUNK = N_PTS // PC
NIT = (NCHUNK + NW - 1) // NW
VPR = OUT_C // L



def _mm_body(x_ref, w_ref, y_ref):
    y_ref[0] = jnp.dot(x_ref[...], w_ref[0],
                       preferred_element_type=jnp.float32)


def _matmul(x2d, wmat3):
    return pl.pallas_call(
        _mm_body,
        grid=(SPIRAL,),
        in_specs=[
            pl.BlockSpec((N_PTS, IN_C), lambda s: (0, 0)),
            pl.BlockSpec((1, IN_C, OUT_C), lambda s: (s, 0, 0)),
        ],
        out_specs=pl.BlockSpec((1, N_PTS, OUT_C), lambda s: (s, 0, 0)),
        out_shape=jax.ShapeDtypeStruct((SPIRAL, N_PTS, OUT_C), jnp.float32),
    )(x2d, wmat3)



_mesh = plsc.VectorSubcoreMesh(core_axis_name="c", subcore_axis_name="s")


@functools.partial(
    pl.kernel,
    out_type=jax.ShapeDtypeStruct((N_PTS, OUT_C), jnp.float32),
    mesh=_mesh,
    scratch_types=[
        pltpu.VMEM((RPC,), jnp.int32),
        pltpu.VMEM((RPC,), jnp.int32),
        pltpu.VMEM((SPIRAL, PC), jnp.int32),
        pltpu.VMEM((SPIRAL, PC), jnp.int32),
        pltpu.VMEM((PC, OUT_C), jnp.float32),
        pltpu.VMEM((PC, OUT_C), jnp.float32),
        pltpu.VMEM((OUT_C,), jnp.float32),
        pltpu.SemaphoreType.DMA,
        pltpu.SemaphoreType.DMA,
        pltpu.SemaphoreType.DMA,
        pltpu.SemaphoreType.DMA,
        pltpu.SemaphoreType.DMA,
        pltpu.SemaphoreType.DMA,
    ],
)
def _sc_gather(y_hbm, adj_hbm, b_hbm, out_hbm,
               adj0, adj1, idx0, idx1, acc0, acc1, bias_v,
               sema0, sema1, semr0, semr1, semo0, semo1):
    wid = lax.axis_index("s") * NC + lax.axis_index("c")
    pltpu.sync_copy(b_hbm, bias_v)

    def chunk_of(i):
        return jnp.minimum(wid + i * NW, NCHUNK - 1)

    def adj_cp(i, adj_v, sema):
        c = chunk_of(i)
        return pltpu.make_async_copy(
            adj_hbm.at[pl.ds(c * RPC, RPC)], adj_v, sema)

    def out_cp(i, acc_v, semo):
        c = chunk_of(i)
        return pltpu.make_async_copy(
            acc_v, out_hbm.at[pl.ds(c * PC, PC)], semo)

    def stage(adj_v, idx_v, acc_v, semr):
        def init_body(p, carry):
            for v in range(VPR):
                acc_v[p, pl.ds(v * L, L)] = bias_v[pl.ds(v * L, L)]
            return carry

        lax.fori_loop(0, PC, init_body, 0)

        for s in range(SPIRAL):
            av = adj_v[pl.ds(s * PC, PC)]
            idx_v[s, pl.ds(0, PC)] = av + s * N_PTS
            pltpu.async_copy(y_hbm.at[idx_v.at[s]], acc_v, semr, add=True)

    def drain(idx_v, acc_v, semr):
        def d_body(s, carry):
            pltpu.make_async_copy(y_hbm.at[idx_v.at[0]], acc_v, semr).wait()
            return carry

        lax.fori_loop(0, SPIRAL, d_body, 0)

    def elu_zero(i, acc_v):
        c = chunk_of(i)

        def e_body(p, carry):
            for v in range(VPR):
                z = acc_v[p, pl.ds(v * L, L)]
                acc_v[p, pl.ds(v * L, L)] = jnp.where(
                    z > 0.0, z, jnp.exp(jnp.minimum(z, 0.0)) - 1.0)
            return carry

        lax.fori_loop(0, PC, e_body, 0)

        @pl.when(c == NCHUNK - 1)
        def _():
            zero = jnp.zeros((L,), jnp.float32)
            for v in range(VPR):
                acc_v[PC - 1, pl.ds(v * L, L)] = zero

    def valid(i):
        return wid + i * NW < NCHUNK

    def step(i, cur, nxt):
        (c_adj, c_idx, c_acc, c_sema, c_semr, c_semo) = cur
        (n_adj, n_idx, n_acc, n_sema, n_semr, n_semo) = nxt

        @pl.when(i + 1 < NIT)
        def _():
            @pl.when((i >= 1) & valid(i - 1))
            def _():
                out_cp(i - 1, n_acc, n_semo).wait()

            adj_cp(i + 1, n_adj, n_sema).wait()
            stage(n_adj, n_idx, n_acc, n_semr)

        @pl.when(i + 2 < NIT)
        def _():
            adj_cp(i + 2, c_adj, c_sema).start()

        drain(c_idx, c_acc, c_semr)
        elu_zero(i, c_acc)

        @pl.when(valid(i))
        def _():
            out_cp(i, c_acc, c_semo).start()

    slot0 = (adj0, idx0, acc0, sema0, semr0, semo0)
    slot1 = (adj1, idx1, acc1, sema1, semr1, semo1)

    adj_cp(0, adj0, sema0).start()
    adj_cp(0, adj0, sema0).wait()
    stage(adj0, idx0, acc0, semr0)
    adj_cp(1, adj1, sema1).start()

    def pair_body(g, carry):
        step(2 * g, slot0, slot1)
        step(2 * g + 1, slot1, slot0)
        return carry

    lax.fori_loop(0, NIT // 2, pair_body, 0)

    @pl.when(valid(NIT - 2))
    def _():
        out_cp(NIT - 2, acc0 if (NIT - 2) % 2 == 0 else acc1,
               semo0 if (NIT - 2) % 2 == 0 else semo1).wait()

    @pl.when(valid(NIT - 1))
    def _():
        out_cp(NIT - 1, acc0 if (NIT - 1) % 2 == 0 else acc1,
               semo0 if (NIT - 1) % 2 == 0 else semo1).wait()



def kernel(x, spiral_adj, W, b):
    x2d = x.reshape(N_PTS, IN_C).astype(jnp.bfloat16)
    adj = (spiral_adj.reshape(NCHUNK, PC, SPIRAL).astype(jnp.int32)
           .transpose(0, 2, 1).reshape(N_PTS * SPIRAL))
    wmat3 = (W.reshape(OUT_C, SPIRAL, IN_C).transpose(1, 2, 0)
             .astype(jnp.bfloat16))
    y = _matmul(x2d, wmat3)
    yr = y.reshape(SPIRAL * N_PTS, OUT_C)
    out2d = _sc_gather(yr, adj, b)
    return out2d.reshape(1, N_PTS, OUT_C)

# --- scband reference (transcript-rebuilt; emitter-appended) ---
"""Pipeline reference for scband-spiral-conv-9878424780834 (READ-ONLY COPY).

The authoritative reference and input builder live on the scoring server;
editing this copy changes nothing except your own understanding.
"""

import jax, jax.numpy as jnp
import numpy as np

IN_C = 128
SPIRAL_SIZE = 32
OUT_C = 128
BSIZE = 1
NUM_PTS = 10000


def setup_inputs(seed: int = 0) -> dict:
    key = jax.random.key(seed)
    k1, k2, k3, k4 = jax.random.split(key, 4)
    x = jax.random.normal(k1, (BSIZE, NUM_PTS, IN_C), dtype=jnp.float32)
    spiral_adj = jax.random.randint(k2, (BSIZE, NUM_PTS, SPIRAL_SIZE), 0, NUM_PTS, dtype=jnp.int64)
    # nn.Linear(in_c*spiral_size, out_c): W [out, in], b [out]
    fan_in = IN_C * SPIRAL_SIZE
    bound = 1.0 / np.sqrt(fan_in)
    W = jax.random.uniform(k3, (OUT_C, fan_in), minval=-bound, maxval=bound, dtype=jnp.float32)
    b = jax.random.uniform(k4, (OUT_C,), minval=-bound, maxval=bound, dtype=jnp.float32)
    return {"x": x, "spiral_adj": spiral_adj, "W": W, "b": b}


def reference(x, spiral_adj, W, b):
    bsize, num_pts, feats = x.shape
    spiral_size = spiral_adj.shape[2]
    # gather spiral neighborhoods per batch: x[b, spiral_adj[b, n, s], :]
    flat_idx = spiral_adj.reshape(bsize, num_pts * spiral_size)
    spirals = jax.vmap(lambda xb, ib: jnp.take(xb, ib, axis=0))(x, flat_idx)
    spirals = spirals.reshape(bsize * num_pts, spiral_size * feats)
    out_feat = spirals @ W.T + b
    out_feat = jax.nn.elu(out_feat)
    out_feat = out_feat.reshape(bsize, num_pts, OUT_C)
    zero_padding = jnp.ones((1, num_pts, 1), dtype=x.dtype).at[0, -1, 0].set(0.0)
    out_feat = out_feat * zero_padding
    return out_feat

if __name__ == "__main__":
    import jax
    _d = setup_inputs()
    print(jax.jit(kernel)(*tuple(_d.values())))

</pallas_src>

<mosaic_0001>
#map = affine_map<(d0, d1) -> (0, 0)>
#map1 = affine_map<(d0, d1) -> (0)>
module attributes {stable_mosaic.version = 14 : i64} {
  func.func @_sc_gather(%arg0: i32, %arg1: i32, %arg2: memref<320000x128xf32, #tpu.memory_space<hbm>>, %arg3: memref<320000xi32, #tpu.memory_space<hbm>>, %arg4: memref<128xf32, #tpu.memory_space<hbm>>, %arg5: memref<10000x128xf32, #tpu.memory_space<hbm>>, %arg6: memref<512xi32, #tpu.memory_space<vmem>>, %arg7: memref<512xi32, #tpu.memory_space<vmem>>, %arg8: memref<32x16xi32, #tpu.memory_space<vmem>>, %arg9: memref<32x16xi32, #tpu.memory_space<vmem>>, %arg10: memref<16x128xf32, #tpu.memory_space<vmem>>, %arg11: memref<16x128xf32, #tpu.memory_space<vmem>>, %arg12: memref<128xf32, #tpu.memory_space<vmem>>, %arg13: memref<!tpu.dma_semaphore, #tpu.memory_space<semaphore_mem>>, %arg14: memref<!tpu.dma_semaphore, #tpu.memory_space<semaphore_mem>>, %arg15: memref<!tpu.dma_semaphore, #tpu.memory_space<semaphore_mem>>, %arg16: memref<!tpu.dma_semaphore, #tpu.memory_space<semaphore_mem>>, %arg17: memref<!tpu.dma_semaphore, #tpu.memory_space<semaphore_mem>>, %arg18: memref<!tpu.dma_semaphore, #tpu.memory_space<semaphore_mem>>) attributes {dimension_semantics = [#tpu.dimension_semantics<core_parallel>, #tpu.dimension_semantics<subcore_parallel>], iteration_bounds = array<i64: 2, 16>, scalar_prefetch = 0 : i64, scratch_operands = 13 : i64, tpu.core_type = #tpu.core_type<sc_vector_subcore>, window_params = [{transform_indices = #map}, {transform_indices = #map1}, {transform_indices = #map1}, {transform_indices = #map}]} {
    %mul3A = arith.constant 2 : i32
    %mul3A_0 = arith.muli %arg1, %mul3A : i32
    %add3A = arith.addi %mul3A_0, %arg0 : i32
    "tpu.region"() ({
      %run_scoped3A = tpu.sem_alloc : memref<!tpu.dma_semaphore, #tpu.memory_space<semaphore_mem>>
      tpu.enqueue_dma source(%arg4 : memref<128xf32, #tpu.memory_space<hbm>>) target(%arg12 : memref<128xf32, #tpu.memory_space<vmem>>) target_semaphore(%run_scoped3A : memref<!tpu.dma_semaphore, #tpu.memory_space<semaphore_mem>>)
      tpu.wait_dma2 semaphore(%run_scoped3A : memref<!tpu.dma_semaphore, #tpu.memory_space<semaphore_mem>>) src(%arg4 : memref<128xf32, #tpu.memory_space<hbm>>) dst(%arg12 : memref<128xf32, #tpu.memory_space<vmem>>)
      tpu.yield
    }) : () -> ()
    %add3A_1 = arith.constant 0 : i32
    %add3A_2 = arith.addi %add3A, %add3A_1 : i32
    %min3A = arith.constant 624 : i32
    %min3A_3 = arith.minsi %add3A_2, %min3A : i32
    %mul3A_4 = arith.constant 512 : i32
    %mul3A_5 = arith.muli %min3A_3, %mul3A_4 : i32
    %dma_start3A = tpu.memref_slice %arg3[%mul3A_5] : memref<320000xi32, #tpu.memory_space<hbm>> -> memref<512xi32, #tpu.memory_space<hbm>>
    %dma_start3A_6 = tpu.memref_slice %arg3[%mul3A_5] : memref<320000xi32, #tpu.memory_space<hbm>> -> memref<512xi32, #tpu.memory_space<hbm>>
    tpu.enqueue_dma source(%dma_start3A_6 : memref<512xi32, #tpu.memory_space<hbm>>) target(%arg6 : memref<512xi32, #tpu.memory_space<vmem>>) target_semaphore(%arg13 : memref<!tpu.dma_semaphore, #tpu.memory_space<semaphore_mem>>)
    %add3A_7 = arith.constant 0 : i32
    %add3A_8 = arith.addi %add3A, %add3A_7 : i32
    %min3A_9 = arith.constant 624 : i32
    %min3A_10 = arith.minsi %add3A_8, %min3A_9 : i32
    %mul3A_11 = arith.constant 512 : i32
    %mul3A_12 = arith.muli %min3A_10, %mul3A_11 : i32
    %dma_wait3A = tpu.memref_slice %arg3[%mul3A_12] : memref<320000xi32, #tpu.memory_space<hbm>> -> memref<512xi32, #tpu.memory_space<hbm>>
    %dma_wait3A_13 = tpu.memref_slice %arg3[%mul3A_12] : memref<320000xi32, #tpu.memory_space<hbm>> -> memref<512xi32, #tpu.memory_space<hbm>>
    tpu.wait_dma2 semaphore(%arg13 : memref<!tpu.dma_semaphore, #tpu.memory_space<semaphore_mem>>) src(%dma_wait3A_13 : memref<512xi32, #tpu.memory_space<hbm>>) dst(%arg6 : memref<512xi32, #tpu.memory_space<vmem>>)
    %scan3A = arith.constant 0 : i32
    %scan3A_14 = arith.constant 0 : i32
    %scan3A_15 = arith.constant 16 : i32
    %scan3A_16 = arith.addi %scan3A_14, %scan3A_15 : i32
    %scan3A_17 = arith.constant 1 : i32
    scf.for %scan3A_650 = %scan3A_14 to %scan3A_16 step %scan3A_17  : i32 {
      %get3A_651 = arith.constant 0 : index
      %get3A_652 = tpu.vector_load %arg12[%get3A_651] {strides = array<i32>} : memref<128xf32, #tpu.memory_space<vmem>>, vector<16xf32>,
      %get3A_653 = vector.shape_cast %get3A_652 : vector<16xf32> to vector<16xf32>
      %swap3A_654 = arith.index_cast %scan3A_650 : i32 to index
      %swap3A_655 = arith.constant 0 : index
      %swap3A_656 = tpu.vector_load %arg10[%swap3A_654, %swap3A_655] {strides = array<i32>} : memref<16x128xf32, #tpu.memory_space<vmem>>, vector<1x16xf32>,
      %swap3A_657 = vector.shape_cast %swap3A_656 : vector<1x16xf32> to vector<16xf32>
      %swap3A_658 = vector.shape_cast %get3A_653 : vector<16xf32> to vector<1x16xf32>
      tpu.vector_store %arg10[%swap3A_654, %swap3A_655], %swap3A_658 {strides = array<i32>} : memref<16x128xf32, #tpu.memory_space<vmem>>, vector<1x16xf32>,
      %get3A_659 = arith.constant 16 : index
      %get3A_660 = tpu.vector_load %arg12[%get3A_659] {strides = array<i32>} : memref<128xf32, #tpu.memory_space<vmem>>, vector<16xf32>,
      %get3A_661 = vector.shape_cast %get3A_660 : vector<16xf32> to vector<16xf32>
      %swap3A_662 = arith.index_cast %scan3A_650 : i32 to index
      %swap3A_663 = arith.constant 16 : index
      %swap3A_664 = tpu.vector_load %arg10[%swap3A_662, %swap3A_663] {strides = array<i32>} : memref<16x128xf32, #tpu.memory_space<vmem>>, vector<1x16xf32>,
      %swap3A_665 = vector.shape_cast %swap3A_664 : vector<1x16xf32> to vector<16xf32>
      %swap3A_666 = vector.shape_cast %get3A_661 : vector<16xf32> to vector<1x16xf32>
      tpu.vector_store %arg10[%swap3A_662, %swap3A_663], %swap3A_666 {strides = array<i32>} : memref<16x128xf32, #tpu.memory_space<vmem>>, vector<1x16xf32>,
      %get3A_667 = arith.constant 32 : index
      %get3A_668 = tpu.vector_load %arg12[%get3A_667] {strides = array<i32>} : memref<128xf32, #tpu.memory_space<vmem>>, vector<16xf32>,
      %get3A_669 = vector.shape_cast %get3A_668 : vector<16xf32> to vector<16xf32>
      %swap3A_670 = arith.index_cast %scan3A_650 : i32 to index
      %swap3A_671 = arith.constant 32 : index
      %swap3A_672 = tpu.vector_load %arg10[%swap3A_670, %swap3A_671] {strides = array<i32>} : memref<16x128xf32, #tpu.memory_space<vmem>>, vector<1x16xf32>,
      %swap3A_673 = vector.shape_cast %swap3A_672 : vector<1x16xf32> to vector<16xf32>
      %swap3A_674 = vector.shape_cast %get3A_669 : vector<16xf32> to vector<1x16xf32>
      tpu.vector_store %arg10[%swap3A_670, %swap3A_671], %swap3A_674 {strides = array<i32>} : memref<16x128xf32, #tpu.memory_space<vmem>>, vector<1x16xf32>,
      %get3A_675 = arith.constant 48 : index
      %get3A_676 = tpu.vector_load %arg12[%get3A_675] {strides = array<i32>} : memref<128xf32, #tpu.memory_space<vmem>>, vector<16xf32>,
      %get3A_677 = vector.shape_cast %get3A_676 : vector<16xf32> to vector<16xf32>
      %swap3A_678 = arith.index_cast %scan3A_650 : i32 to index
      %swap3A_679 = arith.constant 48 : index
      %swap3A_680 = tpu.vector_load %arg10[%swap3A_678, %swap3A_679] {strides = array<i32>} : memref<16x128xf32, #tpu.memory_space<vmem>>, vector<1x16xf32>,
      %swap3A_681 = vector.shape_cast %swap3A_680 : vector<1x16xf32> to vector<16xf32>
      %swap3A_682 = vector.shape_cast %get3A_677 : vector<16xf32> to vector<1x16xf32>
      tpu.vector_store %arg10[%swap3A_678, %swap3A_679], %swap3A_682 {strides = array<i32>} : memref<16x128xf32, #tpu.memory_space<vmem>>, vector<1x16xf32>,
      %get3A_683 = arith.constant 64 : index
      %get3A_684 = tpu.vector_load %arg12[%get3A_683] {strides = array<i32>} : memref<128xf32, #tpu.memory_space<vmem>>, vector<16xf32>,
      %get3A_685 = vector.shape_cast %get3A_684 : vector<16xf32> to vector<16xf32>
      %swap3A_686 = arith.index_cast %scan3A_650 : i32 to index
      %swap3A_687 = arith.constant 64 : index
      %swap3A_688 = tpu.vector_load %arg10[%swap3A_686, %swap3A_687] {strides = array<i32>} : memref<16x128xf32, #tpu.memory_space<vmem>>, vector<1x16xf32>,
      %swap3A_689 = vector.shape_cast %swap3A_688 : vector<1x16xf32> to vector<16xf32>
      %swap3A_690 = vector.shape_cast %get3A_685 : vector<16xf32> to vector<1x16xf32>
      tpu.vector_store %arg10[%swap3A_686, %swap3A_687], %swap3A_690 {strides = array<i32>} : memref<16x128xf32, #tpu.memory_space<vmem>>, vector<1x16xf32>,
      %get3A_691 = arith.constant 80 : index
      %get3A_692 = tpu.vector_load %arg12[%get3A_691] {strides = array<i32>} : memref<128xf32, #tpu.memory_space<vmem>>, vector<16xf32>,
      %get3A_693 = vector.shape_cast %get3A_692 : vector<16xf32> to vector<16xf32>
      %swap3A_694 = arith.index_cast %scan3A_650 : i32 to index
      %swap3A_695 = arith.constant 80 : index
      %swap3A_696 = tpu.vector_load %arg10[%swap3A_694, %swap3A_695] {strides = array<i32>} : memref<16x128xf32, #tpu.memory_space<vmem>>, vector<1x16xf32>,
      %swap3A_697 = vector.shape_cast %swap3A_696 : vector<1x16xf32> to vector<16xf32>
      %swap3A_698 = vector.shape_cast %get3A_693 : vector<16xf32> to vector<1x16xf32>
      tpu.vector_store %arg10[%swap3A_694, %swap3A_695], %swap3A_698 {strides = array<i32>} : memref<16x128xf32, #tpu.memory_space<vmem>>, vector<1x16xf32>,
      %get3A_699 = arith.constant 96 : index
      %get3A_700 = tpu.vector_load %arg12[%get3A_699] {strides = array<i32>} : memref<128xf32, #tpu.memory_space<vmem>>, vector<16xf32>,
      %get3A_701 = vector.shape_cast %get3A_700 : vector<16xf32> to vector<16xf32>
      %swap3A_702 = arith.index_cast %scan3A_650 : i32 to index
      %swap3A_703 = arith.constant 96 : index
      %swap3A_704 = tpu.vector_load %arg10[%swap3A_702, %swap3A_703] {strides = array<i32>} : memref<16x128xf32, #tpu.memory_space<vmem>>, vector<1x16xf32>,
      %swap3A_705 = vector.shape_cast %swap3A_704 : vector<1x16xf32> to vector<16xf32>
      %swap3A_706 = vector.shape_cast %get3A_701 : vector<16xf32> to vector<1x16xf32>
      tpu.vector_store %arg10[%swap3A_702, %swap3A_703], %swap3A_706 {strides = array<i32>} : memref<16x128xf32, #tpu.memory_space<vmem>>, vector<1x16xf32>,
      %get3A_707 = arith.constant 112 : index
      %get3A_708 = tpu.vector_load %arg12[%get3A_707] {strides = array<i32>} : memref<128xf32, #tpu.memory_space<vmem>>, vector<16xf32>,
      %get3A_709 = vector.shape_cast %get3A_708 : vector<16xf32> to vector<16xf32>
      %swap3A_710 = arith.index_cast %scan3A_650 : i32 to index
      %swap3A_711 = arith.constant 112 : index
      %swap3A_712 = tpu.vector_load %arg10[%swap3A_710, %swap3A_711] {strides = array<i32>} : memref<16x128xf32, #tpu.memory_space<vmem>>, vector<1x16xf32>,
      %swap3A_713 = vector.shape_cast %swap3A_712 : vector<1x16xf32> to vector<16xf32>
      %swap3A_714 = vector.shape_cast %get3A_709 : vector<16xf32> to vector<1x16xf32>
      tpu.vector_store %arg10[%swap3A_710, %swap3A_711], %swap3A_714 {strides = array<i32>} : memref<16x128xf32, #tpu.memory_space<vmem>>, vector<1x16xf32>,
    }
    %scan3A_18 = arith.constant 16 : i32
    %get3A = arith.constant 0 : index
    %get3A_19 = tpu.vector_load %arg6[%get3A] {strides = array<i32>} : memref<512xi32, #tpu.memory_space<vmem>>, vector<16xi32>,
    %get3A_20 = vector.shape_cast %get3A_19 : vector<16xi32> to vector<16xi32>
    %add3A_21 = arith.constant 0 : i32
    %add3A_22 = vector.broadcast %add3A_21 : i32 to vector<16xi32>
    %add3A_23 = arith.addi %get3A_20, %add3A_22 : vector<16xi32>
    %swap3A = arith.constant 0 : i32
    %swap3A_24 = arith.index_cast %swap3A : i32 to index
    %swap3A_25 = arith.constant 0 : index
    %swap3A_26 = tpu.vector_load %arg8[%swap3A_24, %swap3A_25] {strides = array<i32>} : memref<32x16xi32, #tpu.memory_space<vmem>>, vector<1x16xi32>,
    %swap3A_27 = vector.shape_cast %swap3A_26 : vector<1x16xi32> to vector<16xi32>
    %swap3A_28 = vector.shape_cast %add3A_23 : vector<16xi32> to vector<1x16xi32>
    tpu.vector_store %arg8[%swap3A_24, %swap3A_25], %swap3A_28 {strides = array<i32>} : memref<32x16xi32, #tpu.memory_space<vmem>>, vector<1x16xi32>,
    %dma_start3A_29 = arith.constant 0 : i32
    %dma_start3A_30 = arith.constant 0 : i32
    %dma_start3A_31 = tpu.memref_slice %arg8[%dma_start3A_29, %dma_start3A_30] : memref<32x16xi32, #tpu.memory_space<vmem>> -> memref<1x16xi32, #tpu.memory_space<vmem>>
    %dma_start3A_32 = tpu.memref_squeeze %dma_start3A_31 : memref<1x16xi32, #tpu.memory_space<vmem>> -> memref<16xi32, #tpu.memory_space<vmem>>
    %dma_start3A_33 = arith.constant 0 : i32
    %dma_start3A_34 = arith.constant 0 : i32
    %dma_start3A_35 = tpu.memref_slice %arg2[%dma_start3A_33, %dma_start3A_34] : memref<320000x128xf32, #tpu.memory_space<hbm>> -> memref<320000x128xf32, #tpu.memory_space<hbm>>
    tpu.enqueue_indirect_dma source(%dma_start3A_35 : memref<320000x128xf32, #tpu.memory_space<hbm>>) target(%arg10 : memref<16x128xf32, #tpu.memory_space<vmem>>) offsets(%dma_start3A_32 : memref<16xi32, #tpu.memory_space<vmem>>) semaphore(%arg15 : memref<!tpu.dma_semaphore, #tpu.memory_space<semaphore_mem>>) {add = true}
    %get3A_36 = arith.constant 16 : index
    %get3A_37 = tpu.vector_load %arg6[%get3A_36] {strides = array<i32>} : memref<512xi32, #tpu.memory_space<vmem>>, vector<16xi32>,
    %get3A_38 = vector.shape_cast %get3A_37 : vector<16xi32> to vector<16xi32>
    %add3A_39 = arith.constant 10000 : i32
    %add3A_40 = vector.broadcast %add3A_39 : i32 to vector<16xi32>
    %add3A_41 = arith.addi %get3A_38, %add3A_40 : vector<16xi32>
    %swap3A_42 = arith.constant 1 : i32
    %swap3A_43 = arith.index_cast %swap3A_42 : i32 to index
    %swap3A_44 = arith.constant 0 : index
    %swap3A_45 = tpu.vector_load %arg8[%swap3A_43, %swap3A_44] {strides = array<i32>} : memref<32x16xi32, #tpu.memory_space<vmem>>, vector<1x16xi32>,
    %swap3A_46 = vector.shape_cast %swap3A_45 : vector<1x16xi32> to vector<16xi32>
    %swap3A_47 = vector.shape_cast %add3A_41 : vector<16xi32> to vector<1x16xi32>
    tpu.vector_store %arg8[%swap3A_43, %swap3A_44], %swap3A_47 {strides = array<i32>} : memref<32x16xi32, #tpu.memory_space<vmem>>, vector<1x16xi32>,
    %dma_start3A_48 = arith.constant 1 : i32
    %dma_start3A_49 = arith.constant 0 : i32
    %dma_start3A_50 = tpu.memref_slice %arg8[%dma_start3A_48, %dma_start3A_49] : memref<32x16xi32, #tpu.memory_space<vmem>> -> memref<1x16xi32, #tpu.memory_space<vmem>>
    %dma_start3A_51 = tpu.memref_squeeze %dma_start3A_50 : memref<1x16xi32, #tpu.memory_space<vmem>> -> memref<16xi32, #tpu.memory_space<vmem>>
    %dma_start3A_52 = arith.constant 0 : i32
    %dma_start3A_53 = arith.constant 0 : i32
    %dma_start3A_54 = tpu.memref_slice %arg2[%dma_start3A_52, %dma_start3A_53] : memref<320000x128xf32, #tpu.memory_space<hbm>> -> memref<320000x128xf32, #tpu.memory_space<hbm>>
    tpu.enqueue_indirect_dma source(%dma_start3A_54 : memref<320000x128xf32, #tpu.memory_space<hbm>>) target(%arg10 : memref<16x128xf32, #tpu.memory_space<vmem>>) offsets(%dma_start3A_51 : memref<16xi32, #tpu.memory_space<vmem>>) semaphore(%arg15 : memref<!tpu.dma_semaphore, #tpu.memory_space<semaphore_mem>>) {add = true}
    %get3A_55 = arith.constant 32 : index
    %get3A_56 = tpu.vector_load %arg6[%get3A_55] {strides = array<i32>} : memref<512xi32, #tpu.memory_space<vmem>>, vector<16xi32>,
    %get3A_57 = vector.shape_cast %get3A_56 : vector<16xi32> to vector<16xi32>
    %add3A_58 = arith.constant 20000 : i32
    %add3A_59 = vector.broadcast %add3A_58 : i32 to vector<16xi32>
    %add3A_60 = arith.addi %get3A_57, %add3A_59 : vector<16xi32>
    %swap3A_61 = arith.constant 2 : i32
    %swap3A_62 = arith.index_cast %swap3A_61 : i32 to index
    %swap3A_63 = arith.constant 0 : index
    %swap3A_64 = tpu.vector_load %arg8[%swap3A_62, %swap3A_63] {strides = array<i32>} : memref<32x16xi32, #tpu.memory_space<vmem>>, vector<1x16xi32>,
    %swap3A_65 = vector.shape_cast %swap3A_64 : vector<1x16xi32> to vector<16xi32>
    %swap3A_66 = vector.shape_cast %add3A_60 : vector<16xi32> to vector<1x16xi32>
    tpu.vector_store %arg8[%swap3A_62, %swap3A_63], %swap3A_66 {strides = array<i32>} : memref<32x16xi32, #tpu.memory_space<vmem>>, vector<1x16xi32>,
    %dma_start3A_67 = arith.constant 2 : i32
    %dma_start3A_68 = arith.constant 0 : i32
    %dma_start3A_69 = tpu.memref_slice %arg8[%dma_start3A_67, %dma_start3A_68] : memref<32x16xi32, #tpu.memory_space<vmem>> -> memref<1x16xi32, #tpu.memory_space<vmem>>
    %dma_start3A_70 = tpu.memref_squeeze %dma_start3A_69 : memref<1x16xi32, #tpu.memory_space<vmem>> -> memref<16xi32, #tpu.memory_space<vmem>>
    %dma_start3A_71 = arith.constant 0 : i32
    %dma_start3A_72 = arith.constant 0 : i32
    %dma_start3A_73 = tpu.memref_slice %arg2[%dma_start3A_71, %dma_start3A_72] : memref<320000x128xf32, #tpu.memory_space<hbm>> -> memref<320000x128xf32, #tpu.memory_space<hbm>>
    tpu.enqueue_indirect_dma source(%dma_start3A_73 : memref<320000x128xf32, #tpu.memory_space<hbm>>) target(%arg10 : memref<16x128xf32, #tpu.memory_space<vmem>>) offsets(%dma_start3A_70 : memref<16xi32, #tpu.memory_space<vmem>>) semaphore(%arg15 : memref<!tpu.dma_semaphore, #tpu.memory_space<semaphore_mem>>) {add = true}
    %get3A_74 = arith.constant 48 : index
    %get3A_75 = tpu.vector_load %arg6[%get3A_74] {strides = array<i32>} : memref<512xi32, #tpu.memory_space<vmem>>, vector<16xi32>,
    %get3A_76 = vector.shape_cast %get3A_75 : vector<16xi32> to vector<16xi32>
    %add3A_77 = arith.constant 30000 : i32
    %add3A_78 = vector.broadcast %add3A_77 : i32 to vector<16xi32>
    %add3A_79 = arith.addi %get3A_76, %add3A_78 : vector<16xi32>
    %swap3A_80 = arith.constant 3 : i32
    %swap3A_81 = arith.index_cast %swap3A_80 : i32 to index
    %swap3A_82 = arith.constant 0 : index
    %swap3A_83 = tpu.vector_load %arg8[%swap3A_81, %swap3A_82] {strides = array<i32>} : memref<32x16xi32, #tpu.memory_space<vmem>>, vector<1x16xi32>,
    %swap3A_84 = vector.shape_cast %swap3A_83 : vector<1x16xi32> to vector<16xi32>
    %swap3A_85 = vector.shape_cast %add3A_79 : vector<16xi32> to vector<1x16xi32>
    tpu.vector_store %arg8[%swap3A_81, %swap3A_82], %swap3A_85 {strides = array<i32>} : memref<32x16xi32, #tpu.memory_space<vmem>>, vector<1x16xi32>,
    %dma_start3A_86 = arith.constant 3 : i32
    %dma_start3A_87 = arith.constant 0 : i32
    %dma_start3A_88 = tpu.memref_slice %arg8[%dma_start3A_86, %dma_start3A_87] : memref<32x16xi32, #tpu.memory_space<vmem>> -> memref<1x16xi32, #tpu.memory_space<vmem>>
    %dma_start3A_89 = tpu.memref_squeeze %dma_start3A_88 : memref<1x16xi32, #tpu.memory_space<vmem>> -> memref<16xi32, #tpu.memory_space<vmem>>
    %dma_start3A_90 = arith.constant 0 : i32
    %dma_start3A_91 = arith.constant 0 : i32
    %dma_start3A_92 = tpu.memref_slice %arg2[%dma_start3A_90, %dma_start3A_91] : memref<320000x128xf32, #tpu.memory_space<hbm>> -> memref<320000x128xf32, #tpu.memory_space<hbm>>
    tpu.enqueue_indirect_dma source(%dma_start3A_92 : memref<320000x128xf32, #tpu.memory_space<hbm>>) target(%arg10 : memref<16x128xf32, #tpu.memory_space<vmem>>) offsets(%dma_start3A_89 : memref<16xi32, #tpu.memory_space<vmem>>) semaphore(%arg15 : memref<!tpu.dma_semaphore, #tpu.memory_space<semaphore_mem>>) {add = true}
    %get3A_93 = arith.constant 64 : index
    %get3A_94 = tpu.vector_load %arg6[%get3A_93] {strides = array<i32>} : memref<512xi32, #tpu.memory_space<vmem>>, vector<16xi32>,
    %get3A_95 = vector.shape_cast %get3A_94 : vector<16xi32> to vector<16xi32>
    %add3A_96 = arith.constant 40000 : i32
    %add3A_97 = vector.broadcast %add3A_96 : i32 to vector<16xi32>
    %add3A_98 = arith.addi %get3A_95, %add3A_97 : vector<16xi32>
    %swap3A_99 = arith.constant 4 : i32
    %swap3A_100 = arith.index_cast %swap3A_99 : i32 to index
    %swap3A_101 = arith.constant 0 : index
    %swap3A_102 = tpu.vector_load %arg8[%swap3A_100, %swap3A_101] {strides = array<i32>} : memref<32x16xi32, #tpu.memory_space<vmem>>, vector<1x16xi32>,
    %swap3A_103 = vector.shape_cast %swap3A_102 : vector<1x16xi32> to vector<16xi32>
    %swap3A_104 = vector.shape_cast %add3A_98 : vector<16xi32> to vector<1x16xi32>
    tpu.vector_store %arg8[%swap3A_100, %swap3A_101], %swap3A_104 {strides = array<i32>} : memref<32x16xi32, #tpu.memory_space<vmem>>, vector<1x16xi32>,
    %dma_start3A_105 = arith.constant 4 : i32
    %dma_start3A_106 = arith.constant 0 : i32
    %dma_start3A_107 = tpu.memref_slice %arg8[%dma_start3A_105, %dma_start3A_106] : memref<32x16xi32, #tpu.memory_space<vmem>> -> memref<1x16xi32, #tpu.memory_space<vmem>>
    %dma_start3A_108 = tpu.memref_squeeze %dma_start3A_107 : memref<1x16xi32, #tpu.memory_space<vmem>> -> memref<16xi32, #tpu.memory_space<vmem>>
    %dma_start3A_109 = arith.constant 0 : i32
    %dma_start3A_110 = arith.constant 0 : i32
    %dma_start3A_111 = tpu.memref_slice %arg2[%dma_start3A_109, %dma_start3A_110] : memref<320000x128xf32, #tpu.memory_space<hbm>> -> memref<320000x128xf32, #tpu.memory_space<hbm>>
    tpu.enqueue_indirect_dma source(%dma_start3A_111 : memref<320000x128xf32, #tpu.memory_space<hbm>>) target(%arg10 : memref<16x128xf32, #tpu.memory_space<vmem>>) offsets(%dma_start3A_108 : memref<16xi32, #tpu.memory_space<vmem>>) semaphore(%arg15 : memref<!tpu.dma_semaphore, #tpu.memory_space<semaphore_mem>>) {add = true}
    %get3A_112 = arith.constant 80 : index
    %get3A_113 = tpu.vector_load %arg6[%get3A_112] {strides = array<i32>} : memref<512xi32, #tpu.memory_space<vmem>>, vector<16xi32>,
    %get3A_114 = vector.shape_cast %get3A_113 : vector<16xi32> to vector<16xi32>
    %add3A_115 = arith.constant 50000 : i32
    %add3A_116 = vector.broadcast %add3A_115 : i32 to vector<16xi32>
    %add3A_117 = arith.addi %get3A_114, %add3A_116 : vector<16xi32>
    %swap3A_118 = arith.constant 5 : i32
    %swap3A_119 = arith.index_cast %swap3A_118 : i32 to index
    %swap3A_120 = arith.constant 0 : index
    %swap3A_121 = tpu.vector_load %arg8[%swap3A_119, %swap3A_120] {strides = array<i32>} : memref<32x16xi32, #tpu.memory_space<vmem>>, vector<1x16xi32>,
    %swap3A_122 = vector.shape_cast %swap3A_121 : vector<1x16xi32> to vector<16xi32>
    %swap3A_123 = vector.shape_cast %add3A_117 : vector<16xi32> to vector<1x16xi32>
    tpu.vector_store %arg8[%swap3A_119, %swap3A_120], %swap3A_123 {strides = array<i32>} : memref<32x16xi32, #tpu.memory_space<vmem>>, vector<1x16xi32>,
    %dma_start3A_124 = arith.constant 5 : i32
    %dma_start3A_125 = arith.constant 0 : i32
    %dma_start3A_126 = tpu.memref_slice %arg8[%dma_start3A_124, %dma_start3A_125] : memref<32x16xi32, #tpu.memory_space<vmem>> -> memref<1x16xi32, #tpu.memory_space<vmem>>
    %dma_start3A_127 = tpu.memref_squeeze %dma_start3A_126 : memref<1x16xi32, #tpu.memory_space<vmem>> -> memref<16xi32, #tpu.memory_space<vmem>>
    %dma_start3A_128 = arith.constant 0 : i32
    %dma_start3A_129 = arith.constant 0 : i32
    %dma_start3A_130 = tpu.memref_slice %arg2[%dma_start3A_128, %dma_start3A_129] : memref<320000x128xf32, #tpu.memory_space<hbm>> -> memref<320000x128xf32, #tpu.memory_space<hbm>>
    tpu.enqueue_indirect_dma source(%dma_start3A_130 : memref<320000x128xf32, #tpu.memory_space<hbm>>) target(%arg10 : memref<16x128xf32, #tpu.memory_space<vmem>>) offsets(%dma_start3A_127 : memref<16xi32, #tpu.memory_space<vmem>>) semaphore(%arg15 : memref<!tpu.dma_semaphore, #tpu.memory_space<semaphore_mem>>) {add = true}
    %get3A_131 = arith.constant 96 : index
    %get3A_132 = tpu.vector_load %arg6[%get3A_131] {strides = array<i32>} : memref<512xi32, #tpu.memory_space<vmem>>, vector<16xi32>,
    %get3A_133 = vector.shape_cast %get3A_132 : vector<16xi32> to vector<16xi32>
    %add3A_134 = arith.constant 60000 : i32
    %add3A_135 = vector.broadcast %add3A_134 : i32 to vector<16xi32>
    %add3A_136 = arith.addi %get3A_133, %add3A_135 : vector<16xi32>
    %swap3A_137 = arith.constant 6 : i32
    %swap3A_138 = arith.index_cast %swap3A_137 : i32 to index
    %swap3A_139 = arith.constant 0 : index
    %swap3A_140 = tpu.vector_load %arg8[%swap3A_138, %swap3A_139] {strides = array<i32>} : memref<32x16xi32, #tpu.memory_space<vmem>>, vector<1x16xi32>,
    %swap3A_141 = vector.shape_cast %swap3A_140 : vector<1x16xi32> to vector<16xi32>
    %swap3A_142 = vector.shape_cast %add3A_136 : vector<16xi32> to vector<1x16xi32>
    tpu.vector_store %arg8[%swap3A_138, %swap3A_139], %swap3A_142 {strides = array<i32>} : memref<32x16xi32, #tpu.memory_space<vmem>>, vector<1x16xi32>,
    %dma_start3A_143 = arith.constant 6 : i32
    %dma_start3A_144 = arith.constant 0 : i32
    %dma_start3A_145 = tpu.memref_slice %arg8[%dma_start3A_143, %dma_start3A_144] : memref<32x16xi32, #tpu.memory_space<vmem>> -> memref<1x16xi32, #tpu.memory_space<vmem>>
    %dma_start3A_146 = tpu.memref_squeeze %dma_start3A_145 : memref<1x16xi32, #tpu.memory_space<vmem>> -> memref<16xi32, #tpu.memory_space<vmem>>
    %dma_start3A_147 = arith.constant 0 : i32
    %dma_start3A_148 = arith.constant 0 : i32
    %dma_start3A_149 = tpu.memref_slice %arg2[%dma_start3A_147, %dma_start3A_148] : memref<320000x128xf32, #tpu.memory_space<hbm>> -> memref<320000x128xf32, #tpu.memory_space<hbm>>
    tpu.enqueue_indirect_dma source(%dma_start3A_149 : memref<320000x128xf32, #tpu.memory_space<hbm>>) target(%arg10 : memref<16x128xf32, #tpu.memory_space<vmem>>) offsets(%dma_start3A_146 : memref<16xi32, #tpu.memory_space<vmem>>) semaphore(%arg15 : memref<!tpu.dma_semaphore, #tpu.memory_space<semaphore_mem>>) {add = true}
    %get3A_150 = arith.constant 112 : index
    %get3A_151 = tpu.vector_load %arg6[%get3A_150] {strides = array<i32>} : memref<512xi32, #tpu.memory_space<vmem>>, vector<16xi32>,
    %get3A_152 = vector.shape_cast %get3A_151 : vector<16xi32> to vector<16xi32>
    %add3A_153 = arith.constant 70000 : i32
    %add3A_154 = vector.broadcast %add3A_153 : i32 to vector<16xi32>
    %add3A_155 = arith.addi %get3A_152, %add3A_154 : vector<16xi32>
    %swap3A_156 = arith.constant 7 : i32
    %swap3A_157 = arith.index_cast %swap3A_156 : i32 to index
    %swap3A_158 = arith.constant 0 : index
    %swap3A_159 = tpu.vector_load %arg8[%swap3A_157, %swap3A_158] {strides = array<i32>} : memref<32x16xi32, #tpu.memory_space<vmem>>, vector<1x16xi32>,
    %swap3A_160 = vector.shape_cast %swap3A_159 : vector<1x16xi32> to vector<16xi32>
    %swap3A_161 = vector.shape_cast %add3A_155 : vector<16xi32> to vector<1x16xi32>
    tpu.vector_store %arg8[%swap3A_157, %swap3A_158], %swap3A_161 {strides = array<i32>} : memref<32x16xi32, #tpu.memory_space<vmem>>, vector<1x16xi32>,
    %dma_start3A_162 = arith.constant 7 : i32
    %dma_start3A_163 = arith.constant 0 : i32
    %dma_start3A_164 = tpu.memref_slice %arg8[%dma_start3A_162, %dma_start3A_163] : memref<32x16xi32, #tpu.memory_space<vmem>> -> memref<1x16xi32, #tpu.memory_space<vmem>>
    %dma_start3A_165 = tpu.memref_squeeze %dma_start3A_164 : memref<1x16xi32, #tpu.memory_space<vmem>> -> memref<16xi32, #tpu.memory_space<vmem>>
    %dma_start3A_166 = arith.constant 0 : i32
    %dma_start3A_167 = arith.constant 0 : i32
    %dma_start3A_168 = tpu.memref_slice %arg2[%dma_start3A_166, %dma_start3A_167] : memref<320000x128xf32, #tpu.memory_space<hbm>> -> memref<320000x128xf32, #tpu.memory_space<hbm>>
    tpu.enqueue_indirect_dma source(%dma_start3A_168 : memref<320000x128xf32, #tpu.memory_space<hbm>>) target(%arg10 : memref<16x128xf32, #tpu.memory_space<vmem>>) offsets(%dma_start3A_165 : memref<16xi32, #tpu.memory_space<vmem>>) semaphore(%arg15 : memref<!tpu.dma_semaphore, #tpu.memory_space<semaphore_mem>>) {add = true}
    %get3A_169 = arith.constant 128 : index
    %get3A_170 = tpu.vector_load %arg6[%get3A_169] {strides = array<i32>} : memref<512xi32, #tpu.memory_space<vmem>>, vector<16xi32>,
    %get3A_171 = vector.shape_cast %get3A_170 : vector<16xi32> to vector<16xi32>
    %add3A_172 = arith.constant 80000 : i32
    %add3A_173 = vector.broadcast %add3A_172 : i32 to vector<16xi32>
    %add3A_174 = arith.addi %get3A_171, %add3A_173 : vector<16xi32>
    %swap3A_175 = arith.constant 8 : i32
    %swap3A_176 = arith.index_cast %swap3A_175 : i32 to index
    %swap3A_177 = arith.constant 0 : index
    %swap3A_178 = tpu.vector_load %arg8[%swap3A_176, %swap3A_177] {strides = array<i32>} : memref<32x16xi32, #tpu.memory_space<vmem>>, vector<1x16xi32>,
    %swap3A_179 = vector.shape_cast %swap3A_178 : vector<1x16xi32> to vector<16xi32>
    %swap3A_180 = vector.shape_cast %add3A_174 : vector<16xi32> to vector<1x16xi32>
    tpu.vector_store %arg8[%swap3A_176, %swap3A_177], %swap3A_180 {strides = array<i32>} : memref<32x16xi32, #tpu.memory_space<vmem>>, vector<1x16xi32>,
    %dma_start3A_181 = arith.constant 8 : i32
    %dma_start3A_182 = arith.constant 0 : i32
    %dma_start3A_183 = tpu.memref_slice %arg8[%dma_start3A_181, %dma_start3A_182] : memref<32x16xi32, #tpu.memory_space<vmem>> -> memref<1x16xi32, #tpu.memory_space<vmem>>
    %dma_start3A_184 = tpu.memref_squeeze %dma_start3A_183 : memref<1x16xi32, #tpu.memory_space<vmem>> -> memref<16xi32, #tpu.memory_space<vmem>>
    %dma_start3A_185 = arith.constant 0 : i32
    %dma_start3A_186 = arith.constant 0 : i32
    %dma_start3A_187 = tpu.memref_slice %arg2[%dma_start3A_185, %dma_start3A_186] : memref<320000x128xf32, #tpu.memory_space<hbm>> -> memref<320000x128xf32, #tpu.memory_space<hbm>>
    tpu.enqueue_indirect_dma source(%dma_start3A_187 : memref<320000x128xf32, #tpu.memory_space<hbm>>) target(%arg10 : memref<16x128xf32, #tpu.memory_space<vmem>>) offsets(%dma_start3A_184 : memref<16xi32, #tpu.memory_space<vmem>>) semaphore(%arg15 : memref<!tpu.dma_semaphore, #tpu.memory_space<semaphore_mem>>) {add = true}
    %get3A_188 = arith.constant 144 : index
    %get3A_189 = tpu.vector_load %arg6[%get3A_188] {strides = array<i32>} : memref<512xi32, #tpu.memory_space<vmem>>, vector<16xi32>,
    %get3A_190 = vector.shape_cast %get3A_189 : vector<16xi32> to vector<16xi32>
    %add3A_191 = arith.constant 90000 : i32
    %add3A_192 = vector.broadcast %add3A_191 : i32 to vector<16xi32>
    %add3A_193 = arith.addi %get3A_190, %add3A_192 : vector<16xi32>
    %swap3A_194 = arith.constant 9 : i32
    %swap3A_195 = arith.index_cast %swap3A_194 : i32 to index
    %swap3A_196 = arith.constant 0 : index
    %swap3A_197 = tpu.vector_load %arg8[%swap3A_195, %swap3A_196] {strides = array<i32>} : memref<32x16xi32, #tpu.memory_space<vmem>>, vector<1x16xi32>,
    %swap3A_198 = vector.shape_cast %swap3A_197 : vector<1x16xi32> to vector<16xi32>
    %swap3A_199 = vector.shape_cast %add3A_193 : vector<16xi32> to vector<1x16xi32>
    tpu.vector_store %arg8[%swap3A_195, %swap3A_196], %swap3A_199 {strides = array<i32>} : memref<32x16xi32, #tpu.memory_space<vmem>>, vector<1x16xi32>,
    %dma_start3A_200 = arith.constant 9 : i32
    %dma_start3A_201 = arith.constant 0 : i32
    %dma_start3A_202 = tpu.memref_slice %arg8[%dma_start3A_200, %dma_start3A_201] : memref<32x16xi32, #tpu.memory_space<vmem>> -> memref<1x16xi32, #tpu.memory_space<vmem>>
    %dma_start3A_203 = tpu.memref_squeeze %dma_start3A_202 : memref<1x16xi32, #tpu.memory_space<vmem>> -> memref<16xi32, #tpu.memory_space<vmem>>
    %dma_start3A_204 = arith.constant 0 : i32
    %dma_start3A_205 = arith.constant 0 : i32
    %dma_start3A_206 = tpu.memref_slice %arg2[%dma_start3A_204, %dma_start3A_205] : memref<320000x128xf32, #tpu.memory_space<hbm>> -> memref<320000x128xf32, #tpu.memory_space<hbm>>
    tpu.enqueue_indirect_dma source(%dma_start3A_206 : memref<320000x128xf32, #tpu.memory_space<hbm>>) target(%arg10 : memref<16x128xf32, #tpu.memory_space<vmem>>) offsets(%dma_start3A_203 : memref<16xi32, #tpu.memory_space<vmem>>) semaphore(%arg15 : memref<!tpu.dma_semaphore, #tpu.memory_space<semaphore_mem>>) {add = true}
    %get3A_207 = arith.constant 160 : index
    %get3A_208 = tpu.vector_load %arg6[%get3A_207] {strides = array<i32>} : memref<512xi32, #tpu.memory_space<vmem>>, vector<16xi32>,
    %get3A_209 = vector.shape_cast %get3A_208 : vector<16xi32> to vector<16xi32>
    %add3A_210 = arith.constant 100000 : i32
    %add3A_211 = vector.broadcast %add3A_210 : i32 to vector<16xi32>
    %add3A_212 = arith.addi %get3A_209, %add3A_211 : vector<16xi32>
    %swap3A_213 = arith.constant 10 : i32
    %swap3A_214 = arith.index_cast %swap3A_213 : i32 to index
    %swap3A_215 = arith.constant 0 : index
    %swap3A_216 = tpu.vector_load %arg8[%swap3A_214, %swap3A_215] {strides = array<i32>} : memref<32x16xi32, #tpu.memory_space<vmem>>, vector<1x16xi32>,
    %swap3A_217 = vector.shape_cast %swap3A_216 : vector<1x16xi32> to vector<16xi32>
    %swap3A_218 = vector.shape_cast %add3A_212 : vector<16xi32> to vector<1x16xi32>
    tpu.vector_store %arg8[%swap3A_214, %swap3A_215], %swap3A_218 {strides = array<i32>} : memref<32x16xi32, #tpu.memory_space<vmem>>, vector<1x16xi32>,
    %dma_start3A_219 = arith.constant 10 : i32
    %dma_start3A_220 = arith.constant 0 : i32
    %dma_start3A_221 = tpu.memref_slice %arg8[%dma_start3A_219, %dma_start3A_220] : memref<32x16xi32, #tpu.memory_space<vmem>> -> memref<1x16xi32, #tpu.memory_space<vmem>>
    %dma_start3A_222 = tpu.memref_squeeze %dma_start3A_221 : memref<1x16xi32, #tpu.memory_space<vmem>> -> memref<16xi32, #tpu.memory_space<vmem>>
    %dma_start3A_223 = arith.constant 0 : i32
    %dma_start3A_224 = arith.constant 0 : i32
    %dma_start3A_225 = tpu.memref_slice %arg2[%dma_start3A_223, %dma_start3A_224] : memref<320000x128xf32, #tpu.memory_space<hbm>> -> memref<320000x128xf32, #tpu.memory_space<hbm>>
    tpu.enqueue_indirect_dma source(%dma_start3A_225 : memref<320000x128xf32, #tpu.memory_space<hbm>>) target(%arg10 : memref<16x128xf32, #tpu.memory_space<vmem>>) offsets(%dma_start3A_222 : memref<16xi32, #tpu.memory_space<vmem>>) semaphore(%arg15 : memref<!tpu.dma_semaphore, #tpu.memory_space<semaphore_mem>>) {add = true}
    %get3A_226 = arith.constant 176 : index
    %get3A_227 = tpu.vector_load %arg6[%get3A_226] {strides = array<i32>} : memref<512xi32, #tpu.memory_space<vmem>>, vector<16xi32>,
    %get3A_228 = vector.shape_cast %get3A_227 : vector<16xi32> to vector<16xi32>
    %add3A_229 = arith.constant 110000 : i32
    %add3A_230 = vector.broadcast %add3A_229 : i32 to vector<16xi32>
    %add3A_231 = arith.addi %get3A_228, %add3A_230 : vector<16xi32>
    %swap3A_232 = arith.constant 11 : i32
    %swap3A_233 = arith.index_cast %swap3A_232 : i32 to index
    %swap3A_234 = arith.constant 0 : index
    %swap3A_235 = tpu.vector_load %arg8[%swap3A_233, %swap3A_234] {strides = array<i32>} : memref<32x16xi32, #tpu.memory_space<vmem>>, vector<1x16xi32>,
    %swap3A_236 = vector.shape_cast %swap3A_235 : vector<1x16xi32> to vector<16xi32>
    %swap3A_237 = vector.shape_cast %add3A_231 : vector<16xi32> to vector<1x16xi32>
    tpu.vector_store %arg8[%swap3A_233, %swap3A_234], %swap3A_237 {strides = array<i32>} : memref<32x16xi32, #tpu.memory_space<vmem>>, vector<1x16xi32>,
    %dma_start3A_238 = arith.constant 11 : i32
    %dma_start3A_239 = arith.constant 0 : i32
    %dma_start3A_240 = tpu.memref_slice %arg8[%dma_start3A_238, %dma_start3A_239] : memref<32x16xi32, #tpu.memory_space<vmem>> -> memref<1x16xi32, #tpu.memory_space<vmem>>
    %dma_start3A_241 = tpu.memref_squeeze %dma_start3A_240 : memref<1x16xi32, #tpu.memory_space<vmem>> -> memref<16xi32, #tpu.memory_space<vmem>>
    %dma_start3A_242 = arith.constant 0 : i32
    %dma_start3A_243 = arith.constant 0 : i32
    %dma_start3A_244 = tpu.memref_slice %arg2[%dma_start3A_242, %dma_start3A_243] : memref<320000x128xf32, #tpu.memory_space<hbm>> -> memref<320000x128xf32, #tpu.memory_space<hbm>>
    tpu.enqueue_indirect_dma source(%dma_start3A_244 : memref<320000x128xf32, #tpu.memory_space<hbm>>) target(%arg10 : memref<16x128xf32, #tpu.memory_space<vmem>>) offsets(%dma_start3A_241 : memref<16xi32, #tpu.memory_space<vmem>>) semaphore(%arg15 : memref<!tpu.dma_semaphore, #tpu.memory_space<semaphore_mem>>) {add = true}
    %get3A_245 = arith.constant 192 : index
    %get3A_246 = tpu.vector_load %arg6[%get3A_245] {strides = array<i32>} : memref<512xi32, #tpu.memory_space<vmem>>, vector<16xi32>,
    %get3A_247 = vector.shape_cast %get3A_246 : vector<16xi32> to vector<16xi32>
    %add3A_248 = arith.constant 120000 : i32
    %add3A_249 = vector.broadcast %add3A_248 : i32 to vector<16xi32>
    %add3A_250 = arith.addi %get3A_247, %add3A_249 : vector<16xi32>
    %swap3A_251 = arith.constant 12 : i32
    %swap3A_252 = arith.index_cast %swap3A_251 : i32 to index
    %swap3A_253 = arith.constant 0 : index
    %swap3A_254 = tpu.vector_load %arg8[%swap3A_252, %swap3A_253] {strides = array<i32>} : memref<32x16xi32, #tpu.memory_space<vmem>>, vector<1x16xi32>,
    %swap3A_255 = vector.shape_cast %swap3A_254 : vector<1x16xi32> to vector<16xi32>
    %swap3A_256 = vector.shape_cast %add3A_250 : vector<16xi32> to vector<1x16xi32>
    tpu.vector_store %arg8[%swap3A_252, %swap3A_253], %swap3A_256 {strides = array<i32>} : memref<32x16xi32, #tpu.memory_space<vmem>>, vector<1x16xi32>,
    %dma_start3A_257 = arith.constant 12 : i32
    %dma_start3A_258 = arith.constant 0 : i32
    %dma_start3A_259 = tpu.memref_slice %arg8[%dma_start3A_257, %dma_start3A_258] : memref<32x16xi32, #tpu.memory_space<vmem>> -> memref<1x16xi32, #tpu.memory_space<vmem>>
    %dma_start3A_260 = tpu.memref_squeeze %dma_start3A_259 : memref<1x16xi32, #tpu.memory_space<vmem>> -> memref<16xi32, #tpu.memory_space<vmem>>
    %dma_start3A_261 = arith.constant 0 : i32
    %dma_start3A_262 = arith.constant 0 : i32
    %dma_start3A_263 = tpu.memref_slice %arg2[%dma_start3A_261, %dma_start3A_262] : memref<320000x128xf32, #tpu.memory_space<hbm>> -> memref<320000x128xf32, #tpu.memory_space<hbm>>
    tpu.enqueue_indirect_dma source(%dma_start3A_263 : memref<320000x128xf32, #tpu.memory_space<hbm>>) target(%arg10 : memref<16x128xf32, #tpu.memory_space<vmem>>) offsets(%dma_start3A_260 : memref<16xi32, #tpu.memory_space<vmem>>) semaphore(%arg15 : memref<!tpu.dma_semaphore, #tpu.memory_space<semaphore_mem>>) {add = true}
    %get3A_264 = arith.constant 208 : index
    %get3A_265 = tpu.vector_load %arg6[%get3A_264] {strides = array<i32>} : memref<512xi32, #tpu.memory_space<vmem>>, vector<16xi32>,
    %get3A_266 = vector.shape_cast %get3A_265 : vector<16xi32> to vector<16xi32>
    %add3A_267 = arith.constant 130000 : i32
    %add3A_268 = vector.broadcast %add3A_267 : i32 to vector<16xi32>
    %add3A_269 = arith.addi %get3A_266, %add3A_268 : vector<16xi32>
    %swap3A_270 = arith.constant 13 : i32
    %swap3A_271 = arith.index_cast %swap3A_270 : i32 to index
    %swap3A_272 = arith.constant 0 : index
    %swap3A_273 = tpu.vector_load %arg8[%swap3A_271, %swap3A_272] {strides = array<i32>} : memref<32x16xi32, #tpu.memory_space<vmem>>, vector<1x16xi32>,
    %swap3A_274 = vector.shape_cast %swap3A_273 : vector<1x16xi32> to vector<16xi32>
    %swap3A_275 = vector.shape_cast %add3A_269 : vector<16xi32> to vector<1x16xi32>
    tpu.vector_store %arg8[%swap3A_271, %swap3A_272], %swap3A_275 {strides = array<i32>} : memref<32x16xi32, #tpu.memory_space<vmem>>, vector<1x16xi32>,
    %dma_start3A_276 = arith.constant 13 : i32
    %dma_start3A_277 = arith.constant 0 : i32
    %dma_start3A_278 = tpu.memref_slice %arg8[%dma_start3A_276, %dma_start3A_277] : memref<32x16xi32, #tpu.memory_space<vmem>> -> memref<1x16xi32, #tpu.memory_space<vmem>>
    %dma_start3A_279 = tpu.memref_squeeze %dma_start3A_278 : memref<1x16xi32, #tpu.memory_space<vmem>> -> memref<16xi32, #tpu.memory_space<vmem>>
    %dma_start3A_280 = arith.constant 0 : i32
    %dma_start3A_281 = arith.constant 0 : i32
    %dma_start3A_282 = tpu.memref_slice %arg2[%dma_start3A_280, %dma_start3A_281] : memref<320000x128xf32, #tpu.memory_space<hbm>> -> memref<320000x128xf32, #tpu.memory_space<hbm>>
    tpu.enqueue_indirect_dma source(%dma_start3A_282 : memref<320000x128xf32, #tpu.memory_space<hbm>>) target(%arg10 : memref<16x128xf32, #tpu.memory_space<vmem>>) offsets(%dma_start3A_279 : memref<16xi32, #tpu.memory_space<vmem>>) semaphore(%arg15 : memref<!tpu.dma_semaphore, #tpu.memory_space<semaphore_mem>>) {add = true}
    %get3A_283 = arith.constant 224 : index
    %get3A_284 = tpu.vector_load %arg6[%get3A_283] {strides = array<i32>} : memref<512xi32, #tpu.memory_space<vmem>>, vector<16xi32>,
    %get3A_285 = vector.shape_cast %get3A_284 : vector<16xi32> to vector<16xi32>
    %add3A_286 = arith.constant 140000 : i32
    %add3A_287 = vector.broadcast %add3A_286 : i32 to vector<16xi32>
    %add3A_288 = arith.addi %get3A_285, %add3A_287 : vector<16xi32>
    %swap3A_289 = arith.constant 14 : i32
    %swap3A_290 = arith.index_cast %swap3A_289 : i32 to index
    %swap3A_291 = arith.constant 0 : index
    %swap3A_292 = tpu.vector_load %arg8[%swap3A_290, %swap3A_291] {strides = array<i32>} : memref<32x16xi32, #tpu.memory_space<vmem>>, vector<1x16xi32>,
    %swap3A_293 = vector.shape_cast %swap3A_292 : vector<1x16xi32> to vector<16xi32>
    %swap3A_294 = vector.shape_cast %add3A_288 : vector<16xi32> to vector<1x16xi32>
    tpu.vector_store %arg8[%swap3A_290, %swap3A_291], %swap3A_294 {strides = array<i32>} : memref<32x16xi32, #tpu.memory_space<vmem>>, vector<1x16xi32>,
    %dma_start3A_295 = arith.constant 14 : i32
    %dma_start3A_296 = arith.constant 0 : i32
    %dma_start3A_297 = tpu.memref_slice %arg8[%dma_start3A_295, %dma_start3A_296] : memref<32x16xi32, #tpu.memory_space<vmem>> -> memref<1x16xi32, #tpu.memory_space<vmem>>
    %dma_start3A_298 = tpu.memref_squeeze %dma_start3A_297 : memref<1x16xi32, #tpu.memory_space<vmem>> -> memref<16xi32, #tpu.memory_space<vmem>>
    %dma_start3A_299 = arith.constant 0 : i32
    %dma_start3A_300 = arith.constant 0 : i32
    %dma_start3A_301 = tpu.memref_slice %arg2[%dma_start3A_299, %dma_start3A_300] : memref<320000x128xf32, #tpu.memory_space<hbm>> -> memref<320000x128xf32, #tpu.memory_space<hbm>>
    tpu.enqueue_indirect_dma source(%dma_start3A_301 : memref<320000x128xf32, #tpu.memory_space<hbm>>) target(%arg10 : memref<16x128xf32, #tpu.memory_space<vmem>>) offsets(%dma_start3A_298 : memref<16xi32, #tpu.memory_space<vmem>>) semaphore(%arg15 : memref<!tpu.dma_semaphore, #tpu.memory_space<semaphore_mem>>) {add = true}
    %get3A_302 = arith.constant 240 : index
    %get3A_303 = tpu.vector_load %arg6[%get3A_302] {strides = array<i32>} : memref<512xi32, #tpu.memory_space<vmem>>, vector<16xi32>,
    %get3A_304 = vector.shape_cast %get3A_303 : vector<16xi32> to vector<16xi32>
    %add3A_305 = arith.constant 150000 : i32
    %add3A_306 = vector.broadcast %add3A_305 : i32 to vector<16xi32>
    %add3A_307 = arith.addi %get3A_304, %add3A_306 : vector<16xi32>
    %swap3A_308 = arith.constant 15 : i32
    %swap3A_309 = arith.index_cast %swap3A_308 : i32 to index
    %swap3A_310 = arith.constant 0 : index
    %swap3A_311 = tpu.vector_load %arg8[%swap3A_309, %swap3A_310] {strides = array<i32>} : memref<32x16xi32, #tpu.memory_space<vmem>>, vector<1x16xi32>,
    %swap3A_312 = vector.shape_cast %swap3A_311 : vector<1x16xi32> to vector<16xi32>
    %swap3A_313 = vector.shape_cast %add3A_307 : vector<16xi32> to vector<1x16xi32>
    tpu.vector_store %arg8[%swap3A_309, %swap3A_310], %swap3A_313 {strides = array<i32>} : memref<32x16xi32, #tpu.memory_space<vmem>>, vector<1x16xi32>,
    %dma_start3A_314 = arith.constant 15 : i32
    %dma_start3A_315 = arith.constant 0 : i32
    %dma_start3A_316 = tpu.memref_slice %arg8[%dma_start3A_314, %dma_start3A_315] : memref<32x16xi32, #tpu.memory_space<vmem>> -> memref<1x16xi32, #tpu.memory_space<vmem>>
    %dma_start3A_317 = tpu.memref_squeeze %dma_start3A_316 : memref<1x16xi32, #tpu.memory_space<vmem>> -> memref<16xi32, #tpu.memory_space<vmem>>
    %dma_start3A_318 = arith.constant 0 : i32
    %dma_start3A_319 = arith.constant 0 : i32
    %dma_start3A_320 = tpu.memref_slice %arg2[%dma_start3A_318, %dma_start3A_319] : memref<320000x128xf32, #tpu.memory_space<hbm>> -> memref<320000x128xf32, #tpu.memory_space<hbm>>
    tpu.enqueue_indirect_dma source(%dma_start3A_320 : memref<320000x128xf32, #tpu.memory_space<hbm>>) target(%arg10 : memref<16x128xf32, #tpu.memory_space<vmem>>) offsets(%dma_start3A_317 : memref<16xi32, #tpu.memory_space<vmem>>) semaphore(%arg15 : memref<!tpu.dma_semaphore, #tpu.memory_space<semaphore_mem>>) {add = true}
    %get3A_321 = arith.constant 256 : index
    %get3A_322 = tpu.vector_load %arg6[%get3A_321] {strides = array<i32>} : memref<512xi32, #tpu.memory_space<vmem>>, vector<16xi32>,
    %get3A_323 = vector.shape_cast %get3A_322 : vector<16xi32> to vector<16xi32>
    %add3A_324 = arith.constant 160000 : i32
    %add3A_325 = vector.broadcast %add3A_324 : i32 to vector<16xi32>
    %add3A_326 = arith.addi %get3A_323, %add3A_325 : vector<16xi32>
    %swap3A_327 = arith.constant 16 : i32
    %swap3A_328 = arith.index_cast %swap3A_327 : i32 to index
    %swap3A_329 = arith.constant 0 : index
    %swap3A_330 = tpu.vector_load %arg8[%swap3A_328, %swap3A_329] {strides = array<i32>} : memref<32x16xi32, #tpu.memory_space<vmem>>, vector<1x16xi32>,
    %swap3A_331 = vector.shape_cast %swap3A_330 : vector<1x16xi32> to vector<16xi32>
    %swap3A_332 = vector.shape_cast %add3A_326 : vector<16xi32> to vector<1x16xi32>
    tpu.vector_store %arg8[%swap3A_328, %swap3A_329], %swap3A_332 {strides = array<i32>} : memref<32x16xi32, #tpu.memory_space<vmem>>, vector<1x16xi32>,
    %dma_start3A_333 = arith.constant 16 : i32
    %dma_start3A_334 = arith.constant 0 : i32
    %dma_start3A_335 = tpu.memref_slice %arg8[%dma_start3A_333, %dma_start3A_334] : memref<32x16xi32, #tpu.memory_space<vmem>> -> memref<1x16xi32, #tpu.memory_space<vmem>>
    %dma_start3A_336 = tpu.memref_squeeze %dma_start3A_335 : memref<1x16xi32, #tpu.memory_space<vmem>> -> memref<16xi32, #tpu.memory_space<vmem>>
    %dma_start3A_337 = arith.constant 0 : i32
    %dma_start3A_338 = arith.constant 0 : i32
    %dma_start3A_339 = tpu.memref_slice %arg2[%dma_start3A_337, %dma_start3A_338] : memref<320000x128xf32, #tpu.memory_space<hbm>> -> memref<320000x128xf32, #tpu.memory_space<hbm>>
    tpu.enqueue_indirect_dma source(%dma_start3A_339 : memref<320000x128xf32, #tpu.memory_space<hbm>>) target(%arg10 : memref<16x128xf32, #tpu.memory_space<vmem>>) offsets(%dma_start3A_336 : memref<16xi32, #tpu.memory_space<vmem>>) semaphore(%arg15 : memref<!tpu.dma_semaphore, #tpu.memory_space<semaphore_mem>>) {add = true}
    %get3A_340 = arith.constant 272 : index
    %get3A_341 = tpu.vector_load %arg6[%get3A_340] {strides = array<i32>} : memref<512xi32, #tpu.memory_space<vmem>>, vector<16xi32>,
    %get3A_342 = vector.shape_cast %get3A_341 : vector<16xi32> to vector<16xi32>
    %add3A_343 = arith.constant 170000 : i32
    %add3A_344 = vector.broadcast %add3A_343 : i32 to vector<16xi32>
    %add3A_345 = arith.addi %get3A_342, %add3A_344 : vector<16xi32>
    %swap3A_346 = arith.constant 17 : i32
    %swap3A_347 = arith.index_cast %swap3A_346 : i32 to index
    %swap3A_348 = arith.constant 0 : index
    %swap3A_349 = tpu.vector_load %arg8[%swap3A_347, %swap3A_348] {strides = array<i32>} : memref<32x16xi32, #tpu.memory_space<vmem>>, vector<1x16xi32>,
    %swap3A_350 = vector.shape_cast %swap3A_349 : vector<1x16xi32> to vector<16xi32>
    %swap3A_351 = vector.shape_cast %add3A_345 : vector<16xi32> to vector<1x16xi32>
    tpu.vector_store %arg8[%swap3A_347, %swap3A_348], %swap3A_351 {strides = array<i32>} : memref<32x16xi32, #tpu.memory_space<vmem>>, vector<1x16xi32>,
    %dma_start3A_352 = arith.constant 17 : i32
    %dma_start3A_353 = arith.constant 0 : i32
    %dma_start3A_354 = tpu.memref_slice %arg8[%dma_start3A_352, %dma_start3A_353] : memref<32x16xi32, #tpu.memory_space<vmem>> -> memref<1x16xi32, #tpu.memory_space<vmem>>
    %dma_start3A_355 = tpu.memref_squeeze %dma_start3A_354 : memref<1x16xi32, #tpu.memory_space<vmem>> -> memref<16xi32, #tpu.memory_space<vmem>>
    %dma_start3A_356 = arith.constant 0 : i32
    %dma_start3A_357 = arith.constant 0 : i32
    %dma_start3A_358 = tpu.memref_slice %arg2[%dma_start3A_356, %dma_start3A_357] : memref<320000x128xf32, #tpu.memory_space<hbm>> -> memref<320000x128xf32, #tpu.memory_space<hbm>>
    tpu.enqueue_indirect_dma source(%dma_start3A_358 : memref<320000x128xf32, #tpu.memory_space<hbm>>) target(%arg10 : memref<16x128xf32, #tpu.memory_space<vmem>>) offsets(%dma_start3A_355 : memref<16xi32, #tpu.memory_space<vmem>>) semaphore(%arg15 : memref<!tpu.dma_semaphore, #tpu.memory_space<semaphore_mem>>) {add = true}
    %get3A_359 = arith.constant 288 : index
    %get3A_360 = tpu.vector_load %arg6[%get3A_359] {strides = array<i32>} : memref<512xi32, #tpu.memory_space<vmem>>, vector<16xi32>,
    %get3A_361 = vector.shape_cast %get3A_360 : vector<16xi32> to vector<16xi32>
    %add3A_362 = arith.constant 180000 : i32
    %add3A_363 = vector.broadcast %add3A_362 : i32 to vector<16xi32>
    %add3A_364 = arith.addi %get3A_361, %add3A_363 : vector<16xi32>
    %swap3A_365 = arith.constant 18 : i32
    %swap3A_366 = arith.index_cast %swap3A_365 : i32 to index
    %swap3A_367 = arith.constant 0 : index
    %swap3A_368 = tpu.vector_load %arg8[%swap3A_366, %swap3A_367] {strides = array<i32>} : memref<32x16xi32, #tpu.memory_space<vmem>>, vector<1x16xi32>,
    %swap3A_369 = vector.shape_cast %swap3A_368 : vector<1x16xi32> to vector<16xi32>
    %swap3A_370 = vector.shape_cast %add3A_364 : vector<16xi32> to vector<1x16xi32>
    tpu.vector_store %arg8[%swap3A_366, %swap3A_367], %swap3A_370 {strides = array<i32>} : memref<32x16xi32, #tpu.memory_space<vmem>>, vector<1x16xi32>,
    %dma_start3A_371 = arith.constant 18 : i32
    %dma_start3A_372 = arith.constant 0 : i32
    %dma_start3A_373 = tpu.memref_slice %arg8[%dma_start3A_371, %dma_start3A_372] : memref<32x16xi32, #tpu.memory_space<vmem>> -> memref<1x16xi32, #tpu.memory_space<vmem>>
    %dma_start3A_374 = tpu.memref_squeeze %dma_start3A_373 : memref<1x16xi32, #tpu.memory_space<vmem>> -> memref<16xi32, #tpu.memory_space<vmem>>
    %dma_start3A_375 = arith.constant 0 : i32
    %dma_start3A_376 = arith.constant 0 : i32
    %dma_start3A_377 = tpu.memref_slice %arg2[%dma_start3A_375, %dma_start3A_376] : memref<320000x128xf32, #tpu.memory_space<hbm>> -> memref<320000x128xf32, #tpu.memory_space<hbm>>
    tpu.enqueue_indirect_dma source(%dma_start3A_377 : memref<320000x128xf32, #tpu.memory_space<hbm>>) target(%arg10 : memref<16x128xf32, #tpu.memory_space<vmem>>) offsets(%dma_start3A_374 : memref<16xi32, #tpu.memory_space<vmem>>) semaphore(%arg15 : memref<!tpu.dma_semaphore, #tpu.memory_space<semaphore_mem>>) {add = true}
    %get3A_378 = arith.constant 304 : index
    %get3A_379 = tpu.vector_load %arg6[%get3A_378] {strides = array<i32>} : memref<512xi32, #tpu.memory_space<vmem>>, vector<16xi32>,
    %get3A_380 = vector.shape_cast %get3A_379 : vector<16xi32> to vector<16xi32>
    %add3A_381 = arith.constant 190000 : i32
    %add3A_382 = vector.broadcast %add3A_381 : i32 to vector<16xi32>
    %add3A_383 = arith.addi %get3A_380, %add3A_382 : vector<16xi32>
    %swap3A_384 = arith.constant 19 : i32
    %swap3A_385 = arith.index_cast %swap3A_384 : i32 to index
    %swap3A_386 = arith.constant 0 : index
    %swap3A_387 = tpu.vector_load %arg8[%swap3A_385, %swap3A_386] {strides = array<i32>} : memref<32x16xi32, #tpu.memory_space<vmem>>, vector<1x16xi32>,
    %swap3A_388 = vector.shape_cast %swap3A_387 : vector<1x16xi32> to vector<16xi32>
    %swap3A_389 = vector.shape_cast %add3A_383 : vector<16xi32> to vector<1x16xi32>
    tpu.vector_store %arg8[%swap3A_385, %swap3A_386], %swap3A_389 {strides = array<i32>} : memref<32x16xi32, #tpu.memory_space<vmem>>, vector<1x16xi32>,
    %dma_start3A_390 = arith.constant 19 : i32
    %dma_start3A_391 = arith.constant 0 : i32
    %dma_start3A_392 = tpu.memref_slice %arg8[%dma_start3A_390, %dma_start3A_391] : memref<32x16xi32, #tpu.memory_space<vmem>> -> memref<1x16xi32, #tpu.memory_space<vmem>>
    %dma_start3A_393 = tpu.memref_squeeze %dma_start3A_392 : memref<1x16xi32, #tpu.memory_space<vmem>> -> memref<16xi32, #tpu.memory_space<vmem>>
    %dma_start3A_394 = arith.constant 0 : i32
    %dma_start3A_395 = arith.constant 0 : i32
    %dma_start3A_396 = tpu.memref_slice %arg2[%dma_start3A_394, %dma_start3A_395] : memref<320000x128xf32, #tpu.memory_space<hbm>> -> memref<320000x128xf32, #tpu.memory_space<hbm>>
    tpu.enqueue_indirect_dma source(%dma_start3A_396 : memref<320000x128xf32, #tpu.memory_space<hbm>>) target(%arg10 : memref<16x128xf32, #tpu.memory_space<vmem>>) offsets(%dma_start3A_393 : memref<16xi32, #tpu.memory_space<vmem>>) semaphore(%arg15 : memref<!tpu.dma_semaphore, #tpu.memory_space<semaphore_mem>>) {add = true}
    %get3A_397 = arith.constant 320 : index
    %get3A_398 = tpu.vector_load %arg6[%get3A_397] {strides = array<i32>} : memref<512xi32, #tpu.memory_space<vmem>>, vector<16xi32>,
    %get3A_399 = vector.shape_cast %get3A_398 : vector<16xi32> to vector<16xi32>
    %add3A_400 = arith.constant 200000 : i32
    %add3A_401 = vector.broadcast %add3A_400 : i32 to vector<16xi32>
    %add3A_402 = arith.addi %get3A_399, %add3A_401 : vector<16xi32>
    %swap3A_403 = arith.constant 20 : i32
    %swap3A_404 = arith.index_cast %swap3A_403 : i32 to index
    %swap3A_405 = arith.constant 0 : index
    %swap3A_406 = tpu.vector_load %arg8[%swap3A_404, %swap3A_405] {strides = array<i32>} : memref<32x16xi32, #tpu.memory_space<vmem>>, vector<1x16xi32>,
    %swap3A_407 = vector.shape_cast %swap3A_406 : vector<1x16xi32> to vector<16xi32>
    %swap3A_408 = vector.shape_cast %add3A_402 : vector<16xi32> to vector<1x16xi32>
    tpu.vector_store %arg8[%swap3A_404, %swap3A_405], %swap3A_408 {strides = array<i32>} : memref<32x16xi32, #tpu.memory_space<vmem>>, vector<1x16xi32>,
    %dma_start3A_409 = arith.constant 20 : i32
    %dma_start3A_410 = arith.constant 0 : i32
    %dma_start3A_411 = tpu.memref_slice %arg8[%dma_start3A_409, %dma_start3A_410] : memref<32x16xi32, #tpu.memory_space<vmem>> -> memref<1x16xi32, #tpu.memory_space<vmem>>
    %dma_start3A_412 = tpu.memref_squeeze %dma_start3A_411 : memref<1x16xi32, #tpu.memory_space<vmem>> -> memref<16xi32, #tpu.memory_space<vmem>>
    %dma_start3A_413 = arith.constant 0 : i32
    %dma_start3A_414 = arith.constant 0 : i32
    %dma_start3A_415 = tpu.memref_slice %arg2[%dma_start3A_413, %dma_start3A_414] : memref<320000x128xf32, #tpu.memory_space<hbm>> -> memref<320000x128xf32, #tpu.memory_space<hbm>>
    tpu.enqueue_indirect_dma source(%dma_start3A_415 : memref<320000x128xf32, #tpu.memory_space<hbm>>) target(%arg10 : memref<16x128xf32, #tpu.memory_space<vmem>>) offsets(%dma_start3A_412 : memref<16xi32, #tpu.memory_space<vmem>>) semaphore(%arg15 : memref<!tpu.dma_semaphore, #tpu.memory_space<semaphore_mem>>) {add = true}
    %get3A_416 = arith.constant 336 : index
    %get3A_417 = tpu.vector_load %arg6[%get3A_416] {strides = array<i32>} : memref<512xi32, #tpu.memory_space<vmem>>, vector<16xi32>,
    %get3A_418 = vector.shape_cast %get3A_417 : vector<16xi32> to vector<16xi32>
    %add3A_419 = arith.constant 210000 : i32
    %add3A_420 = vector.broadcast %add3A_419 : i32 to vector<16xi32>
    %add3A_421 = arith.addi %get3A_418, %add3A_420 : vector<16xi32>
    %swap3A_422 = arith.constant 21 : i32
    %swap3A_423 = arith.index_cast %swap3A_422 : i32 to index
    %swap3A_424 = arith.constant 0 : index
    %swap3A_425 = tpu.vector_load %arg8[%swap3A_423, %swap3A_424] {strides = array<i32>} : memref<32x16xi32, #tpu.memory_space<vmem>>, vector<1x16xi32>,
    %swap3A_426 = vector.shape_cast %swap3A_425 : vector<1x16xi32> to vector<16xi32>
    %swap3A_427 = vector.shape_cast %add3A_421 : vector<16xi32> to vector<1x16xi32>
    tpu.vector_store %arg8[%swap3A_423, %swap3A_424], %swap3A_427 {strides = array<i32>} : memref<32x16xi32, #tpu.memory_space<vmem>>, vector<1x16xi32>,
    %dma_start3A_428 = arith.constant 21 : i32
    %dma_start3A_429 = arith.constant 0 : i32
    %dma_start3A_430 = tpu.memref_slice %arg8[%dma_start3A_428, %dma_start3A_429] : memref<32x16xi32, #tpu.memory_space<vmem>> -> memref<1x16xi32, #tpu.memory_space<vmem>>
    %dma_start3A_431 = tpu.memref_squeeze %dma_start3A_430 : memref<1x16xi32, #tpu.memory_space<vmem>> -> memref<16xi32, #tpu.memory_space<vmem>>
    %dma_start3A_432 = arith.constant 0 : i32
    %dma_start3A_433 = arith.constant 0 : i32
    %dma_start3A_434 = tpu.memref_slice %arg2[%dma_start3A_432, %dma_start3A_433] : memref<320000x128xf32, #tpu.memory_space<hbm>> -> memref<320000x128xf32, #tpu.memory_space<hbm>>
    tpu.enqueue_indirect_dma source(%dma_start3A_434 : memref<320000x128xf32, #tpu.memory_space<hbm>>) target(%arg10 : memref<16x128xf32, #tpu.memory_space<vmem>>) offsets(%dma_start3A_431 : memref<16xi32, #tpu.memory_space<vmem>>) semaphore(%arg15 : memref<!tpu.dma_semaphore, #tpu.memory_space<semaphore_mem>>) {add = true}
    %get3A_435 = arith.constant 352 : index
    %get3A_436 = tpu.vector_load %arg6[%get3A_435] {strides = array<i32>} : memref<512xi32, #tpu.memory_space<vmem>>, vector<16xi32>,
    %get3A_437 = vector.shape_cast %get3A_436 : vector<16xi32> to vector<16xi32>
    %add3A_438 = arith.constant 220000 : i32
    %add3A_439 = vector.broadcast %add3A_438 : i32 to vector<16xi32>
    %add3A_440 = arith.addi %get3A_437, %add3A_439 : vector<16xi32>
    %swap3A_441 = arith.constant 22 : i32
    %swap3A_442 = arith.index_cast %swap3A_441 : i32 to index
    %swap3A_443 = arith.constant 0 : index
    %swap3A_444 = tpu.vector_load %arg8[%swap3A_442, %swap3A_443] {strides = array<i32>} : memref<32x16xi32, #tpu.memory_space<vmem>>, vector<1x16xi32>,
    %swap3A_445 = vector.shape_cast %swap3A_444 : vector<1x16xi32> to vector<16xi32>
    %swap3A_446 = vector.shape_cast %add3A_440 : vector<16xi32> to vector<1x16xi32>
    tpu.vector_store %arg8[%swap3A_442, %swap3A_443], %swap3A_446 {strides = array<i32>} : memref<32x16xi32, #tpu.memory_space<vmem>>, vector<1x16xi32>,
    %dma_start3A_447 = arith.constant 22 : i32
    %dma_start3A_448 = arith.constant 0 : i32
    %dma_start3A_449 = tpu.memref_slice %arg8[%dma_start3A_447, %dma_start3A_448] : memref<32x16xi32, #tpu.memory_space<vmem>> -> memref<1x16xi32, #tpu.memory_space<vmem>>
    %dma_start3A_450 = tpu.memref_squeeze %dma_start3A_449 : memref<1x16xi32, #tpu.memory_space<vmem>> -> memref<16xi32, #tpu.memory_space<vmem>>
    %dma_start3A_451 = arith.constant 0 : i32
    %dma_start3A_452 = arith.constant 0 : i32
    %dma_start3A_453 = tpu.memref_slice %arg2[%dma_start3A_451, %dma_start3A_452] : memref<320000x128xf32, #tpu.memory_space<hbm>> -> memref<320000x128xf32, #tpu.memory_space<hbm>>
    tpu.enqueue_indirect_dma source(%dma_start3A_453 : memref<320000x128xf32, #tpu.memory_space<hbm>>) target(%arg10 : memref<16x128xf32, #tpu.memory_space<vmem>>) offsets(%dma_start3A_450 : memref<16xi32, #tpu.memory_space<vmem>>) semaphore(%arg15 : memref<!tpu.dma_semaphore, #tpu.memory_space<semaphore_mem>>) {add = true}
    %get3A_454 = arith.constant 368 : index
    %get3A_455 = tpu.vector_load %arg6[%get3A_454] {strides = array<i32>} : memref<512xi32, #tpu.memory_space<vmem>>, vector<16xi32>,
    %get3A_456 = vector.shape_cast %get3A_455 : vector<16xi32> to vector<16xi32>
    %add3A_457 = arith.constant 230000 : i32
    %add3A_458 = vector.broadcast %add3A_457 : i32 to vector<16xi32>
    %add3A_459 = arith.addi %get3A_456, %add3A_458 : vector<16xi32>
    %swap3A_460 = arith.constant 23 : i32
    %swap3A_461 = arith.index_cast %swap3A_460 : i32 to index
    %swap3A_462 = arith.constant 0 : index
    %swap3A_463 = tpu.vector_load %arg8[%swap3A_461, %swap3A_462] {strides = array<i32>} : memref<32x16xi32, #tpu.memory_space<vmem>>, vector<1x16xi32>,
    %swap3A_464 = vector.shape_cast %swap3A_463 : vector<1x16xi32> to vector<16xi32>
    %swap3A_465 = vector.shape_cast %add3A_459 : vector<16xi32> to vector<1x16xi32>
    tpu.vector_store %arg8[%swap3A_461, %swap3A_462], %swap3A_465 {strides = array<i32>} : memref<32x16xi32, #tpu.memory_space<vmem>>, vector<1x16xi32>,
    %dma_start3A_466 = arith.constant 23 : i32
    %dma_start3A_467 = arith.constant 0 : i32
    %dma_start3A_468 = tpu.memref_slice %arg8[%dma_start3A_466, %dma_start3A_467] : memref<32x16xi32, #tpu.memory_space<vmem>> -> memref<1x16xi32, #tpu.memory_space<vmem>>
    %dma_start3A_469 = tpu.memref_squeeze %dma_start3A_468 : memref<1x16xi32, #tpu.memory_space<vmem>> -> memref<16xi32, #tpu.memory_space<vmem>>
    %dma_start3A_470 = arith.constant 0 : i32
    %dma_start3A_471 = arith.constant 0 : i32
    %dma_start3A_472 = tpu.memref_slice %arg2[%dma_start3A_470, %dma_start3A_471] : memref<320000x128xf32, #tpu.memory_space<hbm>> -> memref<320000x128xf32, #tpu.memory_space<hbm>>
    tpu.enqueue_indirect_dma source(%dma_start3A_472 : memref<320000x128xf32, #tpu.memory_space<hbm>>) target(%arg10 : memref<16x128xf32, #tpu.memory_space<vmem>>) offsets(%dma_start3A_469 : memref<16xi32, #tpu.memory_space<vmem>>) semaphore(%arg15 : memref<!tpu.dma_semaphore, #tpu.memory_space<semaphore_mem>>) {add = true}
    %get3A_473 = arith.constant 384 : index
    %get3A_474 = tpu.vector_load %arg6[%get3A_473] {strides = array<i32>} : memref<512xi32, #tpu.memory_space<vmem>>, vector<16xi32>,
    %get3A_475 = vector.shape_cast %get3A_474 : vector<16xi32> to vector<16xi32>
    %add3A_476 = arith.constant 240000 : i32
    %add3A_477 = vector.broadcast %add3A_476 : i32 to vector<16xi32>
    %add3A_478 = arith.addi %get3A_475, %add3A_477 : vector<16xi32>
    %swap3A_479 = arith.constant 24 : i32
    %swap3A_480 = arith.index_cast %swap3A_479 : i32 to index
    %swap3A_481 = arith.constant 0 : index
    %swap3A_482 = tpu.vector_load %arg8[%swap3A_480, %swap3A_481] {strides = array<i32>} : memref<32x16xi32, #tpu.memory_space<vmem>>, vector<1x16xi32>,
    %swap3A_483 = vector.shape_cast %swap3A_482 : vector<1x16xi32> to vector<16xi32>
    %swap3A_484 = vector.shape_cast %add3A_478 : vector<16xi32> to vector<1x16xi32>
    tpu.vector_store %arg8[%swap3A_480, %swap3A_481], %swap3A_484 {strides = array<i32>} : memref<32x16xi32, #tpu.memory_space<vmem>>, vector<1x16xi32>,
    %dma_start3A_485 = arith.constant 24 : i32
    %dma_start3A_486 = arith.constant 0 : i32
    %dma_start3A_487 = tpu.memref_slice %arg8[%dma_start3A_485, %dma_start3A_486] : memref<32x16xi32, #tpu.memory_space<vmem>> -> memref<1x16xi32, #tpu.memory_space<vmem>>
    %dma_start3A_488 = tpu.memref_squeeze %dma_start3A_487 : memref<1x16xi32, #tpu.memory_space<vmem>> -> memref<16xi32, #tpu.memory_space<vmem>>
    %dma_start3A_489 = arith.constant 0 : i32
    %dma_start3A_490 = arith.constant 0 : i32
    %dma_start3A_491 = tpu.memref_slice %arg2[%dma_start3A_489, %dma_start3A_490] : memref<320000x128xf32, #tpu.memory_space<hbm>> -> memref<320000x128xf32, #tpu.memory_space<hbm>>
    tpu.enqueue_indirect_dma source(%dma_start3A_491 : memref<320000x128xf32, #tpu.memory_space<hbm>>) target(%arg10 : memref<16x128xf32, #tpu.memory_space<vmem>>) offsets(%dma_start3A_488 : memref<16xi32, #tpu.memory_space<vmem>>) semaphore(%arg15 : memref<!tpu.dma_semaphore, #tpu.memory_space<semaphore_mem>>) {add = true}
    %get3A_492 = arith.constant 400 : index
    %get3A_493 = tpu.vector_load %arg6[%get3A_492] {strides = array<i32>} : memref<512xi32, #tpu.memory_space<vmem>>, vector<16xi32>,
    %get3A_494 = vector.shape_cast %get3A_493 : vector<16xi32> to vector<16xi32>
    %add3A_495 = arith.constant 250000 : i32
    %add3A_496 = vector.broadcast %add3A_495 : i32 to vector<16xi32>
    %add3A_497 = arith.addi %get3A_494, %add3A_496 : vector<16xi32>
    %swap3A_498 = arith.constant 25 : i32
    %swap3A_499 = arith.index_cast %swap3A_498 : i32 to index
    %swap3A_500 = arith.constant 0 : index
    %swap3A_501 = tpu.vector_load %arg8[%swap3A_499, %swap3A_500] {strides = array<i32>} : memref<32x16xi32, #tpu.memory_space<vmem>>, vector<1x16xi32>,
    %swap3A_502 = vector.shape_cast %swap3A_501 : vector<1x16xi32> to vector<16xi32>
    %swap3A_503 = vector.shape_cast %add3A_497 : vector<16xi32> to vector<1x16xi32>
    tpu.vector_store %arg8[%swap3A_499, %swap3A_500], %swap3A_503 {strides = array<i32>} : memref<32x16xi32, #tpu.memory_space<vmem>>, vector<1x16xi32>,
    %dma_start3A_504 = arith.constant 25 : i32
    %dma_start3A_505 = arith.constant 0 : i32
    %dma_start3A_506 = tpu.memref_slice %arg8[%dma_start3A_504, %dma_start3A_505] : memref<32x16xi32, #tpu.memory_space<vmem>> -> memref<1x16xi32, #tpu.memory_space<vmem>>
    %dma_start3A_507 = tpu.memref_squeeze %dma_start3A_506 : memref<1x16xi32, #tpu.memory_space<vmem>> -> memref<16xi32, #tpu.memory_space<vmem>>
    %dma_start3A_508 = arith.constant 0 : i32
    %dma_start3A_509 = arith.constant 0 : i32
    %dma_start3A_510 = tpu.memref_slice %arg2[%dma_start3A_508, %dma_start3A_509] : memref<320000x128xf32, #tpu.memory_space<hbm>> -> memref<320000x128xf32, #tpu.memory_space<hbm>>
    tpu.enqueue_indirect_dma source(%dma_start3A_510 : memref<320000x128xf32, #tpu.memory_space<hbm>>) target(%arg10 : memref<16x128xf32, #tpu.memory_space<vmem>>) offsets(%dma_start3A_507 : memref<16xi32, #tpu.memory_space<vmem>>) semaphore(%arg15 : memref<!tpu.dma_semaphore, #tpu.memory_space<semaphore_mem>>) {add = true}
    %get3A_511 = arith.constant 416 : index
    %get3A_512 = tpu.vector_load %arg6[%get3A_511] {strides = array<i32>} : memref<512xi32, #tpu.memory_space<vmem>>, vector<16xi32>,
    %get3A_513 = vector.shape_cast %get3A_512 : vector<16xi32> to vector<16xi32>
    %add3A_514 = arith.constant 260000 : i32
    %add3A_515 = vector.broadcast %add3A_514 : i32 to vector<16xi32>
    %add3A_516 = arith.addi %get3A_513, %add3A_515 : vector<16xi32>
    %swap3A_517 = arith.constant 26 : i32
    %swap3A_518 = arith.index_cast %swap3A_517 : i32 to index
    %swap3A_519 = arith.constant 0 : index
    %swap3A_520 = tpu.vector_load %arg8[%swap3A_518, %swap3A_519] {strides = array<i32>} : memref<32x16xi32, #tpu.memory_space<vmem>>, vector<1x16xi32>,
    %swap3A_521 = vector.shape_cast %swap3A_520 : vector<1x16xi32> to vector<16xi32>
    %swap3A_522 = vector.shape_cast %add3A_516 : vector<16xi32> to vector<1x16xi32>
    tpu.vector_store %arg8[%swap3A_518, %swap3A_519], %swap3A_522 {strides = array<i32>} : memref<32x16xi32, #tpu.memory_space<vmem>>, vector<1x16xi32>,
    %dma_start3A_523 = arith.constant 26 : i32
    %dma_start3A_524 = arith.constant 0 : i32
    %dma_start3A_525 = tpu.memref_slice %arg8[%dma_start3A_523, %dma_start3A_524] : memref<32x16xi32, #tpu.memory_space<vmem>> -> memref<1x16xi32, #tpu.memory_space<vmem>>
    %dma_start3A_526 = tpu.memref_squeeze %dma_start3A_525 : memref<1x16xi32, #tpu.memory_space<vmem>> -> memref<16xi32, #tpu.memory_space<vmem>>
    %dma_start3A_527 = arith.constant 0 : i32
    %dma_start3A_528 = arith.constant 0 : i32
    %dma_start3A_529 = tpu.memref_slice %arg2[%dma_start3A_527, %dma_start3A_528] : memref<320000x128xf32, #tpu.memory_space<hbm>> -> memref<320000x128xf32, #tpu.memory_space<hbm>>
    tpu.enqueue_indirect_dma source(%dma_start3A_529 : memref<320000x128xf32, #tpu.memory_space<hbm>>) target(%arg10 : memref<16x128xf32, #tpu.memory_space<vmem>>) offsets(%dma_start3A_526 : memref<16xi32, #tpu.memory_space<vmem>>) semaphore(%arg15 : memref<!tpu.dma_semaphore, #tpu.memory_space<semaphore_mem>>) {add = true}
    %get3A_530 = arith.constant 432 : index
    %get3A_531 = tpu.vector_load %arg6[%get3A_530] {strides = array<i32>} : memref<512xi32, #tpu.memory_space<vmem>>, vector<16xi32>,
    %get3A_532 = vector.shape_cast %get3A_531 : vector<16xi32> to vector<16xi32>
    %add3A_533 = arith.constant 270000 : i32
    %add3A_534 = vector.broadcast %add3A_533 : i32 to vector<16xi32>
    %add3A_535 = arith.addi %get3A_532, %add3A_534 : vector<16xi32>
    %swap3A_536 = arith.constant 27 : i32
    %swap3A_537 = arith.index_cast %swap3A_536 : i32 to index
    %swap3A_538 = arith.constant 0 : index
    %swap3A_539 = tpu.vector_load %arg8[%swap3A_537, %swap3A_538] {strides = array<i32>} : memref<32x16xi32, #tpu.memory_space<vmem>>, vector<1x16xi32>,
    %swap3A_540 = vector.shape_cast %swap3A_539 : vector<1x16xi32> to vector<16xi32>
    %swap3A_541 = vector.shape_cast %add3A_535 : vector<16xi32> to vector<1x16xi32>
    tpu.vector_store %arg8[%swap3A_537, %swap3A_538], %swap3A_541 {strides = array<i32>} : memref<32x16xi32, #tpu.memory_space<vmem>>, vector<1x16xi32>,
    %dma_start3A_542 = arith.constant 27 : i32
    %dma_start3A_543 = arith.constant 0 : i32
    %dma_start3A_544 = tpu.memref_slice %arg8[%dma_start3A_542, %dma_start3A_543] : memref<32x16xi32, #tpu.memory_space<vmem>> -> memref<1x16xi32, #tpu.memory_space<vmem>>
    %dma_start3A_545 = tpu.memref_squeeze %dma_start3A_544 : memref<1x16xi32, #tpu.memory_space<vmem>> -> memref<16xi32, #tpu.memory_space<vmem>>
    %dma_start3A_546 = arith.constant 0 : i32
    %dma_start3A_547 = arith.constant 0 : i32
    %dma_start3A_548 = tpu.memref_slice %arg2[%dma_start3A_546, %dma_start3A_547] : memref<320000x128xf32, #tpu.memory_space<hbm>> -> memref<320000x128xf32, #tpu.memory_space<hbm>>
    tpu.enqueue_indirect_dma source(%dma_start3A_548 : memref<320000x128xf32, #tpu.memory_space<hbm>>) target(%arg10 : memref<16x128xf32, #tpu.memory_space<vmem>>) offsets(%dma_start3A_545 : memref<16xi32, #tpu.memory_space<vmem>>) semaphore(%arg15 : memref<!tpu.dma_semaphore, #tpu.memory_space<semaphore_mem>>) {add = true}
    %get3A_549 = arith.constant 448 : index
    %get3A_550 = tpu.vector_load %arg6[%get3A_549] {strides = array<i32>} : memref<512xi32, #tpu.memory_space<vmem>>, vector<16xi32>,
    %get3A_551 = vector.shape_cast %get3A_550 : vector<16xi32> to vector<16xi32>
    %add3A_552 = arith.constant 280000 : i32
    %add3A_553 = vector.broadcast %add3A_552 : i32 to vector<16xi32>
    %add3A_554 = arith.addi %get3A_551, %add3A_553 : vector<16xi32>
    %swap3A_555 = arith.constant 28 : i32
    %swap3A_556 = arith.index_cast %swap3A_555 : i32 to index
    %swap3A_557 = arith.constant 0 : index
    %swap3A_558 = tpu.vector_load %arg8[%swap3A_556, %swap3A_557] {strides = array<i32>} : memref<32x16xi32, #tpu.memory_space<vmem>>, vector<1x16xi32>,
    %swap3A_559 = vector.shape_cast %swap3A_558 : vector<1x16xi32> to vector<16xi32>
    %swap3A_560 = vector.shape_cast %add3A_554 : vector<16xi32> to vector<1x16xi32>
    tpu.vector_store %arg8[%swap3A_556, %swap3A_557], %swap3A_560 {strides = array<i32>} : memref<32x16xi32, #tpu.memory_space<vmem>>, vector<1x16xi32>,
    %dma_start3A_561 = arith.constant 28 : i32
    %dma_start3A_562 = arith.constant 0 : i32
    %dma_start3A_563 = tpu.memref_slice %arg8[%dma_start3A_561, %dma_start3A_562] : memref<32x16xi32, #tpu.memory_space<vmem>> -> memref<1x16xi32, #tpu.memory_space<vmem>>
    %dma_start3A_564 = tpu.memref_squeeze %dma_start3A_563 : memref<1x16xi32, #tpu.memory_space<vmem>> -> memref<16xi32, #tpu.memory_space<vmem>>
    %dma_start3A_565 = arith.constant 0 : i32
    %dma_start3A_566 = arith.constant 0 : i32
    %dma_start3A_567 = tpu.memref_slice %arg2[%dma_start3A_565, %dma_start3A_566] : memref<320000x128xf32, #tpu.memory_space<hbm>> -> memref<320000x128xf32, #tpu.memory_space<hbm>>
    tpu.enqueue_indirect_dma source(%dma_start3A_567 : memref<320000x128xf32, #tpu.memory_space<hbm>>) target(%arg10 : memref<16x128xf32, #tpu.memory_space<vmem>>) offsets(%dma_start3A_564 : memref<16xi32, #tpu.memory_space<vmem>>) semaphore(%arg15 : memref<!tpu.dma_semaphore, #tpu.memory_space<semaphore_mem>>) {add = true}
    %get3A_568 = arith.constant 464 : index
    %get3A_569 = tpu.vector_load %arg6[%get3A_568] {strides = array<i32>} : memref<512xi32, #tpu.memory_space<vmem>>, vector<16xi32>,
    %get3A_570 = vector.shape_cast %get3A_569 : vector<16xi32> to vector<16xi32>
    %add3A_571 = arith.constant 290000 : i32
    %add3A_572 = vector.broadcast %add3A_571 : i32 to vector<16xi32>
    %add3A_573 = arith.addi %get3A_570, %add3A_572 : vector<16xi32>
    %swap3A_574 = arith.constant 29 : i32
    %swap3A_575 = arith.index_cast %swap3A_574 : i32 to index
    %swap3A_576 = arith.constant 0 : index
    %swap3A_577 = tpu.vector_load %arg8[%swap3A_575, %swap3A_576] {strides = array<i32>} : memref<32x16xi32, #tpu.memory_space<vmem>>, vector<1x16xi32>,
    %swap3A_578 = vector.shape_cast %swap3A_577 : vector<1x16xi32> to vector<16xi32>
    %swap3A_579 = vector.shape_cast %add3A_573 : vector<16xi32> to vector<1x16xi32>
    tpu.vector_store %arg8[%swap3A_575, %swap3A_576], %swap3A_579 {strides = array<i32>} : memref<32x16xi32, #tpu.memory_space<vmem>>, vector<1x16xi32>,
    %dma_start3A_580 = arith.constant 29 : i32
    %dma_start3A_581 = arith.constant 0 : i32
    %dma_start3A_582 = tpu.memref_slice %arg8[%dma_start3A_580, %dma_start3A_581] : memref<32x16xi32, #tpu.memory_space<vmem>> -> memref<1x16xi32, #tpu.memory_space<vmem>>
    %dma_start3A_583 = tpu.memref_squeeze %dma_start3A_582 : memref<1x16xi32, #tpu.memory_space<vmem>> -> memref<16xi32, #tpu.memory_space<vmem>>
    %dma_start3A_584 = arith.constant 0 : i32
    %dma_start3A_585 = arith.constant 0 : i32
    %dma_start3A_586 = tpu.memref_slice %arg2[%dma_start3A_584, %dma_start3A_585] : memref<320000x128xf32, #tpu.memory_space<hbm>> -> memref<320000x128xf32, #tpu.memory_space<hbm>>
    tpu.enqueue_indirect_dma source(%dma_start3A_586 : memref<320000x128xf32, #tpu.memory_space<hbm>>) target(%arg10 : memref<16x128xf32, #tpu.memory_space<vmem>>) offsets(%dma_start3A_583 : memref<16xi32, #tpu.memory_space<vmem>>) semaphore(%arg15 : memref<!tpu.dma_semaphore, #tpu.memory_space<semaphore_mem>>) {add = true}
    %get3A_587 = arith.constant 480 : index
    %get3A_588 = tpu.vector_load %arg6[%get3A_587] {strides = array<i32>} : memref<512xi32, #tpu.memory_space<vmem>>, vector<16xi32>,
    %get3A_589 = vector.shape_cast %get3A_588 : vector<16xi32> to vector<16xi32>
    %add3A_590 = arith.constant 300000 : i32
    %add3A_591 = vector.broadcast %add3A_590 : i32 to vector<16xi32>
    %add3A_592 = arith.addi %get3A_589, %add3A_591 : vector<16xi32>
    %swap3A_593 = arith.constant 30 : i32
    %swap3A_594 = arith.index_cast %swap3A_593 : i32 to index
    %swap3A_595 = arith.constant 0 : index
    %swap3A_596 = tpu.vector_load %arg8[%swap3A_594, %swap3A_595] {strides = array<i32>} : memref<32x16xi32, #tpu.memory_space<vmem>>, vector<1x16xi32>,
    %swap3A_597 = vector.shape_cast %swap3A_596 : vector<1x16xi32> to vector<16xi32>
    %swap3A_598 = vector.shape_cast %add3A_592 : vector<16xi32> to vector<1x16xi32>
    tpu.vector_store %arg8[%swap3A_594, %swap3A_595], %swap3A_598 {strides = array<i32>} : memref<32x16xi32, #tpu.memory_space<vmem>>, vector<1x16xi32>,
    %dma_start3A_599 = arith.constant 30 : i32
    %dma_start3A_600 = arith.constant 0 : i32
    %dma_start3A_601 = tpu.memref_slice %arg8[%dma_start3A_599, %dma_start3A_600] : memref<32x16xi32, #tpu.memory_space<vmem>> -> memref<1x16xi32, #tpu.memory_space<vmem>>
    %dma_start3A_602 = tpu.memref_squeeze %dma_start3A_601 : memref<1x16xi32, #tpu.memory_space<vmem>> -> memref<16xi32, #tpu.memory_space<vmem>>
    %dma_start3A_603 = arith.constant 0 : i32
    %dma_start3A_604 = arith.constant 0 : i32
    %dma_start3A_605 = tpu.memref_slice %arg2[%dma_start3A_603, %dma_start3A_604] : memref<320000x128xf32, #tpu.memory_space<hbm>> -> memref<320000x128xf32, #tpu.memory_space<hbm>>
    tpu.enqueue_indirect_dma source(%dma_start3A_605 : memref<320000x128xf32, #tpu.memory_space<hbm>>) target(%arg10 : memref<16x128xf32, #tpu.memory_space<vmem>>) offsets(%dma_start3A_602 : memref<16xi32, #tpu.memory_space<vmem>>) semaphore(%arg15 : memref<!tpu.dma_semaphore, #tpu.memory_space<semaphore_mem>>) {add = true}
    %get3A_606 = arith.constant 496 : index
    %get3A_607 = tpu.vector_load %arg6[%get3A_606] {strides = array<i32>} : memref<512xi32, #tpu.memory_space<vmem>>, vector<16xi32>,
    %get3A_608 = vector.shape_cast %get3A_607 : vector<16xi32> to vector<16xi32>
    %add3A_609 = arith.constant 310000 : i32
    %add3A_610 = vector.broadcast %add3A_609 : i32 to vector<16xi32>
    %add3A_611 = arith.addi %get3A_608, %add3A_610 : vector<16xi32>
    %swap3A_612 = arith.constant 31 : i32
    %swap3A_613 = arith.index_cast %swap3A_612 : i32 to index
    %swap3A_614 = arith.constant 0 : index
    %swap3A_615 = tpu.vector_load %arg8[%swap3A_613, %swap3A_614] {strides = array<i32>} : memref<32x16xi32, #tpu.memory_space<vmem>>, vector<1x16xi32>,
    %swap3A_616 = vector.shape_cast %swap3A_615 : vector<1x16xi32> to vector<16xi32>
    %swap3A_617 = vector.shape_cast %add3A_611 : vector<16xi32> to vector<1x16xi32>
    tpu.vector_store %arg8[%swap3A_613, %swap3A_614], %swap3A_617 {strides = array<i32>} : memref<32x16xi32, #tpu.memory_space<vmem>>, vector<1x16xi32>,
    %dma_start3A_618 = arith.constant 31 : i32
    %dma_start3A_619 = arith.constant 0 : i32
    %dma_start3A_620 = tpu.memref_slice %arg8[%dma_start3A_618, %dma_start3A_619] : memref<32x16xi32, #tpu.memory_space<vmem>> -> memref<1x16xi32, #tpu.memory_space<vmem>>
    %dma_start3A_621 = tpu.memref_squeeze %dma_start3A_620 : memref<1x16xi32, #tpu.memory_space<vmem>> -> memref<16xi32, #tpu.memory_space<vmem>>
    %dma_start3A_622 = arith.constant 0 : i32
    %dma_start3A_623 = arith.constant 0 : i32
    %dma_start3A_624 = tpu.memref_slice %arg2[%dma_start3A_622, %dma_start3A_623] : memref<320000x128xf32, #tpu.memory_space<hbm>> -> memref<320000x128xf32, #tpu.memory_space<hbm>>
    tpu.enqueue_indirect_dma source(%dma_start3A_624 : memref<320000x128xf32, #tpu.memory_space<hbm>>) target(%arg10 : memref<16x128xf32, #tpu.memory_space<vmem>>) offsets(%dma_start3A_621 : memref<16xi32, #tpu.memory_space<vmem>>) semaphore(%arg15 : memref<!tpu.dma_semaphore, #tpu.memory_space<semaphore_mem>>) {add = true}
    %add3A_625 = arith.constant 32 : i32
    %add3A_626 = arith.addi %add3A, %add3A_625 : i32
    %min3A_627 = arith.constant 624 : i32
    %min3A_628 = arith.minsi %add3A_626, %min3A_627 : i32
    %mul3A_629 = arith.constant 512 : i32
    %mul3A_630 = arith.muli %min3A_628, %mul3A_629 : i32
    %dma_start3A_631 = tpu.memref_slice %arg3[%mul3A_630] : memref<320000xi32, #tpu.memory_space<hbm>> -> memref<512xi32, #tpu.memory_space<hbm>>
    %dma_start3A_632 = tpu.memref_slice %arg3[%mul3A_630] : memref<320000xi32, #tpu.memory_space<hbm>> -> memref<512xi32, #tpu.memory_space<hbm>>
    tpu.enqueue_dma source(%dma_start3A_632 : memref<512xi32, #tpu.memory_space<hbm>>) target(%arg7 : memref<512xi32, #tpu.memory_space<vmem>>) target_semaphore(%arg14 : memref<!tpu.dma_semaphore, #tpu.memory_space<semaphore_mem>>)
    %scan3A_633 = arith.constant 0 : i32
    %scan3A_634 = arith.constant 0 : i32
    %scan3A_635 = arith.constant 10 : i32
    %scan3A_636 = arith.addi %scan3A_634, %scan3A_635 : i32
    %scan3A_637 = arith.constant 1 : i32
    scf.for %scan3A_650 = %scan3A_634 to %scan3A_636 step %scan3A_637  : i32 {
      %mul3A_651 = arith.constant 2 : i32
      %mul3A_652 = arith.muli %mul3A_651, %scan3A_650 : i32
      %add3A_653 = arith.constant 1 : i32
      %add3A_654 = arith.addi %mul3A_652, %add3A_653 : i32
      %lt3A_655 = arith.constant 20 : i32
      %lt3A_656 = arith.cmpi slt, %add3A_654, %lt3A_655 : i32
      %convert_element_type3A_657 = arith.extui %lt3A_656 : i1 to i32
      %cond3A_658 = arith.constant 0 : i32
      %cond3A_659 = arith.cmpi ne, %convert_element_type3A_657, %cond3A_658 : i32
      scf.if %cond3A_659 {
        %ge3A = arith.constant 1 : i32
        %ge3A_744 = arith.cmpi sge, %mul3A_652, %ge3A : i32
        %sub3A = arith.constant 1 : i32
        %sub3A_745 = arith.subi %mul3A_652, %sub3A : i32
        %mul3A_746 = arith.constant 32 : i32
        %mul3A_747 = arith.muli %sub3A_745, %mul3A_746 : i32
        %add3A_748 = arith.addi %add3A, %mul3A_747 : i32
        %lt3A_749 = arith.constant 625 : i32
        %lt3A_750 = arith.cmpi slt, %add3A_748, %lt3A_749 : i32
        %and3A = arith.andi %ge3A_744, %lt3A_750 : i1
        %convert_element_type3A_751 = arith.extui %and3A : i1 to i32
        %cond3A_752 = arith.constant 0 : i32
        %cond3A_753 = arith.cmpi ne, %convert_element_type3A_751, %cond3A_752 : i32
        scf.if %cond3A_753 {
          %sub3A_1379 = arith.constant 1 : i32
          %sub3A_1380 = arith.subi %mul3A_652, %sub3A_1379 : i32
          %mul3A_1381 = arith.constant 32 : i32
          %mul3A_1382 = arith.muli %sub3A_1380, %mul3A_1381 : i32
          %add3A_1383 = arith.addi %add3A, %mul3A_1382 : i32
          %min3A_1384 = arith.constant 624 : i32
          %min3A_1385 = arith.minsi %add3A_1383, %min3A_1384 : i32
          %mul3A_1386 = arith.constant 16 : i32
          %mul3A_1387 = arith.muli %min3A_1385, %mul3A_1386 : i32
          %dma_wait3A_1388 = arith.constant 0 : i32
          %dma_wait3A_1389 = tpu.memref_slice %arg5[%mul3A_1387, %dma_wait3A_1388] : memref<10000x128xf32, #tpu.memory_space<hbm>> -> memref<16x128xf32, #tpu.memory_space<hbm>>
          %dma_wait3A_1390 = arith.constant 0 : i32
          %dma_wait3A_1391 = tpu.memref_slice %arg5[%mul3A_1387, %dma_wait3A_1390] : memref<10000x128xf32, #tpu.memory_space<hbm>> -> memref<16x128xf32, #tpu.memory_space<hbm>>
          tpu.wait_dma2 semaphore(%arg18 : memref<!tpu.dma_semaphore, #tpu.memory_space<semaphore_mem>>) src(%arg11 : memref<16x128xf32, #tpu.memory_space<vmem>>) dst(%dma_wait3A_1391 : memref<16x128xf32, #tpu.memory_space<hbm>>)
        } else {
        }
        %add3A_754 = arith.constant 1 : i32
        %add3A_755 = arith.addi %mul3A_652, %add3A_754 : i32
        %mul3A_756 = arith.constant 32 : i32
        %mul3A_757 = arith.muli %add3A_755, %mul3A_756 : i32
        %add3A_758 = arith.addi %add3A, %mul3A_757 : i32
        %min3A_759 = arith.constant 624 : i32
        %min3A_760 = arith.minsi %add3A_758, %min3A_759 : i32
        %mul3A_761 = arith.constant 512 : i32
        %mul3A_762 = arith.muli %min3A_760, %mul3A_761 : i32
        %dma_wait3A_763 = tpu.memref_slice %arg3[%mul3A_762] : memref<320000xi32, #tpu.memory_space<hbm>> -> memref<512xi32, #tpu.memory_space<hbm>>
        %dma_wait3A_764 = tpu.memref_slice %arg3[%mul3A_762] : memref<320000xi32, #tpu.memory_space<hbm>> -> memref<512xi32, #tpu.memory_space<hbm>>
        tpu.wait_dma2 semaphore(%arg14 : memref<!tpu.dma_semaphore, #tpu.memory_space<semaphore_mem>>) src(%dma_wait3A_764 : memref<512xi32, #tpu.memory_space<hbm>>) dst(%arg7 : memref<512xi32, #tpu.memory_space<vmem>>)
        %scan3A_765 = arith.constant 0 : i32
        %scan3A_766 = arith.constant 0 : i32
        %scan3A_767 = arith.constant 16 : i32
        %scan3A_768 = arith.addi %scan3A_766, %scan3A_767 : i32
        %scan3A_769 = arith.constant 1 : i32
        scf.for %scan3A_1379 = %scan3A_766 to %scan3A_768 step %scan3A_769  : i32 {
          %get3A_1380 = arith.constant 0 : index
          %get3A_1381 = tpu.vector_load %arg12[%get3A_1380] {strides = array<i32>} : memref<128xf32, #tpu.memory_space<vmem>>, vector<16xf32>,
          %get3A_1382 = vector.shape_cast %get3A_1381 : vector<16xf32> to vector<16xf32>
          %swap3A_1383 = arith.index_cast %scan3A_1379 : i32 to index
          %swap3A_1384 = arith.constant 0 : index
          %swap3A_1385 = tpu.vector_load %arg11[%swap3A_1383, %swap3A_1384] {strides = array<i32>} : memref<16x128xf32, #tpu.memory_space<vmem>>, vector<1x16xf32>,
          %swap3A_1386 = vector.shape_cast %swap3A_1385 : vector<1x16xf32> to vector<16xf32>
          %swap3A_1387 = vector.shape_cast %get3A_1382 : vector<16xf32> to vector<1x16xf32>
          tpu.vector_store %arg11[%swap3A_1383, %swap3A_1384], %swap3A_1387 {strides = array<i32>} : memref<16x128xf32, #tpu.memory_space<vmem>>, vector<1x16xf32>,
          %get3A_1388 = arith.constant 16 : index
          %get3A_1389 = tpu.vector_load %arg12[%get3A_1388] {strides = array<i32>} : memref<128xf32, #tpu.memory_space<vmem>>, vector<16xf32>,
          %get3A_1390 = vector.shape_cast %get3A_1389 : vector<16xf32> to vector<16xf32>
          %swap3A_1391 = arith.index_cast %scan3A_1379 : i32 to index
          %swap3A_1392 = arith.constant 16 : index
          %swap3A_1393 = tpu.vector_load %arg11[%swap3A_1391, %swap3A_1392] {strides = array<i32>} : memref<16x128xf32, #tpu.memory_space<vmem>>, vector<1x16xf32>,
          %swap3A_1394 = vector.shape_cast %swap3A_1393 : vector<1x16xf32> to vector<16xf32>
          %swap3A_1395 = vector.shape_cast %get3A_1390 : vector<16xf32> to vector<1x16xf32>
          tpu.vector_store %arg11[%swap3A_1391, %swap3A_1392], %swap3A_1395 {strides = array<i32>} : memref<16x128xf32, #tpu.memory_space<vmem>>, vector<1x16xf32>,
          %get3A_1396 = arith.constant 32 : index
          %get3A_1397 = tpu.vector_load %arg12[%get3A_1396] {strides = array<i32>} : memref<128xf32, #tpu.memory_space<vmem>>, vector<16xf32>,
          %get3A_1398 = vector.shape_cast %get3A_1397 : vector<16xf32> to vector<16xf32>
          %swap3A_1399 = arith.index_cast %scan3A_1379 : i32 to index
          %swap3A_1400 = arith.constant 32 : index
          %swap3A_1401 = tpu.vector_load %arg11[%swap3A_1399, %swap3A_1400] {strides = array<i32>} : memref<16x128xf32, #tpu.memory_space<vmem>>, vector<1x16xf32>,
          %swap3A_1402 = vector.shape_cast %swap3A_1401 : vector<1x16xf32> to vector<16xf32>
          %swap3A_1403 = vector.shape_cast %get3A_1398 : vector<16xf32> to vector<1x16xf32>
          tpu.vector_store %arg11[%swap3A_1399, %swap3A_1400], %swap3A_1403 {strides = array<i32>} : memref<16x128xf32, #tpu.memory_space<vmem>>, vector<1x16xf32>,
          %get3A_1404 = arith.constant 48 : index
          %get3A_1405 = tpu.vector_load %arg12[%get3A_1404] {strides = array<i32>} : memref<128xf32, #tpu.memory_space<vmem>>, vector<16xf32>,
          %get3A_1406 = vector.shape_cast %get3A_1405 : vector<16xf32> to vector<16xf32>
          %swap3A_1407 = arith.index_cast %scan3A_1379 : i32 to index
          %swap3A_1408 = arith.constant 48 : index
          %swap3A_1409 = tpu.vector_load %arg11[%swap3A_1407, %swap3A_1408] {strides = array<i32>} : memref<16x128xf32, #tpu.memory_space<vmem>>, vector<1x16xf32>,
          %swap3A_1410 = vector.shape_cast %swap3A_1409 : vector<1x16xf32> to vector<16xf32>
          %swap3A_1411 = vector.shape_cast %get3A_1406 : vector<16xf32> to vector<1x16xf32>
          tpu.vector_store %arg11[%swap3A_1407, %swap3A_1408], %swap3A_1411 {strides = array<i32>} : memref<16x128xf32, #tpu.memory_space<vmem>>, vector<1x16xf32>,
          %get3A_1412 = arith.constant 64 : index
          %get3A_1413 = tpu.vector_load %arg12[%get3A_1412] {strides = array<i32>} : memref<128xf32, #tpu.memory_space<vmem>>, vector<16xf32>,
          %get3A_1414 = vector.shape_cast %get3A_1413 : vector<16xf32> to vector<16xf32>
          %swap3A_1415 = arith.index_cast %scan3A_1379 : i32 to index
          %swap3A_1416 = arith.constant 64 : index
          %swap3A_1417 = tpu.vector_load %arg11[%swap3A_1415, %swap3A_1416] {strides = array<i32>} : memref<16x128xf32, #tpu.memory_space<vmem>>, vector<1x16xf32>,
          %swap3A_1418 = vector.shape_cast %swap3A_1417 : vector<1x16xf32> to vector<16xf32>
          %swap3A_1419 = vector.shape_cast %get3A_1414 : vector<16xf32> to vector<1x16xf32>
          tpu.vector_store %arg11[%swap3A_1415, %swap3A_1416], %swap3A_1419 {strides = array<i32>} : memref<16x128xf32, #tpu.memory_space<vmem>>, vector<1x16xf32>,
          %get3A_1420 = arith.constant 80 : index
          %get3A_1421 = tpu.vector_load %arg12[%get3A_1420] {strides = array<i32>} : memref<128xf32, #tpu.memory_space<vmem>>, vector<16xf32>,
          %get3A_1422 = vector.shape_cast %get3A_1421 : vector<16xf32> to vector<16xf32>
          %swap3A_1423 = arith.index_cast %scan3A_1379 : i32 to index
          %swap3A_1424 = arith.constant 80 : index
          %swap3A_1425 = tpu.vector_load %arg11[%swap3A_1423, %swap3A_1424] {strides = array<i32>} : memref<16x128xf32, #tpu.memory_space<vmem>>, vector<1x16xf32>,
          %swap3A_1426 = vector.shape_cast %swap3A_1425 : vector<1x16xf32> to vector<16xf32>
          %swap3A_1427 = vector.shape_cast %get3A_1422 : vector<16xf32> to vector<1x16xf32>
          tpu.vector_store %arg11[%swap3A_1423, %swap3A_1424], %swap3A_1427 {strides = array<i32>} : memref<16x128xf32, #tpu.memory_space<vmem>>, vector<1x16xf32>,
          %get3A_1428 = arith.constant 96 : index
          %get3A_1429 = tpu.vector_load %arg12[%get3A_1428] {strides = array<i32>} : memref<128xf32, #tpu.memory_space<vmem>>, vector<16xf32>,
          %get3A_1430 = vector.shape_cast %get3A_1429 : vector<16xf32> to vector<16xf32>
          %swap3A_1431 = arith.index_cast %scan3A_1379 : i32 to index
          %swap3A_1432 = arith.constant 96 : index
          %swap3A_1433 = tpu.vector_load %arg11[%swap3A_1431, %swap3A_1432] {strides = array<i32>} : memref<16x128xf32, #tpu.memory_space<vmem>>, vector<1x16xf32>,
          %swap3A_1434 = vector.shape_cast %swap3A_1433 : vector<1x16xf32> to vector<16xf32>
          %swap3A_1435 = vector.shape_cast %get3A_1430 : vector<16xf32> to vector<1x16xf32>
          tpu.vector_store %arg11[%swap3A_1431, %swap3A_1432], %swap3A_1435 {strides = array<i32>} : memref<16x128xf32, #tpu.memory_space<vmem>>, vector<1x16xf32>,
          %get3A_1436 = arith.constant 112 : index
          %get3A_1437 = tpu.vector_load %arg12[%get3A_1436] {strides = array<i32>} : memref<128xf32, #tpu.memory_space<vmem>>, vector<16xf32>,
          %get3A_1438 = vector.shape_cast %get3A_1437 : vector<16xf32> to vector<16xf32>
          %swap3A_1439 = arith.index_cast %scan3A_1379 : i32 to index
          %swap3A_1440 = arith.constant 112 : index
          %swap3A_1441 = tpu.vector_load %arg11[%swap3A_1439, %swap3A_1440] {strides = array<i32>} : memref<16x128xf32, #tpu.memory_space<vmem>>, vector<1x16xf32>,
          %swap3A_1442 = vector.shape_cast %swap3A_1441 : vector<1x16xf32> to vector<16xf32>
          %swap3A_1443 = vector.shape_cast %get3A_1438 : vector<16xf32> to vector<1x16xf32>
          tpu.vector_store %arg11[%swap3A_1439, %swap3A_1440], %swap3A_1443 {strides = array<i32>} : memref<16x128xf32, #tpu.memory_space<vmem>>, vector<1x16xf32>,
        }
        %scan3A_770 = arith.constant 16 : i32
        %get3A_771 = arith.constant 0 : index
        %get3A_772 = tpu.vector_load %arg7[%get3A_771] {strides = array<i32>} : memref<512xi32, #tpu.memory_space<vmem>>, vector<16xi32>,
        %get3A_773 = vector.shape_cast %get3A_772 : vector<16xi32> to vector<16xi32>
        %add3A_774 = arith.constant 0 : i32
        %add3A_775 = vector.broadcast %add3A_774 : i32 to vector<16xi32>
        %add3A_776 = arith.addi %get3A_773, %add3A_775 : vector<16xi32>
        %swap3A_777 = arith.constant 0 : i32
        %swap3A_778 = arith.index_cast %swap3A_777 : i32 to index
        %swap3A_779 = arith.constant 0 : index
        %swap3A_780 = tpu.vector_load %arg9[%swap3A_778, %swap3A_779] {strides = array<i32>} : memref<32x16xi32, #tpu.memory_space<vmem>>, vector<1x16xi32>,
        %swap3A_781 = vector.shape_cast %swap3A_780 : vector<1x16xi32> to vector<16xi32>
        %swap3A_782 = vector.shape_cast %add3A_776 : vector<16xi32> to vector<1x16xi32>
        tpu.vector_store %arg9[%swap3A_778, %swap3A_779], %swap3A_782 {strides = array<i32>} : memref<32x16xi32, #tpu.memory_space<vmem>>, vector<1x16xi32>,
        %dma_start3A_783 = arith.constant 0 : i32
        %dma_start3A_784 = arith.constant 0 : i32
        %dma_start3A_785 = tpu.memref_slice %arg9[%dma_start3A_783, %dma_start3A_784] : memref<32x16xi32, #tpu.memory_space<vmem>> -> memref<1x16xi32, #tpu.memory_space<vmem>>
        %dma_start3A_786 = tpu.memref_squeeze %dma_start3A_785 : memref<1x16xi32, #tpu.memory_space<vmem>> -> memref<16xi32, #tpu.memory_space<vmem>>
        %dma_start3A_787 = arith.constant 0 : i32
        %dma_start3A_788 = arith.constant 0 : i32
        %dma_start3A_789 = tpu.memref_slice %arg2[%dma_start3A_787, %dma_start3A_788] : memref<320000x128xf32, #tpu.memory_space<hbm>> -> memref<320000x128xf32, #tpu.memory_space<hbm>>
        tpu.enqueue_indirect_dma source(%dma_start3A_789 : memref<320000x128xf32, #tpu.memory_space<hbm>>) target(%arg11 : memref<16x128xf32, #tpu.memory_space<vmem>>) offsets(%dma_start3A_786 : memref<16xi32, #tpu.memory_space<vmem>>) semaphore(%arg16 : memref<!tpu.dma_semaphore, #tpu.memory_space<semaphore_mem>>) {add = true}
        %get3A_790 = arith.constant 16 : index
        %get3A_791 = tpu.vector_load %arg7[%get3A_790] {strides = array<i32>} : memref<512xi32, #tpu.memory_space<vmem>>, vector<16xi32>,
        %get3A_792 = vector.shape_cast %get3A_791 : vector<16xi32> to vector<16xi32>
        %add3A_793 = arith.constant 10000 : i32
        %add3A_794 = vector.broadcast %add3A_793 : i32 to vector<16xi32>
        %add3A_795 = arith.addi %get3A_792, %add3A_794 : vector<16xi32>
        %swap3A_796 = arith.constant 1 : i32
        %swap3A_797 = arith.index_cast %swap3A_796 : i32 to index
        %swap3A_798 = arith.constant 0 : index
        %swap3A_799 = tpu.vector_load %arg9[%swap3A_797, %swap3A_798] {strides = array<i32>} : memref<32x16xi32, #tpu.memory_space<vmem>>, vector<1x16xi32>,
        %swap3A_800 = vector.shape_cast %swap3A_799 : vector<1x16xi32> to vector<16xi32>
        %swap3A_801 = vector.shape_cast %add3A_795 : vector<16xi32> to vector<1x16xi32>
        tpu.vector_store %arg9[%swap3A_797, %swap3A_798], %swap3A_801 {strides = array<i32>} : memref<32x16xi32, #tpu.memory_space<vmem>>, vector<1x16xi32>,
        %dma_start3A_802 = arith.constant 1 : i32
        %dma_start3A_803 = arith.constant 0 : i32
        %dma_start3A_804 = tpu.memref_slice %arg9[%dma_start3A_802, %dma_start3A_803] : memref<32x16xi32, #tpu.memory_space<vmem>> -> memref<1x16xi32, #tpu.memory_space<vmem>>
        %dma_start3A_805 = tpu.memref_squeeze %dma_start3A_804 : memref<1x16xi32, #tpu.memory_space<vmem>> -> memref<16xi32, #tpu.memory_space<vmem>>
        %dma_start3A_806 = arith.constant 0 : i32
        %dma_start3A_807 = arith.constant 0 : i32
        %dma_start3A_808 = tpu.memref_slice %arg2[%dma_start3A_806, %dma_start3A_807] : memref<320000x128xf32, #tpu.memory_space<hbm>> -> memref<320000x128xf32, #tpu.memory_space<hbm>>
        tpu.enqueue_indirect_dma source(%dma_start3A_808 : memref<320000x128xf32, #tpu.memory_space<hbm>>) target(%arg11 : memref<16x128xf32, #tpu.memory_space<vmem>>) offsets(%dma_start3A_805 : memref<16xi32, #tpu.memory_space<vmem>>) semaphore(%arg16 : memref<!tpu.dma_semaphore, #tpu.memory_space<semaphore_mem>>) {add = true}
        %get3A_809 = arith.constant 32 : index
        %get3A_810 = tpu.vector_load %arg7[%get3A_809] {strides = array<i32>} : memref<512xi32, #tpu.memory_space<vmem>>, vector<16xi32>,
        %get3A_811 = vector.shape_cast %get3A_810 : vector<16xi32> to vector<16xi32>
        %add3A_812 = arith.constant 20000 : i32
        %add3A_813 = vector.broadcast %add3A_812 : i32 to vector<16xi32>
        %add3A_814 = arith.addi %get3A_811, %add3A_813 : vector<16xi32>
        %swap3A_815 = arith.constant 2 : i32
        %swap3A_816 = arith.index_cast %swap3A_815 : i32 to index
        %swap3A_817 = arith.constant 0 : index
        %swap3A_818 = tpu.vector_load %arg9[%swap3A_816, %swap3A_817] {strides = array<i32>} : memref<32x16xi32, #tpu.memory_space<vmem>>, vector<1x16xi32>,
        %swap3A_819 = vector.shape_cast %swap3A_818 : vector<1x16xi32> to vector<16xi32>
        %swap3A_820 = vector.shape_cast %add3A_814 : vector<16xi32> to vector<1x16xi32>
        tpu.vector_store %arg9[%swap3A_816, %swap3A_817], %swap3A_820 {strides = array<i32>} : memref<32x16xi32, #tpu.memory_space<vmem>>, vector<1x16xi32>,
        %dma_start3A_821 = arith.constant 2 : i32
        %dma_start3A_822 = arith.constant 0 : i32
        %dma_start3A_823 = tpu.memref_slice %arg9[%dma_start3A_821, %dma_start3A_822] : memref<32x16xi32, #tpu.memory_space<vmem>> -> memref<1x16xi32, #tpu.memory_space<vmem>>
        %dma_start3A_824 = tpu.memref_squeeze %dma_start3A_823 : memref<1x16xi32, #tpu.memory_space<vmem>> -> memref<16xi32, #tpu.memory_space<vmem>>
        %dma_start3A_825 = arith.constant 0 : i32
        %dma_start3A_826 = arith.constant 0 : i32
        %dma_start3A_827 = tpu.memref_slice %arg2[%dma_start3A_825, %dma_start3A_826] : memref<320000x128xf32, #tpu.memory_space<hbm>> -> memref<320000x128xf32, #tpu.memory_space<hbm>>
        tpu.enqueue_indirect_dma source(%dma_start3A_827 : memref<320000x128xf32, #tpu.memory_space<hbm>>) target(%arg11 : memref<16x128xf32, #tpu.memory_space<vmem>>) offsets(%dma_start3A_824 : memref<16xi32, #tpu.memory_space<vmem>>) semaphore(%arg16 : memref<!tpu.dma_semaphore, #tpu.memory_space<semaphore_mem>>) {add = true}
        %get3A_828 = arith.constant 48 : index
        %get3A_829 = tpu.vector_load %arg7[%get3A_828] {strides = array<i32>} : memref<512xi32, #tpu.memory_space<vmem>>, vector<16xi32>,
        %get3A_830 = vector.shape_cast %get3A_829 : vector<16xi32> to vector<16xi32>
        %add3A_831 = arith.constant 30000 : i32
        %add3A_832 = vector.broadcast %add3A_831 : i32 to vector<16xi32>
        %add3A_833 = arith.addi %get3A_830, %add3A_832 : vector<16xi32>
        %swap3A_834 = arith.constant 3 : i32
        %swap3A_835 = arith.index_cast %swap3A_834 : i32 to index
        %swap3A_836 = arith.constant 0 : index
        %swap3A_837 = tpu.vector_load %arg9[%swap3A_835, %swap3A_836] {strides = array<i32>} : memref<32x16xi32, #tpu.memory_space<vmem>>, vector<1x16xi32>,
        %swap3A_838 = vector.shape_cast %swap3A_837 : vector<1x16xi32> to vector<16xi32>
        %swap3A_839 = vector.shape_cast %add3A_833 : vector<16xi32> to vector<1x16xi32>
        tpu.vector_store %arg9[%swap3A_835, %swap3A_836], %swap3A_839 {strides = array<i32>} : memref<32x16xi32, #tpu.memory_space<vmem>>, vector<1x16xi32>,
        %dma_start3A_840 = arith.constant 3 : i32
        %dma_start3A_841 = arith.constant 0 : i32
        %dma_start3A_842 = tpu.memref_slice %arg9[%dma_start3A_840, %dma_start3A_841] : memref<32x16xi32, #tpu.memory_space<vmem>> -> memref<1x16xi32, #tpu.memory_space<vmem>>
        %dma_start3A_843 = tpu.memref_squeeze %dma_start3A_842 : memref<1x16xi32, #tpu.memory_space<vmem>> -> memref<16xi32, #tpu.memory_space<vmem>>
        %dma_start3A_844 = arith.constant 0 : i32
        %dma_start3A_845 = arith.constant 0 : i32
        %dma_start3A_846 = tpu.memref_slice %arg2[%dma_start3A_844, %dma_start3A_845] : memref<320000x128xf32, #tpu.memory_space<hbm>> -> memref<320000x128xf32, #tpu.memory_space<hbm>>
        tpu.enqueue_indirect_dma source(%dma_start3A_846 : memref<320000x128xf32, #tpu.memory_space<hbm>>) target(%arg11 : memref<16x128xf32, #tpu.memory_space<vmem>>) offsets(%dma_start3A_843 : memref<16xi32, #tpu.memory_space<vmem>>) semaphore(%arg16 : memref<!tpu.dma_semaphore, #tpu.memory_space<semaphore_mem>>) {add = true}
        %get3A_847 = arith.constant 64 : index
        %get3A_848 = tpu.vector_load %arg7[%get3A_847] {strides = array<i32>} : memref<512xi32, #tpu.memory_space<vmem>>, vector<16xi32>,
        %get3A_849 = vector.shape_cast %get3A_848 : vector<16xi32> to vector<16xi32>
        %add3A_850 = arith.constant 40000 : i32
        %add3A_851 = vector.broadcast %add3A_850 : i32 to vector<16xi32>
        %add3A_852 = arith.addi %get3A_849, %add3A_851 : vector<16xi32>
        %swap3A_853 = arith.constant 4 : i32
        %swap3A_854 = arith.index_cast %swap3A_853 : i32 to index
        %swap3A_855 = arith.constant 0 : index
        %swap3A_856 = tpu.vector_load %arg9[%swap3A_854, %swap3A_855] {strides = array<i32>} : memref<32x16xi32, #tpu.memory_space<vmem>>, vector<1x16xi32>,
        %swap3A_857 = vector.shape_cast %swap3A_856 : vector<1x16xi32> to vector<16xi32>
        %swap3A_858 = vector.shape_cast %add3A_852 : vector<16xi32> to vector<1x16xi32>
        tpu.vector_store %arg9[%swap3A_854, %swap3A_855], %swap3A_858 {strides = array<i32>} : memref<32x16xi32, #tpu.memory_space<vmem>>, vector<1x16xi32>,
        %dma_start3A_859 = arith.constant 4 : i32
        %dma_start3A_860 = arith.constant 0 : i32
        %dma_start3A_861 = tpu.memref_slice %arg9[%dma_start3A_859, %dma_start3A_860] : memref<32x16xi32, #tpu.memory_space<vmem>> -> memref<1x16xi32, #tpu.memory_space<vmem>>
        %dma_start3A_862 = tpu.memref_squeeze %dma_start3A_861 : memref<1x16xi32, #tpu.memory_space<vmem>> -> memref<16xi32, #tpu.memory_space<vmem>>
        %dma_start3A_863 = arith.constant 0 : i32
        %dma_start3A_864 = arith.constant 0 : i32
        %dma_start3A_865 = tpu.memref_slice %arg2[%dma_start3A_863, %dma_start3A_864] : memref<320000x128xf32, #tpu.memory_space<hbm>> -> memref<320000x128xf32, #tpu.memory_space<hbm>>
        tpu.enqueue_indirect_dma source(%dma_start3A_865 : memref<320000x128xf32, #tpu.memory_space<hbm>>) target(%arg11 : memref<16x128xf32, #tpu.memory_space<vmem>>) offsets(%dma_start3A_862 : memref<16xi32, #tpu.memory_space<vmem>>) semaphore(%arg16 : memref<!tpu.dma_semaphore, #tpu.memory_space<semaphore_mem>>) {add = true}
        %get3A_866 = arith.constant 80 : index
        %get3A_867 = tpu.vector_load %arg7[%get3A_866] {strides = array<i32>} : memref<512xi32, #tpu.memory_space<vmem>>, vector<16xi32>,
        %get3A_868 = vector.shape_cast %get3A_867 : vector<16xi32> to vector<16xi32>
        %add3A_869 = arith.constant 50000 : i32
        %add3A_870 = vector.broadcast %add3A_869 : i32 to vector<16xi32>
        %add3A_871 = arith.addi %get3A_868, %add3A_870 : vector<16xi32>
        %swap3A_872 = arith.constant 5 : i32
        %swap3A_873 = arith.index_cast %swap3A_872 : i32 to index
        %swap3A_874 = arith.constant 0 : index
        %swap3A_875 = tpu.vector_load %arg9[%swap3A_873, %swap3A_874] {strides = array<i32>} : memref<32x16xi32, #tpu.memory_space<vmem>>, vector<1x16xi32>,
        %swap3A_876 = vector.shape_cast %swap3A_875 : vector<1x16xi32> to vector<16xi32>
        %swap3A_877 = vector.shape_cast %add3A_871 : vector<16xi32> to vector<1x16xi32>
        tpu.vector_store %arg9[%swap3A_873, %swap3A_874], %swap3A_877 {strides = array<i32>} : memref<32x16xi32, #tpu.memory_space<vmem>>, vector<1x16xi32>,
        %dma_start3A_878 = arith.constant 5 : i32
        %dma_start3A_879 = arith.constant 0 : i32
        %dma_start3A_880 = tpu.memref_slice %arg9[%dma_start3A_878, %dma_start3A_879] : memref<32x16xi32, #tpu.memory_space<vmem>> -> memref<1x16xi32, #tpu.memory_space<vmem>>
        %dma_start3A_881 = tpu.memref_squeeze %dma_start3A_880 : memref<1x16xi32, #tpu.memory_space<vmem>> -> memref<16xi32, #tpu.memory_space<vmem>>
        %dma_start3A_882 = arith.constant 0 : i32
        %dma_start3A_883 = arith.constant 0 : i32
        %dma_start3A_884 = tpu.memref_slice %arg2[%dma_start3A_882, %dma_start3A_883] : memref<320000x128xf32, #tpu.memory_space<hbm>> -> memref<320000x128xf32, #tpu.memory_space<hbm>>
        tpu.enqueue_indirect_dma source(%dma_start3A_884 : memref<320000x128xf32, #tpu.memory_space<hbm>>) target(%arg11 : memref<16x128xf32, #tpu.memory_space<vmem>>) offsets(%dma_start3A_881 : memref<16xi32, #tpu.memory_space<vmem>>) semaphore(%arg16 : memref<!tpu.dma_semaphore, #tpu.memory_space<semaphore_mem>>) {add = true}
        %get3A_885 = arith.constant 96 : index
        %get3A_886 = tpu.vector_load %arg7[%get3A_885] {strides = array<i32>} : memref<512xi32, #tpu.memory_space<vmem>>, vector<16xi32>,
        %get3A_887 = vector.shape_cast %get3A_886 : vector<16xi32> to vector<16xi32>
        %add3A_888 = arith.constant 60000 : i32
        %add3A_889 = vector.broadcast %add3A_888 : i32 to vector<16xi32>
        %add3A_890 = arith.addi %get3A_887, %add3A_889 : vector<16xi32>
        %swap3A_891 = arith.constant 6 : i32
        %swap3A_892 = arith.index_cast %swap3A_891 : i32 to index
        %swap3A_893 = arith.constant 0 : index
        %swap3A_894 = tpu.vector_load %arg9[%swap3A_892, %swap3A_893] {strides = array<i32>} : memref<32x16xi32, #tpu.memory_space<vmem>>, vector<1x16xi32>,
        %swap3A_895 = vector.shape_cast %swap3A_894 : vector<1x16xi32> to vector<16xi32>
        %swap3A_896 = vector.shape_cast %add3A_890 : vector<16xi32> to vector<1x16xi32>
        tpu.vector_store %arg9[%swap3A_892, %swap3A_893], %swap3A_896 {strides = array<i32>} : memref<32x16xi32, #tpu.memory_space<vmem>>, vector<1x16xi32>,
        %dma_start3A_897 = arith.constant 6 : i32
        %dma_start3A_898 = arith.constant 0 : i32
        %dma_start3A_899 = tpu.memref_slice %arg9[%dma_start3A_897, %dma_start3A_898] : memref<32x16xi32, #tpu.memory_space<vmem>> -> memref<1x16xi32, #tpu.memory_space<vmem>>
        %dma_start3A_900 = tpu.memref_squeeze %dma_start3A_899 : memref<1x16xi32, #tpu.memory_space<vmem>> -> memref<16xi32, #tpu.memory_space<vmem>>
        %dma_start3A_901 = arith.constant 0 : i32
        %dma_start3A_902 = arith.constant 0 : i32
        %dma_start3A_903 = tpu.memref_slice %arg2[%dma_start3A_901, %dma_start3A_902] : memref<320000x128xf32, #tpu.memory_space<hbm>> -> memref<320000x128xf32, #tpu.memory_space<hbm>>
        tpu.enqueue_indirect_dma source(%dma_start3A_903 : memref<320000x128xf32, #tpu.memory_space<hbm>>) target(%arg11 : memref<16x128xf32, #tpu.memory_space<vmem>>) offsets(%dma_start3A_900 : memref<16xi32, #tpu.memory_space<vmem>>) semaphore(%arg16 : memref<!tpu.dma_semaphore, #tpu.memory_space<semaphore_mem>>) {add = true}
        %get3A_904 = arith.constant 112 : index
        %get3A_905 = tpu.vector_load %arg7[%get3A_904] {strides = array<i32>} : memref<512xi32, #tpu.memory_space<vmem>>, vector<16xi32>,
        %get3A_906 = vector.shape_cast %get3A_905 : vector<16xi32> to vector<16xi32>
        %add3A_907 = arith.constant 70000 : i32
        %add3A_908 = vector.broadcast %add3A_907 : i32 to vector<16xi32>
        %add3A_909 = arith.addi %get3A_906, %add3A_908 : vector<16xi32>
        %swap3A_910 = arith.constant 7 : i32
        %swap3A_911 = arith.index_cast %swap3A_910 : i32 to index
        %swap3A_912 = arith.constant 0 : index
        %swap3A_913 = tpu.vector_load %arg9[%swap3A_911, %swap3A_912] {strides = array<i32>} : memref<32x16xi32, #tpu.memory_space<vmem>>, vector<1x16xi32>,
        %swap3A_914 = vector.shape_cast %swap3A_913 : vector<1x16xi32> to vector<16xi32>
        %swap3A_915 = vector.shape_cast %add3A_909 : vector<16xi32> to vector<1x16xi32>
        tpu.vector_store %arg9[%swap3A_911, %swap3A_912], %swap3A_915 {strides = array<i32>} : memref<32x16xi32, #tpu.memory_space<vmem>>, vector<1x16xi32>,
        %dma_start3A_916 = arith.constant 7 : i32
        %dma_start3A_917 = arith.constant 0 : i32
        %dma_start3A_918 = tpu.memref_slice %arg9[%dma_start3A_916, %dma_start3A_917] : memref<32x16xi32, #tpu.memory_space<vmem>> -> memref<1x16xi32, #tpu.memory_space<vmem>>
        %dma_start3A_919 = tpu.memref_squeeze %dma_start3A_918 : memref<1x16xi32, #tpu.memory_space<vmem>> -> memref<16xi32, #tpu.memory_space<vmem>>
        %dma_start3A_920 = arith.constant 0 : i32
        %dma_start3A_921 = arith.constant 0 : i32
        %dma_start3A_922 = tpu.memref_slice %arg2[%dma_start3A_920, %dma_start3A_921] : memref<320000x128xf32, #tpu.memory_space<hbm>> -> memref<320000x128xf32, #tpu.memory_space<hbm>>
        tpu.enqueue_indirect_dma source(%dma_start3A_922 : memref<320000x128xf32, #tpu.memory_space<hbm>>) target(%arg11 : memref<16x128xf32, #tpu.memory_space<vmem>>) offsets(%dma_start3A_919 : memref<16xi32, #tpu.memory_space<vmem>>) semaphore(%arg16 : memref<!tpu.dma_semaphore, #tpu.memory_space<semaphore_mem>>) {add = true}
        %get3A_923 = arith.constant 128 : index
        %get3A_924 = tpu.vector_load %arg7[%get3A_923] {strides = array<i32>} : memref<512xi32, #tpu.memory_space<vmem>>, vector<16xi32>,
        %get3A_925 = vector.shape_cast %get3A_924 : vector<16xi32> to vector<16xi32>
        %add3A_926 = arith.constant 80000 : i32
        %add3A_927 = vector.broadcast %add3A_926 : i32 to vector<16xi32>
        %add3A_928 = arith.addi %get3A_925, %add3A_927 : vector<16xi32>
        %swap3A_929 = arith.constant 8 : i32
        %swap3A_930 = arith.index_cast %swap3A_929 : i32 to index
        %swap3A_931 = arith.constant 0 : index
        %swap3A_932 = tpu.vector_load %arg9[%swap3A_930, %swap3A_931] {strides = array<i32>} : memref<32x16xi32, #tpu.memory_space<vmem>>, vector<1x16xi32>,
        %swap3A_933 = vector.shape_cast %swap3A_932 : vector<1x16xi32> to vector<16xi32>
        %swap3A_934 = vector.shape_cast %add3A_928 : vector<16xi32> to vector<1x16xi32>
        tpu.vector_store %arg9[%swap3A_930, %swap3A_931], %swap3A_934 {strides = array<i32>} : memref<32x16xi32, #tpu.memory_space<vmem>>, vector<1x16xi32>,
        %dma_start3A_935 = arith.constant 8 : i32
        %dma_start3A_936 = arith.constant 0 : i32
        %dma_start3A_937 = tpu.memref_slice %arg9[%dma_start3A_935, %dma_start3A_936] : memref<32x16xi32, #tpu.memory_space<vmem>> -> memref<1x16xi32, #tpu.memory_space<vmem>>
        %dma_start3A_938 = tpu.memref_squeeze %dma_start3A_937 : memref<1x16xi32, #tpu.memory_space<vmem>> -> memref<16xi32, #tpu.memory_space<vmem>>
        %dma_start3A_939 = arith.constant 0 : i32
        %dma_start3A_940 = arith.constant 0 : i32
        %dma_start3A_941 = tpu.memref_slice %arg2[%dma_start3A_939, %dma_start3A_940] : memref<320000x128xf32, #tpu.memory_space<hbm>> -> memref<320000x128xf32, #tpu.memory_space<hbm>>
        tpu.enqueue_indirect_dma source(%dma_start3A_941 : memref<320000x128xf32, #tpu.memory_space<hbm>>) target(%arg11 : memref<16x128xf32, #tpu.memory_space<vmem>>) offsets(%dma_start3A_938 : memref<16xi32, #tpu.memory_space<vmem>>) semaphore(%arg16 : memref<!tpu.dma_semaphore, #tpu.memory_space<semaphore_mem>>) {add = true}
        %get3A_942 = arith.constant 144 : index
        %get3A_943 = tpu.vector_load %arg7[%get3A_942] {strides = array<i32>} : memref<512xi32, #tpu.memory_space<vmem>>, vector<16xi32>,
        %get3A_944 = vector.shape_cast %get3A_943 : vector<16xi32> to vector<16xi32>
        %add3A_945 = arith.constant 90000 : i32
        %add3A_946 = vector.broadcast %add3A_945 : i32 to vector<16xi32>
        %add3A_947 = arith.addi %get3A_944, %add3A_946 : vector<16xi32>
        %swap3A_948 = arith.constant 9 : i32
        %swap3A_949 = arith.index_cast %swap3A_948 : i32 to index
        %swap3A_950 = arith.constant 0 : index
        %swap3A_951 = tpu.vector_load %arg9[%swap3A_949, %swap3A_950] {strides = array<i32>} : memref<32x16xi32, #tpu.memory_space<vmem>>, vector<1x16xi32>,
        %swap3A_952 = vector.shape_cast %swap3A_951 : vector<1x16xi32> to vector<16xi32>
        %swap3A_953 = vector.shape_cast %add3A_947 : vector<16xi32> to vector<1x16xi32>
        tpu.vector_store %arg9[%swap3A_949, %swap3A_950], %swap3A_953 {strides = array<i32>} : memref<32x16xi32, #tpu.memory_space<vmem>>, vector<1x16xi32>,
        %dma_start3A_954 = arith.constant 9 : i32
        %dma_start3A_955 = arith.constant 0 : i32
        %dma_start3A_956 = tpu.memref_slice %arg9[%dma_start3A_954, %dma_start3A_955] : memref<32x16xi32, #tpu.memory_space<vmem>> -> memref<1x16xi32, #tpu.memory_space<vmem>>
        %dma_start3A_957 = tpu.memref_squeeze %dma_start3A_956 : memref<1x16xi32, #tpu.memory_space<vmem>> -> memref<16xi32, #tpu.memory_space<vmem>>
        %dma_start3A_958 = arith.constant 0 : i32
        %dma_start3A_959 = arith.constant 0 : i32
        %dma_start3A_960 = tpu.memref_slice %arg2[%dma_start3A_958, %dma_start3A_959] : memref<320000x128xf32, #tpu.memory_space<hbm>> -> memref<320000x128xf32, #tpu.memory_space<hbm>>
        tpu.enqueue_indirect_dma source(%dma_start3A_960 : memref<320000x128xf32, #tpu.memory_space<hbm>>) target(%arg11 : memref<16x128xf32, #tpu.memory_space<vmem>>) offsets(%dma_start3A_957 : memref<16xi32, #tpu.memory_space<vmem>>) semaphore(%arg16 : memref<!tpu.dma_semaphore, #tpu.memory_space<semaphore_mem>>) {add = true}
        %get3A_961 = arith.constant 160 : index
        %get3A_962 = tpu.vector_load %arg7[%get3A_961] {strides = array<i32>} : memref<512xi32, #tpu.memory_space<vmem>>, vector<16xi32>,
        %get3A_963 = vector.shape_cast %get3A_962 : vector<16xi32> to vector<16xi32>
        %add3A_964 = arith.constant 100000 : i32
        %add3A_965 = vector.broadcast %add3A_964 : i32 to vector<16xi32>
        %add3A_966 = arith.addi %get3A_963, %add3A_965 : vector<16xi32>
        %swap3A_967 = arith.constant 10 : i32
        %swap3A_968 = arith.index_cast %swap3A_967 : i32 to index
        %swap3A_969 = arith.constant 0 : index
        %swap3A_970 = tpu.vector_load %arg9[%swap3A_968, %swap3A_969] {strides = array<i32>} : memref<32x16xi32, #tpu.memory_space<vmem>>, vector<1x16xi32>,
        %swap3A_971 = vector.shape_cast %swap3A_970 : vector<1x16xi32> to vector<16xi32>
        %swap3A_972 = vector.shape_cast %add3A_966 : vector<16xi32> to vector<1x16xi32>
        tpu.vector_store %arg9[%swap3A_968, %swap3A_969], %swap3A_972 {strides = array<i32>} : memref<32x16xi32, #tpu.memory_space<vmem>>, vector<1x16xi32>,
        %dma_start3A_973 = arith.constant 10 : i32
        %dma_start3A_974 = arith.constant 0 : i32
        %dma_start3A_975 = tpu.memref_slice %arg9[%dma_start3A_973, %dma_start3A_974] : memref<32x16xi32, #tpu.memory_space<vmem>> -> memref<1x16xi32, #tpu.memory_space<vmem>>
        %dma_start3A_976 = tpu.memref_squeeze %dma_start3A_975 : memref<1x16xi32, #tpu.memory_space<vmem>> -> memref<16xi32, #tpu.memory_space<vmem>>
        %dma_start3A_977 = arith.constant 0 : i32
        %dma_start3A_978 = arith.constant 0 : i32
        %dma_start3A_979 = tpu.memref_slice %arg2[%dma_start3A_977, %dma_start3A_978] : memref<320000x128xf32, #tpu.memory_space<hbm>> -> memref<320000x128xf32, #tpu.memory_space<hbm>>
        tpu.enqueue_indirect_dma source(%dma_start3A_979 : memref<320000x128xf32, #tpu.memory_space<hbm>>) target(%arg11 : memref<16x128xf32, #tpu.memory_space<vmem>>) offsets(%dma_start3A_976 : memref<16xi32, #tpu.memory_space<vmem>>) semaphore(%arg16 : memref<!tpu.dma_semaphore, #tpu.memory_space<semaphore_mem>>) {add = true}
        %get3A_980 = arith.constant 176 : index
        %get3A_981 = tpu.vector_load %arg7[%get3A_980] {strides = array<i32>} : memref<512xi32, #tpu.memory_space<vmem>>, vector<16xi32>,
        %get3A_982 = vector.shape_cast %get3A_981 : vector<16xi32> to vector<16xi32>
        %add3A_983 = arith.constant 110000 : i32
        %add3A_984 = vector.broadcast %add3A_983 : i32 to vector<16xi32>
        %add3A_985 = arith.addi %get3A_982, %add3A_984 : vector<16xi32>
        %swap3A_986 = arith.constant 11 : i32
        %swap3A_987 = arith.index_cast %swap3A_986 : i32 to index
        %swap3A_988 = arith.constant 0 : index
        %swap3A_989 = tpu.vector_load %arg9[%swap3A_987, %swap3A_988] {strides = array<i32>} : memref<32x16xi32, #tpu.memory_space<vmem>>, vector<1x16xi32>,
        %swap3A_990 = vector.shape_cast %swap3A_989 : vector<1x16xi32> to vector<16xi32>
        %swap3A_991 = vector.shape_cast %add3A_985 : vector<16xi32> to vector<1x16xi32>
        tpu.vector_store %arg9[%swap3A_987, %swap3A_988], %swap3A_991 {strides = array<i32>} : memref<32x16xi32, #tpu.memory_space<vmem>>, vector<1x16xi32>,
        %dma_start3A_992 = arith.constant 11 : i32
        %dma_start3A_993 = arith.constant 0 : i32
        %dma_start3A_994 = tpu.memref_slice %arg9[%dma_start3A_992, %dma_start3A_993] : memref<32x16xi32, #tpu.memory_space<vmem>> -> memref<1x16xi32, #tpu.memory_space<vmem>>
        %dma_start3A_995 = tpu.memref_squeeze %dma_start3A_994 : memref<1x16xi32, #tpu.memory_space<vmem>> -> memref<16xi32, #tpu.memory_space<vmem>>
        %dma_start3A_996 = arith.constant 0 : i32
        %dma_start3A_997 = arith.constant 0 : i32
        %dma_start3A_998 = tpu.memref_slice %arg2[%dma_start3A_996, %dma_start3A_997] : memref<320000x128xf32, #tpu.memory_space<hbm>> -> memref<320000x128xf32, #tpu.memory_space<hbm>>
        tpu.enqueue_indirect_dma source(%dma_start3A_998 : memref<320000x128xf32, #tpu.memory_space<hbm>>) target(%arg11 : memref<16x128xf32, #tpu.memory_space<vmem>>) offsets(%dma_start3A_995 : memref<16xi32, #tpu.memory_space<vmem>>) semaphore(%arg16 : memref<!tpu.dma_semaphore, #tpu.memory_space<semaphore_mem>>) {add = true}
        %get3A_999 = arith.constant 192 : index
        %get3A_1000 = tpu.vector_load %arg7[%get3A_999] {strides = array<i32>} : memref<512xi32, #tpu.memory_space<vmem>>, vector<16xi32>,
        %get3A_1001 = vector.shape_cast %get3A_1000 : vector<16xi32> to vector<16xi32>
        %add3A_1002 = arith.constant 120000 : i32
        %add3A_1003 = vector.broadcast %add3A_1002 : i32 to vector<16xi32>
        %add3A_1004 = arith.addi %get3A_1001, %add3A_1003 : vector<16xi32>
        %swap3A_1005 = arith.constant 12 : i32
        %swap3A_1006 = arith.index_cast %swap3A_1005 : i32 to index
        %swap3A_1007 = arith.constant 0 : index
        %swap3A_1008 = tpu.vector_load %arg9[%swap3A_1006, %swap3A_1007] {strides = array<i32>} : memref<32x16xi32, #tpu.memory_space<vmem>>, vector<1x16xi32>,
        %swap3A_1009 = vector.shape_cast %swap3A_1008 : vector<1x16xi32> to vector<16xi32>
        %swap3A_1010 = vector.shape_cast %add3A_1004 : vector<16xi32> to vector<1x16xi32>
        tpu.vector_store %arg9[%swap3A_1006, %swap3A_1007], %swap3A_1010 {strides = array<i32>} : memref<32x16xi32, #tpu.memory_space<vmem>>, vector<1x16xi32>,
        %dma_start3A_1011 = arith.constant 12 : i32
        %dma_start3A_1012 = arith.constant 0 : i32
        %dma_start3A_1013 = tpu.memref_slice %arg9[%dma_start3A_1011, %dma_start3A_1012] : memref<32x16xi32, #tpu.memory_space<vmem>> -> memref<1x16xi32, #tpu.memory_space<vmem>>
        %dma_start3A_1014 = tpu.memref_squeeze %dma_start3A_1013 : memref<1x16xi32, #tpu.memory_space<vmem>> -> memref<16xi32, #tpu.memory_space<vmem>>
        %dma_start3A_1015 = arith.constant 0 : i32
        %dma_start3A_1016 = arith.constant 0 : i32
        %dma_start3A_1017 = tpu.memref_slice %arg2[%dma_start3A_1015, %dma_start3A_1016] : memref<320000x128xf32, #tpu.memory_space<hbm>> -> memref<320000x128xf32, #tpu.memory_space<hbm>>
        tpu.enqueue_indirect_dma source(%dma_start3A_1017 : memref<320000x128xf32, #tpu.memory_space<hbm>>) target(%arg11 : memref<16x128xf32, #tpu.memory_space<vmem>>) offsets(%dma_start3A_1014 : memref<16xi32, #tpu.memory_space<vmem>>) semaphore(%arg16 : memref<!tpu.dma_semaphore, #tpu.memory_space<semaphore_mem>>) {add = true}
        %get3A_1018 = arith.constant 208 : index
        %get3A_1019 = tpu.vector_load %arg7[%get3A_1018] {strides = array<i32>} : memref<512xi32, #tpu.memory_space<vmem>>, vector<16xi32>,
        %get3A_1020 = vector.shape_cast %get3A_1019 : vector<16xi32> to vector<16xi32>
        %add3A_1021 = arith.constant 130000 : i32
        %add3A_1022 = vector.broadcast %add3A_1021 : i32 to vector<16xi32>
        %add3A_1023 = arith.addi %get3A_1020, %add3A_1022 : vector<16xi32>
        %swap3A_1024 = arith.constant 13 : i32
        %swap3A_1025 = arith.index_cast %swap3A_1024 : i32 to index
        %swap3A_1026 = arith.constant 0 : index
        %swap3A_1027 = tpu.vector_load %arg9[%swap3A_1025, %swap3A_1026] {strides = array<i32>} : memref<32x16xi32, #tpu.memory_space<vmem>>, vector<1x16xi32>,
        %swap3A_1028 = vector.shape_cast %swap3A_1027 : vector<1x16xi32> to vector<16xi32>
        %swap3A_1029 = vector.shape_cast %add3A_1023 : vector<16xi32> to vector<1x16xi32>
        tpu.vector_store %arg9[%swap3A_1025, %swap3A_1026], %swap3A_1029 {strides = array<i32>} : memref<32x16xi32, #tpu.memory_space<vmem>>, vector<1x16xi32>,
        %dma_start3A_1030 = arith.constant 13 : i32
        %dma_start3A_1031 = arith.constant 0 : i32
        %dma_start3A_1032 = tpu.memref_slice %arg9[%dma_start3A_1030, %dma_start3A_1031] : memref<32x16xi32, #tpu.memory_space<vmem>> -> memref<1x16xi32, #tpu.memory_space<vmem>>
        %dma_start3A_1033 = tpu.memref_squeeze %dma_start3A_1032 : memref<1x16xi32, #tpu.memory_space<vmem>> -> memref<16xi32, #tpu.memory_space<vmem>>
        %dma_start3A_1034 = arith.constant 0 : i32
        %dma_start3A_1035 = arith.constant 0 : i32
        %dma_start3A_1036 = tpu.memref_slice %arg2[%dma_start3A_1034, %dma_start3A_1035] : memref<320000x128xf32, #tpu.memory_space<hbm>> -> memref<320000x128xf32, #tpu.memory_space<hbm>>
        tpu.enqueue_indirect_dma source(%dma_start3A_1036 : memref<320000x128xf32, #tpu.memory_space<hbm>>) target(%arg11 : memref<16x128xf32, #tpu.memory_space<vmem>>) offsets(%dma_start3A_1033 : memref<16xi32, #tpu.memory_space<vmem>>) semaphore(%arg16 : memref<!tpu.dma_semaphore, #tpu.memory_space<semaphore_mem>>) {add = true}
        %get3A_1037 = arith.constant 224 : index
        %get3A_1038 = tpu.vector_load %arg7[%get3A_1037] {strides = array<i32>} : memref<512xi32, #tpu.memory_space<vmem>>, vector<16xi32>,
        %get3A_1039 = vector.shape_cast %get3A_1038 : vector<16xi32> to vector<16xi32>
        %add3A_1040 = arith.constant 140000 : i32
        %add3A_1041 = vector.broadcast %add3A_1040 : i32 to vector<16xi32>
        %add3A_1042 = arith.addi %get3A_1039, %add3A_1041 : vector<16xi32>
        %swap3A_1043 = arith.constant 14 : i32
        %swap3A_1044 = arith.index_cast %swap3A_1043 : i32 to index
        %swap3A_1045 = arith.constant 0 : index
        %swap3A_1046 = tpu.vector_load %arg9[%swap3A_1044, %swap3A_1045] {strides = array<i32>} : memref<32x16xi32, #tpu.memory_space<vmem>>, vector<1x16xi32>,
        %swap3A_1047 = vector.shape_cast %swap3A_1046 : vector<1x16xi32> to vector<16xi32>
        %swap3A_1048 = vector.shape_cast %add3A_1042 : vector<16xi32> to vector<1x16xi32>
        tpu.vector_store %arg9[%swap3A_1044, %swap3A_1045], %swap3A_1048 {strides = array<i32>} : memref<32x16xi32, #tpu.memory_space<vmem>>, vector<1x16xi32>,
        %dma_start3A_1049 = arith.constant 14 : i32
        %dma_start3A_1050 = arith.constant 0 : i32
        %dma_start3A_1051 = tpu.memref_slice %arg9[%dma_start3A_1049, %dma_start3A_1050] : memref<32x16xi32, #tpu.memory_space<vmem>> -> memref<1x16xi32, #tpu.memory_space<vmem>>
        %dma_start3A_1052 = tpu.memref_squeeze %dma_start3A_1051 : memref<1x16xi32, #tpu.memory_space<vmem>> -> memref<16xi32, #tpu.memory_space<vmem>>
        %dma_start3A_1053 = arith.constant 0 : i32
        %dma_start3A_1054 = arith.constant 0 : i32
        %dma_start3A_1055 = tpu.memref_slice %arg2[%dma_start3A_1053, %dma_start3A_1054] : memref<320000x128xf32, #tpu.memory_space<hbm>> -> memref<320000x128xf32, #tpu.memory_space<hbm>>
        tpu.enqueue_indirect_dma source(%dma_start3A_1055 : memref<320000x128xf32, #tpu.memory_space<hbm>>) target(%arg11 : memref<16x128xf32, #tpu.memory_space<vmem>>) offsets(%dma_start3A_1052 : memref<16xi32, #tpu.memory_space<vmem>>) semaphore(%arg16 : memref<!tpu.dma_semaphore, #tpu.memory_space<semaphore_mem>>) {add = true}
        %get3A_1056 = arith.constant 240 : index
        %get3A_1057 = tpu.vector_load %arg7[%get3A_1056] {strides = array<i32>} : memref<512xi32, #tpu.memory_space<vmem>>, vector<16xi32>,
        %get3A_1058 = vector.shape_cast %get3A_1057 : vector<16xi32> to vector<16xi32>
        %add3A_1059 = arith.constant 150000 : i32
        %add3A_1060 = vector.broadcast %add3A_1059 : i32 to vector<16xi32>
        %add3A_1061 = arith.addi %get3A_1058, %add3A_1060 : vector<16xi32>
        %swap3A_1062 = arith.constant 15 : i32
        %swap3A_1063 = arith.index_cast %swap3A_1062 : i32 to index
        %swap3A_1064 = arith.constant 0 : index
        %swap3A_1065 = tpu.vector_load %arg9[%swap3A_1063, %swap3A_1064] {strides = array<i32>} : memref<32x16xi32, #tpu.memory_space<vmem>>, vector<1x16xi32>,
        %swap3A_1066 = vector.shape_cast %swap3A_1065 : vector<1x16xi32> to vector<16xi32>
        %swap3A_1067 = vector.shape_cast %add3A_1061 : vector<16xi32> to vector<1x16xi32>
        tpu.vector_store %arg9[%swap3A_1063, %swap3A_1064], %swap3A_1067 {strides = array<i32>} : memref<32x16xi32, #tpu.memory_space<vmem>>, vector<1x16xi32>,
        %dma_start3A_1068 = arith.constant 15 : i32
        %dma_start3A_1069 = arith.constant 0 : i32
        %dma_start3A_1070 = tpu.memref_slice %arg9[%dma_start3A_1068, %dma_start3A_1069] : memref<32x16xi32, #tpu.memory_space<vmem>> -> memref<1x16xi32, #tpu.memory_space<vmem>>
        %dma_start3A_1071 = tpu.memref_squeeze %dma_start3A_1070 : memref<1x16xi32, #tpu.memory_space<vmem>> -> memref<16xi32, #tpu.memory_space<vmem>>
        %dma_start3A_1072 = arith.constant 0 : i32
        %dma_start3A_1073 = arith.constant 0 : i32
        %dma_start3A_1074 = tpu.memref_slice %arg2[%dma_start3A_1072, %dma_start3A_1073] : memref<320000x128xf32, #tpu.memory_space<hbm>> -> memref<320000x128xf32, #tpu.memory_space<hbm>>
        tpu.enqueue_indirect_dma source(%dma_start3A_1074 : memref<320000x128xf32, #tpu.memory_space<hbm>>) target(%arg11 : memref<16x128xf32, #tpu.memory_space<vmem>>) offsets(%dma_start3A_1071 : memref<16xi32, #tpu.memory_space<vmem>>) semaphore(%arg16 : memref<!tpu.dma_semaphore, #tpu.memory_space<semaphore_mem>>) {add = true}
        %get3A_1075 = arith.constant 256 : index
        %get3A_1076 = tpu.vector_load %arg7[%get3A_1075] {strides = array<i32>} : memref<512xi32, #tpu.memory_space<vmem>>, vector<16xi32>,
        %get3A_1077 = vector.shape_cast %get3A_1076 : vector<16xi32> to vector<16xi32>
        %add3A_1078 = arith.constant 160000 : i32
        %add3A_1079 = vector.broadcast %add3A_1078 : i32 to vector<16xi32>
        %add3A_1080 = arith.addi %get3A_1077, %add3A_1079 : vector<16xi32>
        %swap3A_1081 = arith.constant 16 : i32
        %swap3A_1082 = arith.index_cast %swap3A_1081 : i32 to index
        %swap3A_1083 = arith.constant 0 : index
        %swap3A_1084 = tpu.vector_load %arg9[%swap3A_1082, %swap3A_1083] {strides = array<i32>} : memref<32x16xi32, #tpu.memory_space<vmem>>, vector<1x16xi32>,
        %swap3A_1085 = vector.shape_cast %swap3A_1084 : vector<1x16xi32> to vector<16xi32>
        %swap3A_1086 = vector.shape_cast %add3A_1080 : vector<16xi32> to vector<1x16xi32>
        tpu.vector_store %arg9[%swap3A_1082, %swap3A_1083], %swap3A_1086 {strides = array<i32>} : memref<32x16xi32, #tpu.memory_space<vmem>>, vector<1x16xi32>,
        %dma_start3A_1087 = arith.constant 16 : i32
        %dma_start3A_1088 = arith.constant 0 : i32
        %dma_start3A_1089 = tpu.memref_slice %arg9[%dma_start3A_1087, %dma_start3A_1088] : memref<32x16xi32, #tpu.memory_space<vmem>> -> memref<1x16xi32, #tpu.memory_space<vmem>>
        %dma_start3A_1090 = tpu.memref_squeeze %dma_start3A_1089 : memref<1x16xi32, #tpu.memory_space<vmem>> -> memref<16xi32, #tpu.memory_space<vmem>>
        %dma_start3A_1091 = arith.constant 0 : i32
        %dma_start3A_1092 = arith.constant 0 : i32
        %dma_start3A_1093 = tpu.memref_slice %arg2[%dma_start3A_1091, %dma_start3A_1092] : memref<320000x128xf32, #tpu.memory_space<hbm>> -> memref<320000x128xf32, #tpu.memory_space<hbm>>
        tpu.enqueue_indirect_dma source(%dma_start3A_1093 : memref<320000x128xf32, #tpu.memory_space<hbm>>) target(%arg11 : memref<16x128xf32, #tpu.memory_space<vmem>>) offsets(%dma_start3A_1090 : memref<16xi32, #tpu.memory_space<vmem>>) semaphore(%arg16 : memref<!tpu.dma_semaphore, #tpu.memory_space<semaphore_mem>>) {add = true}
        %get3A_1094 = arith.constant 272 : index
        %get3A_1095 = tpu.vector_load %arg7[%get3A_1094] {strides = array<i32>} : memref<512xi32, #tpu.memory_space<vmem>>, vector<16xi32>,
        %get3A_1096 = vector.shape_cast %get3A_1095 : vector<16xi32> to vector<16xi32>
        %add3A_1097 = arith.constant 170000 : i32
        %add3A_1098 = vector.broadcast %add3A_1097 : i32 to vector<16xi32>
        %add3A_1099 = arith.addi %get3A_1096, %add3A_1098 : vector<16xi32>
        %swap3A_1100 = arith.constant 17 : i32
        %swap3A_1101 = arith.index_cast %swap3A_1100 : i32 to index
        %swap3A_1102 = arith.constant 0 : index
        %swap3A_1103 = tpu.vector_load %arg9[%swap3A_1101, %swap3A_1102] {strides = array<i32>} : memref<32x16xi32, #tpu.memory_space<vmem>>, vector<1x16xi32>,
        %swap3A_1104 = vector.shape_cast %swap3A_1103 : vector<1x16xi32> to vector<16xi32>
        %swap3A_1105 = vector.shape_cast %add3A_1099 : vector<16xi32> to vector<1x16xi32>
        tpu.vector_store %arg9[%swap3A_1101, %swap3A_1102], %swap3A_1105 {strides = array<i32>} : memref<32x16xi32, #tpu.memory_space<vmem>>, vector<1x16xi32>,
        %dma_start3A_1106 = arith.constant 17 : i32
        %dma_start3A_1107 = arith.constant 0 : i32
        %dma_start3A_1108 = tpu.memref_slice %arg9[%dma_start3A_1106, %dma_start3A_1107] : memref<32x16xi32, #tpu.memory_space<vmem>> -> memref<1x16xi32, #tpu.memory_space<vmem>>
        %dma_start3A_1109 = tpu.memref_squeeze %dma_start3A_1108 : memref<1x16xi32, #tpu.memory_space<vmem>> -> memref<16xi32, #tpu.memory_space<vmem>>
        %dma_start3A_1110 = arith.constant 0 : i32
        %dma_start3A_1111 = arith.constant 0 : i32
        %dma_start3A_1112 = tpu.memref_slice %arg2[%dma_start3A_1110, %dma_start3A_1111] : memref<320000x128xf32, #tpu.memory_space<hbm>> -> memref<320000x128xf32, #tpu.memory_space<hbm>>
        tpu.enqueue_indirect_dma source(%dma_start3A_1112 : memref<320000x128xf32, #tpu.memory_space<hbm>>) target(%arg11 : memref<16x128xf32, #tpu.memory_space<vmem>>) offsets(%dma_start3A_1109 : memref<16xi32, #tpu.memory_space<vmem>>) semaphore(%arg16 : memref<!tpu.dma_semaphore, #tpu.memory_space<semaphore_mem>>) {add = true}
        %get3A_1113 = arith.constant 288 : index
        %get3A_1114 = tpu.vector_load %arg7[%get3A_1113] {strides = array<i32>} : memref<512xi32, #tpu.memory_space<vmem>>, vector<16xi32>,
        %get3A_1115 = vector.shape_cast %get3A_1114 : vector<16xi32> to vector<16xi32>
        %add3A_1116 = arith.constant 180000 : i32
        %add3A_1117 = vector.broadcast %add3A_1116 : i32 to vector<16xi32>
        %add3A_1118 = arith.addi %get3A_1115, %add3A_1117 : vector<16xi32>
        %swap3A_1119 = arith.constant 18 : i32
        %swap3A_1120 = arith.index_cast %swap3A_1119 : i32 to index
        %swap3A_1121 = arith.constant 0 : index
        %swap3A_1122 = tpu.vector_load %arg9[%swap3A_1120, %swap3A_1121] {strides = array<i32>} : memref<32x16xi32, #tpu.memory_space<vmem>>, vector<1x16xi32>,
        %swap3A_1123 = vector.shape_cast %swap3A_1122 : vector<1x16xi32> to vector<16xi32>
        %swap3A_1124 = vector.shape_cast %add3A_1118 : vector<16xi32> to vector<1x16xi32>
        tpu.vector_store %arg9[%swap3A_1120, %swap3A_1121], %swap3A_1124 {strides = array<i32>} : memref<32x16xi32, #tpu.memory_space<vmem>>, vector<1x16xi32>,
        %dma_start3A_1125 = arith.constant 18 : i32
        %dma_start3A_1126 = arith.constant 0 : i32
        %dma_start3A_1127 = tpu.memref_slice %arg9[%dma_start3A_1125, %dma_start3A_1126] : memref<32x16xi32, #tpu.memory_space<vmem>> -> memref<1x16xi32, #tpu.memory_space<vmem>>
        %dma_start3A_1128 = tpu.memref_squeeze %dma_start3A_1127 : memref<1x16xi32, #tpu.memory_space<vmem>> -> memref<16xi32, #tpu.memory_space<vmem>>
        %dma_start3A_1129 = arith.constant 0 : i32
        %dma_start3A_1130 = arith.constant 0 : i32
        %dma_start3A_1131 = tpu.memref_slice %arg2[%dma_start3A_1129, %dma_start3A_1130] : memref<320000x128xf32, #tpu.memory_space<hbm>> -> memref<320000x128xf32, #tpu.memory_space<hbm>>
        tpu.enqueue_indirect_dma source(%dma_start3A_1131 : memref<320000x128xf32, #tpu.memory_space<hbm>>) target(%arg11 : memref<16x128xf32, #tpu.memory_space<vmem>>) offsets(%dma_start3A_1128 : memref<16xi32, #tpu.memory_space<vmem>>) semaphore(%arg16 : memref<!tpu.dma_semaphore, #tpu.memory_space<semaphore_mem>>) {add = true}
        %get3A_1132 = arith.constant 304 : index
        %get3A_1133 = tpu.vector_load %arg7[%get3A_1132] {strides = array<i32>} : memref<512xi32, #tpu.memory_space<vmem>>, vector<16xi32>,
        %get3A_1134 = vector.shape_cast %get3A_1133 : vector<16xi32> to vector<16xi32>
        %add3A_1135 = arith.constant 190000 : i32
        %add3A_1136 = vector.broadcast %add3A_1135 : i32 to vector<16xi32>
        %add3A_1137 = arith.addi %get3A_1134, %add3A_1136 : vector<16xi32>
        %swap3A_1138 = arith.constant 19 : i32
        %swap3A_1139 = arith.index_cast %swap3A_1138 : i32 to index
        %swap3A_1140 = arith.constant 0 : index
        %swap3A_1141 = tpu.vector_load %arg9[%swap3A_1139, %swap3A_1140] {strides = array<i32>} : memref<32x16xi32, #tpu.memory_space<vmem>>, vector<1x16xi32>,
        %swap3A_1142 = vector.shape_cast %swap3A_1141 : vector<1x16xi32> to vector<16xi32>
        %swap3A_1143 = vector.shape_cast %add3A_1137 : vector<16xi32> to vector<1x16xi32>
        tpu.vector_store %arg9[%swap3A_1139, %swap3A_1140], %swap3A_1143 {strides = array<i32>} : memref<32x16xi32, #tpu.memory_space<vmem>>, vector<1x16xi32>,
        %dma_start3A_1144 = arith.constant 19 : i32
        %dma_start3A_1145 = arith.constant 0 : i32
        %dma_start3A_1146 = tpu.memref_slice %arg9[%dma_start3A_1144, %dma_start3A_1145] : memref<32x16xi32, #tpu.memory_space<vmem>> -> memref<1x16xi32, #tpu.memory_space<vmem>>
        %dma_start3A_1147 = tpu.memref_squeeze %dma_start3A_1146 : memref<1x16xi32, #tpu.memory_space<vmem>> -> memref<16xi32, #tpu.memory_space<vmem>>
        %dma_start3A_1148 = arith.constant 0 : i32
        %dma_start3A_1149 = arith.constant 0 : i32
        %dma_start3A_1150 = tpu.memref_slice %arg2[%dma_start3A_1148, %dma_start3A_1149] : memref<320000x128xf32, #tpu.memory_space<hbm>> -> memref<320000x128xf32, #tpu.memory_space<hbm>>
        tpu.enqueue_indirect_dma source(%dma_start3A_1150 : memref<320000x128xf32, #tpu.memory_space<hbm>>) target(%arg11 : memref<16x128xf32, #tpu.memory_space<vmem>>) offsets(%dma_start3A_1147 : memref<16xi32, #tpu.memory_space<vmem>>) semaphore(%arg16 : memref<!tpu.dma_semaphore, #tpu.memory_space<semaphore_mem>>) {add = true}
        %get3A_1151 = arith.constant 320 : index
        %get3A_1152 = tpu.vector_load %arg7[%get3A_1151] {strides = array<i32>} : memref<512xi32, #tpu.memory_space<vmem>>, vector<16xi32>,
        %get3A_1153 = vector.shape_cast %get3A_1152 : vector<16xi32> to vector<16xi32>
        %add3A_1154 = arith.constant 200000 : i32
        %add3A_1155 = vector.broadcast %add3A_1154 : i32 to vector<16xi32>
        %add3A_1156 = arith.addi %get3A_1153, %add3A_1155 : vector<16xi32>
        %swap3A_1157 = arith.constant 20 : i32
        %swap3A_1158 = arith.index_cast %swap3A_1157 : i32 to index
        %swap3A_1159 = arith.constant 0 : index
        %swap3A_1160 = tpu.vector_load %arg9[%swap3A_1158, %swap3A_1159] {strides = array<i32>} : memref<32x16xi32, #tpu.memory_space<vmem>>, vector<1x16xi32>,
        %swap3A_1161 = vector.shape_cast %swap3A_1160 : vector<1x16xi32> to vector<16xi32>
        %swap3A_1162 = vector.shape_cast %add3A_1156 : vector<16xi32> to vector<1x16xi32>
        tpu.vector_store %arg9[%swap3A_1158, %swap3A_1159], %swap3A_1162 {strides = array<i32>} : memref<32x16xi32, #tpu.memory_space<vmem>>, vector<1x16xi32>,
        %dma_start3A_1163 = arith.constant 20 : i32
        %dma_start3A_1164 = arith.constant 0 : i32
        %dma_start3A_1165 = tpu.memref_slice %arg9[%dma_start3A_1163, %dma_start3A_1164] : memref<32x16xi32, #tpu.memory_space<vmem>> -> memref<1x16xi32, #tpu.memory_space<vmem>>
        %dma_start3A_1166 = tpu.memref_squeeze %dma_start3A_1165 : memref<1x16xi32, #tpu.memory_space<vmem>> -> memref<16xi32, #tpu.memory_space<vmem>>
        %dma_start3A_1167 = arith.constant 0 : i32
        %dma_start3A_1168 = arith.constant 0 : i32
        %dma_start3A_1169 = tpu.memref_slice %arg2[%dma_start3A_1167, %dma_start3A_1168] : memref<320000x128xf32, #tpu.memory_space<hbm>> -> memref<320000x128xf32, #tpu.memory_space<hbm>>
        tpu.enqueue_indirect_dma source(%dma_start3A_1169 : memref<320000x128xf32, #tpu.memory_space<hbm>>) target(%arg11 : memref<16x128xf32, #tpu.memory_space<vmem>>) offsets(%dma_start3A_1166 : memref<16xi32, #tpu.memory_space<vmem>>) semaphore(%arg16 : memref<!tpu.dma_semaphore, #tpu.memory_space<semaphore_mem>>) {add = true}
        %get3A_1170 = arith.constant 336 : index
        %get3A_1171 = tpu.vector_load %arg7[%get3A_1170] {strides = array<i32>} : memref<512xi32, #tpu.memory_space<vmem>>, vector<16xi32>,
        %get3A_1172 = vector.shape_cast %get3A_1171 : vector<16xi32> to vector<16xi32>
        %add3A_1173 = arith.constant 210000 : i32
        %add3A_1174 = vector.broadcast %add3A_1173 : i32 to vector<16xi32>
        %add3A_1175 = arith.addi %get3A_1172, %add3A_1174 : vector<16xi32>
        %swap3A_1176 = arith.constant 21 : i32
        %swap3A_1177 = arith.index_cast %swap3A_1176 : i32 to index
        %swap3A_1178 = arith.constant 0 : index
        %swap3A_1179 = tpu.vector_load %arg9[%swap3A_1177, %swap3A_1178] {strides = array<i32>} : memref<32x16xi32, #tpu.memory_space<vmem>>, vector<1x16xi32>,
        %swap3A_1180 = vector.shape_cast %swap3A_1179 : vector<1x16xi32> to vector<16xi32>
        %swap3A_1181 = vector.shape_cast %add3A_1175 : vector<16xi32> to vector<1x16xi32>
        tpu.vector_store %arg9[%swap3A_1177, %swap3A_1178], %swap3A_1181 {strides = array<i32>} : memref<32x16xi32, #tpu.memory_space<vmem>>, vector<1x16xi32>,
        %dma_start3A_1182 = arith.constant 21 : i32
        %dma_start3A_1183 = arith.constant 0 : i32
        %dma_start3A_1184 = tpu.memref_slice %arg9[%dma_start3A_1182, %dma_start3A_1183] : memref<32x16xi32, #tpu.memory_space<vmem>> -> memref<1x16xi32, #tpu.memory_space<vmem>>
        %dma_start3A_1185 = tpu.memref_squeeze %dma_start3A_1184 : memref<1x16xi32, #tpu.memory_space<vmem>> -> memref<16xi32, #tpu.memory_space<vmem>>
        %dma_start3A_1186 = arith.constant 0 : i32
        %dma_start3A_1187 = arith.constant 0 : i32
        %dma_start3A_1188 = tpu.memref_slice %arg2[%dma_start3A_1186, %dma_start3A_1187] : memref<320000x128xf32, #tpu.memory_space<hbm>> -> memref<320000x128xf32, #tpu.memory_space<hbm>>
        tpu.enqueue_indirect_dma source(%dma_start3A_1188 : memref<320000x128xf32, #tpu.memory_space<hbm>>) target(%arg11 : memref<16x128xf32, #tpu.memory_space<vmem>>) offsets(%dma_start3A_1185 : memref<16xi32, #tpu.memory_space<vmem>>) semaphore(%arg16 : memref<!tpu.dma_semaphore, #tpu.memory_space<semaphore_mem>>) {add = true}
        %get3A_1189 = arith.constant 352 : index
        %get3A_1190 = tpu.vector_load %arg7[%get3A_1189] {strides = array<i32>} : memref<512xi32, #tpu.memory_space<vmem>>, vector<16xi32>,
        %get3A_1191 = vector.shape_cast %get3A_1190 : vector<16xi32> to vector<16xi32>
        %add3A_1192 = arith.constant 220000 : i32
        %add3A_1193 = vector.broadcast %add3A_1192 : i32 to vector<16xi32>
        %add3A_1194 = arith.addi %get3A_1191, %add3A_1193 : vector<16xi32>
        %swap3A_1195 = arith.constant 22 : i32
        %swap3A_1196 = arith.index_cast %swap3A_1195 : i32 to index
        %swap3A_1197 = arith.constant 0 : index
        %swap3A_1198 = tpu.vector_load %arg9[%swap3A_1196, %swap3A_1197] {strides = array<i32>} : memref<32x16xi32, #tpu.memory_space<vmem>>, vector<1x16xi32>,
        %swap3A_1199 = vector.shape_cast %swap3A_1198 : vector<1x16xi32> to vector<16xi32>
        %swap3A_1200 = vector.shape_cast %add3A_1194 : vector<16xi32> to vector<1x16xi32>
        tpu.vector_store %arg9[%swap3A_1196, %swap3A_1197], %swap3A_1200 {strides = array<i32>} : memref<32x16xi32, #tpu.memory_space<vmem>>, vector<1x16xi32>,
        %dma_start3A_1201 = arith.constant 22 : i32
        %dma_start3A_1202 = arith.constant 0 : i32
        %dma_start3A_1203 = tpu.memref_slice %arg9[%dma_start3A_1201, %dma_start3A_1202] : memref<32x16xi32, #tpu.memory_space<vmem>> -> memref<1x16xi32, #tpu.memory_space<vmem>>
        %dma_start3A_1204 = tpu.memref_squeeze %dma_start3A_1203 : memref<1x16xi32, #tpu.memory_space<vmem>> -> memref<16xi32, #tpu.memory_space<vmem>>
        %dma_start3A_1205 = arith.constant 0 : i32
        %dma_start3A_1206 = arith.constant 0 : i32
        %dma_start3A_1207 = tpu.memref_slice %arg2[%dma_start3A_1205, %dma_start3A_1206] : memref<320000x128xf32, #tpu.memory_space<hbm>> -> memref<320000x128xf32, #tpu.memory_space<hbm>>
        tpu.enqueue_indirect_dma source(%dma_start3A_1207 : memref<320000x128xf32, #tpu.memory_space<hbm>>) target(%arg11 : memref<16x128xf32, #tpu.memory_space<vmem>>) offsets(%dma_start3A_1204 : memref<16xi32, #tpu.memory_space<vmem>>) semaphore(%arg16 : memref<!tpu.dma_semaphore, #tpu.memory_space<semaphore_mem>>) {add = true}
        %get3A_1208 = arith.constant 368 : index
        %get3A_1209 = tpu.vector_load %arg7[%get3A_1208] {strides = array<i32>} : memref<512xi32, #tpu.memory_space<vmem>>, vector<16xi32>,
        %get3A_1210 = vector.shape_cast %get3A_1209 : vector<16xi32> to vector<16xi32>
        %add3A_1211 = arith.constant 230000 : i32
        %add3A_1212 = vector.broadcast %add3A_1211 : i32 to vector<16xi32>
        %add3A_1213 = arith.addi %get3A_1210, %add3A_1212 : vector<16xi32>
        %swap3A_1214 = arith.constant 23 : i32
        %swap3A_1215 = arith.index_cast %swap3A_1214 : i32 to index
        %swap3A_1216 = arith.constant 0 : index
        %swap3A_1217 = tpu.vector_load %arg9[%swap3A_1215, %swap3A_1216] {strides = array<i32>} : memref<32x16xi32, #tpu.memory_space<vmem>>, vector<1x16xi32>,
        %swap3A_1218 = vector.shape_cast %swap3A_1217 : vector<1x16xi32> to vector<16xi32>
        %swap3A_1219 = vector.shape_cast %add3A_1213 : vector<16xi32> to vector<1x16xi32>
        tpu.vector_store %arg9[%swap3A_1215, %swap3A_1216], %swap3A_1219 {strides = array<i32>} : memref<32x16xi32, #tpu.memory_space<vmem>>, vector<1x16xi32>,
        %dma_start3A_1220 = arith.constant 23 : i32
        %dma_start3A_1221 = arith.constant 0 : i32
        %dma_start3A_1222 = tpu.memref_slice %arg9[%dma_start3A_1220, %dma_start3A_1221] : memref<32x16xi32, #tpu.memory_space<vmem>> -> memref<1x16xi32, #tpu.memory_space<vmem>>
        %dma_start3A_1223 = tpu.memref_squeeze %dma_start3A_1222 : memref<1x16xi32, #tpu.memory_space<vmem>> -> memref<16xi32, #tpu.memory_space<vmem>>
        %dma_start3A_1224 = arith.constant 0 : i32
        %dma_start3A_1225 = arith.constant 0 : i32
        %dma_start3A_1226 = tpu.memref_slice %arg2[%dma_start3A_1224, %dma_start3A_1225] : memref<320000x128xf32, #tpu.memory_space<hbm>> -> memref<320000x128xf32, #tpu.memory_space<hbm>>
        tpu.enqueue_indirect_dma source(%dma_start3A_1226 : memref<320000x128xf32, #tpu.memory_space<hbm>>) target(%arg11 : memref<16x128xf32, #tpu.memory_space<vmem>>) offsets(%dma_start3A_1223 : memref<16xi32, #tpu.memory_space<vmem>>) semaphore(%arg16 : memref<!tpu.dma_semaphore, #tpu.memory_space<semaphore_mem>>) {add = true}
        %get3A_1227 = arith.constant 384 : index
        %get3A_1228 = tpu.vector_load %arg7[%get3A_1227] {strides = array<i32>} : memref<512xi32, #tpu.memory_space<vmem>>, vector<16xi32>,
        %get3A_1229 = vector.shape_cast %get3A_1228 : vector<16xi32> to vector<16xi32>
        %add3A_1230 = arith.constant 240000 : i32
        %add3A_1231 = vector.broadcast %add3A_1230 : i32 to vector<16xi32>
        %add3A_1232 = arith.addi %get3A_1229, %add3A_1231 : vector<16xi32>
        %swap3A_1233 = arith.constant 24 : i32
        %swap3A_1234 = arith.index_cast %swap3A_1233 : i32 to index
        %swap3A_1235 = arith.constant 0 : index
        %swap3A_1236 = tpu.vector_load %arg9[%swap3A_1234, %swap3A_1235] {strides = array<i32>} : memref<32x16xi32, #tpu.memory_space<vmem>>, vector<1x16xi32>,
        %swap3A_1237 = vector.shape_cast %swap3A_1236 : vector<1x16xi32> to vector<16xi32>
        %swap3A_1238 = vector.shape_cast %add3A_1232 : vector<16xi32> to vector<1x16xi32>
        tpu.vector_store %arg9[%swap3A_1234, %swap3A_1235], %swap3A_1238 {strides = array<i32>} : memref<32x16xi32, #tpu.memory_space<vmem>>, vector<1x16xi32>,
        %dma_start3A_1239 = arith.constant 24 : i32
        %dma_start3A_1240 = arith.constant 0 : i32
        %dma_start3A_1241 = tpu.memref_slice %arg9[%dma_start3A_1239, %dma_start3A_1240] : memref<32x16xi32, #tpu.memory_space<vmem>> -> memref<1x16xi32, #tpu.memory_space<vmem>>
        %dma_start3A_1242 = tpu.memref_squeeze %dma_start3A_1241 : memref<1x16xi32, #tpu.memory_space<vmem>> -> memref<16xi32, #tpu.memory_space<vmem>>
        %dma_start3A_1243 = arith.constant 0 : i32
        %dma_start3A_1244 = arith.constant 0 : i32
        %dma_start3A_1245 = tpu.memref_slice %arg2[%dma_start3A_1243, %dma_start3A_1244] : memref<320000x128xf32, #tpu.memory_space<hbm>> -> memref<320000x128xf32, #tpu.memory_space<hbm>>
        tpu.enqueue_indirect_dma source(%dma_start3A_1245 : memref<320000x128xf32, #tpu.memory_space<hbm>>) target(%arg11 : memref<16x128xf32, #tpu.memory_space<vmem>>) offsets(%dma_start3A_1242 : memref<16xi32, #tpu.memory_space<vmem>>) semaphore(%arg16 : memref<!tpu.dma_semaphore, #tpu.memory_space<semaphore_mem>>) {add = true}
        %get3A_1246 = arith.constant 400 : index
        %get3A_1247 = tpu.vector_load %arg7[%get3A_1246] {strides = array<i32>} : memref<512xi32, #tpu.memory_space<vmem>>, vector<16xi32>,
        %get3A_1248 = vector.shape_cast %get3A_1247 : vector<16xi32> to vector<16xi32>
        %add3A_1249 = arith.constant 250000 : i32
        %add3A_1250 = vector.broadcast %add3A_1249 : i32 to vector<16xi32>
        %add3A_1251 = arith.addi %get3A_1248, %add3A_1250 : vector<16xi32>
        %swap3A_1252 = arith.constant 25 : i32
        %swap3A_1253 = arith.index_cast %swap3A_1252 : i32 to index
        %swap3A_1254 = arith.constant 0 : index
        %swap3A_1255 = tpu.vector_load %arg9[%swap3A_1253, %swap3A_1254] {strides = array<i32>} : memref<32x16xi32, #tpu.memory_space<vmem>>, vector<1x16xi32>,
        %swap3A_1256 = vector.shape_cast %swap3A_1255 : vector<1x16xi32> to vector<16xi32>
        %swap3A_1257 = vector.shape_cast %add3A_1251 : vector<16xi32> to vector<1x16xi32>
        tpu.vector_store %arg9[%swap3A_1253, %swap3A_1254], %swap3A_1257 {strides = array<i32>} : memref<32x16xi32, #tpu.memory_space<vmem>>, vector<1x16xi32>,
        %dma_start3A_1258 = arith.constant 25 : i32
        %dma_start3A_1259 = arith.constant 0 : i32
        %dma_start3A_1260 = tpu.memref_slice %arg9[%dma_start3A_1258, %dma_start3A_1259] : memref<32x16xi32, #tpu.memory_space<vmem>> -> memref<1x16xi32, #tpu.memory_space<vmem>>
        %dma_start3A_1261 = tpu.memref_squeeze %dma_start3A_1260 : memref<1x16xi32, #tpu.memory_space<vmem>> -> memref<16xi32, #tpu.memory_space<vmem>>
        %dma_start3A_1262 = arith.constant 0 : i32
        %dma_start3A_1263 = arith.constant 0 : i32
        %dma_start3A_1264 = tpu.memref_slice %arg2[%dma_start3A_1262, %dma_start3A_1263] : memref<320000x128xf32, #tpu.memory_space<hbm>> -> memref<320000x128xf32, #tpu.memory_space<hbm>>
        tpu.enqueue_indirect_dma source(%dma_start3A_1264 : memref<320000x128xf32, #tpu.memory_space<hbm>>) target(%arg11 : memref<16x128xf32, #tpu.memory_space<vmem>>) offsets(%dma_start3A_1261 : memref<16xi32, #tpu.memory_space<vmem>>) semaphore(%arg16 : memref<!tpu.dma_semaphore, #tpu.memory_space<semaphore_mem>>) {add = true}
        %get3A_1265 = arith.constant 416 : index
        %get3A_1266 = tpu.vector_load %arg7[%get3A_1265] {strides = array<i32>} : memref<512xi32, #tpu.memory_space<vmem>>, vector<16xi32>,
        %get3A_1267 = vector.shape_cast %get3A_1266 : vector<16xi32> to vector<16xi32>
        %add3A_1268 = arith.constant 260000 : i32
        %add3A_1269 = vector.broadcast %add3A_1268 : i32 to vector<16xi32>
        %add3A_1270 = arith.addi %get3A_1267, %add3A_1269 : vector<16xi32>
        %swap3A_1271 = arith.constant 26 : i32
        %swap3A_1272 = arith.index_cast %swap3A_1271 : i32 to index
        %swap3A_1273 = arith.constant 0 : index
        %swap3A_1274 = tpu.vector_load %arg9[%swap3A_1272, %swap3A_1273] {strides = array<i32>} : memref<32x16xi32, #tpu.memory_space<vmem>>, vector<1x16xi32>,
        %swap3A_1275 = vector.shape_cast %swap3A_1274 : vector<1x16xi32> to vector<16xi32>
        %swap3A_1276 = vector.shape_cast %add3A_1270 : vector<16xi32> to vector<1x16xi32>
        tpu.vector_store %arg9[%swap3A_1272, %swap3A_1273], %swap3A_1276 {strides = array<i32>} : memref<32x16xi32, #tpu.memory_space<vmem>>, vector<1x16xi32>,
        %dma_start3A_1277 = arith.constant 26 : i32
        %dma_start3A_1278 = arith.constant 0 : i32
        %dma_start3A_1279 = tpu.memref_slice %arg9[%dma_start3A_1277, %dma_start3A_1278] : memref<32x16xi32, #tpu.memory_space<vmem>> -> memref<1x16xi32, #tpu.memory_space<vmem>>
        %dma_start3A_1280 = tpu.memref_squeeze %dma_start3A_1279 : memref<1x16xi32, #tpu.memory_space<vmem>> -> memref<16xi32, #tpu.memory_space<vmem>>
        %dma_start3A_1281 = arith.constant 0 : i32
        %dma_start3A_1282 = arith.constant 0 : i32
        %dma_start3A_1283 = tpu.memref_slice %arg2[%dma_start3A_1281, %dma_start3A_1282] : memref<320000x128xf32, #tpu.memory_space<hbm>> -> memref<320000x128xf32, #tpu.memory_space<hbm>>
        tpu.enqueue_indirect_dma source(%dma_start3A_1283 : memref<320000x128xf32, #tpu.memory_space<hbm>>) target(%arg11 : memref<16x128xf32, #tpu.memory_space<vmem>>) offsets(%dma_start3A_1280 : memref<16xi32, #tpu.memory_space<vmem>>) semaphore(%arg16 : memref<!tpu.dma_semaphore, #tpu.memory_space<semaphore_mem>>) {add = true}
        %get3A_1284 = arith.constant 432 : index
        %get3A_1285 = tpu.vector_load %arg7[%get3A_1284] {strides = array<i32>} : memref<512xi32, #tpu.memory_space<vmem>>, vector<16xi32>,
        %get3A_1286 = vector.shape_cast %get3A_1285 : vector<16xi32> to vector<16xi32>
        %add3A_1287 = arith.constant 270000 : i32
        %add3A_1288 = vector.broadcast %add3A_1287 : i32 to vector<16xi32>
        %add3A_1289 = arith.addi %get3A_1286, %add3A_1288 : vector<16xi32>
        %swap3A_1290 = arith.constant 27 : i32
        %swap3A_1291 = arith.index_cast %swap3A_1290 : i32 to index
        %swap3A_1292 = arith.constant 0 : index
        %swap3A_1293 = tpu.vector_load %arg9[%swap3A_1291, %swap3A_1292] {strides = array<i32>} : memref<32x16xi32, #tpu.memory_space<vmem>>, vector<1x16xi32>,
        %swap3A_1294 = vector.shape_cast %swap3A_1293 : vector<1x16xi32> to vector<16xi32>
        %swap3A_1295 = vector.shape_cast %add3A_1289 : vector<16xi32> to vector<1x16xi32>
        tpu.vector_store %arg9[%swap3A_1291, %swap3A_1292], %swap3A_1295 {strides = array<i32>} : memref<32x16xi32, #tpu.memory_space<vmem>>, vector<1x16xi32>,
        %dma_start3A_1296 = arith.constant 27 : i32
        %dma_start3A_1297 = arith.constant 0 : i32
        %dma_start3A_1298 = tpu.memref_slice %arg9[%dma_start3A_1296, %dma_start3A_1297] : memref<32x16xi32, #tpu.memory_space<vmem>> -> memref<1x16xi32, #tpu.memory_space<vmem>>
        %dma_start3A_1299 = tpu.memref_squeeze %dma_start3A_1298 : memref<1x16xi32, #tpu.memory_space<vmem>> -> memref<16xi32, #tpu.memory_space<vmem>>
        %dma_start3A_1300 = arith.constant 0 : i32
        %dma_start3A_1301 = arith.constant 0 : i32
        %dma_start3A_1302 = tpu.memref_slice %arg2[%dma_start3A_1300, %dma_start3A_1301] : memref<320000x128xf32, #tpu.memory_space<hbm>> -> memref<320000x128xf32, #tpu.memory_space<hbm>>
        tpu.enqueue_indirect_dma source(%dma_start3A_1302 : memref<320000x128xf32, #tpu.memory_space<hbm>>) target(%arg11 : memref<16x128xf32, #tpu.memory_space<vmem>>) offsets(%dma_start3A_1299 : memref<16xi32, #tpu.memory_space<vmem>>) semaphore(%arg16 : memref<!tpu.dma_semaphore, #tpu.memory_space<semaphore_mem>>) {add = true}
        %get3A_1303 = arith.constant 448 : index
        %get3A_1304 = tpu.vector_load %arg7[%get3A_1303] {strides = array<i32>} : memref<512xi32, #tpu.memory_space<vmem>>, vector<16xi32>,
        %get3A_1305 = vector.shape_cast %get3A_1304 : vector<16xi32> to vector<16xi32>
        %add3A_1306 = arith.constant 280000 : i32
        %add3A_1307 = vector.broadcast %add3A_1306 : i32 to vector<16xi32>
        %add3A_1308 = arith.addi %get3A_1305, %add3A_1307 : vector<16xi32>
        %swap3A_1309 = arith.constant 28 : i32
        %swap3A_1310 = arith.index_cast %swap3A_1309 : i32 to index
        %swap3A_1311 = arith.constant 0 : index
        %swap3A_1312 = tpu.vector_load %arg9[%swap3A_1310, %swap3A_1311] {strides = array<i32>} : memref<32x16xi32, #tpu.memory_space<vmem>>, vector<1x16xi32>,
        %swap3A_1313 = vector.shape_cast %swap3A_1312 : vector<1x16xi32> to vector<16xi32>
        %swap3A_1314 = vector.shape_cast %add3A_1308 : vector<16xi32> to vector<1x16xi32>
        tpu.vector_store %arg9[%swap3A_1310, %swap3A_1311], %swap3A_1314 {strides = array<i32>} : memref<32x16xi32, #tpu.memory_space<vmem>>, vector<1x16xi32>,
        %dma_start3A_1315 = arith.constant 28 : i32
        %dma_start3A_1316 = arith.constant 0 : i32
        %dma_start3A_1317 = tpu.memref_slice %arg9[%dma_start3A_1315, %dma_start3A_1316] : memref<32x16xi32, #tpu.memory_space<vmem>> -> memref<1x16xi32, #tpu.memory_space<vmem>>
        %dma_start3A_1318 = tpu.memref_squeeze %dma_start3A_1317 : memref<1x16xi32, #tpu.memory_space<vmem>> -> memref<16xi32, #tpu.memory_space<vmem>>
        %dma_start3A_1319 = arith.constant 0 : i32
        %dma_start3A_1320 = arith.constant 0 : i32
        %dma_start3A_1321 = tpu.memref_slice %arg2[%dma_start3A_1319, %dma_start3A_1320] : memref<320000x128xf32, #tpu.memory_space<hbm>> -> memref<320000x128xf32, #tpu.memory_space<hbm>>
        tpu.enqueue_indirect_dma source(%dma_start3A_1321 : memref<320000x128xf32, #tpu.memory_space<hbm>>) target(%arg11 : memref<16x128xf32, #tpu.memory_space<vmem>>) offsets(%dma_start3A_1318 : memref<16xi32, #tpu.memory_space<vmem>>) semaphore(%arg16 : memref<!tpu.dma_semaphore, #tpu.memory_space<semaphore_mem>>) {add = true}
        %get3A_1322 = arith.constant 464 : index
        %get3A_1323 = tpu.vector_load %arg7[%get3A_1322] {strides = array<i32>} : memref<512xi32, #tpu.memory_space<vmem>>, vector<16xi32>,
        %get3A_1324 = vector.shape_cast %get3A_1323 : vector<16xi32> to vector<16xi32>
        %add3A_1325 = arith.constant 290000 : i32
        %add3A_1326 = vector.broadcast %add3A_1325 : i32 to vector<16xi32>
        %add3A_1327 = arith.addi %get3A_1324, %add3A_1326 : vector<16xi32>
        %swap3A_1328 = arith.constant 29 : i32
        %swap3A_1329 = arith.index_cast %swap3A_1328 : i32 to index
        %swap3A_1330 = arith.constant 0 : index
        %swap3A_1331 = tpu.vector_load %arg9[%swap3A_1329, %swap3A_1330] {strides = array<i32>} : memref<32x16xi32, #tpu.memory_space<vmem>>, vector<1x16xi32>,
        %swap3A_1332 = vector.shape_cast %swap3A_1331 : vector<1x16xi32> to vector<16xi32>
        %swap3A_1333 = vector.shape_cast %add3A_1327 : vector<16xi32> to vector<1x16xi32>
        tpu.vector_store %arg9[%swap3A_1329, %swap3A_1330], %swap3A_1333 {strides = array<i32>} : memref<32x16xi32, #tpu.memory_space<vmem>>, vector<1x16xi32>,
        %dma_start3A_1334 = arith.constant 29 : i32
        %dma_start3A_1335 = arith.constant 0 : i32
        %dma_start3A_1336 = tpu.memref_slice %arg9[%dma_start3A_1334, %dma_start3A_1335] : memref<32x16xi32, #tpu.memory_space<vmem>> -> memref<1x16xi32, #tpu.memory_space<vmem>>
        %dma_start3A_1337 = tpu.memref_squeeze %dma_start3A_1336 : memref<1x16xi32, #tpu.memory_space<vmem>> -> memref<16xi32, #tpu.memory_space<vmem>>
        %dma_start3A_1338 = arith.constant 0 : i32
        %dma_start3A_1339 = arith.constant 0 : i32
        %dma_start3A_1340 = tpu.memref_slice %arg2[%dma_start3A_1338, %dma_start3A_1339] : memref<320000x128xf32, #tpu.memory_space<hbm>> -> memref<320000x128xf32, #tpu.memory_space<hbm>>
        tpu.enqueue_indirect_dma source(%dma_start3A_1340 : memref<320000x128xf32, #tpu.memory_space<hbm>>) target(%arg11 : memref<16x128xf32, #tpu.memory_space<vmem>>) offsets(%dma_start3A_1337 : memref<16xi32, #tpu.memory_space<vmem>>) semaphore(%arg16 : memref<!tpu.dma_semaphore, #tpu.memory_space<semaphore_mem>>) {add = true}
        %get3A_1341 = arith.constant 480 : index
        %get3A_1342 = tpu.vector_load %arg7[%get3A_1341] {strides = array<i32>} : memref<512xi32, #tpu.memory_space<vmem>>, vector<16xi32>,
        %get3A_1343 = vector.shape_cast %get3A_1342 : vector<16xi32> to vector<16xi32>
        %add3A_1344 = arith.constant 300000 : i32
        %add3A_1345 = vector.broadcast %add3A_1344 : i32 to vector<16xi32>
        %add3A_1346 = arith.addi %get3A_1343, %add3A_1345 : vector<16xi32>
        %swap3A_1347 = arith.constant 30 : i32
        %swap3A_1348 = arith.index_cast %swap3A_1347 : i32 to index
        %swap3A_1349 = arith.constant 0 : index
        %swap3A_1350 = tpu.vector_load %arg9[%swap3A_1348, %swap3A_1349] {strides = array<i32>} : memref<32x16xi32, #tpu.memory_space<vmem>>, vector<1x16xi32>,
        %swap3A_1351 = vector.shape_cast %swap3A_1350 : vector<1x16xi32> to vector<16xi32>
        %swap3A_1352 = vector.shape_cast %add3A_1346 : vector<16xi32> to vector<1x16xi32>
        tpu.vector_store %arg9[%swap3A_1348, %swap3A_1349], %swap3A_1352 {strides = array<i32>} : memref<32x16xi32, #tpu.memory_space<vmem>>, vector<1x16xi32>,
        %dma_start3A_1353 = arith.constant 30 : i32
        %dma_start3A_1354 = arith.constant 0 : i32
        %dma_start3A_1355 = tpu.memref_slice %arg9[%dma_start3A_1353, %dma_start3A_1354] : memref<32x16xi32, #tpu.memory_space<vmem>> -> memref<1x16xi32, #tpu.memory_space<vmem>>
        %dma_start3A_1356 = tpu.memref_squeeze %dma_start3A_1355 : memref<1x16xi32, #tpu.memory_space<vmem>> -> memref<16xi32, #tpu.memory_space<vmem>>
        %dma_start3A_1357 = arith.constant 0 : i32
        %dma_start3A_1358 = arith.constant 0 : i32
        %dma_start3A_1359 = tpu.memref_slice %arg2[%dma_start3A_1357, %dma_start3A_1358] : memref<320000x128xf32, #tpu.memory_space<hbm>> -> memref<320000x128xf32, #tpu.memory_space<hbm>>
        tpu.enqueue_indirect_dma source(%dma_start3A_1359 : memref<320000x128xf32, #tpu.memory_space<hbm>>) target(%arg11 : memref<16x128xf32, #tpu.memory_space<vmem>>) offsets(%dma_start3A_1356 : memref<16xi32, #tpu.memory_space<vmem>>) semaphore(%arg16 : memref<!tpu.dma_semaphore, #tpu.memory_space<semaphore_mem>>) {add = true}
        %get3A_1360 = arith.constant 496 : index
        %get3A_1361 = tpu.vector_load %arg7[%get3A_1360] {strides = array<i32>} : memref<512xi32, #tpu.memory_space<vmem>>, vector<16xi32>,
        %get3A_1362 = vector.shape_cast %get3A_1361 : vector<16xi32> to vector<16xi32>
        %add3A_1363 = arith.constant 310000 : i32
        %add3A_1364 = vector.broadcast %add3A_1363 : i32 to vector<16xi32>
        %add3A_1365 = arith.addi %get3A_1362, %add3A_1364 : vector<16xi32>
        %swap3A_1366 = arith.constant 31 : i32
        %swap3A_1367 = arith.index_cast %swap3A_1366 : i32 to index
        %swap3A_1368 = arith.constant 0 : index
        %swap3A_1369 = tpu.vector_load %arg9[%swap3A_1367, %swap3A_1368] {strides = array<i32>} : memref<32x16xi32, #tpu.memory_space<vmem>>, vector<1x16xi32>,
        %swap3A_1370 = vector.shape_cast %swap3A_1369 : vector<1x16xi32> to vector<16xi32>
        %swap3A_1371 = vector.shape_cast %add3A_1365 : vector<16xi32> to vector<1x16xi32>
        tpu.vector_store %arg9[%swap3A_1367, %swap3A_1368], %swap3A_1371 {strides = array<i32>} : memref<32x16xi32, #tpu.memory_space<vmem>>, vector<1x16xi32>,
        %dma_start3A_1372 = arith.constant 31 : i32
        %dma_start3A_1373 = arith.constant 0 : i32
        %dma_start3A_1374 = tpu.memref_slice %arg9[%dma_start3A_1372, %dma_start3A_1373] : memref<32x16xi32, #tpu.memory_space<vmem>> -> memref<1x16xi32, #tpu.memory_space<vmem>>
        %dma_start3A_1375 = tpu.memref_squeeze %dma_start3A_1374 : memref<1x16xi32, #tpu.memory_space<vmem>> -> memref<16xi32, #tpu.memory_space<vmem>>
        %dma_start3A_1376 = arith.constant 0 : i32
        %dma_start3A_1377 = arith.constant 0 : i32
        %dma_start3A_1378 = tpu.memref_slice %arg2[%dma_start3A_1376, %dma_start3A_1377] : memref<320000x128xf32, #tpu.memory_space<hbm>> -> memref<320000x128xf32, #tpu.memory_space<hbm>>
        tpu.enqueue_indirect_dma source(%dma_start3A_1378 : memref<320000x128xf32, #tpu.memory_space<hbm>>) target(%arg11 : memref<16x128xf32, #tpu.memory_space<vmem>>) offsets(%dma_start3A_1375 : memref<16xi32, #tpu.memory_space<vmem>>) semaphore(%arg16 : memref<!tpu.dma_semaphore, #tpu.memory_space<semaphore_mem>>) {add = true}
      } else {
      }
      %add3A_660 = arith.constant 2 : i32
      %add3A_661 = arith.addi %mul3A_652, %add3A_660 : i32
      %lt3A_662 = arith.constant 20 : i32
      %lt3A_663 = arith.cmpi slt, %add3A_661, %lt3A_662 : i32
      %convert_element_type3A_664 = arith.extui %lt3A_663 : i1 to i32
      %cond3A_665 = arith.constant 0 : i32
      %cond3A_666 = arith.cmpi ne, %convert_element_type3A_664, %cond3A_665 : i32
      scf.if %cond3A_666 {
        %add3A_744 = arith.constant 2 : i32
        %add3A_745 = arith.addi %mul3A_652, %add3A_744 : i32
        %mul3A_746 = arith.constant 32 : i32
        %mul3A_747 = arith.muli %add3A_745, %mul3A_746 : i32
        %add3A_748 = arith.addi %add3A, %mul3A_747 : i32
        %min3A_749 = arith.constant 624 : i32
        %min3A_750 = arith.minsi %add3A_748, %min3A_749 : i32
        %mul3A_751 = arith.constant 512 : i32
        %mul3A_752 = arith.muli %min3A_750, %mul3A_751 : i32
        %dma_start3A_753 = tpu.memref_slice %arg3[%mul3A_752] : memref<320000xi32, #tpu.memory_space<hbm>> -> memref<512xi32, #tpu.memory_space<hbm>>
        %dma_start3A_754 = tpu.memref_slice %arg3[%mul3A_752] : memref<320000xi32, #tpu.memory_space<hbm>> -> memref<512xi32, #tpu.memory_space<hbm>>
        tpu.enqueue_dma source(%dma_start3A_754 : memref<512xi32, #tpu.memory_space<hbm>>) target(%arg6 : memref<512xi32, #tpu.memory_space<vmem>>) target_semaphore(%arg13 : memref<!tpu.dma_semaphore, #tpu.memory_space<semaphore_mem>>)
      } else {
      }
      %scan3A_667 = arith.constant 0 : i32
      %scan3A_668 = arith.constant 0 : i32
      %scan3A_669 = arith.constant 32 : i32
      %scan3A_670 = arith.addi %scan3A_668, %scan3A_669 : i32
      %scan3A_671 = arith.constant 1 : i32
      scf.for %scan3A_744 = %scan3A_668 to %scan3A_670 step %scan3A_671  : i32 {
        %dma_wait3A_745 = arith.constant 0 : i32
        %dma_wait3A_746 = arith.constant 0 : i32
        %dma_wait3A_747 = tpu.memref_slice %arg8[%dma_wait3A_745, %dma_wait3A_746] : memref<32x16xi32, #tpu.memory_space<vmem>> -> memref<1x16xi32, #tpu.memory_space<vmem>>
        %dma_wait3A_748 = tpu.memref_squeeze %dma_wait3A_747 : memref<1x16xi32, #tpu.memory_space<vmem>> -> memref<16xi32, #tpu.memory_space<vmem>>
        %dma_wait3A_749 = arith.constant 0 : i32
        %dma_wait3A_750 = arith.constant 0 : i32
        %dma_wait3A_751 = tpu.memref_slice %arg2[%dma_wait3A_749, %dma_wait3A_750] : memref<320000x128xf32, #tpu.memory_space<hbm>> -> memref<320000x128xf32, #tpu.memory_space<hbm>>
        tpu.wait_indirect_dma semaphore(%arg15 : memref<!tpu.dma_semaphore, #tpu.memory_space<semaphore_mem>>) src(%dma_wait3A_751 : memref<320000x128xf32, #tpu.memory_space<hbm>>) dst(%arg10 : memref<16x128xf32, #tpu.memory_space<vmem>>)
      }
      %scan3A_672 = arith.constant 32 : i32
      %mul3A_673 = arith.constant 32 : i32
      %mul3A_674 = arith.muli %mul3A_652, %mul3A_673 : i32
      %add3A_675 = arith.addi %add3A, %mul3A_674 : i32
      %min3A_676 = arith.constant 624 : i32
      %min3A_677 = arith.minsi %add3A_675, %min3A_676 : i32
      %scan3A_678 = arith.constant 0 : i32
      %scan3A_679 = arith.constant 0 : i32
      %scan3A_680 = arith.constant 16 : i32
      %scan3A_681 = arith.addi %scan3A_679, %scan3A_680 : i32
      %scan3A_682 = arith.constant 1 : i32
      scf.for %scan3A_744 = %scan3A_679 to %scan3A_681 step %scan3A_682  : i32 {
        %get3A_745 = arith.index_cast %scan3A_744 : i32 to index
        %get3A_746 = arith.constant 0 : index
        %get3A_747 = tpu.vector_load %arg10[%get3A_745, %get3A_746] {strides = array<i32>} : memref<16x128xf32, #tpu.memory_space<vmem>>, vector<1x16xf32>,
        %get3A_748 = vector.shape_cast %get3A_747 : vector<1x16xf32> to vector<16xf32>
        %gt3A = arith.constant 0.000000e+00 : f32
        %gt3A_749 = vector.broadcast %gt3A : f32 to vector<16xf32>
        %gt3A_750 = arith.cmpf ogt, %get3A_748, %gt3A_749 : vector<16xf32>
        %min3A_751 = arith.constant 0.000000e+00 : f32
        %min3A_752 = vector.broadcast %min3A_751 : f32 to vector<16xf32>
        %min3A_753 = arith.minimumf %get3A_748, %min3A_752 : vector<16xf32>
        %exp3A = math.exp %min3A_753 : vector<16xf32>
        %sub3A = arith.constant 1.000000e+00 : f32
        %sub3A_754 = vector.broadcast %sub3A : f32 to vector<16xf32>
        %sub3A_755 = arith.subf %exp3A, %sub3A_754 : vector<16xf32>
        %select_n3A = arith.select %gt3A_750, %get3A_748, %sub3A_755 : vector<16xi1>, vector<16xf32>
        %swap3A_756 = arith.index_cast %scan3A_744 : i32 to index
        %swap3A_757 = arith.constant 0 : index
        %swap3A_758 = tpu.vector_load %arg10[%swap3A_756, %swap3A_757] {strides = array<i32>} : memref<16x128xf32, #tpu.memory_space<vmem>>, vector<1x16xf32>,
        %swap3A_759 = vector.shape_cast %swap3A_758 : vector<1x16xf32> to vector<16xf32>
        %swap3A_760 = vector.shape_cast %select_n3A : vector<16xf32> to vector<1x16xf32>
        tpu.vector_store %arg10[%swap3A_756, %swap3A_757], %swap3A_760 {strides = array<i32>} : memref<16x128xf32, #tpu.memory_space<vmem>>, vector<1x16xf32>,
        %get3A_761 = arith.index_cast %scan3A_744 : i32 to index
        %get3A_762 = arith.constant 16 : index
        %get3A_763 = tpu.vector_load %arg10[%get3A_761, %get3A_762] {strides = array<i32>} : memref<16x128xf32, #tpu.memory_space<vmem>>, vector<1x16xf32>,
        %get3A_764 = vector.shape_cast %get3A_763 : vector<1x16xf32> to vector<16xf32>
        %gt3A_765 = arith.constant 0.000000e+00 : f32
        %gt3A_766 = vector.broadcast %gt3A_765 : f32 to vector<16xf32>
        %gt3A_767 = arith.cmpf ogt, %get3A_764, %gt3A_766 : vector<16xf32>
        %min3A_768 = arith.constant 0.000000e+00 : f32
        %min3A_769 = vector.broadcast %min3A_768 : f32 to vector<16xf32>
        %min3A_770 = arith.minimumf %get3A_764, %min3A_769 : vector<16xf32>
        %exp3A_771 = math.exp %min3A_770 : vector<16xf32>
        %sub3A_772 = arith.constant 1.000000e+00 : f32
        %sub3A_773 = vector.broadcast %sub3A_772 : f32 to vector<16xf32>
        %sub3A_774 = arith.subf %exp3A_771, %sub3A_773 : vector<16xf32>
        %select_n3A_775 = arith.select %gt3A_767, %get3A_764, %sub3A_774 : vector<16xi1>, vector<16xf32>
        %swap3A_776 = arith.index_cast %scan3A_744 : i32 to index
        %swap3A_777 = arith.constant 16 : index
        %swap3A_778 = tpu.vector_load %arg10[%swap3A_776, %swap3A_777] {strides = array<i32>} : memref<16x128xf32, #tpu.memory_space<vmem>>, vector<1x16xf32>,
        %swap3A_779 = vector.shape_cast %swap3A_778 : vector<1x16xf32> to vector<16xf32>
        %swap3A_780 = vector.shape_cast %select_n3A_775 : vector<16xf32> to vector<1x16xf32>
        tpu.vector_store %arg10[%swap3A_776, %swap3A_777], %swap3A_780 {strides = array<i32>} : memref<16x128xf32, #tpu.memory_space<vmem>>, vector<1x16xf32>,
        %get3A_781 = arith.index_cast %scan3A_744 : i32 to index
        %get3A_782 = arith.constant 32 : index
        %get3A_783 = tpu.vector_load %arg10[%get3A_781, %get3A_782] {strides = array<i32>} : memref<16x128xf32, #tpu.memory_space<vmem>>, vector<1x16xf32>,
        %get3A_784 = vector.shape_cast %get3A_783 : vector<1x16xf32> to vector<16xf32>
        %gt3A_785 = arith.constant 0.000000e+00 : f32
        %gt3A_786 = vector.broadcast %gt3A_785 : f32 to vector<16xf32>
        %gt3A_787 = arith.cmpf ogt, %get3A_784, %gt3A_786 : vector<16xf32>
        %min3A_788 = arith.constant 0.000000e+00 : f32
        %min3A_789 = vector.broadcast %min3A_788 : f32 to vector<16xf32>
        %min3A_790 = arith.minimumf %get3A_784, %min3A_789 : vector<16xf32>
        %exp3A_791 = math.exp %min3A_790 : vector<16xf32>
        %sub3A_792 = arith.constant 1.000000e+00 : f32
        %sub3A_793 = vector.broadcast %sub3A_792 : f32 to vector<16xf32>
        %sub3A_794 = arith.subf %exp3A_791, %sub3A_793 : vector<16xf32>
        %select_n3A_795 = arith.select %gt3A_787, %get3A_784, %sub3A_794 : vector<16xi1>, vector<16xf32>
        %swap3A_796 = arith.index_cast %scan3A_744 : i32 to index
        %swap3A_797 = arith.constant 32 : index
        %swap3A_798 = tpu.vector_load %arg10[%swap3A_796, %swap3A_797] {strides = array<i32>} : memref<16x128xf32, #tpu.memory_space<vmem>>, vector<1x16xf32>,
        %swap3A_799 = vector.shape_cast %swap3A_798 : vector<1x16xf32> to vector<16xf32>
        %swap3A_800 = vector.shape_cast %select_n3A_795 : vector<16xf32> to vector<1x16xf32>
        tpu.vector_store %arg10[%swap3A_796, %swap3A_797], %swap3A_800 {strides = array<i32>} : memref<16x128xf32, #tpu.memory_space<vmem>>, vector<1x16xf32>,
        %get3A_801 = arith.index_cast %scan3A_744 : i32 to index
        %get3A_802 = arith.constant 48 : index
        %get3A_803 = tpu.vector_load %arg10[%get3A_801, %get3A_802] {strides = array<i32>} : memref<16x128xf32, #tpu.memory_space<vmem>>, vector<1x16xf32>,
        %get3A_804 = vector.shape_cast %get3A_803 : vector<1x16xf32> to vector<16xf32>
        %gt3A_805 = arith.constant 0.000000e+00 : f32
        %gt3A_806 = vector.broadcast %gt3A_805 : f32 to vector<16xf32>
        %gt3A_807 = arith.cmpf ogt, %get3A_804, %gt3A_806 : vector<16xf32>
        %min3A_808 = arith.constant 0.000000e+00 : f32
        %min3A_809 = vector.broadcast %min3A_808 : f32 to vector<16xf32>
        %min3A_810 = arith.minimumf %get3A_804, %min3A_809 : vector<16xf32>
        %exp3A_811 = math.exp %min3A_810 : vector<16xf32>
        %sub3A_812 = arith.constant 1.000000e+00 : f32
        %sub3A_813 = vector.broadcast %sub3A_812 : f32 to vector<16xf32>
        %sub3A_814 = arith.subf %exp3A_811, %sub3A_813 : vector<16xf32>
        %select_n3A_815 = arith.select %gt3A_807, %get3A_804, %sub3A_814 : vector<16xi1>, vector<16xf32>
        %swap3A_816 = arith.index_cast %scan3A_744 : i32 to index
        %swap3A_817 = arith.constant 48 : index
        %swap3A_818 = tpu.vector_load %arg10[%swap3A_816, %swap3A_817] {strides = array<i32>} : memref<16x128xf32, #tpu.memory_space<vmem>>, vector<1x16xf32>,
        %swap3A_819 = vector.shape_cast %swap3A_818 : vector<1x16xf32> to vector<16xf32>
        %swap3A_820 = vector.shape_cast %select_n3A_815 : vector<16xf32> to vector<1x16xf32>
        tpu.vector_store %arg10[%swap3A_816, %swap3A_817], %swap3A_820 {strides = array<i32>} : memref<16x128xf32, #tpu.memory_space<vmem>>, vector<1x16xf32>,
        %get3A_821 = arith.index_cast %scan3A_744 : i32 to index
        %get3A_822 = arith.constant 64 : index
        %get3A_823 = tpu.vector_load %arg10[%get3A_821, %get3A_822] {strides = array<i32>} : memref<16x128xf32, #tpu.memory_space<vmem>>, vector<1x16xf32>,
        %get3A_824 = vector.shape_cast %get3A_823 : vector<1x16xf32> to vector<16xf32>
        %gt3A_825 = arith.constant 0.000000e+00 : f32
        %gt3A_826 = vector.broadcast %gt3A_825 : f32 to vector<16xf32>
        %gt3A_827 = arith.cmpf ogt, %get3A_824, %gt3A_826 : vector<16xf32>
        %min3A_828 = arith.constant 0.000000e+00 : f32
        %min3A_829 = vector.broadcast %min3A_828 : f32 to vector<16xf32>
        %min3A_830 = arith.minimumf %get3A_824, %min3A_829 : vector<16xf32>
        %exp3A_831 = math.exp %min3A_830 : vector<16xf32>
        %sub3A_832 = arith.constant 1.000000e+00 : f32
        %sub3A_833 = vector.broadcast %sub3A_832 : f32 to vector<16xf32>
        %sub3A_834 = arith.subf %exp3A_831, %sub3A_833 : vector<16xf32>
        %select_n3A_835 = arith.select %gt3A_827, %get3A_824, %sub3A_834 : vector<16xi1>, vector<16xf32>
        %swap3A_836 = arith.index_cast %scan3A_744 : i32 to index
        %swap3A_837 = arith.constant 64 : index
        %swap3A_838 = tpu.vector_load %arg10[%swap3A_836, %swap3A_837] {strides = array<i32>} : memref<16x128xf32, #tpu.memory_space<vmem>>, vector<1x16xf32>,
        %swap3A_839 = vector.shape_cast %swap3A_838 : vector<1x16xf32> to vector<16xf32>
        %swap3A_840 = vector.shape_cast %select_n3A_835 : vector<16xf32> to vector<1x16xf32>
        tpu.vector_store %arg10[%swap3A_836, %swap3A_837], %swap3A_840 {strides = array<i32>} : memref<16x128xf32, #tpu.memory_space<vmem>>, vector<1x16xf32>,
        %get3A_841 = arith.index_cast %scan3A_744 : i32 to index
        %get3A_842 = arith.constant 80 : index
        %get3A_843 = tpu.vector_load %arg10[%get3A_841, %get3A_842] {strides = array<i32>} : memref<16x128xf32, #tpu.memory_space<vmem>>, vector<1x16xf32>,
        %get3A_844 = vector.shape_cast %get3A_843 : vector<1x16xf32> to vector<16xf32>
        %gt3A_845 = arith.constant 0.000000e+00 : f32
        %gt3A_846 = vector.broadcast %gt3A_845 : f32 to vector<16xf32>
        %gt3A_847 = arith.cmpf ogt, %get3A_844, %gt3A_846 : vector<16xf32>
        %min3A_848 = arith.constant 0.000000e+00 : f32
        %min3A_849 = vector.broadcast %min3A_848 : f32 to vector<16xf32>
        %min3A_850 = arith.minimumf %get3A_844, %min3A_849 : vector<16xf32>
        %exp3A_851 = math.exp %min3A_850 : vector<16xf32>
        %sub3A_852 = arith.constant 1.000000e+00 : f32
        %sub3A_853 = vector.broadcast %sub3A_852 : f32 to vector<16xf32>
        %sub3A_854 = arith.subf %exp3A_851, %sub3A_853 : vector<16xf32>
        %select_n3A_855 = arith.select %gt3A_847, %get3A_844, %sub3A_854 : vector<16xi1>, vector<16xf32>
        %swap3A_856 = arith.index_cast %scan3A_744 : i32 to index
        %swap3A_857 = arith.constant 80 : index
        %swap3A_858 = tpu.vector_load %arg10[%swap3A_856, %swap3A_857] {strides = array<i32>} : memref<16x128xf32, #tpu.memory_space<vmem>>, vector<1x16xf32>,
        %swap3A_859 = vector.shape_cast %swap3A_858 : vector<1x16xf32> to vector<16xf32>
        %swap3A_860 = vector.shape_cast %select_n3A_855 : vector<16xf32> to vector<1x16xf32>
        tpu.vector_store %arg10[%swap3A_856, %swap3A_857], %swap3A_860 {strides = array<i32>} : memref<16x128xf32, #tpu.memory_space<vmem>>, vector<1x16xf32>,
        %get3A_861 = arith.index_cast %scan3A_744 : i32 to index
        %get3A_862 = arith.constant 96 : index
        %get3A_863 = tpu.vector_load %arg10[%get3A_861, %get3A_862] {strides = array<i32>} : memref<16x128xf32, #tpu.memory_space<vmem>>, vector<1x16xf32>,
        %get3A_864 = vector.shape_cast %get3A_863 : vector<1x16xf32> to vector<16xf32>
        %gt3A_865 = arith.constant 0.000000e+00 : f32
        %gt3A_866 = vector.broadcast %gt3A_865 : f32 to vector<16xf32>
        %gt3A_867 = arith.cmpf ogt, %get3A_864, %gt3A_866 : vector<16xf32>
        %min3A_868 = arith.constant 0.000000e+00 : f32
        %min3A_869 = vector.broadcast %min3A_868 : f32 to vector<16xf32>
        %min3A_870 = arith.minimumf %get3A_864, %min3A_869 : vector<16xf32>
        %exp3A_871 = math.exp %min3A_870 : vector<16xf32>
        %sub3A_872 = arith.constant 1.000000e+00 : f32
        %sub3A_873 = vector.broadcast %sub3A_872 : f32 to vector<16xf32>
        %sub3A_874 = arith.subf %exp3A_871, %sub3A_873 : vector<16xf32>
        %select_n3A_875 = arith.select %gt3A_867, %get3A_864, %sub3A_874 : vector<16xi1>, vector<16xf32>
        %swap3A_876 = arith.index_cast %scan3A_744 : i32 to index
        %swap3A_877 = arith.constant 96 : index
        %swap3A_878 = tpu.vector_load %arg10[%swap3A_876, %swap3A_877] {strides = array<i32>} : memref<16x128xf32, #tpu.memory_space<vmem>>, vector<1x16xf32>,
        %swap3A_879 = vector.shape_cast %swap3A_878 : vector<1x16xf32> to vector<16xf32>
        %swap3A_880 = vector.shape_cast %select_n3A_875 : vector<16xf32> to vector<1x16xf32>
        tpu.vector_store %arg10[%swap3A_876, %swap3A_877], %swap3A_880 {strides = array<i32>} : memref<16x128xf32, #tpu.memory_space<vmem>>, vector<1x16xf32>,
        %get3A_881 = arith.index_cast %scan3A_744 : i32 to index
        %get3A_882 = arith.constant 112 : index
        %get3A_883 = tpu.vector_load %arg10[%get3A_881, %get3A_882] {strides = array<i32>} : memref<16x128xf32, #tpu.memory_space<vmem>>, vector<1x16xf32>,
        %get3A_884 = vector.shape_cast %get3A_883 : vector<1x16xf32> to vector<16xf32>
        %gt3A_885 = arith.constant 0.000000e+00 : f32
        %gt3A_886 = vector.broadcast %gt3A_885 : f32 to vector<16xf32>
        %gt3A_887 = arith.cmpf ogt, %get3A_884, %gt3A_886 : vector<16xf32>
        %min3A_888 = arith.constant 0.000000e+00 : f32
        %min3A_889 = vector.broadcast %min3A_888 : f32 to vector<16xf32>
        %min3A_890 = arith.minimumf %get3A_884, %min3A_889 : vector<16xf32>
        %exp3A_891 = math.exp %min3A_890 : vector<16xf32>
        %sub3A_892 = arith.constant 1.000000e+00 : f32
        %sub3A_893 = vector.broadcast %sub3A_892 : f32 to vector<16xf32>
        %sub3A_894 = arith.subf %exp3A_891, %sub3A_893 : vector<16xf32>
        %select_n3A_895 = arith.select %gt3A_887, %get3A_884, %sub3A_894 : vector<16xi1>, vector<16xf32>
        %swap3A_896 = arith.index_cast %scan3A_744 : i32 to index
        %swap3A_897 = arith.constant 112 : index
        %swap3A_898 = tpu.vector_load %arg10[%swap3A_896, %swap3A_897] {strides = array<i32>} : memref<16x128xf32, #tpu.memory_space<vmem>>, vector<1x16xf32>,
        %swap3A_899 = vector.shape_cast %swap3A_898 : vector<1x16xf32> to vector<16xf32>
        %swap3A_900 = vector.shape_cast %select_n3A_895 : vector<16xf32> to vector<1x16xf32>
        tpu.vector_store %arg10[%swap3A_896, %swap3A_897], %swap3A_900 {strides = array<i32>} : memref<16x128xf32, #tpu.memory_space<vmem>>, vector<1x16xf32>,
      }
      %scan3A_683 = arith.constant 16 : i32
      %eq3A = arith.constant 624 : i32
      %eq3A_684 = arith.cmpi eq, %min3A_677, %eq3A : i32
      %convert_element_type3A_685 = arith.extui %eq3A_684 : i1 to i32
      %cond3A_686 = arith.constant 0 : i32
      %cond3A_687 = arith.cmpi ne, %convert_element_type3A_685, %cond3A_686 : i32
      scf.if %cond3A_687 {
        %broadcast_in_dim3A = arith.constant 0.000000e+00 : f32
        %broadcast_in_dim3A_744 = vector.broadcast %broadcast_in_dim3A : f32 to vector<16xf32>
        %swap3A_745 = arith.constant 15 : i32
        %swap3A_746 = arith.index_cast %swap3A_745 : i32 to index
        %swap3A_747 = arith.constant 0 : index
        %swap3A_748 = tpu.vector_load %arg10[%swap3A_746, %swap3A_747] {strides = array<i32>} : memref<16x128xf32, #tpu.memory_space<vmem>>, vector<1x16xf32>,
        %swap3A_749 = vector.shape_cast %swap3A_748 : vector<1x16xf32> to vector<16xf32>
        %swap3A_750 = vector.shape_cast %broadcast_in_dim3A_744 : vector<16xf32> to vector<1x16xf32>
        tpu.vector_store %arg10[%swap3A_746, %swap3A_747], %swap3A_750 {strides = array<i32>} : memref<16x128xf32, #tpu.memory_space<vmem>>, vector<1x16xf32>,
        %swap3A_751 = arith.constant 15 : i32
        %swap3A_752 = arith.index_cast %swap3A_751 : i32 to index
        %swap3A_753 = arith.constant 16 : index
        %swap3A_754 = tpu.vector_load %arg10[%swap3A_752, %swap3A_753] {strides = array<i32>} : memref<16x128xf32, #tpu.memory_space<vmem>>, vector<1x16xf32>,
        %swap3A_755 = vector.shape_cast %swap3A_754 : vector<1x16xf32> to vector<16xf32>
        %swap3A_756 = vector.shape_cast %broadcast_in_dim3A_744 : vector<16xf32> to vector<1x16xf32>
        tpu.vector_store %arg10[%swap3A_752, %swap3A_753], %swap3A_756 {strides = array<i32>} : memref<16x128xf32, #tpu.memory_space<vmem>>, vector<1x16xf32>,
        %swap3A_757 = arith.constant 15 : i32
        %swap3A_758 = arith.index_cast %swap3A_757 : i32 to index
        %swap3A_759 = arith.constant 32 : index
        %swap3A_760 = tpu.vector_load %arg10[%swap3A_758, %swap3A_759] {strides = array<i32>} : memref<16x128xf32, #tpu.memory_space<vmem>>, vector<1x16xf32>,
        %swap3A_761 = vector.shape_cast %swap3A_760 : vector<1x16xf32> to vector<16xf32>
        %swap3A_762 = vector.shape_cast %broadcast_in_dim3A_744 : vector<16xf32> to vector<1x16xf32>
        tpu.vector_store %arg10[%swap3A_758, %swap3A_759], %swap3A_762 {strides = array<i32>} : memref<16x128xf32, #tpu.memory_space<vmem>>, vector<1x16xf32>,
        %swap3A_763 = arith.constant 15 : i32
        %swap3A_764 = arith.index_cast %swap3A_763 : i32 to index
        %swap3A_765 = arith.constant 48 : index
        %swap3A_766 = tpu.vector_load %arg10[%swap3A_764, %swap3A_765] {strides = array<i32>} : memref<16x128xf32, #tpu.memory_space<vmem>>, vector<1x16xf32>,
        %swap3A_767 = vector.shape_cast %swap3A_766 : vector<1x16xf32> to vector<16xf32>
        %swap3A_768 = vector.shape_cast %broadcast_in_dim3A_744 : vector<16xf32> to vector<1x16xf32>
        tpu.vector_store %arg10[%swap3A_764, %swap3A_765], %swap3A_768 {strides = array<i32>} : memref<16x128xf32, #tpu.memory_space<vmem>>, vector<1x16xf32>,
        %swap3A_769 = arith.constant 15 : i32
        %swap3A_770 = arith.index_cast %swap3A_769 : i32 to index
        %swap3A_771 = arith.constant 64 : index
        %swap3A_772 = tpu.vector_load %arg10[%swap3A_770, %swap3A_771] {strides = array<i32>} : memref<16x128xf32, #tpu.memory_space<vmem>>, vector<1x16xf32>,
        %swap3A_773 = vector.shape_cast %swap3A_772 : vector<1x16xf32> to vector<16xf32>
        %swap3A_774 = vector.shape_cast %broadcast_in_dim3A_744 : vector<16xf32> to vector<1x16xf32>
        tpu.vector_store %arg10[%swap3A_770, %swap3A_771], %swap3A_774 {strides = array<i32>} : memref<16x128xf32, #tpu.memory_space<vmem>>, vector<1x16xf32>,
        %swap3A_775 = arith.constant 15 : i32
        %swap3A_776 = arith.index_cast %swap3A_775 : i32 to index
        %swap3A_777 = arith.constant 80 : index
        %swap3A_778 = tpu.vector_load %arg10[%swap3A_776, %swap3A_777] {strides = array<i32>} : memref<16x128xf32, #tpu.memory_space<vmem>>, vector<1x16xf32>,
        %swap3A_779 = vector.shape_cast %swap3A_778 : vector<1x16xf32> to vector<16xf32>
        %swap3A_780 = vector.shape_cast %broadcast_in_dim3A_744 : vector<16xf32> to vector<1x16xf32>
        tpu.vector_store %arg10[%swap3A_776, %swap3A_777], %swap3A_780 {strides = array<i32>} : memref<16x128xf32, #tpu.memory_space<vmem>>, vector<1x16xf32>,
        %swap3A_781 = arith.constant 15 : i32
        %swap3A_782 = arith.index_cast %swap3A_781 : i32 to index
        %swap3A_783 = arith.constant 96 : index
        %swap3A_784 = tpu.vector_load %arg10[%swap3A_782, %swap3A_783] {strides = array<i32>} : memref<16x128xf32, #tpu.memory_space<vmem>>, vector<1x16xf32>,
        %swap3A_785 = vector.shape_cast %swap3A_784 : vector<1x16xf32> to vector<16xf32>
        %swap3A_786 = vector.shape_cast %broadcast_in_dim3A_744 : vector<16xf32> to vector<1x16xf32>
        tpu.vector_store %arg10[%swap3A_782, %swap3A_783], %swap3A_786 {strides = array<i32>} : memref<16x128xf32, #tpu.memory_space<vmem>>, vector<1x16xf32>,
        %swap3A_787 = arith.constant 15 : i32
        %swap3A_788 = arith.index_cast %swap3A_787 : i32 to index
        %swap3A_789 = arith.constant 112 : index
        %swap3A_790 = tpu.vector_load %arg10[%swap3A_788, %swap3A_789] {strides = array<i32>} : memref<16x128xf32, #tpu.memory_space<vmem>>, vector<1x16xf32>,
        %swap3A_791 = vector.shape_cast %swap3A_790 : vector<1x16xf32> to vector<16xf32>
        %swap3A_792 = vector.shape_cast %broadcast_in_dim3A_744 : vector<16xf32> to vector<1x16xf32>
        tpu.vector_store %arg10[%swap3A_788, %swap3A_789], %swap3A_792 {strides = array<i32>} : memref<16x128xf32, #tpu.memory_space<vmem>>, vector<1x16xf32>,
      } else {
      }
      %mul3A_688 = arith.constant 32 : i32
      %mul3A_689 = arith.muli %mul3A_652, %mul3A_688 : i32
      %add3A_690 = arith.addi %add3A, %mul3A_689 : i32
      %lt3A_691 = arith.constant 625 : i32
      %lt3A_692 = arith.cmpi slt, %add3A_690, %lt3A_691 : i32
      %convert_element_type3A_693 = arith.extui %lt3A_692 : i1 to i32
      %cond3A_694 = arith.constant 0 : i32
      %cond3A_695 = arith.cmpi ne, %convert_element_type3A_693, %cond3A_694 : i32
      scf.if %cond3A_695 {
        %mul3A_744 = arith.constant 32 : i32
        %mul3A_745 = arith.muli %mul3A_652, %mul3A_744 : i32
        %add3A_746 = arith.addi %add3A, %mul3A_745 : i32
        %min3A_747 = arith.constant 624 : i32
        %min3A_748 = arith.minsi %add3A_746, %min3A_747 : i32
        %mul3A_749 = arith.constant 16 : i32
        %mul3A_750 = arith.muli %min3A_748, %mul3A_749 : i32
        %dma_start3A_751 = arith.constant 0 : i32
        %dma_start3A_752 = tpu.memref_slice %arg5[%mul3A_750, %dma_start3A_751] : memref<10000x128xf32, #tpu.memory_space<hbm>> -> memref<16x128xf32, #tpu.memory_space<hbm>>
        %dma_start3A_753 = arith.constant 0 : i32
        %dma_start3A_754 = tpu.memref_slice %arg5[%mul3A_750, %dma_start3A_753] : memref<10000x128xf32, #tpu.memory_space<hbm>> -> memref<16x128xf32, #tpu.memory_space<hbm>>
        tpu.enqueue_dma source(%arg10 : memref<16x128xf32, #tpu.memory_space<vmem>>) target(%dma_start3A_754 : memref<16x128xf32, #tpu.memory_space<hbm>>) target_semaphore(%arg17 : memref<!tpu.dma_semaphore, #tpu.memory_space<semaphore_mem>>)
      } else {
      }
      %mul3A_696 = arith.constant 2 : i32
      %mul3A_697 = arith.muli %mul3A_696, %scan3A_650 : i32
      %add3A_698 = arith.constant 1 : i32
      %add3A_699 = arith.addi %mul3A_697, %add3A_698 : i32
      %add3A_700 = arith.constant 1 : i32
      %add3A_701 = arith.addi %add3A_699, %add3A_700 : i32
      %lt3A_702 = arith.constant 20 : i32
      %lt3A_703 = arith.cmpi slt, %add3A_701, %lt3A_702 : i32
      %convert_element_type3A_704 = arith.extui %lt3A_703 : i1 to i32
      %cond3A_705 = arith.constant 0 : i32
      %cond3A_706 = arith.cmpi ne, %convert_element_type3A_704, %cond3A_705 : i32
      scf.if %cond3A_706 {
        %ge3A = arith.constant 1 : i32
        %ge3A_744 = arith.cmpi sge, %add3A_699, %ge3A : i32
        %sub3A = arith.constant 1 : i32
        %sub3A_745 = arith.subi %add3A_699, %sub3A : i32
        %mul3A_746 = arith.constant 32 : i32
        %mul3A_747 = arith.muli %sub3A_745, %mul3A_746 : i32
        %add3A_748 = arith.addi %add3A, %mul3A_747 : i32
        %lt3A_749 = arith.constant 625 : i32
        %lt3A_750 = arith.cmpi slt, %add3A_748, %lt3A_749 : i32
        %and3A = arith.andi %ge3A_744, %lt3A_750 : i1
        %convert_element_type3A_751 = arith.extui %and3A : i1 to i32
        %cond3A_752 = arith.constant 0 : i32
        %cond3A_753 = arith.cmpi ne, %convert_element_type3A_751, %cond3A_752 : i32
        scf.if %cond3A_753 {
          %sub3A_1379 = arith.constant 1 : i32
          %sub3A_1380 = arith.subi %add3A_699, %sub3A_1379 : i32
          %mul3A_1381 = arith.constant 32 : i32
          %mul3A_1382 = arith.muli %sub3A_1380, %mul3A_1381 : i32
          %add3A_1383 = arith.addi %add3A, %mul3A_1382 : i32
          %min3A_1384 = arith.constant 624 : i32
          %min3A_1385 = arith.minsi %add3A_1383, %min3A_1384 : i32
          %mul3A_1386 = arith.constant 16 : i32
          %mul3A_1387 = arith.muli %min3A_1385, %mul3A_1386 : i32
          %dma_wait3A_1388 = arith.constant 0 : i32
          %dma_wait3A_1389 = tpu.memref_slice %arg5[%mul3A_1387, %dma_wait3A_1388] : memref<10000x128xf32, #tpu.memory_space<hbm>> -> memref<16x128xf32, #tpu.memory_space<hbm>>
          %dma_wait3A_1390 = arith.constant 0 : i32
          %dma_wait3A_1391 = tpu.memref_slice %arg5[%mul3A_1387, %dma_wait3A_1390] : memref<10000x128xf32, #tpu.memory_space<hbm>> -> memref<16x128xf32, #tpu.memory_space<hbm>>
          tpu.wait_dma2 semaphore(%arg17 : memref<!tpu.dma_semaphore, #tpu.memory_space<semaphore_mem>>) src(%arg10 : memref<16x128xf32, #tpu.memory_space<vmem>>) dst(%dma_wait3A_1391 : memref<16x128xf32, #tpu.memory_space<hbm>>)
        } else {
        }
        %add3A_754 = arith.constant 1 : i32
        %add3A_755 = arith.addi %add3A_699, %add3A_754 : i32
        %mul3A_756 = arith.constant 32 : i32
        %mul3A_757 = arith.muli %add3A_755, %mul3A_756 : i32
        %add3A_758 = arith.addi %add3A, %mul3A_757 : i32
        %min3A_759 = arith.constant 624 : i32
        %min3A_760 = arith.minsi %add3A_758, %min3A_759 : i32
        %mul3A_761 = arith.constant 512 : i32
        %mul3A_762 = arith.muli %min3A_760, %mul3A_761 : i32
        %dma_wait3A_763 = tpu.memref_slice %arg3[%mul3A_762] : memref<320000xi32, #tpu.memory_space<hbm>> -> memref<512xi32, #tpu.memory_space<hbm>>
        %dma_wait3A_764 = tpu.memref_slice %arg3[%mul3A_762] : memref<320000xi32, #tpu.memory_space<hbm>> -> memref<512xi32, #tpu.memory_space<hbm>>
        tpu.wait_dma2 semaphore(%arg13 : memref<!tpu.dma_semaphore, #tpu.memory_space<semaphore_mem>>) src(%dma_wait3A_764 : memref<512xi32, #tpu.memory_space<hbm>>) dst(%arg6 : memref<512xi32, #tpu.memory_space<vmem>>)
        %scan3A_765 = arith.constant 0 : i32
        %scan3A_766 = arith.constant 0 : i32
        %scan3A_767 = arith.constant 16 : i32
        %scan3A_768 = arith.addi %scan3A_766, %scan3A_767 : i32
        %scan3A_769 = arith.constant 1 : i32
        scf.for %scan3A_1379 = %scan3A_766 to %scan3A_768 step %scan3A_769  : i32 {
          %get3A_1380 = arith.constant 0 : index
          %get3A_1381 = tpu.vector_load %arg12[%get3A_1380] {strides = array<i32>} : memref<128xf32, #tpu.memory_space<vmem>>, vector<16xf32>,
          %get3A_1382 = vector.shape_cast %get3A_1381 : vector<16xf32> to vector<16xf32>
          %swap3A_1383 = arith.index_cast %scan3A_1379 : i32 to index
          %swap3A_1384 = arith.constant 0 : index
          %swap3A_1385 = tpu.vector_load %arg10[%swap3A_1383, %swap3A_1384] {strides = array<i32>} : memref<16x128xf32, #tpu.memory_space<vmem>>, vector<1x16xf32>,
          %swap3A_1386 = vector.shape_cast %swap3A_1385 : vector<1x16xf32> to vector<16xf32>
          %swap3A_1387 = vector.shape_cast %get3A_1382 : vector<16xf32> to vector<1x16xf32>
          tpu.vector_store %arg10[%swap3A_1383, %swap3A_1384], %swap3A_1387 {strides = array<i32>} : memref<16x128xf32, #tpu.memory_space<vmem>>, vector<1x16xf32>,
          %get3A_1388 = arith.constant 16 : index
          %get3A_1389 = tpu.vector_load %arg12[%get3A_1388] {strides = array<i32>} : memref<128xf32, #tpu.memory_space<vmem>>, vector<16xf32>,
          %get3A_1390 = vector.shape_cast %get3A_1389 : vector<16xf32> to vector<16xf32>
          %swap3A_1391 = arith.index_cast %scan3A_1379 : i32 to index
          %swap3A_1392 = arith.constant 16 : index
          %swap3A_1393 = tpu.vector_load %arg10[%swap3A_1391, %swap3A_1392] {strides = array<i32>} : memref<16x128xf32, #tpu.memory_space<vmem>>, vector<1x16xf32>,
          %swap3A_1394 = vector.shape_cast %swap3A_1393 : vector<1x16xf32> to vector<16xf32>
          %swap3A_1395 = vector.shape_cast %get3A_1390 : vector<16xf32> to vector<1x16xf32>
          tpu.vector_store %arg10[%swap3A_1391, %swap3A_1392], %swap3A_1395 {strides = array<i32>} : memref<16x128xf32, #tpu.memory_space<vmem>>, vector<1x16xf32>,
          %get3A_1396 = arith.constant 32 : index
          %get3A_1397 = tpu.vector_load %arg12[%get3A_1396] {strides = array<i32>} : memref<128xf32, #tpu.memory_space<vmem>>, vector<16xf32>,
          %get3A_1398 = vector.shape_cast %get3A_1397 : vector<16xf32> to vector<16xf32>
          %swap3A_1399 = arith.index_cast %scan3A_1379 : i32 to index
          %swap3A_1400 = arith.constant 32 : index
          %swap3A_1401 = tpu.vector_load %arg10[%swap3A_1399, %swap3A_1400] {strides = array<i32>} : memref<16x128xf32, #tpu.memory_space<vmem>>, vector<1x16xf32>,
          %swap3A_1402 = vector.shape_cast %swap3A_1401 : vector<1x16xf32> to vector<16xf32>
          %swap3A_1403 = vector.shape_cast %get3A_1398 : vector<16xf32> to vector<1x16xf32>
          tpu.vector_store %arg10[%swap3A_1399, %swap3A_1400], %swap3A_1403 {strides = array<i32>} : memref<16x128xf32, #tpu.memory_space<vmem>>, vector<1x16xf32>,
          %get3A_1404 = arith.constant 48 : index
          %get3A_1405 = tpu.vector_load %arg12[%get3A_1404] {strides = array<i32>} : memref<128xf32, #tpu.memory_space<vmem>>, vector<16xf32>,
          %get3A_1406 = vector.shape_cast %get3A_1405 : vector<16xf32> to vector<16xf32>
          %swap3A_1407 = arith.index_cast %scan3A_1379 : i32 to index
          %swap3A_1408 = arith.constant 48 : index
          %swap3A_1409 = tpu.vector_load %arg10[%swap3A_1407, %swap3A_1408] {strides = array<i32>} : memref<16x128xf32, #tpu.memory_space<vmem>>, vector<1x16xf32>,
          %swap3A_1410 = vector.shape_cast %swap3A_1409 : vector<1x16xf32> to vector<16xf32>
          %swap3A_1411 = vector.shape_cast %get3A_1406 : vector<16xf32> to vector<1x16xf32>
          tpu.vector_store %arg10[%swap3A_1407, %swap3A_1408], %swap3A_1411 {strides = array<i32>} : memref<16x128xf32, #tpu.memory_space<vmem>>, vector<1x16xf32>,
          %get3A_1412 = arith.constant 64 : index
          %get3A_1413 = tpu.vector_load %arg12[%get3A_1412] {strides = array<i32>} : memref<128xf32, #tpu.memory_space<vmem>>, vector<16xf32>,
          %get3A_1414 = vector.shape_cast %get3A_1413 : vector<16xf32> to vector<16xf32>
          %swap3A_1415 = arith.index_cast %scan3A_1379 : i32 to index
          %swap3A_1416 = arith.constant 64 : index
          %swap3A_1417 = tpu.vector_load %arg10[%swap3A_1415, %swap3A_1416] {strides = array<i32>} : memref<16x128xf32, #tpu.memory_space<vmem>>, vector<1x16xf32>,
          %swap3A_1418 = vector.shape_cast %swap3A_1417 : vector<1x16xf32> to vector<16xf32>
          %swap3A_1419 = vector.shape_cast %get3A_1414 : vector<16xf32> to vector<1x16xf32>
          tpu.vector_store %arg10[%swap3A_1415, %swap3A_1416], %swap3A_1419 {strides = array<i32>} : memref<16x128xf32, #tpu.memory_space<vmem>>, vector<1x16xf32>,
          %get3A_1420 = arith.constant 80 : index
          %get3A_1421 = tpu.vector_load %arg12[%get3A_1420] {strides = array<i32>} : memref<128xf32, #tpu.memory_space<vmem>>, vector<16xf32>,
          %get3A_1422 = vector.shape_cast %get3A_1421 : vector<16xf32> to vector<16xf32>
          %swap3A_1423 = arith.index_cast %scan3A_1379 : i32 to index
          %swap3A_1424 = arith.constant 80 : index
          %swap3A_1425 = tpu.vector_load %arg10[%swap3A_1423, %swap3A_1424] {strides = array<i32>} : memref<16x128xf32, #tpu.memory_space<vmem>>, vector<1x16xf32>,
          %swap3A_1426 = vector.shape_cast %swap3A_1425 : vector<1x16xf32> to vector<16xf32>
          %swap3A_1427 = vector.shape_cast %get3A_1422 : vector<16xf32> to vector<1x16xf32>
          tpu.vector_store %arg10[%swap3A_1423, %swap3A_1424], %swap3A_1427 {strides = array<i32>} : memref<16x128xf32, #tpu.memory_space<vmem>>, vector<1x16xf32>,
          %get3A_1428 = arith.constant 96 : index
          %get3A_1429 = tpu.vector_load %arg12[%get3A_1428] {strides = array<i32>} : memref<128xf32, #tpu.memory_space<vmem>>, vector<16xf32>,
          %get3A_1430 = vector.shape_cast %get3A_1429 : vector<16xf32> to vector<16xf32>
          %swap3A_1431 = arith.index_cast %scan3A_1379 : i32 to index
          %swap3A_1432 = arith.constant 96 : index
          %swap3A_1433 = tpu.vector_load %arg10[%swap3A_1431, %swap3A_1432] {strides = array<i32>} : memref<16x128xf32, #tpu.memory_space<vmem>>, vector<1x16xf32>,
          %swap3A_1434 = vector.shape_cast %swap3A_1433 : vector<1x16xf32> to vector<16xf32>
          %swap3A_1435 = vector.shape_cast %get3A_1430 : vector<16xf32> to vector<1x16xf32>
          tpu.vector_store %arg10[%swap3A_1431, %swap3A_1432], %swap3A_1435 {strides = array<i32>} : memref<16x128xf32, #tpu.memory_space<vmem>>, vector<1x16xf32>,
          %get3A_1436 = arith.constant 112 : index
          %get3A_1437 = tpu.vector_load %arg12[%get3A_1436] {strides = array<i32>} : memref<128xf32, #tpu.memory_space<vmem>>, vector<16xf32>,
          %get3A_1438 = vector.shape_cast %get3A_1437 : vector<16xf32> to vector<16xf32>
          %swap3A_1439 = arith.index_cast %scan3A_1379 : i32 to index
          %swap3A_1440 = arith.constant 112 : index
          %swap3A_1441 = tpu.vector_load %arg10[%swap3A_1439, %swap3A_1440] {strides = array<i32>} : memref<16x128xf32, #tpu.memory_space<vmem>>, vector<1x16xf32>,
          %swap3A_1442 = vector.shape_cast %swap3A_1441 : vector<1x16xf32> to vector<16xf32>
          %swap3A_1443 = vector.shape_cast %get3A_1438 : vector<16xf32> to vector<1x16xf32>
          tpu.vector_store %arg10[%swap3A_1439, %swap3A_1440], %swap3A_1443 {strides = array<i32>} : memref<16x128xf32, #tpu.memory_space<vmem>>, vector<1x16xf32>,
        }
        %scan3A_770 = arith.constant 16 : i32
        %get3A_771 = arith.constant 0 : index
        %get3A_772 = tpu.vector_load %arg6[%get3A_771] {strides = array<i32>} : memref<512xi32, #tpu.memory_space<vmem>>, vector<16xi32>,
        %get3A_773 = vector.shape_cast %get3A_772 : vector<16xi32> to vector<16xi32>
        %add3A_774 = arith.constant 0 : i32
        %add3A_775 = vector.broadcast %add3A_774 : i32 to vector<16xi32>
        %add3A_776 = arith.addi %get3A_773, %add3A_775 : vector<16xi32>
        %swap3A_777 = arith.constant 0 : i32
        %swap3A_778 = arith.index_cast %swap3A_777 : i32 to index
        %swap3A_779 = arith.constant 0 : index
        %swap3A_780 = tpu.vector_load %arg8[%swap3A_778, %swap3A_779] {strides = array<i32>} : memref<32x16xi32, #tpu.memory_space<vmem>>, vector<1x16xi32>,
        %swap3A_781 = vector.shape_cast %swap3A_780 : vector<1x16xi32> to vector<16xi32>
        %swap3A_782 = vector.shape_cast %add3A_776 : vector<16xi32> to vector<1x16xi32>
        tpu.vector_store %arg8[%swap3A_778, %swap3A_779], %swap3A_782 {strides = array<i32>} : memref<32x16xi32, #tpu.memory_space<vmem>>, vector<1x16xi32>,
        %dma_start3A_783 = arith.constant 0 : i32
        %dma_start3A_784 = arith.constant 0 : i32
        %dma_start3A_785 = tpu.memref_slice %arg8[%dma_start3A_783, %dma_start3A_784] : memref<32x16xi32, #tpu.memory_space<vmem>> -> memref<1x16xi32, #tpu.memory_space<vmem>>
        %dma_start3A_786 = tpu.memref_squeeze %dma_start3A_785 : memref<1x16xi32, #tpu.memory_space<vmem>> -> memref<16xi32, #tpu.memory_space<vmem>>
        %dma_start3A_787 = arith.constant 0 : i32
        %dma_start3A_788 = arith.constant 0 : i32
        %dma_start3A_789 = tpu.memref_slice %arg2[%dma_start3A_787, %dma_start3A_788] : memref<320000x128xf32, #tpu.memory_space<hbm>> -> memref<320000x128xf32, #tpu.memory_space<hbm>>
        tpu.enqueue_indirect_dma source(%dma_start3A_789 : memref<320000x128xf32, #tpu.memory_space<hbm>>) target(%arg10 : memref<16x128xf32, #tpu.memory_space<vmem>>) offsets(%dma_start3A_786 : memref<16xi32, #tpu.memory_space<vmem>>) semaphore(%arg15 : memref<!tpu.dma_semaphore, #tpu.memory_space<semaphore_mem>>) {add = true}
        %get3A_790 = arith.constant 16 : index
        %get3A_791 = tpu.vector_load %arg6[%get3A_790] {strides = array<i32>} : memref<512xi32, #tpu.memory_space<vmem>>, vector<16xi32>,
        %get3A_792 = vector.shape_cast %get3A_791 : vector<16xi32> to vector<16xi32>
        %add3A_793 = arith.constant 10000 : i32
        %add3A_794 = vector.broadcast %add3A_793 : i32 to vector<16xi32>
        %add3A_795 = arith.addi %get3A_792, %add3A_794 : vector<16xi32>
        %swap3A_796 = arith.constant 1 : i32
        %swap3A_797 = arith.index_cast %swap3A_796 : i32 to index
        %swap3A_798 = arith.constant 0 : index
        %swap3A_799 = tpu.vector_load %arg8[%swap3A_797, %swap3A_798] {strides = array<i32>} : memref<32x16xi32, #tpu.memory_space<vmem>>, vector<1x16xi32>,
        %swap3A_800 = vector.shape_cast %swap3A_799 : vector<1x16xi32> to vector<16xi32>
        %swap3A_801 = vector.shape_cast %add3A_795 : vector<16xi32> to vector<1x16xi32>
        tpu.vector_store %arg8[%swap3A_797, %swap3A_798], %swap3A_801 {strides = array<i32>} : memref<32x16xi32, #tpu.memory_space<vmem>>, vector<1x16xi32>,
        %dma_start3A_802 = arith.constant 1 : i32
        %dma_start3A_803 = arith.constant 0 : i32
        %dma_start3A_804 = tpu.memref_slice %arg8[%dma_start3A_802, %dma_start3A_803] : memref<32x16xi32, #tpu.memory_space<vmem>> -> memref<1x16xi32, #tpu.memory_space<vmem>>
        %dma_start3A_805 = tpu.memref_squeeze %dma_start3A_804 : memref<1x16xi32, #tpu.memory_space<vmem>> -> memref<16xi32, #tpu.memory_space<vmem>>
        %dma_start3A_806 = arith.constant 0 : i32
        %dma_start3A_807 = arith.constant 0 : i32
        %dma_start3A_808 = tpu.memref_slice %arg2[%dma_start3A_806, %dma_start3A_807] : memref<320000x128xf32, #tpu.memory_space<hbm>> -> memref<320000x128xf32, #tpu.memory_space<hbm>>
        tpu.enqueue_indirect_dma source(%dma_start3A_808 : memref<320000x128xf32, #tpu.memory_space<hbm>>) target(%arg10 : memref<16x128xf32, #tpu.memory_space<vmem>>) offsets(%dma_start3A_805 : memref<16xi32, #tpu.memory_space<vmem>>) semaphore(%arg15 : memref<!tpu.dma_semaphore, #tpu.memory_space<semaphore_mem>>) {add = true}
        %get3A_809 = arith.constant 32 : index
        %get3A_810 = tpu.vector_load %arg6[%get3A_809] {strides = array<i32>} : memref<512xi32, #tpu.memory_space<vmem>>, vector<16xi32>,
        %get3A_811 = vector.shape_cast %get3A_810 : vector<16xi32> to vector<16xi32>
        %add3A_812 = arith.constant 20000 : i32
        %add3A_813 = vector.broadcast %add3A_812 : i32 to vector<16xi32>
        %add3A_814 = arith.addi %get3A_811, %add3A_813 : vector<16xi32>
        %swap3A_815 = arith.constant 2 : i32
        %swap3A_816 = arith.index_cast %swap3A_815 : i32 to index
        %swap3A_817 = arith.constant 0 : index
        %swap3A_818 = tpu.vector_load %arg8[%swap3A_816, %swap3A_817] {strides = array<i32>} : memref<32x16xi32, #tpu.memory_space<vmem>>, vector<1x16xi32>,
        %swap3A_819 = vector.shape_cast %swap3A_818 : vector<1x16xi32> to vector<16xi32>
        %swap3A_820 = vector.shape_cast %add3A_814 : vector<16xi32> to vector<1x16xi32>
        tpu.vector_store %arg8[%swap3A_816, %swap3A_817], %swap3A_820 {strides = array<i32>} : memref<32x16xi32, #tpu.memory_space<vmem>>, vector<1x16xi32>,
        %dma_start3A_821 = arith.constant 2 : i32
        %dma_start3A_822 = arith.constant 0 : i32
        %dma_start3A_823 = tpu.memref_slice %arg8[%dma_start3A_821, %dma_start3A_822] : memref<32x16xi32, #tpu.memory_space<vmem>> -> memref<1x16xi32, #tpu.memory_space<vmem>>
        %dma_start3A_824 = tpu.memref_squeeze %dma_start3A_823 : memref<1x16xi32, #tpu.memory_space<vmem>> -> memref<16xi32, #tpu.memory_space<vmem>>
        %dma_start3A_825 = arith.constant 0 : i32
        %dma_start3A_826 = arith.constant 0 : i32
        %dma_start3A_827 = tpu.memref_slice %arg2[%dma_start3A_825, %dma_start3A_826] : memref<320000x128xf32, #tpu.memory_space<hbm>> -> memref<320000x128xf32, #tpu.memory_space<hbm>>
        tpu.enqueue_indirect_dma source(%dma_start3A_827 : memref<320000x128xf32, #tpu.memory_space<hbm>>) target(%arg10 : memref<16x128xf32, #tpu.memory_space<vmem>>) offsets(%dma_start3A_824 : memref<16xi32, #tpu.memory_space<vmem>>) semaphore(%arg15 : memref<!tpu.dma_semaphore, #tpu.memory_space<semaphore_mem>>) {add = true}
        %get3A_828 = arith.constant 48 : index
        %get3A_829 = tpu.vector_load %arg6[%get3A_828] {strides = array<i32>} : memref<512xi32, #tpu.memory_space<vmem>>, vector<16xi32>,
        %get3A_830 = vector.shape_cast %get3A_829 : vector<16xi32> to vector<16xi32>
        %add3A_831 = arith.constant 30000 : i32
        %add3A_832 = vector.broadcast %add3A_831 : i32 to vector<16xi32>
        %add3A_833 = arith.addi %get3A_830, %add3A_832 : vector<16xi32>
        %swap3A_834 = arith.constant 3 : i32
        %swap3A_835 = arith.index_cast %swap3A_834 : i32 to index
        %swap3A_836 = arith.constant 0 : index
        %swap3A_837 = tpu.vector_load %arg8[%swap3A_835, %swap3A_836] {strides = array<i32>} : memref<32x16xi32, #tpu.memory_space<vmem>>, vector<1x16xi32>,
        %swap3A_838 = vector.shape_cast %swap3A_837 : vector<1x16xi32> to vector<16xi32>
        %swap3A_839 = vector.shape_cast %add3A_833 : vector<16xi32> to vector<1x16xi32>
        tpu.vector_store %arg8[%swap3A_835, %swap3A_836], %swap3A_839 {strides = array<i32>} : memref<32x16xi32, #tpu.memory_space<vmem>>, vector<1x16xi32>,
        %dma_start3A_840 = arith.constant 3 : i32
        %dma_start3A_841 = arith.constant 0 : i32
        %dma_start3A_842 = tpu.memref_slice %arg8[%dma_start3A_840, %dma_start3A_841] : memref<32x16xi32, #tpu.memory_space<vmem>> -> memref<1x16xi32, #tpu.memory_space<vmem>>
        %dma_start3A_843 = tpu.memref_squeeze %dma_start3A_842 : memref<1x16xi32, #tpu.memory_space<vmem>> -> memref<16xi32, #tpu.memory_space<vmem>>
        %dma_start3A_844 = arith.constant 0 : i32
        %dma_start3A_845 = arith.constant 0 : i32
        %dma_start3A_846 = tpu.memref_slice %arg2[%dma_start3A_844, %dma_start3A_845] : memref<320000x128xf32, #tpu.memory_space<hbm>> -> memref<320000x128xf32, #tpu.memory_space<hbm>>
        tpu.enqueue_indirect_dma source(%dma_start3A_846 : memref<320000x128xf32, #tpu.memory_space<hbm>>) target(%arg10 : memref<16x128xf32, #tpu.memory_space<vmem>>) offsets(%dma_start3A_843 : memref<16xi32, #tpu.memory_space<vmem>>) semaphore(%arg15 : memref<!tpu.dma_semaphore, #tpu.memory_space<semaphore_mem>>) {add = true}
        %get3A_847 = arith.constant 64 : index
        %get3A_848 = tpu.vector_load %arg6[%get3A_847] {strides = array<i32>} : memref<512xi32, #tpu.memory_space<vmem>>, vector<16xi32>,
        %get3A_849 = vector.shape_cast %get3A_848 : vector<16xi32> to vector<16xi32>
        %add3A_850 = arith.constant 40000 : i32
        %add3A_851 = vector.broadcast %add3A_850 : i32 to vector<16xi32>
        %add3A_852 = arith.addi %get3A_849, %add3A_851 : vector<16xi32>
        %swap3A_853 = arith.constant 4 : i32
        %swap3A_854 = arith.index_cast %swap3A_853 : i32 to index
        %swap3A_855 = arith.constant 0 : index
        %swap3A_856 = tpu.vector_load %arg8[%swap3A_854, %swap3A_855] {strides = array<i32>} : memref<32x16xi32, #tpu.memory_space<vmem>>, vector<1x16xi32>,
        %swap3A_857 = vector.shape_cast %swap3A_856 : vector<1x16xi32> to vector<16xi32>
        %swap3A_858 = vector.shape_cast %add3A_852 : vector<16xi32> to vector<1x16xi32>
        tpu.vector_store %arg8[%swap3A_854, %swap3A_855], %swap3A_858 {strides = array<i32>} : memref<32x16xi32, #tpu.memory_space<vmem>>, vector<1x16xi32>,
        %dma_start3A_859 = arith.constant 4 : i32
        %dma_start3A_860 = arith.constant 0 : i32
        %dma_start3A_861 = tpu.memref_slice %arg8[%dma_start3A_859, %dma_start3A_860] : memref<32x16xi32, #tpu.memory_space<vmem>> -> memref<1x16xi32, #tpu.memory_space<vmem>>
        %dma_start3A_862 = tpu.memref_squeeze %dma_start3A_861 : memref<1x16xi32, #tpu.memory_space<vmem>> -> memref<16xi32, #tpu.memory_space<vmem>>
        %dma_start3A_863 = arith.constant 0 : i32
        %dma_start3A_864 = arith.constant 0 : i32
        %dma_start3A_865 = tpu.memref_slice %arg2[%dma_start3A_863, %dma_start3A_864] : memref<320000x128xf32, #tpu.memory_space<hbm>> -> memref<320000x128xf32, #tpu.memory_space<hbm>>
        tpu.enqueue_indirect_dma source(%dma_start3A_865 : memref<320000x128xf32, #tpu.memory_space<hbm>>) target(%arg10 : memref<16x128xf32, #tpu.memory_space<vmem>>) offsets(%dma_start3A_862 : memref<16xi32, #tpu.memory_space<vmem>>) semaphore(%arg15 : memref<!tpu.dma_semaphore, #tpu.memory_space<semaphore_mem>>) {add = true}
        %get3A_866 = arith.constant 80 : index
        %get3A_867 = tpu.vector_load %arg6[%get3A_866] {strides = array<i32>} : memref<512xi32, #tpu.memory_space<vmem>>, vector<16xi32>,
        %get3A_868 = vector.shape_cast %get3A_867 : vector<16xi32> to vector<16xi32>
        %add3A_869 = arith.constant 50000 : i32
        %add3A_870 = vector.broadcast %add3A_869 : i32 to vector<16xi32>
        %add3A_871 = arith.addi %get3A_868, %add3A_870 : vector<16xi32>
        %swap3A_872 = arith.constant 5 : i32
        %swap3A_873 = arith.index_cast %swap3A_872 : i32 to index
        %swap3A_874 = arith.constant 0 : index
        %swap3A_875 = tpu.vector_load %arg8[%swap3A_873, %swap3A_874] {strides = array<i32>} : memref<32x16xi32, #tpu.memory_space<vmem>>, vector<1x16xi32>,
        %swap3A_876 = vector.shape_cast %swap3A_875 : vector<1x16xi32> to vector<16xi32>
        %swap3A_877 = vector.shape_cast %add3A_871 : vector<16xi32> to vector<1x16xi32>
        tpu.vector_store %arg8[%swap3A_873, %swap3A_874], %swap3A_877 {strides = array<i32>} : memref<32x16xi32, #tpu.memory_space<vmem>>, vector<1x16xi32>,
        %dma_start3A_878 = arith.constant 5 : i32
        %dma_start3A_879 = arith.constant 0 : i32
        %dma_start3A_880 = tpu.memref_slice %arg8[%dma_start3A_878, %dma_start3A_879] : memref<32x16xi32, #tpu.memory_space<vmem>> -> memref<1x16xi32, #tpu.memory_space<vmem>>
        %dma_start3A_881 = tpu.memref_squeeze %dma_start3A_880 : memref<1x16xi32, #tpu.memory_space<vmem>> -> memref<16xi32, #tpu.memory_space<vmem>>
        %dma_start3A_882 = arith.constant 0 : i32
        %dma_start3A_883 = arith.constant 0 : i32
        %dma_start3A_884 = tpu.memref_slice %arg2[%dma_start3A_882, %dma_start3A_883] : memref<320000x128xf32, #tpu.memory_space<hbm>> -> memref<320000x128xf32, #tpu.memory_space<hbm>>
        tpu.enqueue_indirect_dma source(%dma_start3A_884 : memref<320000x128xf32, #tpu.memory_space<hbm>>) target(%arg10 : memref<16x128xf32, #tpu.memory_space<vmem>>) offsets(%dma_start3A_881 : memref<16xi32, #tpu.memory_space<vmem>>) semaphore(%arg15 : memref<!tpu.dma_semaphore, #tpu.memory_space<semaphore_mem>>) {add = true}
        %get3A_885 = arith.constant 96 : index
        %get3A_886 = tpu.vector_load %arg6[%get3A_885] {strides = array<i32>} : memref<512xi32, #tpu.memory_space<vmem>>, vector<16xi32>,
        %get3A_887 = vector.shape_cast %get3A_886 : vector<16xi32> to vector<16xi32>
        %add3A_888 = arith.constant 60000 : i32
        %add3A_889 = vector.broadcast %add3A_888 : i32 to vector<16xi32>
        %add3A_890 = arith.addi %get3A_887, %add3A_889 : vector<16xi32>
        %swap3A_891 = arith.constant 6 : i32
        %swap3A_892 = arith.index_cast %swap3A_891 : i32 to index
        %swap3A_893 = arith.constant 0 : index
        %swap3A_894 = tpu.vector_load %arg8[%swap3A_892, %swap3A_893] {strides = array<i32>} : memref<32x16xi32, #tpu.memory_space<vmem>>, vector<1x16xi32>,
        %swap3A_895 = vector.shape_cast %swap3A_894 : vector<1x16xi32> to vector<16xi32>
        %swap3A_896 = vector.shape_cast %add3A_890 : vector<16xi32> to vector<1x16xi32>
        tpu.vector_store %arg8[%swap3A_892, %swap3A_893], %swap3A_896 {strides = array<i32>} : memref<32x16xi32, #tpu.memory_space<vmem>>, vector<1x16xi32>,
        %dma_start3A_897 = arith.constant 6 : i32
        %dma_start3A_898 = arith.constant 0 : i32
        %dma_start3A_899 = tpu.memref_slice %arg8[%dma_start3A_897, %dma_start3A_898] : memref<32x16xi32, #tpu.memory_space<vmem>> -> memref<1x16xi32, #tpu.memory_space<vmem>>
        %dma_start3A_900 = tpu.memref_squeeze %dma_start3A_899 : memref<1x16xi32, #tpu.memory_space<vmem>> -> memref<16xi32, #tpu.memory_space<vmem>>
        %dma_start3A_901 = arith.constant 0 : i32
        %dma_start3A_902 = arith.constant 0 : i32
        %dma_start3A_903 = tpu.memref_slice %arg2[%dma_start3A_901, %dma_start3A_902] : memref<320000x128xf32, #tpu.memory_space<hbm>> -> memref<320000x128xf32, #tpu.memory_space<hbm>>
        tpu.enqueue_indirect_dma source(%dma_start3A_903 : memref<320000x128xf32, #tpu.memory_space<hbm>>) target(%arg10 : memref<16x128xf32, #tpu.memory_space<vmem>>) offsets(%dma_start3A_900 : memref<16xi32, #tpu.memory_space<vmem>>) semaphore(%arg15 : memref<!tpu.dma_semaphore, #tpu.memory_space<semaphore_mem>>) {add = true}
        %get3A_904 = arith.constant 112 : index
        %get3A_905 = tpu.vector_load %arg6[%get3A_904] {strides = array<i32>} : memref<512xi32, #tpu.memory_space<vmem>>, vector<16xi32>,
        %get3A_906 = vector.shape_cast %get3A_905 : vector<16xi32> to vector<16xi32>
        %add3A_907 = arith.constant 70000 : i32
        %add3A_908 = vector.broadcast %add3A_907 : i32 to vector<16xi32>
        %add3A_909 = arith.addi %get3A_906, %add3A_908 : vector<16xi32>
        %swap3A_910 = arith.constant 7 : i32
        %swap3A_911 = arith.index_cast %swap3A_910 : i32 to index
        %swap3A_912 = arith.constant 0 : index
        %swap3A_913 = tpu.vector_load %arg8[%swap3A_911, %swap3A_912] {strides = array<i32>} : memref<32x16xi32, #tpu.memory_space<vmem>>, vector<1x16xi32>,
        %swap3A_914 = vector.shape_cast %swap3A_913 : vector<1x16xi32> to vector<16xi32>
        %swap3A_915 = vector.shape_cast %add3A_909 : vector<16xi32> to vector<1x16xi32>
        tpu.vector_store %arg8[%swap3A_911, %swap3A_912], %swap3A_915 {strides = array<i32>} : memref<32x16xi32, #tpu.memory_space<vmem>>, vector<1x16xi32>,
        %dma_start3A_916 = arith.constant 7 : i32
        %dma_start3A_917 = arith.constant 0 : i32
        %dma_start3A_918 = tpu.memref_slice %arg8[%dma_start3A_916, %dma_start3A_917] : memref<32x16xi32, #tpu.memory_space<vmem>> -> memref<1x16xi32, #tpu.memory_space<vmem>>
        %dma_start3A_919 = tpu.memref_squeeze %dma_start3A_918 : memref<1x16xi32, #tpu.memory_space<vmem>> -> memref<16xi32, #tpu.memory_space<vmem>>
        %dma_start3A_920 = arith.constant 0 : i32
        %dma_start3A_921 = arith.constant 0 : i32
        %dma_start3A_922 = tpu.memref_slice %arg2[%dma_start3A_920, %dma_start3A_921] : memref<320000x128xf32, #tpu.memory_space<hbm>> -> memref<320000x128xf32, #tpu.memory_space<hbm>>
        tpu.enqueue_indirect_dma source(%dma_start3A_922 : memref<320000x128xf32, #tpu.memory_space<hbm>>) target(%arg10 : memref<16x128xf32, #tpu.memory_space<vmem>>) offsets(%dma_start3A_919 : memref<16xi32, #tpu.memory_space<vmem>>) semaphore(%arg15 : memref<!tpu.dma_semaphore, #tpu.memory_space<semaphore_mem>>) {add = true}
        %get3A_923 = arith.constant 128 : index
        %get3A_924 = tpu.vector_load %arg6[%get3A_923] {strides = array<i32>} : memref<512xi32, #tpu.memory_space<vmem>>, vector<16xi32>,
        %get3A_925 = vector.shape_cast %get3A_924 : vector<16xi32> to vector<16xi32>
        %add3A_926 = arith.constant 80000 : i32
        %add3A_927 = vector.broadcast %add3A_926 : i32 to vector<16xi32>
        %add3A_928 = arith.addi %get3A_925, %add3A_927 : vector<16xi32>
        %swap3A_929 = arith.constant 8 : i32
        %swap3A_930 = arith.index_cast %swap3A_929 : i32 to index
        %swap3A_931 = arith.constant 0 : index
        %swap3A_932 = tpu.vector_load %arg8[%swap3A_930, %swap3A_931] {strides = array<i32>} : memref<32x16xi32, #tpu.memory_space<vmem>>, vector<1x16xi32>,
        %swap3A_933 = vector.shape_cast %swap3A_932 : vector<1x16xi32> to vector<16xi32>
        %swap3A_934 = vector.shape_cast %add3A_928 : vector<16xi32> to vector<1x16xi32>
        tpu.vector_store %arg8[%swap3A_930, %swap3A_931], %swap3A_934 {strides = array<i32>} : memref<32x16xi32, #tpu.memory_space<vmem>>, vector<1x16xi32>,
        %dma_start3A_935 = arith.constant 8 : i32
        %dma_start3A_936 = arith.constant 0 : i32
        %dma_start3A_937 = tpu.memref_slice %arg8[%dma_start3A_935, %dma_start3A_936] : memref<32x16xi32, #tpu.memory_space<vmem>> -> memref<1x16xi32, #tpu.memory_space<vmem>>
        %dma_start3A_938 = tpu.memref_squeeze %dma_start3A_937 : memref<1x16xi32, #tpu.memory_space<vmem>> -> memref<16xi32, #tpu.memory_space<vmem>>
        %dma_start3A_939 = arith.constant 0 : i32
        %dma_start3A_940 = arith.constant 0 : i32
        %dma_start3A_941 = tpu.memref_slice %arg2[%dma_start3A_939, %dma_start3A_940] : memref<320000x128xf32, #tpu.memory_space<hbm>> -> memref<320000x128xf32, #tpu.memory_space<hbm>>
        tpu.enqueue_indirect_dma source(%dma_start3A_941 : memref<320000x128xf32, #tpu.memory_space<hbm>>) target(%arg10 : memref<16x128xf32, #tpu.memory_space<vmem>>) offsets(%dma_start3A_938 : memref<16xi32, #tpu.memory_space<vmem>>) semaphore(%arg15 : memref<!tpu.dma_semaphore, #tpu.memory_space<semaphore_mem>>) {add = true}
        %get3A_942 = arith.constant 144 : index
        %get3A_943 = tpu.vector_load %arg6[%get3A_942] {strides = array<i32>} : memref<512xi32, #tpu.memory_space<vmem>>, vector<16xi32>,
        %get3A_944 = vector.shape_cast %get3A_943 : vector<16xi32> to vector<16xi32>
        %add3A_945 = arith.constant 90000 : i32
        %add3A_946 = vector.broadcast %add3A_945 : i32 to vector<16xi32>
        %add3A_947 = arith.addi %get3A_944, %add3A_946 : vector<16xi32>
        %swap3A_948 = arith.constant 9 : i32
        %swap3A_949 = arith.index_cast %swap3A_948 : i32 to index
        %swap3A_950 = arith.constant 0 : index
        %swap3A_951 = tpu.vector_load %arg8[%swap3A_949, %swap3A_950] {strides = array<i32>} : memref<32x16xi32, #tpu.memory_space<vmem>>, vector<1x16xi32>,
        %swap3A_952 = vector.shape_cast %swap3A_951 : vector<1x16xi32> to vector<16xi32>
        %swap3A_953 = vector.shape_cast %add3A_947 : vector<16xi32> to vector<1x16xi32>
        tpu.vector_store %arg8[%swap3A_949, %swap3A_950], %swap3A_953 {strides = array<i32>} : memref<32x16xi32, #tpu.memory_space<vmem>>, vector<1x16xi32>,
        %dma_start3A_954 = arith.constant 9 : i32
        %dma_start3A_955 = arith.constant 0 : i32
        %dma_start3A_956 = tpu.memref_slice %arg8[%dma_start3A_954, %dma_start3A_955] : memref<32x16xi32, #tpu.memory_space<vmem>> -> memref<1x16xi32, #tpu.memory_space<vmem>>
        %dma_start3A_957 = tpu.memref_squeeze %dma_start3A_956 : memref<1x16xi32, #tpu.memory_space<vmem>> -> memref<16xi32, #tpu.memory_space<vmem>>
        %dma_start3A_958 = arith.constant 0 : i32
        %dma_start3A_959 = arith.constant 0 : i32
        %dma_start3A_960 = tpu.memref_slice %arg2[%dma_start3A_958, %dma_start3A_959] : memref<320000x128xf32, #tpu.memory_space<hbm>> -> memref<320000x128xf32, #tpu.memory_space<hbm>>
        tpu.enqueue_indirect_dma source(%dma_start3A_960 : memref<320000x128xf32, #tpu.memory_space<hbm>>) target(%arg10 : memref<16x128xf32, #tpu.memory_space<vmem>>) offsets(%dma_start3A_957 : memref<16xi32, #tpu.memory_space<vmem>>) semaphore(%arg15 : memref<!tpu.dma_semaphore, #tpu.memory_space<semaphore_mem>>) {add = true}
        %get3A_961 = arith.constant 160 : index
        %get3A_962 = tpu.vector_load %arg6[%get3A_961] {strides = array<i32>} : memref<512xi32, #tpu.memory_space<vmem>>, vector<16xi32>,
        %get3A_963 = vector.shape_cast %get3A_962 : vector<16xi32> to vector<16xi32>
        %add3A_964 = arith.constant 100000 : i32
        %add3A_965 = vector.broadcast %add3A_964 : i32 to vector<16xi32>
        %add3A_966 = arith.addi %get3A_963, %add3A_965 : vector<16xi32>
        %swap3A_967 = arith.constant 10 : i32
        %swap3A_968 = arith.index_cast %swap3A_967 : i32 to index
        %swap3A_969 = arith.constant 0 : index
        %swap3A_970 = tpu.vector_load %arg8[%swap3A_968, %swap3A_969] {strides = array<i32>} : memref<32x16xi32, #tpu.memory_space<vmem>>, vector<1x16xi32>,
        %swap3A_971 = vector.shape_cast %swap3A_970 : vector<1x16xi32> to vector<16xi32>
        %swap3A_972 = vector.shape_cast %add3A_966 : vector<16xi32> to vector<1x16xi32>
        tpu.vector_store %arg8[%swap3A_968, %swap3A_969], %swap3A_972 {strides = array<i32>} : memref<32x16xi32, #tpu.memory_space<vmem>>, vector<1x16xi32>,
        %dma_start3A_973 = arith.constant 10 : i32
        %dma_start3A_974 = arith.constant 0 : i32
        %dma_start3A_975 = tpu.memref_slice %arg8[%dma_start3A_973, %dma_start3A_974] : memref<32x16xi32, #tpu.memory_space<vmem>> -> memref<1x16xi32, #tpu.memory_space<vmem>>
        %dma_start3A_976 = tpu.memref_squeeze %dma_start3A_975 : memref<1x16xi32, #tpu.memory_space<vmem>> -> memref<16xi32, #tpu.memory_space<vmem>>
        %dma_start3A_977 = arith.constant 0 : i32
        %dma_start3A_978 = arith.constant 0 : i32
        %dma_start3A_979 = tpu.memref_slice %arg2[%dma_start3A_977, %dma_start3A_978] : memref<320000x128xf32, #tpu.memory_space<hbm>> -> memref<320000x128xf32, #tpu.memory_space<hbm>>
        tpu.enqueue_indirect_dma source(%dma_start3A_979 : memref<320000x128xf32, #tpu.memory_space<hbm>>) target(%arg10 : memref<16x128xf32, #tpu.memory_space<vmem>>) offsets(%dma_start3A_976 : memref<16xi32, #tpu.memory_space<vmem>>) semaphore(%arg15 : memref<!tpu.dma_semaphore, #tpu.memory_space<semaphore_mem>>) {add = true}
        %get3A_980 = arith.constant 176 : index
        %get3A_981 = tpu.vector_load %arg6[%get3A_980] {strides = array<i32>} : memref<512xi32, #tpu.memory_space<vmem>>, vector<16xi32>,
        %get3A_982 = vector.shape_cast %get3A_981 : vector<16xi32> to vector<16xi32>
        %add3A_983 = arith.constant 110000 : i32
        %add3A_984 = vector.broadcast %add3A_983 : i32 to vector<16xi32>
        %add3A_985 = arith.addi %get3A_982, %add3A_984 : vector<16xi32>
        %swap3A_986 = arith.constant 11 : i32
        %swap3A_987 = arith.index_cast %swap3A_986 : i32 to index
        %swap3A_988 = arith.constant 0 : index
        %swap3A_989 = tpu.vector_load %arg8[%swap3A_987, %swap3A_988] {strides = array<i32>} : memref<32x16xi32, #tpu.memory_space<vmem>>, vector<1x16xi32>,
        %swap3A_990 = vector.shape_cast %swap3A_989 : vector<1x16xi32> to vector<16xi32>
        %swap3A_991 = vector.shape_cast %add3A_985 : vector<16xi32> to vector<1x16xi32>
        tpu.vector_store %arg8[%swap3A_987, %swap3A_988], %swap3A_991 {strides = array<i32>} : memref<32x16xi32, #tpu.memory_space<vmem>>, vector<1x16xi32>,
        %dma_start3A_992 = arith.constant 11 : i32
        %dma_start3A_993 = arith.constant 0 : i32
        %dma_start3A_994 = tpu.memref_slice %arg8[%dma_start3A_992, %dma_start3A_993] : memref<32x16xi32, #tpu.memory_space<vmem>> -> memref<1x16xi32, #tpu.memory_space<vmem>>
        %dma_start3A_995 = tpu.memref_squeeze %dma_start3A_994 : memref<1x16xi32, #tpu.memory_space<vmem>> -> memref<16xi32, #tpu.memory_space<vmem>>
        %dma_start3A_996 = arith.constant 0 : i32
        %dma_start3A_997 = arith.constant 0 : i32
        %dma_start3A_998 = tpu.memref_slice %arg2[%dma_start3A_996, %dma_start3A_997] : memref<320000x128xf32, #tpu.memory_space<hbm>> -> memref<320000x128xf32, #tpu.memory_space<hbm>>
        tpu.enqueue_indirect_dma source(%dma_start3A_998 : memref<320000x128xf32, #tpu.memory_space<hbm>>) target(%arg10 : memref<16x128xf32, #tpu.memory_space<vmem>>) offsets(%dma_start3A_995 : memref<16xi32, #tpu.memory_space<vmem>>) semaphore(%arg15 : memref<!tpu.dma_semaphore, #tpu.memory_space<semaphore_mem>>) {add = true}
        %get3A_999 = arith.constant 192 : index
        %get3A_1000 = tpu.vector_load %arg6[%get3A_999] {strides = array<i32>} : memref<512xi32, #tpu.memory_space<vmem>>, vector<16xi32>,
        %get3A_1001 = vector.shape_cast %get3A_1000 : vector<16xi32> to vector<16xi32>
        %add3A_1002 = arith.constant 120000 : i32
        %add3A_1003 = vector.broadcast %add3A_1002 : i32 to vector<16xi32>
        %add3A_1004 = arith.addi %get3A_1001, %add3A_1003 : vector<16xi32>
        %swap3A_1005 = arith.constant 12 : i32
        %swap3A_1006 = arith.index_cast %swap3A_1005 : i32 to index
        %swap3A_1007 = arith.constant 0 : index
        %swap3A_1008 = tpu.vector_load %arg8[%swap3A_1006, %swap3A_1007] {strides = array<i32>} : memref<32x16xi32, #tpu.memory_space<vmem>>, vector<1x16xi32>,
        %swap3A_1009 = vector.shape_cast %swap3A_1008 : vector<1x16xi32> to vector<16xi32>
        %swap3A_1010 = vector.shape_cast %add3A_1004 : vector<16xi32> to vector<1x16xi32>
        tpu.vector_store %arg8[%swap3A_1006, %swap3A_1007], %swap3A_1010 {strides = array<i32>} : memref<32x16xi32, #tpu.memory_space<vmem>>, vector<1x16xi32>,
        %dma_start3A_1011 = arith.constant 12 : i32
        %dma_start3A_1012 = arith.constant 0 : i32
        %dma_start3A_1013 = tpu.memref_slice %arg8[%dma_start3A_1011, %dma_start3A_1012] : memref<32x16xi32, #tpu.memory_space<vmem>> -> memref<1x16xi32, #tpu.memory_space<vmem>>
        %dma_start3A_1014 = tpu.memref_squeeze %dma_start3A_1013 : memref<1x16xi32, #tpu.memory_space<vmem>> -> memref<16xi32, #tpu.memory_space<vmem>>
        %dma_start3A_1015 = arith.constant 0 : i32
        %dma_start3A_1016 = arith.constant 0 : i32
        %dma_start3A_1017 = tpu.memref_slice %arg2[%dma_start3A_1015, %dma_start3A_1016] : memref<320000x128xf32, #tpu.memory_space<hbm>> -> memref<320000x128xf32, #tpu.memory_space<hbm>>
        tpu.enqueue_indirect_dma source(%dma_start3A_1017 : memref<320000x128xf32, #tpu.memory_space<hbm>>) target(%arg10 : memref<16x128xf32, #tpu.memory_space<vmem>>) offsets(%dma_start3A_1014 : memref<16xi32, #tpu.memory_space<vmem>>) semaphore(%arg15 : memref<!tpu.dma_semaphore, #tpu.memory_space<semaphore_mem>>) {add = true}
        %get3A_1018 = arith.constant 208 : index
        %get3A_1019 = tpu.vector_load %arg6[%get3A_1018] {strides = array<i32>} : memref<512xi32, #tpu.memory_space<vmem>>, vector<16xi32>,
        %get3A_1020 = vector.shape_cast %get3A_1019 : vector<16xi32> to vector<16xi32>
        %add3A_1021 = arith.constant 130000 : i32
        %add3A_1022 = vector.broadcast %add3A_1021 : i32 to vector<16xi32>
        %add3A_1023 = arith.addi %get3A_1020, %add3A_1022 : vector<16xi32>
        %swap3A_1024 = arith.constant 13 : i32
        %swap3A_1025 = arith.index_cast %swap3A_1024 : i32 to index
        %swap3A_1026 = arith.constant 0 : index
        %swap3A_1027 = tpu.vector_load %arg8[%swap3A_1025, %swap3A_1026] {strides = array<i32>} : memref<32x16xi32, #tpu.memory_space<vmem>>, vector<1x16xi32>,
        %swap3A_1028 = vector.shape_cast %swap3A_1027 : vector<1x16xi32> to vector<16xi32>
        %swap3A_1029 = vector.shape_cast %add3A_1023 : vector<16xi32> to vector<1x16xi32>
        tpu.vector_store %arg8[%swap3A_1025, %swap3A_1026], %swap3A_1029 {strides = array<i32>} : memref<32x16xi32, #tpu.memory_space<vmem>>, vector<1x16xi32>,
        %dma_start3A_1030 = arith.constant 13 : i32
        %dma_start3A_1031 = arith.constant 0 : i32
        %dma_start3A_1032 = tpu.memref_slice %arg8[%dma_start3A_1030, %dma_start3A_1031] : memref<32x16xi32, #tpu.memory_space<vmem>> -> memref<1x16xi32, #tpu.memory_space<vmem>>
        %dma_start3A_1033 = tpu.memref_squeeze %dma_start3A_1032 : memref<1x16xi32, #tpu.memory_space<vmem>> -> memref<16xi32, #tpu.memory_space<vmem>>
        %dma_start3A_1034 = arith.constant 0 : i32
        %dma_start3A_1035 = arith.constant 0 : i32
        %dma_start3A_1036 = tpu.memref_slice %arg2[%dma_start3A_1034, %dma_start3A_1035] : memref<320000x128xf32, #tpu.memory_space<hbm>> -> memref<320000x128xf32, #tpu.memory_space<hbm>>
        tpu.enqueue_indirect_dma source(%dma_start3A_1036 : memref<320000x128xf32, #tpu.memory_space<hbm>>) target(%arg10 : memref<16x128xf32, #tpu.memory_space<vmem>>) offsets(%dma_start3A_1033 : memref<16xi32, #tpu.memory_space<vmem>>) semaphore(%arg15 : memref<!tpu.dma_semaphore, #tpu.memory_space<semaphore_mem>>) {add = true}
        %get3A_1037 = arith.constant 224 : index
        %get3A_1038 = tpu.vector_load %arg6[%get3A_1037] {strides = array<i32>} : memref<512xi32, #tpu.memory_space<vmem>>, vector<16xi32>,
        %get3A_1039 = vector.shape_cast %get3A_1038 : vector<16xi32> to vector<16xi32>
        %add3A_1040 = arith.constant 140000 : i32
        %add3A_1041 = vector.broadcast %add3A_1040 : i32 to vector<16xi32>
        %add3A_1042 = arith.addi %get3A_1039, %add3A_1041 : vector<16xi32>
        %swap3A_1043 = arith.constant 14 : i32
        %swap3A_1044 = arith.index_cast %swap3A_1043 : i32 to index
        %swap3A_1045 = arith.constant 0 : index
        %swap3A_1046 = tpu.vector_load %arg8[%swap3A_1044, %swap3A_1045] {strides = array<i32>} : memref<32x16xi32, #tpu.memory_space<vmem>>, vector<1x16xi32>,
        %swap3A_1047 = vector.shape_cast %swap3A_1046 : vector<1x16xi32> to vector<16xi32>
        %swap3A_1048 = vector.shape_cast %add3A_1042 : vector<16xi32> to vector<1x16xi32>
        tpu.vector_store %arg8[%swap3A_1044, %swap3A_1045], %swap3A_1048 {strides = array<i32>} : memref<32x16xi32, #tpu.memory_space<vmem>>, vector<1x16xi32>,
        %dma_start3A_1049 = arith.constant 14 : i32
        %dma_start3A_1050 = arith.constant 0 : i32
        %dma_start3A_1051 = tpu.memref_slice %arg8[%dma_start3A_1049, %dma_start3A_1050] : memref<32x16xi32, #tpu.memory_space<vmem>> -> memref<1x16xi32, #tpu.memory_space<vmem>>
        %dma_start3A_1052 = tpu.memref_squeeze %dma_start3A_1051 : memref<1x16xi32, #tpu.memory_space<vmem>> -> memref<16xi32, #tpu.memory_space<vmem>>
        %dma_start3A_1053 = arith.constant 0 : i32
        %dma_start3A_1054 = arith.constant 0 : i32
        %dma_start3A_1055 = tpu.memref_slice %arg2[%dma_start3A_1053, %dma_start3A_1054] : memref<320000x128xf32, #tpu.memory_space<hbm>> -> memref<320000x128xf32, #tpu.memory_space<hbm>>
        tpu.enqueue_indirect_dma source(%dma_start3A_1055 : memref<320000x128xf32, #tpu.memory_space<hbm>>) target(%arg10 : memref<16x128xf32, #tpu.memory_space<vmem>>) offsets(%dma_start3A_1052 : memref<16xi32, #tpu.memory_space<vmem>>) semaphore(%arg15 : memref<!tpu.dma_semaphore, #tpu.memory_space<semaphore_mem>>) {add = true}
        %get3A_1056 = arith.constant 240 : index
        %get3A_1057 = tpu.vector_load %arg6[%get3A_1056] {strides = array<i32>} : memref<512xi32, #tpu.memory_space<vmem>>, vector<16xi32>,
        %get3A_1058 = vector.shape_cast %get3A_1057 : vector<16xi32> to vector<16xi32>
        %add3A_1059 = arith.constant 150000 : i32
        %add3A_1060 = vector.broadcast %add3A_1059 : i32 to vector<16xi32>
        %add3A_1061 = arith.addi %get3A_1058, %add3A_1060 : vector<16xi32>
        %swap3A_1062 = arith.constant 15 : i32
        %swap3A_1063 = arith.index_cast %swap3A_1062 : i32 to index
        %swap3A_1064 = arith.constant 0 : index
        %swap3A_1065 = tpu.vector_load %arg8[%swap3A_1063, %swap3A_1064] {strides = array<i32>} : memref<32x16xi32, #tpu.memory_space<vmem>>, vector<1x16xi32>,
        %swap3A_1066 = vector.shape_cast %swap3A_1065 : vector<1x16xi32> to vector<16xi32>
        %swap3A_1067 = vector.shape_cast %add3A_1061 : vector<16xi32> to vector<1x16xi32>
        tpu.vector_store %arg8[%swap3A_1063, %swap3A_1064], %swap3A_1067 {strides = array<i32>} : memref<32x16xi32, #tpu.memory_space<vmem>>, vector<1x16xi32>,
        %dma_start3A_1068 = arith.constant 15 : i32
        %dma_start3A_1069 = arith.constant 0 : i32
        %dma_start3A_1070 = tpu.memref_slice %arg8[%dma_start3A_1068, %dma_start3A_1069] : memref<32x16xi32, #tpu.memory_space<vmem>> -> memref<1x16xi32, #tpu.memory_space<vmem>>
        %dma_start3A_1071 = tpu.memref_squeeze %dma_start3A_1070 : memref<1x16xi32, #tpu.memory_space<vmem>> -> memref<16xi32, #tpu.memory_space<vmem>>
        %dma_start3A_1072 = arith.constant 0 : i32
        %dma_start3A_1073 = arith.constant 0 : i32
        %dma_start3A_1074 = tpu.memref_slice %arg2[%dma_start3A_1072, %dma_start3A_1073] : memref<320000x128xf32, #tpu.memory_space<hbm>> -> memref<320000x128xf32, #tpu.memory_space<hbm>>
        tpu.enqueue_indirect_dma source(%dma_start3A_1074 : memref<320000x128xf32, #tpu.memory_space<hbm>>) target(%arg10 : memref<16x128xf32, #tpu.memory_space<vmem>>) offsets(%dma_start3A_1071 : memref<16xi32, #tpu.memory_space<vmem>>) semaphore(%arg15 : memref<!tpu.dma_semaphore, #tpu.memory_space<semaphore_mem>>) {add = true}
        %get3A_1075 = arith.constant 256 : index
        %get3A_1076 = tpu.vector_load %arg6[%get3A_1075] {strides = array<i32>} : memref<512xi32, #tpu.memory_space<vmem>>, vector<16xi32>,
        %get3A_1077 = vector.shape_cast %get3A_1076 : vector<16xi32> to vector<16xi32>
        %add3A_1078 = arith.constant 160000 : i32
        %add3A_1079 = vector.broadcast %add3A_1078 : i32 to vector<16xi32>
        %add3A_1080 = arith.addi %get3A_1077, %add3A_1079 : vector<16xi32>
        %swap3A_1081 = arith.constant 16 : i32
        %swap3A_1082 = arith.index_cast %swap3A_1081 : i32 to index
        %swap3A_1083 = arith.constant 0 : index
        %swap3A_1084 = tpu.vector_load %arg8[%swap3A_1082, %swap3A_1083] {strides = array<i32>} : memref<32x16xi32, #tpu.memory_space<vmem>>, vector<1x16xi32>,
        %swap3A_1085 = vector.shape_cast %swap3A_1084 : vector<1x16xi32> to vector<16xi32>
        %swap3A_1086 = vector.shape_cast %add3A_1080 : vector<16xi32> to vector<1x16xi32>
        tpu.vector_store %arg8[%swap3A_1082, %swap3A_1083], %swap3A_1086 {strides = array<i32>} : memref<32x16xi32, #tpu.memory_space<vmem>>, vector<1x16xi32>,
        %dma_start3A_1087 = arith.constant 16 : i32
        %dma_start3A_1088 = arith.constant 0 : i32
        %dma_start3A_1089 = tpu.memref_slice %arg8[%dma_start3A_1087, %dma_start3A_1088] : memref<32x16xi32, #tpu.memory_space<vmem>> -> memref<1x16xi32, #tpu.memory_space<vmem>>
        %dma_start3A_1090 = tpu.memref_squeeze %dma_start3A_1089 : memref<1x16xi32, #tpu.memory_space<vmem>> -> memref<16xi32, #tpu.memory_space<vmem>>
        %dma_start3A_1091 = arith.constant 0 : i32
        %dma_start3A_1092 = arith.constant 0 : i32
        %dma_start3A_1093 = tpu.memref_slice %arg2[%dma_start3A_1091, %dma_start3A_1092] : memref<320000x128xf32, #tpu.memory_space<hbm>> -> memref<320000x128xf32, #tpu.memory_space<hbm>>
        tpu.enqueue_indirect_dma source(%dma_start3A_1093 : memref<320000x128xf32, #tpu.memory_space<hbm>>) target(%arg10 : memref<16x128xf32, #tpu.memory_space<vmem>>) offsets(%dma_start3A_1090 : memref<16xi32, #tpu.memory_space<vmem>>) semaphore(%arg15 : memref<!tpu.dma_semaphore, #tpu.memory_space<semaphore_mem>>) {add = true}
        %get3A_1094 = arith.constant 272 : index
        %get3A_1095 = tpu.vector_load %arg6[%get3A_1094] {strides = array<i32>} : memref<512xi32, #tpu.memory_space<vmem>>, vector<16xi32>,
        %get3A_1096 = vector.shape_cast %get3A_1095 : vector<16xi32> to vector<16xi32>
        %add3A_1097 = arith.constant 170000 : i32
        %add3A_1098 = vector.broadcast %add3A_1097 : i32 to vector<16xi32>
        %add3A_1099 = arith.addi %get3A_1096, %add3A_1098 : vector<16xi32>
        %swap3A_1100 = arith.constant 17 : i32
        %swap3A_1101 = arith.index_cast %swap3A_1100 : i32 to index
        %swap3A_1102 = arith.constant 0 : index
        %swap3A_1103 = tpu.vector_load %arg8[%swap3A_1101, %swap3A_1102] {strides = array<i32>} : memref<32x16xi32, #tpu.memory_space<vmem>>, vector<1x16xi32>,
        %swap3A_1104 = vector.shape_cast %swap3A_1103 : vector<1x16xi32> to vector<16xi32>
        %swap3A_1105 = vector.shape_cast %add3A_1099 : vector<16xi32> to vector<1x16xi32>
        tpu.vector_store %arg8[%swap3A_1101, %swap3A_1102], %swap3A_1105 {strides = array<i32>} : memref<32x16xi32, #tpu.memory_space<vmem>>, vector<1x16xi32>,
        %dma_start3A_1106 = arith.constant 17 : i32
        %dma_start3A_1107 = arith.constant 0 : i32
        %dma_start3A_1108 = tpu.memref_slice %arg8[%dma_start3A_1106, %dma_start3A_1107] : memref<32x16xi32, #tpu.memory_space<vmem>> -> memref<1x16xi32, #tpu.memory_space<vmem>>
        %dma_start3A_1109 = tpu.memref_squeeze %dma_start3A_1108 : memref<1x16xi32, #tpu.memory_space<vmem>> -> memref<16xi32, #tpu.memory_space<vmem>>
        %dma_start3A_1110 = arith.constant 0 : i32
        %dma_start3A_1111 = arith.constant 0 : i32
        %dma_start3A_1112 = tpu.memref_slice %arg2[%dma_start3A_1110, %dma_start3A_1111] : memref<320000x128xf32, #tpu.memory_space<hbm>> -> memref<320000x128xf32, #tpu.memory_space<hbm>>
        tpu.enqueue_indirect_dma source(%dma_start3A_1112 : memref<320000x128xf32, #tpu.memory_space<hbm>>) target(%arg10 : memref<16x128xf32, #tpu.memory_space<vmem>>) offsets(%dma_start3A_1109 : memref<16xi32, #tpu.memory_space<vmem>>) semaphore(%arg15 : memref<!tpu.dma_semaphore, #tpu.memory_space<semaphore_mem>>) {add = true}
        %get3A_1113 = arith.constant 288 : index
        %get3A_1114 = tpu.vector_load %arg6[%get3A_1113] {strides = array<i32>} : memref<512xi32, #tpu.memory_space<vmem>>, vector<16xi32>,
        %get3A_1115 = vector.shape_cast %get3A_1114 : vector<16xi32> to vector<16xi32>
        %add3A_1116 = arith.constant 180000 : i32
        %add3A_1117 = vector.broadcast %add3A_1116 : i32 to vector<16xi32>
        %add3A_1118 = arith.addi %get3A_1115, %add3A_1117 : vector<16xi32>
        %swap3A_1119 = arith.constant 18 : i32
        %swap3A_1120 = arith.index_cast %swap3A_1119 : i32 to index
        %swap3A_1121 = arith.constant 0 : index
        %swap3A_1122 = tpu.vector_load %arg8[%swap3A_1120, %swap3A_1121] {strides = array<i32>} : memref<32x16xi32, #tpu.memory_space<vmem>>, vector<1x16xi32>,
        %swap3A_1123 = vector.shape_cast %swap3A_1122 : vector<1x16xi32> to vector<16xi32>
        %swap3A_1124 = vector.shape_cast %add3A_1118 : vector<16xi32> to vector<1x16xi32>
        tpu.vector_store %arg8[%swap3A_1120, %swap3A_1121], %swap3A_1124 {strides = array<i32>} : memref<32x16xi32, #tpu.memory_space<vmem>>, vector<1x16xi32>,
        %dma_start3A_1125 = arith.constant 18 : i32
        %dma_start3A_1126 = arith.constant 0 : i32
        %dma_start3A_1127 = tpu.memref_slice %arg8[%dma_start3A_1125, %dma_start3A_1126] : memref<32x16xi32, #tpu.memory_space<vmem>> -> memref<1x16xi32, #tpu.memory_space<vmem>>
        %dma_start3A_1128 = tpu.memref_squeeze %dma_start3A_1127 : memref<1x16xi32, #tpu.memory_space<vmem>> -> memref<16xi32, #tpu.memory_space<vmem>>
        %dma_start3A_1129 = arith.constant 0 : i32
        %dma_start3A_1130 = arith.constant 0 : i32
        %dma_start3A_1131 = tpu.memref_slice %arg2[%dma_start3A_1129, %dma_start3A_1130] : memref<320000x128xf32, #tpu.memory_space<hbm>> -> memref<320000x128xf32, #tpu.memory_space<hbm>>
        tpu.enqueue_indirect_dma source(%dma_start3A_1131 : memref<320000x128xf32, #tpu.memory_space<hbm>>) target(%arg10 : memref<16x128xf32, #tpu.memory_space<vmem>>) offsets(%dma_start3A_1128 : memref<16xi32, #tpu.memory_space<vmem>>) semaphore(%arg15 : memref<!tpu.dma_semaphore, #tpu.memory_space<semaphore_mem>>) {add = true}
        %get3A_1132 = arith.constant 304 : index
        %get3A_1133 = tpu.vector_load %arg6[%get3A_1132] {strides = array<i32>} : memref<512xi32, #tpu.memory_space<vmem>>, vector<16xi32>,
        %get3A_1134 = vector.shape_cast %get3A_1133 : vector<16xi32> to vector<16xi32>
        %add3A_1135 = arith.constant 190000 : i32
        %add3A_1136 = vector.broadcast %add3A_1135 : i32 to vector<16xi32>
        %add3A_1137 = arith.addi %get3A_1134, %add3A_1136 : vector<16xi32>
        %swap3A_1138 = arith.constant 19 : i32
        %swap3A_1139 = arith.index_cast %swap3A_1138 : i32 to index
        %swap3A_1140 = arith.constant 0 : index
        %swap3A_1141 = tpu.vector_load %arg8[%swap3A_1139, %swap3A_1140] {strides = array<i32>} : memref<32x16xi32, #tpu.memory_space<vmem>>, vector<1x16xi32>,
        %swap3A_1142 = vector.shape_cast %swap3A_1141 : vector<1x16xi32> to vector<16xi32>
        %swap3A_1143 = vector.shape_cast %add3A_1137 : vector<16xi32> to vector<1x16xi32>
        tpu.vector_store %arg8[%swap3A_1139, %swap3A_1140], %swap3A_1143 {strides = array<i32>} : memref<32x16xi32, #tpu.memory_space<vmem>>, vector<1x16xi32>,
        %dma_start3A_1144 = arith.constant 19 : i32
        %dma_start3A_1145 = arith.constant 0 : i32
        %dma_start3A_1146 = tpu.memref_slice %arg8[%dma_start3A_1144, %dma_start3A_1145] : memref<32x16xi32, #tpu.memory_space<vmem>> -> memref<1x16xi32, #tpu.memory_space<vmem>>
        %dma_start3A_1147 = tpu.memref_squeeze %dma_start3A_1146 : memref<1x16xi32, #tpu.memory_space<vmem>> -> memref<16xi32, #tpu.memory_space<vmem>>
        %dma_start3A_1148 = arith.constant 0 : i32
        %dma_start3A_1149 = arith.constant 0 : i32
        %dma_start3A_1150 = tpu.memref_slice %arg2[%dma_start3A_1148, %dma_start3A_1149] : memref<320000x128xf32, #tpu.memory_space<hbm>> -> memref<320000x128xf32, #tpu.memory_space<hbm>>
        tpu.enqueue_indirect_dma source(%dma_start3A_1150 : memref<320000x128xf32, #tpu.memory_space<hbm>>) target(%arg10 : memref<16x128xf32, #tpu.memory_space<vmem>>) offsets(%dma_start3A_1147 : memref<16xi32, #tpu.memory_space<vmem>>) semaphore(%arg15 : memref<!tpu.dma_semaphore, #tpu.memory_space<semaphore_mem>>) {add = true}
        %get3A_1151 = arith.constant 320 : index
        %get3A_1152 = tpu.vector_load %arg6[%get3A_1151] {strides = array<i32>} : memref<512xi32, #tpu.memory_space<vmem>>, vector<16xi32>,
        %get3A_1153 = vector.shape_cast %get3A_1152 : vector<16xi32> to vector<16xi32>
        %add3A_1154 = arith.constant 200000 : i32
        %add3A_1155 = vector.broadcast %add3A_1154 : i32 to vector<16xi32>
        %add3A_1156 = arith.addi %get3A_1153, %add3A_1155 : vector<16xi32>
        %swap3A_1157 = arith.constant 20 : i32
        %swap3A_1158 = arith.index_cast %swap3A_1157 : i32 to index
        %swap3A_1159 = arith.constant 0 : index
        %swap3A_1160 = tpu.vector_load %arg8[%swap3A_1158, %swap3A_1159] {strides = array<i32>} : memref<32x16xi32, #tpu.memory_space<vmem>>, vector<1x16xi32>,
        %swap3A_1161 = vector.shape_cast %swap3A_1160 : vector<1x16xi32> to vector<16xi32>
        %swap3A_1162 = vector.shape_cast %add3A_1156 : vector<16xi32> to vector<1x16xi32>
        tpu.vector_store %arg8[%swap3A_1158, %swap3A_1159], %swap3A_1162 {strides = array<i32>} : memref<32x16xi32, #tpu.memory_space<vmem>>, vector<1x16xi32>,
        %dma_start3A_1163 = arith.constant 20 : i32
        %dma_start3A_1164 = arith.constant 0 : i32
        %dma_start3A_1165 = tpu.memref_slice %arg8[%dma_start3A_1163, %dma_start3A_1164] : memref<32x16xi32, #tpu.memory_space<vmem>> -> memref<1x16xi32, #tpu.memory_space<vmem>>
        %dma_start3A_1166 = tpu.memref_squeeze %dma_start3A_1165 : memref<1x16xi32, #tpu.memory_space<vmem>> -> memref<16xi32, #tpu.memory_space<vmem>>
        %dma_start3A_1167 = arith.constant 0 : i32
        %dma_start3A_1168 = arith.constant 0 : i32
        %dma_start3A_1169 = tpu.memref_slice %arg2[%dma_start3A_1167, %dma_start3A_1168] : memref<320000x128xf32, #tpu.memory_space<hbm>> -> memref<320000x128xf32, #tpu.memory_space<hbm>>
        tpu.enqueue_indirect_dma source(%dma_start3A_1169 : memref<320000x128xf32, #tpu.memory_space<hbm>>) target(%arg10 : memref<16x128xf32, #tpu.memory_space<vmem>>) offsets(%dma_start3A_1166 : memref<16xi32, #tpu.memory_space<vmem>>) semaphore(%arg15 : memref<!tpu.dma_semaphore, #tpu.memory_space<semaphore_mem>>) {add = true}
        %get3A_1170 = arith.constant 336 : index
        %get3A_1171 = tpu.vector_load %arg6[%get3A_1170] {strides = array<i32>} : memref<512xi32, #tpu.memory_space<vmem>>, vector<16xi32>,
        %get3A_1172 = vector.shape_cast %get3A_1171 : vector<16xi32> to vector<16xi32>
        %add3A_1173 = arith.constant 210000 : i32
        %add3A_1174 = vector.broadcast %add3A_1173 : i32 to vector<16xi32>
        %add3A_1175 = arith.addi %get3A_1172, %add3A_1174 : vector<16xi32>
        %swap3A_1176 = arith.constant 21 : i32
        %swap3A_1177 = arith.index_cast %swap3A_1176 : i32 to index
        %swap3A_1178 = arith.constant 0 : index
        %swap3A_1179 = tpu.vector_load %arg8[%swap3A_1177, %swap3A_1178] {strides = array<i32>} : memref<32x16xi32, #tpu.memory_space<vmem>>, vector<1x16xi32>,
        %swap3A_1180 = vector.shape_cast %swap3A_1179 : vector<1x16xi32> to vector<16xi32>
        %swap3A_1181 = vector.shape_cast %add3A_1175 : vector<16xi32> to vector<1x16xi32>
        tpu.vector_store %arg8[%swap3A_1177, %swap3A_1178], %swap3A_1181 {strides = array<i32>} : memref<32x16xi32, #tpu.memory_space<vmem>>, vector<1x16xi32>,
        %dma_start3A_1182 = arith.constant 21 : i32
        %dma_start3A_1183 = arith.constant 0 : i32
        %dma_start3A_1184 = tpu.memref_slice %arg8[%dma_start3A_1182, %dma_start3A_1183] : memref<32x16xi32, #tpu.memory_space<vmem>> -> memref<1x16xi32, #tpu.memory_space<vmem>>
        %dma_start3A_1185 = tpu.memref_squeeze %dma_start3A_1184 : memref<1x16xi32, #tpu.memory_space<vmem>> -> memref<16xi32, #tpu.memory_space<vmem>>
        %dma_start3A_1186 = arith.constant 0 : i32
        %dma_start3A_1187 = arith.constant 0 : i32
        %dma_start3A_1188 = tpu.memref_slice %arg2[%dma_start3A_1186, %dma_start3A_1187] : memref<320000x128xf32, #tpu.memory_space<hbm>> -> memref<320000x128xf32, #tpu.memory_space<hbm>>
        tpu.enqueue_indirect_dma source(%dma_start3A_1188 : memref<320000x128xf32, #tpu.memory_space<hbm>>) target(%arg10 : memref<16x128xf32, #tpu.memory_space<vmem>>) offsets(%dma_start3A_1185 : memref<16xi32, #tpu.memory_space<vmem>>) semaphore(%arg15 : memref<!tpu.dma_semaphore, #tpu.memory_space<semaphore_mem>>) {add = true}
        %get3A_1189 = arith.constant 352 : index
        %get3A_1190 = tpu.vector_load %arg6[%get3A_1189] {strides = array<i32>} : memref<512xi32, #tpu.memory_space<vmem>>, vector<16xi32>,
        %get3A_1191 = vector.shape_cast %get3A_1190 : vector<16xi32> to vector<16xi32>
        %add3A_1192 = arith.constant 220000 : i32
        %add3A_1193 = vector.broadcast %add3A_1192 : i32 to vector<16xi32>
        %add3A_1194 = arith.addi %get3A_1191, %add3A_1193 : vector<16xi32>
        %swap3A_1195 = arith.constant 22 : i32
        %swap3A_1196 = arith.index_cast %swap3A_1195 : i32 to index
        %swap3A_1197 = arith.constant 0 : index
        %swap3A_1198 = tpu.vector_load %arg8[%swap3A_1196, %swap3A_1197] {strides = array<i32>} : memref<32x16xi32, #tpu.memory_space<vmem>>, vector<1x16xi32>,
        %swap3A_1199 = vector.shape_cast %swap3A_1198 : vector<1x16xi32> to vector<16xi32>
        %swap3A_1200 = vector.shape_cast %add3A_1194 : vector<16xi32> to vector<1x16xi32>
        tpu.vector_store %arg8[%swap3A_1196, %swap3A_1197], %swap3A_1200 {strides = array<i32>} : memref<32x16xi32, #tpu.memory_space<vmem>>, vector<1x16xi32>,
        %dma_start3A_1201 = arith.constant 22 : i32
        %dma_start3A_1202 = arith.constant 0 : i32
        %dma_start3A_1203 = tpu.memref_slice %arg8[%dma_start3A_1201, %dma_start3A_1202] : memref<32x16xi32, #tpu.memory_space<vmem>> -> memref<1x16xi32, #tpu.memory_space<vmem>>
        %dma_start3A_1204 = tpu.memref_squeeze %dma_start3A_1203 : memref<1x16xi32, #tpu.memory_space<vmem>> -> memref<16xi32, #tpu.memory_space<vmem>>
        %dma_start3A_1205 = arith.constant 0 : i32
        %dma_start3A_1206 = arith.constant 0 : i32
        %dma_start3A_1207 = tpu.memref_slice %arg2[%dma_start3A_1205, %dma_start3A_1206] : memref<320000x128xf32, #tpu.memory_space<hbm>> -> memref<320000x128xf32, #tpu.memory_space<hbm>>
        tpu.enqueue_indirect_dma source(%dma_start3A_1207 : memref<320000x128xf32, #tpu.memory_space<hbm>>) target(%arg10 : memref<16x128xf32, #tpu.memory_space<vmem>>) offsets(%dma_start3A_1204 : memref<16xi32, #tpu.memory_space<vmem>>) semaphore(%arg15 : memref<!tpu.dma_semaphore, #tpu.memory_space<semaphore_mem>>) {add = true}
        %get3A_1208 = arith.constant 368 : index
        %get3A_1209 = tpu.vector_load %arg6[%get3A_1208] {strides = array<i32>} : memref<512xi32, #tpu.memory_space<vmem>>, vector<16xi32>,
        %get3A_1210 = vector.shape_cast %get3A_1209 : vector<16xi32> to vector<16xi32>
        %add3A_1211 = arith.constant 230000 : i32
        %add3A_1212 = vector.broadcast %add3A_1211 : i32 to vector<16xi32>
        %add3A_1213 = arith.addi %get3A_1210, %add3A_1212 : vector<16xi32>
        %swap3A_1214 = arith.constant 23 : i32
        %swap3A_1215 = arith.index_cast %swap3A_1214 : i32 to index
        %swap3A_1216 = arith.constant 0 : index
        %swap3A_1217 = tpu.vector_load %arg8[%swap3A_1215, %swap3A_1216] {strides = array<i32>} : memref<32x16xi32, #tpu.memory_space<vmem>>, vector<1x16xi32>,
        %swap3A_1218 = vector.shape_cast %swap3A_1217 : vector<1x16xi32> to vector<16xi32>
        %swap3A_1219 = vector.shape_cast %add3A_1213 : vector<16xi32> to vector<1x16xi32>
        tpu.vector_store %arg8[%swap3A_1215, %swap3A_1216], %swap3A_1219 {strides = array<i32>} : memref<32x16xi32, #tpu.memory_space<vmem>>, vector<1x16xi32>,
        %dma_start3A_1220 = arith.constant 23 : i32
        %dma_start3A_1221 = arith.constant 0 : i32
        %dma_start3A_1222 = tpu.memref_slice %arg8[%dma_start3A_1220, %dma_start3A_1221] : memref<32x16xi32, #tpu.memory_space<vmem>> -> memref<1x16xi32, #tpu.memory_space<vmem>>
        %dma_start3A_1223 = tpu.memref_squeeze %dma_start3A_1222 : memref<1x16xi32, #tpu.memory_space<vmem>> -> memref<16xi32, #tpu.memory_space<vmem>>
        %dma_start3A_1224 = arith.constant 0 : i32
        %dma_start3A_1225 = arith.constant 0 : i32
        %dma_start3A_1226 = tpu.memref_slice %arg2[%dma_start3A_1224, %dma_start3A_1225] : memref<320000x128xf32, #tpu.memory_space<hbm>> -> memref<320000x128xf32, #tpu.memory_space<hbm>>
        tpu.enqueue_indirect_dma source(%dma_start3A_1226 : memref<320000x128xf32, #tpu.memory_space<hbm>>) target(%arg10 : memref<16x128xf32, #tpu.memory_space<vmem>>) offsets(%dma_start3A_1223 : memref<16xi32, #tpu.memory_space<vmem>>) semaphore(%arg15 : memref<!tpu.dma_semaphore, #tpu.memory_space<semaphore_mem>>) {add = true}
        %get3A_1227 = arith.constant 384 : index
        %get3A_1228 = tpu.vector_load %arg6[%get3A_1227] {strides = array<i32>} : memref<512xi32, #tpu.memory_space<vmem>>, vector<16xi32>,
        %get3A_1229 = vector.shape_cast %get3A_1228 : vector<16xi32> to vector<16xi32>
        %add3A_1230 = arith.constant 240000 : i32
        %add3A_1231 = vector.broadcast %add3A_1230 : i32 to vector<16xi32>
        %add3A_1232 = arith.addi %get3A_1229, %add3A_1231 : vector<16xi32>
        %swap3A_1233 = arith.constant 24 : i32
        %swap3A_1234 = arith.index_cast %swap3A_1233 : i32 to index
        %swap3A_1235 = arith.constant 0 : index
        %swap3A_1236 = tpu.vector_load %arg8[%swap3A_1234, %swap3A_1235] {strides = array<i32>} : memref<32x16xi32, #tpu.memory_space<vmem>>, vector<1x16xi32>,
        %swap3A_1237 = vector.shape_cast %swap3A_1236 : vector<1x16xi32> to vector<16xi32>
        %swap3A_1238 = vector.shape_cast %add3A_1232 : vector<16xi32> to vector<1x16xi32>
        tpu.vector_store %arg8[%swap3A_1234, %swap3A_1235], %swap3A_1238 {strides = array<i32>} : memref<32x16xi32, #tpu.memory_space<vmem>>, vector<1x16xi32>,
        %dma_start3A_1239 = arith.constant 24 : i32
        %dma_start3A_1240 = arith.constant 0 : i32
        %dma_start3A_1241 = tpu.memref_slice %arg8[%dma_start3A_1239, %dma_start3A_1240] : memref<32x16xi32, #tpu.memory_space<vmem>> -> memref<1x16xi32, #tpu.memory_space<vmem>>
        %dma_start3A_1242 = tpu.memref_squeeze %dma_start3A_1241 : memref<1x16xi32, #tpu.memory_space<vmem>> -> memref<16xi32, #tpu.memory_space<vmem>>
        %dma_start3A_1243 = arith.constant 0 : i32
        %dma_start3A_1244 = arith.constant 0 : i32
        %dma_start3A_1245 = tpu.memref_slice %arg2[%dma_start3A_1243, %dma_start3A_1244] : memref<320000x128xf32, #tpu.memory_space<hbm>> -> memref<320000x128xf32, #tpu.memory_space<hbm>>
        tpu.enqueue_indirect_dma source(%dma_start3A_1245 : memref<320000x128xf32, #tpu.memory_space<hbm>>) target(%arg10 : memref<16x128xf32, #tpu.memory_space<vmem>>) offsets(%dma_start3A_1242 : memref<16xi32, #tpu.memory_space<vmem>>) semaphore(%arg15 : memref<!tpu.dma_semaphore, #tpu.memory_space<semaphore_mem>>) {add = true}
        %get3A_1246 = arith.constant 400 : index
        %get3A_1247 = tpu.vector_load %arg6[%get3A_1246] {strides = array<i32>} : memref<512xi32, #tpu.memory_space<vmem>>, vector<16xi32>,
        %get3A_1248 = vector.shape_cast %get3A_1247 : vector<16xi32> to vector<16xi32>
        %add3A_1249 = arith.constant 250000 : i32
        %add3A_1250 = vector.broadcast %add3A_1249 : i32 to vector<16xi32>
        %add3A_1251 = arith.addi %get3A_1248, %add3A_1250 : vector<16xi32>
        %swap3A_1252 = arith.constant 25 : i32
        %swap3A_1253 = arith.index_cast %swap3A_1252 : i32 to index
        %swap3A_1254 = arith.constant 0 : index
        %swap3A_1255 = tpu.vector_load %arg8[%swap3A_1253, %swap3A_1254] {strides = array<i32>} : memref<32x16xi32, #tpu.memory_space<vmem>>, vector<1x16xi32>,
        %swap3A_1256 = vector.shape_cast %swap3A_1255 : vector<1x16xi32> to vector<16xi32>
        %swap3A_1257 = vector.shape_cast %add3A_1251 : vector<16xi32> to vector<1x16xi32>
        tpu.vector_store %arg8[%swap3A_1253, %swap3A_1254], %swap3A_1257 {strides = array<i32>} : memref<32x16xi32, #tpu.memory_space<vmem>>, vector<1x16xi32>,
        %dma_start3A_1258 = arith.constant 25 : i32
        %dma_start3A_1259 = arith.constant 0 : i32
        %dma_start3A_1260 = tpu.memref_slice %arg8[%dma_start3A_1258, %dma_start3A_1259] : memref<32x16xi32, #tpu.memory_space<vmem>> -> memref<1x16xi32, #tpu.memory_space<vmem>>
        %dma_start3A_1261 = tpu.memref_squeeze %dma_start3A_1260 : memref<1x16xi32, #tpu.memory_space<vmem>> -> memref<16xi32, #tpu.memory_space<vmem>>
        %dma_start3A_1262 = arith.constant 0 : i32
        %dma_start3A_1263 = arith.constant 0 : i32
        %dma_start3A_1264 = tpu.memref_slice %arg2[%dma_start3A_1262, %dma_start3A_1263] : memref<320000x128xf32, #tpu.memory_space<hbm>> -> memref<320000x128xf32, #tpu.memory_space<hbm>>
        tpu.enqueue_indirect_dma source(%dma_start3A_1264 : memref<320000x128xf32, #tpu.memory_space<hbm>>) target(%arg10 : memref<16x128xf32, #tpu.memory_space<vmem>>) offsets(%dma_start3A_1261 : memref<16xi32, #tpu.memory_space<vmem>>) semaphore(%arg15 : memref<!tpu.dma_semaphore, #tpu.memory_space<semaphore_mem>>) {add = true}
        %get3A_1265 = arith.constant 416 : index
        %get3A_1266 = tpu.vector_load %arg6[%get3A_1265] {strides = array<i32>} : memref<512xi32, #tpu.memory_space<vmem>>, vector<16xi32>,
        %get3A_1267 = vector.shape_cast %get3A_1266 : vector<16xi32> to vector<16xi32>
        %add3A_1268 = arith.constant 260000 : i32
        %add3A_1269 = vector.broadcast %add3A_1268 : i32 to vector<16xi32>
        %add3A_1270 = arith.addi %get3A_1267, %add3A_1269 : vector<16xi32>
        %swap3A_1271 = arith.constant 26 : i32
        %swap3A_1272 = arith.index_cast %swap3A_1271 : i32 to index
        %swap3A_1273 = arith.constant 0 : index
        %swap3A_1274 = tpu.vector_load %arg8[%swap3A_1272, %swap3A_1273] {strides = array<i32>} : memref<32x16xi32, #tpu.memory_space<vmem>>, vector<1x16xi32>,
        %swap3A_1275 = vector.shape_cast %swap3A_1274 : vector<1x16xi32> to vector<16xi32>
        %swap3A_1276 = vector.shape_cast %add3A_1270 : vector<16xi32> to vector<1x16xi32>
        tpu.vector_store %arg8[%swap3A_1272, %swap3A_1273], %swap3A_1276 {strides = array<i32>} : memref<32x16xi32, #tpu.memory_space<vmem>>, vector<1x16xi32>,
        %dma_start3A_1277 = arith.constant 26 : i32
        %dma_start3A_1278 = arith.constant 0 : i32
        %dma_start3A_1279 = tpu.memref_slice %arg8[%dma_start3A_1277, %dma_start3A_1278] : memref<32x16xi32, #tpu.memory_space<vmem>> -> memref<1x16xi32, #tpu.memory_space<vmem>>
        %dma_start3A_1280 = tpu.memref_squeeze %dma_start3A_1279 : memref<1x16xi32, #tpu.memory_space<vmem>> -> memref<16xi32, #tpu.memory_space<vmem>>
        %dma_start3A_1281 = arith.constant 0 : i32
        %dma_start3A_1282 = arith.constant 0 : i32
        %dma_start3A_1283 = tpu.memref_slice %arg2[%dma_start3A_1281, %dma_start3A_1282] : memref<320000x128xf32, #tpu.memory_space<hbm>> -> memref<320000x128xf32, #tpu.memory_space<hbm>>
        tpu.enqueue_indirect_dma source(%dma_start3A_1283 : memref<320000x128xf32, #tpu.memory_space<hbm>>) target(%arg10 : memref<16x128xf32, #tpu.memory_space<vmem>>) offsets(%dma_start3A_1280 : memref<16xi32, #tpu.memory_space<vmem>>) semaphore(%arg15 : memref<!tpu.dma_semaphore, #tpu.memory_space<semaphore_mem>>) {add = true}
        %get3A_1284 = arith.constant 432 : index
        %get3A_1285 = tpu.vector_load %arg6[%get3A_1284] {strides = array<i32>} : memref<512xi32, #tpu.memory_space<vmem>>, vector<16xi32>,
        %get3A_1286 = vector.shape_cast %get3A_1285 : vector<16xi32> to vector<16xi32>
        %add3A_1287 = arith.constant 270000 : i32
        %add3A_1288 = vector.broadcast %add3A_1287 : i32 to vector<16xi32>
        %add3A_1289 = arith.addi %get3A_1286, %add3A_1288 : vector<16xi32>
        %swap3A_1290 = arith.constant 27 : i32
        %swap3A_1291 = arith.index_cast %swap3A_1290 : i32 to index
        %swap3A_1292 = arith.constant 0 : index
        %swap3A_1293 = tpu.vector_load %arg8[%swap3A_1291, %swap3A_1292] {strides = array<i32>} : memref<32x16xi32, #tpu.memory_space<vmem>>, vector<1x16xi32>,
        %swap3A_1294 = vector.shape_cast %swap3A_1293 : vector<1x16xi32> to vector<16xi32>
        %swap3A_1295 = vector.shape_cast %add3A_1289 : vector<16xi32> to vector<1x16xi32>
        tpu.vector_store %arg8[%swap3A_1291, %swap3A_1292], %swap3A_1295 {strides = array<i32>} : memref<32x16xi32, #tpu.memory_space<vmem>>, vector<1x16xi32>,
        %dma_start3A_1296 = arith.constant 27 : i32
        %dma_start3A_1297 = arith.constant 0 : i32
        %dma_start3A_1298 = tpu.memref_slice %arg8[%dma_start3A_1296, %dma_start3A_1297] : memref<32x16xi32, #tpu.memory_space<vmem>> -> memref<1x16xi32, #tpu.memory_space<vmem>>
        %dma_start3A_1299 = tpu.memref_squeeze %dma_start3A_1298 : memref<1x16xi32, #tpu.memory_space<vmem>> -> memref<16xi32, #tpu.memory_space<vmem>>
        %dma_start3A_1300 = arith.constant 0 : i32
        %dma_start3A_1301 = arith.constant 0 : i32
        %dma_start3A_1302 = tpu.memref_slice %arg2[%dma_start3A_1300, %dma_start3A_1301] : memref<320000x128xf32, #tpu.memory_space<hbm>> -> memref<320000x128xf32, #tpu.memory_space<hbm>>
        tpu.enqueue_indirect_dma source(%dma_start3A_1302 : memref<320000x128xf32, #tpu.memory_space<hbm>>) target(%arg10 : memref<16x128xf32, #tpu.memory_space<vmem>>) offsets(%dma_start3A_1299 : memref<16xi32, #tpu.memory_space<vmem>>) semaphore(%arg15 : memref<!tpu.dma_semaphore, #tpu.memory_space<semaphore_mem>>) {add = true}
        %get3A_1303 = arith.constant 448 : index
        %get3A_1304 = tpu.vector_load %arg6[%get3A_1303] {strides = array<i32>} : memref<512xi32, #tpu.memory_space<vmem>>, vector<16xi32>,
        %get3A_1305 = vector.shape_cast %get3A_1304 : vector<16xi32> to vector<16xi32>
        %add3A_1306 = arith.constant 280000 : i32
        %add3A_1307 = vector.broadcast %add3A_1306 : i32 to vector<16xi32>
        %add3A_1308 = arith.addi %get3A_1305, %add3A_1307 : vector<16xi32>
        %swap3A_1309 = arith.constant 28 : i32
        %swap3A_1310 = arith.index_cast %swap3A_1309 : i32 to index
        %swap3A_1311 = arith.constant 0 : index
        %swap3A_1312 = tpu.vector_load %arg8[%swap3A_1310, %swap3A_1311] {strides = array<i32>} : memref<32x16xi32, #tpu.memory_space<vmem>>, vector<1x16xi32>,
        %swap3A_1313 = vector.shape_cast %swap3A_1312 : vector<1x16xi32> to vector<16xi32>
        %swap3A_1314 = vector.shape_cast %add3A_1308 : vector<16xi32> to vector<1x16xi32>
        tpu.vector_store %arg8[%swap3A_1310, %swap3A_1311], %swap3A_1314 {strides = array<i32>} : memref<32x16xi32, #tpu.memory_space<vmem>>, vector<1x16xi32>,
        %dma_start3A_1315 = arith.constant 28 : i32
        %dma_start3A_1316 = arith.constant 0 : i32
        %dma_start3A_1317 = tpu.memref_slice %arg8[%dma_start3A_1315, %dma_start3A_1316] : memref<32x16xi32, #tpu.memory_space<vmem>> -> memref<1x16xi32, #tpu.memory_space<vmem>>
        %dma_start3A_1318 = tpu.memref_squeeze %dma_start3A_1317 : memref<1x16xi32, #tpu.memory_space<vmem>> -> memref<16xi32, #tpu.memory_space<vmem>>
        %dma_start3A_1319 = arith.constant 0 : i32
        %dma_start3A_1320 = arith.constant 0 : i32
        %dma_start3A_1321 = tpu.memref_slice %arg2[%dma_start3A_1319, %dma_start3A_1320] : memref<320000x128xf32, #tpu.memory_space<hbm>> -> memref<320000x128xf32, #tpu.memory_space<hbm>>
        tpu.enqueue_indirect_dma source(%dma_start3A_1321 : memref<320000x128xf32, #tpu.memory_space<hbm>>) target(%arg10 : memref<16x128xf32, #tpu.memory_space<vmem>>) offsets(%dma_start3A_1318 : memref<16xi32, #tpu.memory_space<vmem>>) semaphore(%arg15 : memref<!tpu.dma_semaphore, #tpu.memory_space<semaphore_mem>>) {add = true}
        %get3A_1322 = arith.constant 464 : index
        %get3A_1323 = tpu.vector_load %arg6[%get3A_1322] {strides = array<i32>} : memref<512xi32, #tpu.memory_space<vmem>>, vector<16xi32>,
        %get3A_1324 = vector.shape_cast %get3A_1323 : vector<16xi32> to vector<16xi32>
        %add3A_1325 = arith.constant 290000 : i32
        %add3A_1326 = vector.broadcast %add3A_1325 : i32 to vector<16xi32>
        %add3A_1327 = arith.addi %get3A_1324, %add3A_1326 : vector<16xi32>
        %swap3A_1328 = arith.constant 29 : i32
        %swap3A_1329 = arith.index_cast %swap3A_1328 : i32 to index
        %swap3A_1330 = arith.constant 0 : index
        %swap3A_1331 = tpu.vector_load %arg8[%swap3A_1329, %swap3A_1330] {strides = array<i32>} : memref<32x16xi32, #tpu.memory_space<vmem>>, vector<1x16xi32>,
        %swap3A_1332 = vector.shape_cast %swap3A_1331 : vector<1x16xi32> to vector<16xi32>
        %swap3A_1333 = vector.shape_cast %add3A_1327 : vector<16xi32> to vector<1x16xi32>
        tpu.vector_store %arg8[%swap3A_1329, %swap3A_1330], %swap3A_1333 {strides = array<i32>} : memref<32x16xi32, #tpu.memory_space<vmem>>, vector<1x16xi32>,
        %dma_start3A_1334 = arith.constant 29 : i32
        %dma_start3A_1335 = arith.constant 0 : i32
        %dma_start3A_1336 = tpu.memref_slice %arg8[%dma_start3A_1334, %dma_start3A_1335] : memref<32x16xi32, #tpu.memory_space<vmem>> -> memref<1x16xi32, #tpu.memory_space<vmem>>
        %dma_start3A_1337 = tpu.memref_squeeze %dma_start3A_1336 : memref<1x16xi32, #tpu.memory_space<vmem>> -> memref<16xi32, #tpu.memory_space<vmem>>
        %dma_start3A_1338 = arith.constant 0 : i32
        %dma_start3A_1339 = arith.constant 0 : i32
        %dma_start3A_1340 = tpu.memref_slice %arg2[%dma_start3A_1338, %dma_start3A_1339] : memref<320000x128xf32, #tpu.memory_space<hbm>> -> memref<320000x128xf32, #tpu.memory_space<hbm>>
        tpu.enqueue_indirect_dma source(%dma_start3A_1340 : memref<320000x128xf32, #tpu.memory_space<hbm>>) target(%arg10 : memref<16x128xf32, #tpu.memory_space<vmem>>) offsets(%dma_start3A_1337 : memref<16xi32, #tpu.memory_space<vmem>>) semaphore(%arg15 : memref<!tpu.dma_semaphore, #tpu.memory_space<semaphore_mem>>) {add = true}
        %get3A_1341 = arith.constant 480 : index
        %get3A_1342 = tpu.vector_load %arg6[%get3A_1341] {strides = array<i32>} : memref<512xi32, #tpu.memory_space<vmem>>, vector<16xi32>,
        %get3A_1343 = vector.shape_cast %get3A_1342 : vector<16xi32> to vector<16xi32>
        %add3A_1344 = arith.constant 300000 : i32
        %add3A_1345 = vector.broadcast %add3A_1344 : i32 to vector<16xi32>
        %add3A_1346 = arith.addi %get3A_1343, %add3A_1345 : vector<16xi32>
        %swap3A_1347 = arith.constant 30 : i32
        %swap3A_1348 = arith.index_cast %swap3A_1347 : i32 to index
        %swap3A_1349 = arith.constant 0 : index
        %swap3A_1350 = tpu.vector_load %arg8[%swap3A_1348, %swap3A_1349] {strides = array<i32>} : memref<32x16xi32, #tpu.memory_space<vmem>>, vector<1x16xi32>,
        %swap3A_1351 = vector.shape_cast %swap3A_1350 : vector<1x16xi32> to vector<16xi32>
        %swap3A_1352 = vector.shape_cast %add3A_1346 : vector<16xi32> to vector<1x16xi32>
        tpu.vector_store %arg8[%swap3A_1348, %swap3A_1349], %swap3A_1352 {strides = array<i32>} : memref<32x16xi32, #tpu.memory_space<vmem>>, vector<1x16xi32>,
        %dma_start3A_1353 = arith.constant 30 : i32
        %dma_start3A_1354 = arith.constant 0 : i32
        %dma_start3A_1355 = tpu.memref_slice %arg8[%dma_start3A_1353, %dma_start3A_1354] : memref<32x16xi32, #tpu.memory_space<vmem>> -> memref<1x16xi32, #tpu.memory_space<vmem>>
        %dma_start3A_1356 = tpu.memref_squeeze %dma_start3A_1355 : memref<1x16xi32, #tpu.memory_space<vmem>> -> memref<16xi32, #tpu.memory_space<vmem>>
        %dma_start3A_1357 = arith.constant 0 : i32
        %dma_start3A_1358 = arith.constant 0 : i32
        %dma_start3A_1359 = tpu.memref_slice %arg2[%dma_start3A_1357, %dma_start3A_1358] : memref<320000x128xf32, #tpu.memory_space<hbm>> -> memref<320000x128xf32, #tpu.memory_space<hbm>>
        tpu.enqueue_indirect_dma source(%dma_start3A_1359 : memref<320000x128xf32, #tpu.memory_space<hbm>>) target(%arg10 : memref<16x128xf32, #tpu.memory_space<vmem>>) offsets(%dma_start3A_1356 : memref<16xi32, #tpu.memory_space<vmem>>) semaphore(%arg15 : memref<!tpu.dma_semaphore, #tpu.memory_space<semaphore_mem>>) {add = true}
        %get3A_1360 = arith.constant 496 : index
        %get3A_1361 = tpu.vector_load %arg6[%get3A_1360] {strides = array<i32>} : memref<512xi32, #tpu.memory_space<vmem>>, vector<16xi32>,
        %get3A_1362 = vector.shape_cast %get3A_1361 : vector<16xi32> to vector<16xi32>
        %add3A_1363 = arith.constant 310000 : i32
        %add3A_1364 = vector.broadcast %add3A_1363 : i32 to vector<16xi32>
        %add3A_1365 = arith.addi %get3A_1362, %add3A_1364 : vector<16xi32>
        %swap3A_1366 = arith.constant 31 : i32
        %swap3A_1367 = arith.index_cast %swap3A_1366 : i32 to index
        %swap3A_1368 = arith.constant 0 : index
        %swap3A_1369 = tpu.vector_load %arg8[%swap3A_1367, %swap3A_1368] {strides = array<i32>} : memref<32x16xi32, #tpu.memory_space<vmem>>, vector<1x16xi32>,
        %swap3A_1370 = vector.shape_cast %swap3A_1369 : vector<1x16xi32> to vector<16xi32>
        %swap3A_1371 = vector.shape_cast %add3A_1365 : vector<16xi32> to vector<1x16xi32>
        tpu.vector_store %arg8[%swap3A_1367, %swap3A_1368], %swap3A_1371 {strides = array<i32>} : memref<32x16xi32, #tpu.memory_space<vmem>>, vector<1x16xi32>,
        %dma_start3A_1372 = arith.constant 31 : i32
        %dma_start3A_1373 = arith.constant 0 : i32
        %dma_start3A_1374 = tpu.memref_slice %arg8[%dma_start3A_1372, %dma_start3A_1373] : memref<32x16xi32, #tpu.memory_space<vmem>> -> memref<1x16xi32, #tpu.memory_space<vmem>>
        %dma_start3A_1375 = tpu.memref_squeeze %dma_start3A_1374 : memref<1x16xi32, #tpu.memory_space<vmem>> -> memref<16xi32, #tpu.memory_space<vmem>>
        %dma_start3A_1376 = arith.constant 0 : i32
        %dma_start3A_1377 = arith.constant 0 : i32
        %dma_start3A_1378 = tpu.memref_slice %arg2[%dma_start3A_1376, %dma_start3A_1377] : memref<320000x128xf32, #tpu.memory_space<hbm>> -> memref<320000x128xf32, #tpu.memory_space<hbm>>
        tpu.enqueue_indirect_dma source(%dma_start3A_1378 : memref<320000x128xf32, #tpu.memory_space<hbm>>) target(%arg10 : memref<16x128xf32, #tpu.memory_space<vmem>>) offsets(%dma_start3A_1375 : memref<16xi32, #tpu.memory_space<vmem>>) semaphore(%arg15 : memref<!tpu.dma_semaphore, #tpu.memory_space<semaphore_mem>>) {add = true}
      } else {
      }
      %add3A_707 = arith.constant 2 : i32
      %add3A_708 = arith.addi %add3A_699, %add3A_707 : i32
      %lt3A_709 = arith.constant 20 : i32
      %lt3A_710 = arith.cmpi slt, %add3A_708, %lt3A_709 : i32
      %convert_element_type3A_711 = arith.extui %lt3A_710 : i1 to i32
      %cond3A_712 = arith.constant 0 : i32
      %cond3A_713 = arith.cmpi ne, %convert_element_type3A_711, %cond3A_712 : i32
      scf.if %cond3A_713 {
        %add3A_744 = arith.constant 2 : i32
        %add3A_745 = arith.addi %add3A_699, %add3A_744 : i32
        %mul3A_746 = arith.constant 32 : i32
        %mul3A_747 = arith.muli %add3A_745, %mul3A_746 : i32
        %add3A_748 = arith.addi %add3A, %mul3A_747 : i32
        %min3A_749 = arith.constant 624 : i32
        %min3A_750 = arith.minsi %add3A_748, %min3A_749 : i32
        %mul3A_751 = arith.constant 512 : i32
        %mul3A_752 = arith.muli %min3A_750, %mul3A_751 : i32
        %dma_start3A_753 = tpu.memref_slice %arg3[%mul3A_752] : memref<320000xi32, #tpu.memory_space<hbm>> -> memref<512xi32, #tpu.memory_space<hbm>>
        %dma_start3A_754 = tpu.memref_slice %arg3[%mul3A_752] : memref<320000xi32, #tpu.memory_space<hbm>> -> memref<512xi32, #tpu.memory_space<hbm>>
        tpu.enqueue_dma source(%dma_start3A_754 : memref<512xi32, #tpu.memory_space<hbm>>) target(%arg7 : memref<512xi32, #tpu.memory_space<vmem>>) target_semaphore(%arg14 : memref<!tpu.dma_semaphore, #tpu.memory_space<semaphore_mem>>)
      } else {
      }
      %scan3A_714 = arith.constant 0 : i32
      %scan3A_715 = arith.constant 0 : i32
      %scan3A_716 = arith.constant 32 : i32
      %scan3A_717 = arith.addi %scan3A_715, %scan3A_716 : i32
      %scan3A_718 = arith.constant 1 : i32
      scf.for %scan3A_744 = %scan3A_715 to %scan3A_717 step %scan3A_718  : i32 {
        %dma_wait3A_745 = arith.constant 0 : i32
        %dma_wait3A_746 = arith.constant 0 : i32
        %dma_wait3A_747 = tpu.memref_slice %arg9[%dma_wait3A_745, %dma_wait3A_746] : memref<32x16xi32, #tpu.memory_space<vmem>> -> memref<1x16xi32, #tpu.memory_space<vmem>>
        %dma_wait3A_748 = tpu.memref_squeeze %dma_wait3A_747 : memref<1x16xi32, #tpu.memory_space<vmem>> -> memref<16xi32, #tpu.memory_space<vmem>>
        %dma_wait3A_749 = arith.constant 0 : i32
        %dma_wait3A_750 = arith.constant 0 : i32
        %dma_wait3A_751 = tpu.memref_slice %arg2[%dma_wait3A_749, %dma_wait3A_750] : memref<320000x128xf32, #tpu.memory_space<hbm>> -> memref<320000x128xf32, #tpu.memory_space<hbm>>
        tpu.wait_indirect_dma semaphore(%arg16 : memref<!tpu.dma_semaphore, #tpu.memory_space<semaphore_mem>>) src(%dma_wait3A_751 : memref<320000x128xf32, #tpu.memory_space<hbm>>) dst(%arg11 : memref<16x128xf32, #tpu.memory_space<vmem>>)
      }
      %scan3A_719 = arith.constant 32 : i32
      %mul3A_720 = arith.constant 32 : i32
      %mul3A_721 = arith.muli %add3A_699, %mul3A_720 : i32
      %add3A_722 = arith.addi %add3A, %mul3A_721 : i32
      %min3A_723 = arith.constant 624 : i32
      %min3A_724 = arith.minsi %add3A_722, %min3A_723 : i32
      %scan3A_725 = arith.constant 0 : i32
      %scan3A_726 = arith.constant 0 : i32
      %scan3A_727 = arith.constant 16 : i32
      %scan3A_728 = arith.addi %scan3A_726, %scan3A_727 : i32
      %scan3A_729 = arith.constant 1 : i32
      scf.for %scan3A_744 = %scan3A_726 to %scan3A_728 step %scan3A_729  : i32 {
        %get3A_745 = arith.index_cast %scan3A_744 : i32 to index
        %get3A_746 = arith.constant 0 : index
        %get3A_747 = tpu.vector_load %arg11[%get3A_745, %get3A_746] {strides = array<i32>} : memref<16x128xf32, #tpu.memory_space<vmem>>, vector<1x16xf32>,
        %get3A_748 = vector.shape_cast %get3A_747 : vector<1x16xf32> to vector<16xf32>
        %gt3A = arith.constant 0.000000e+00 : f32
        %gt3A_749 = vector.broadcast %gt3A : f32 to vector<16xf32>
        %gt3A_750 = arith.cmpf ogt, %get3A_748, %gt3A_749 : vector<16xf32>
        %min3A_751 = arith.constant 0.000000e+00 : f32
        %min3A_752 = vector.broadcast %min3A_751 : f32 to vector<16xf32>
        %min3A_753 = arith.minimumf %get3A_748, %min3A_752 : vector<16xf32>
        %exp3A = math.exp %min3A_753 : vector<16xf32>
        %sub3A = arith.constant 1.000000e+00 : f32
        %sub3A_754 = vector.broadcast %sub3A : f32 to vector<16xf32>
        %sub3A_755 = arith.subf %exp3A, %sub3A_754 : vector<16xf32>
        %select_n3A = arith.select %gt3A_750, %get3A_748, %sub3A_755 : vector<16xi1>, vector<16xf32>
        %swap3A_756 = arith.index_cast %scan3A_744 : i32 to index
        %swap3A_757 = arith.constant 0 : index
        %swap3A_758 = tpu.vector_load %arg11[%swap3A_756, %swap3A_757] {strides = array<i32>} : memref<16x128xf32, #tpu.memory_space<vmem>>, vector<1x16xf32>,
        %swap3A_759 = vector.shape_cast %swap3A_758 : vector<1x16xf32> to vector<16xf32>
        %swap3A_760 = vector.shape_cast %select_n3A : vector<16xf32> to vector<1x16xf32>
        tpu.vector_store %arg11[%swap3A_756, %swap3A_757], %swap3A_760 {strides = array<i32>} : memref<16x128xf32, #tpu.memory_space<vmem>>, vector<1x16xf32>,
        %get3A_761 = arith.index_cast %scan3A_744 : i32 to index
        %get3A_762 = arith.constant 16 : index
        %get3A_763 = tpu.vector_load %arg11[%get3A_761, %get3A_762] {strides = array<i32>} : memref<16x128xf32, #tpu.memory_space<vmem>>, vector<1x16xf32>,
        %get3A_764 = vector.shape_cast %get3A_763 : vector<1x16xf32> to vector<16xf32>
        %gt3A_765 = arith.constant 0.000000e+00 : f32
        %gt3A_766 = vector.broadcast %gt3A_765 : f32 to vector<16xf32>
        %gt3A_767 = arith.cmpf ogt, %get3A_764, %gt3A_766 : vector<16xf32>
        %min3A_768 = arith.constant 0.000000e+00 : f32
        %min3A_769 = vector.broadcast %min3A_768 : f32 to vector<16xf32>
        %min3A_770 = arith.minimumf %get3A_764, %min3A_769 : vector<16xf32>
        %exp3A_771 = math.exp %min3A_770 : vector<16xf32>
        %sub3A_772 = arith.constant 1.000000e+00 : f32
        %sub3A_773 = vector.broadcast %sub3A_772 : f32 to vector<16xf32>
        %sub3A_774 = arith.subf %exp3A_771, %sub3A_773 : vector<16xf32>
        %select_n3A_775 = arith.select %gt3A_767, %get3A_764, %sub3A_774 : vector<16xi1>, vector<16xf32>
        %swap3A_776 = arith.index_cast %scan3A_744 : i32 to index
        %swap3A_777 = arith.constant 16 : index
        %swap3A_778 = tpu.vector_load %arg11[%swap3A_776, %swap3A_777] {strides = array<i32>} : memref<16x128xf32, #tpu.memory_space<vmem>>, vector<1x16xf32>,
        %swap3A_779 = vector.shape_cast %swap3A_778 : vector<1x16xf32> to vector<16xf32>
        %swap3A_780 = vector.shape_cast %select_n3A_775 : vector<16xf32> to vector<1x16xf32>
        tpu.vector_store %arg11[%swap3A_776, %swap3A_777], %swap3A_780 {strides = array<i32>} : memref<16x128xf32, #tpu.memory_space<vmem>>, vector<1x16xf32>,
        %get3A_781 = arith.index_cast %scan3A_744 : i32 to index
        %get3A_782 = arith.constant 32 : index
        %get3A_783 = tpu.vector_load %arg11[%get3A_781, %get3A_782] {strides = array<i32>} : memref<16x128xf32, #tpu.memory_space<vmem>>, vector<1x16xf32>,
        %get3A_784 = vector.shape_cast %get3A_783 : vector<1x16xf32> to vector<16xf32>
        %gt3A_785 = arith.constant 0.000000e+00 : f32
        %gt3A_786 = vector.broadcast %gt3A_785 : f32 to vector<16xf32>
        %gt3A_787 = arith.cmpf ogt, %get3A_784, %gt3A_786 : vector<16xf32>
        %min3A_788 = arith.constant 0.000000e+00 : f32
        %min3A_789 = vector.broadcast %min3A_788 : f32 to vector<16xf32>
        %min3A_790 = arith.minimumf %get3A_784, %min3A_789 : vector<16xf32>
        %exp3A_791 = math.exp %min3A_790 : vector<16xf32>
        %sub3A_792 = arith.constant 1.000000e+00 : f32
        %sub3A_793 = vector.broadcast %sub3A_792 : f32 to vector<16xf32>
        %sub3A_794 = arith.subf %exp3A_791, %sub3A_793 : vector<16xf32>
        %select_n3A_795 = arith.select %gt3A_787, %get3A_784, %sub3A_794 : vector<16xi1>, vector<16xf32>
        %swap3A_796 = arith.index_cast %scan3A_744 : i32 to index
        %swap3A_797 = arith.constant 32 : index
        %swap3A_798 = tpu.vector_load %arg11[%swap3A_796, %swap3A_797] {strides = array<i32>} : memref<16x128xf32, #tpu.memory_space<vmem>>, vector<1x16xf32>,
        %swap3A_799 = vector.shape_cast %swap3A_798 : vector<1x16xf32> to vector<16xf32>
        %swap3A_800 = vector.shape_cast %select_n3A_795 : vector<16xf32> to vector<1x16xf32>
        tpu.vector_store %arg11[%swap3A_796, %swap3A_797], %swap3A_800 {strides = array<i32>} : memref<16x128xf32, #tpu.memory_space<vmem>>, vector<1x16xf32>,
        %get3A_801 = arith.index_cast %scan3A_744 : i32 to index
        %get3A_802 = arith.constant 48 : index
        %get3A_803 = tpu.vector_load %arg11[%get3A_801, %get3A_802] {strides = array<i32>} : memref<16x128xf32, #tpu.memory_space<vmem>>, vector<1x16xf32>,
        %get3A_804 = vector.shape_cast %get3A_803 : vector<1x16xf32> to vector<16xf32>
        %gt3A_805 = arith.constant 0.000000e+00 : f32
        %gt3A_806 = vector.broadcast %gt3A_805 : f32 to vector<16xf32>
        %gt3A_807 = arith.cmpf ogt, %get3A_804, %gt3A_806 : vector<16xf32>
        %min3A_808 = arith.constant 0.000000e+00 : f32
        %min3A_809 = vector.broadcast %min3A_808 : f32 to vector<16xf32>
        %min3A_810 = arith.minimumf %get3A_804, %min3A_809 : vector<16xf32>
        %exp3A_811 = math.exp %min3A_810 : vector<16xf32>
        %sub3A_812 = arith.constant 1.000000e+00 : f32
        %sub3A_813 = vector.broadcast %sub3A_812 : f32 to vector<16xf32>
        %sub3A_814 = arith.subf %exp3A_811, %sub3A_813 : vector<16xf32>
        %select_n3A_815 = arith.select %gt3A_807, %get3A_804, %sub3A_814 : vector<16xi1>, vector<16xf32>
        %swap3A_816 = arith.index_cast %scan3A_744 : i32 to index
        %swap3A_817 = arith.constant 48 : index
        %swap3A_818 = tpu.vector_load %arg11[%swap3A_816, %swap3A_817] {strides = array<i32>} : memref<16x128xf32, #tpu.memory_space<vmem>>, vector<1x16xf32>,
        %swap3A_819 = vector.shape_cast %swap3A_818 : vector<1x16xf32> to vector<16xf32>
        %swap3A_820 = vector.shape_cast %select_n3A_815 : vector<16xf32> to vector<1x16xf32>
        tpu.vector_store %arg11[%swap3A_816, %swap3A_817], %swap3A_820 {strides = array<i32>} : memref<16x128xf32, #tpu.memory_space<vmem>>, vector<1x16xf32>,
        %get3A_821 = arith.index_cast %scan3A_744 : i32 to index
        %get3A_822 = arith.constant 64 : index
        %get3A_823 = tpu.vector_load %arg11[%get3A_821, %get3A_822] {strides = array<i32>} : memref<16x128xf32, #tpu.memory_space<vmem>>, vector<1x16xf32>,
        %get3A_824 = vector.shape_cast %get3A_823 : vector<1x16xf32> to vector<16xf32>
        %gt3A_825 = arith.constant 0.000000e+00 : f32
        %gt3A_826 = vector.broadcast %gt3A_825 : f32 to vector<16xf32>
        %gt3A_827 = arith.cmpf ogt, %get3A_824, %gt3A_826 : vector<16xf32>
        %min3A_828 = arith.constant 0.000000e+00 : f32
        %min3A_829 = vector.broadcast %min3A_828 : f32 to vector<16xf32>
        %min3A_830 = arith.minimumf %get3A_824, %min3A_829 : vector<16xf32>
        %exp3A_831 = math.exp %min3A_830 : vector<16xf32>
        %sub3A_832 = arith.constant 1.000000e+00 : f32
        %sub3A_833 = vector.broadcast %sub3A_832 : f32 to vector<16xf32>
        %sub3A_834 = arith.subf %exp3A_831, %sub3A_833 : vector<16xf32>
        %select_n3A_835 = arith.select %gt3A_827, %get3A_824, %sub3A_834 : vector<16xi1>, vector<16xf32>
        %swap3A_836 = arith.index_cast %scan3A_744 : i32 to index
        %swap3A_837 = arith.constant 64 : index
        %swap3A_838 = tpu.vector_load %arg11[%swap3A_836, %swap3A_837] {strides = array<i32>} : memref<16x128xf32, #tpu.memory_space<vmem>>, vector<1x16xf32>,
        %swap3A_839 = vector.shape_cast %swap3A_838 : vector<1x16xf32> to vector<16xf32>
        %swap3A_840 = vector.shape_cast %select_n3A_835 : vector<16xf32> to vector<1x16xf32>
        tpu.vector_store %arg11[%swap3A_836, %swap3A_837], %swap3A_840 {strides = array<i32>} : memref<16x128xf32, #tpu.memory_space<vmem>>, vector<1x16xf32>,
        %get3A_841 = arith.index_cast %scan3A_744 : i32 to index
        %get3A_842 = arith.constant 80 : index
        %get3A_843 = tpu.vector_load %arg11[%get3A_841, %get3A_842] {strides = array<i32>} : memref<16x128xf32, #tpu.memory_space<vmem>>, vector<1x16xf32>,
        %get3A_844 = vector.shape_cast %get3A_843 : vector<1x16xf32> to vector<16xf32>
        %gt3A_845 = arith.constant 0.000000e+00 : f32
        %gt3A_846 = vector.broadcast %gt3A_845 : f32 to vector<16xf32>
        %gt3A_847 = arith.cmpf ogt, %get3A_844, %gt3A_846 : vector<16xf32>
        %min3A_848 = arith.constant 0.000000e+00 : f32
        %min3A_849 = vector.broadcast %min3A_848 : f32 to vector<16xf32>
        %min3A_850 = arith.minimumf %get3A_844, %min3A_849 : vector<16xf32>
        %exp3A_851 = math.exp %min3A_850 : vector<16xf32>
        %sub3A_852 = arith.constant 1.000000e+00 : f32
        %sub3A_853 = vector.broadcast %sub3A_852 : f32 to vector<16xf32>
        %sub3A_854 = arith.subf %exp3A_851, %sub3A_853 : vector<16xf32>
        %select_n3A_855 = arith.select %gt3A_847, %get3A_844, %sub3A_854 : vector<16xi1>, vector<16xf32>
        %swap3A_856 = arith.index_cast %scan3A_744 : i32 to index
        %swap3A_857 = arith.constant 80 : index
        %swap3A_858 = tpu.vector_load %arg11[%swap3A_856, %swap3A_857] {strides = array<i32>} : memref<16x128xf32, #tpu.memory_space<vmem>>, vector<1x16xf32>,
        %swap3A_859 = vector.shape_cast %swap3A_858 : vector<1x16xf32> to vector<16xf32>
        %swap3A_860 = vector.shape_cast %select_n3A_855 : vector<16xf32> to vector<1x16xf32>
        tpu.vector_store %arg11[%swap3A_856, %swap3A_857], %swap3A_860 {strides = array<i32>} : memref<16x128xf32, #tpu.memory_space<vmem>>, vector<1x16xf32>,
        %get3A_861 = arith.index_cast %scan3A_744 : i32 to index
        %get3A_862 = arith.constant 96 : index
        %get3A_863 = tpu.vector_load %arg11[%get3A_861, %get3A_862] {strides = array<i32>} : memref<16x128xf32, #tpu.memory_space<vmem>>, vector<1x16xf32>,
        %get3A_864 = vector.shape_cast %get3A_863 : vector<1x16xf32> to vector<16xf32>
        %gt3A_865 = arith.constant 0.000000e+00 : f32
        %gt3A_866 = vector.broadcast %gt3A_865 : f32 to vector<16xf32>
        %gt3A_867 = arith.cmpf ogt, %get3A_864, %gt3A_866 : vector<16xf32>
        %min3A_868 = arith.constant 0.000000e+00 : f32
        %min3A_869 = vector.broadcast %min3A_868 : f32 to vector<16xf32>
        %min3A_870 = arith.minimumf %get3A_864, %min3A_869 : vector<16xf32>
        %exp3A_871 = math.exp %min3A_870 : vector<16xf32>
        %sub3A_872 = arith.constant 1.000000e+00 : f32
        %sub3A_873 = vector.broadcast %sub3A_872 : f32 to vector<16xf32>
        %sub3A_874 = arith.subf %exp3A_871, %sub3A_873 : vector<16xf32>
        %select_n3A_875 = arith.select %gt3A_867, %get3A_864, %sub3A_874 : vector<16xi1>, vector<16xf32>
        %swap3A_876 = arith.index_cast %scan3A_744 : i32 to index
        %swap3A_877 = arith.constant 96 : index
        %swap3A_878 = tpu.vector_load %arg11[%swap3A_876, %swap3A_877] {strides = array<i32>} : memref<16x128xf32, #tpu.memory_space<vmem>>, vector<1x16xf32>,
        %swap3A_879 = vector.shape_cast %swap3A_878 : vector<1x16xf32> to vector<16xf32>
        %swap3A_880 = vector.shape_cast %select_n3A_875 : vector<16xf32> to vector<1x16xf32>
        tpu.vector_store %arg11[%swap3A_876, %swap3A_877], %swap3A_880 {strides = array<i32>} : memref<16x128xf32, #tpu.memory_space<vmem>>, vector<1x16xf32>,
        %get3A_881 = arith.index_cast %scan3A_744 : i32 to index
        %get3A_882 = arith.constant 112 : index
        %get3A_883 = tpu.vector_load %arg11[%get3A_881, %get3A_882] {strides = array<i32>} : memref<16x128xf32, #tpu.memory_space<vmem>>, vector<1x16xf32>,
        %get3A_884 = vector.shape_cast %get3A_883 : vector<1x16xf32> to vector<16xf32>
        %gt3A_885 = arith.constant 0.000000e+00 : f32
        %gt3A_886 = vector.broadcast %gt3A_885 : f32 to vector<16xf32>
        %gt3A_887 = arith.cmpf ogt, %get3A_884, %gt3A_886 : vector<16xf32>
        %min3A_888 = arith.constant 0.000000e+00 : f32
        %min3A_889 = vector.broadcast %min3A_888 : f32 to vector<16xf32>
        %min3A_890 = arith.minimumf %get3A_884, %min3A_889 : vector<16xf32>
        %exp3A_891 = math.exp %min3A_890 : vector<16xf32>
        %sub3A_892 = arith.constant 1.000000e+00 : f32
        %sub3A_893 = vector.broadcast %sub3A_892 : f32 to vector<16xf32>
        %sub3A_894 = arith.subf %exp3A_891, %sub3A_893 : vector<16xf32>
        %select_n3A_895 = arith.select %gt3A_887, %get3A_884, %sub3A_894 : vector<16xi1>, vector<16xf32>
        %swap3A_896 = arith.index_cast %scan3A_744 : i32 to index
        %swap3A_897 = arith.constant 112 : index
        %swap3A_898 = tpu.vector_load %arg11[%swap3A_896, %swap3A_897] {strides = array<i32>} : memref<16x128xf32, #tpu.memory_space<vmem>>, vector<1x16xf32>,
        %swap3A_899 = vector.shape_cast %swap3A_898 : vector<1x16xf32> to vector<16xf32>
        %swap3A_900 = vector.shape_cast %select_n3A_895 : vector<16xf32> to vector<1x16xf32>
        tpu.vector_store %arg11[%swap3A_896, %swap3A_897], %swap3A_900 {strides = array<i32>} : memref<16x128xf32, #tpu.memory_space<vmem>>, vector<1x16xf32>,
      }
      %scan3A_730 = arith.constant 16 : i32
      %eq3A_731 = arith.constant 624 : i32
      %eq3A_732 = arith.cmpi eq, %min3A_724, %eq3A_731 : i32
      %convert_element_type3A_733 = arith.extui %eq3A_732 : i1 to i32
      %cond3A_734 = arith.constant 0 : i32
      %cond3A_735 = arith.cmpi ne, %convert_element_type3A_733, %cond3A_734 : i32
      scf.if %cond3A_735 {
        %broadcast_in_dim3A = arith.constant 0.000000e+00 : f32
        %broadcast_in_dim3A_744 = vector.broadcast %broadcast_in_dim3A : f32 to vector<16xf32>
        %swap3A_745 = arith.constant 15 : i32
        %swap3A_746 = arith.index_cast %swap3A_745 : i32 to index
        %swap3A_747 = arith.constant 0 : index
        %swap3A_748 = tpu.vector_load %arg11[%swap3A_746, %swap3A_747] {strides = array<i32>} : memref<16x128xf32, #tpu.memory_space<vmem>>, vector<1x16xf32>,
        %swap3A_749 = vector.shape_cast %swap3A_748 : vector<1x16xf32> to vector<16xf32>
        %swap3A_750 = vector.shape_cast %broadcast_in_dim3A_744 : vector<16xf32> to vector<1x16xf32>
        tpu.vector_store %arg11[%swap3A_746, %swap3A_747], %swap3A_750 {strides = array<i32>} : memref<16x128xf32, #tpu.memory_space<vmem>>, vector<1x16xf32>,
        %swap3A_751 = arith.constant 15 : i32
        %swap3A_752 = arith.index_cast %swap3A_751 : i32 to index
        %swap3A_753 = arith.constant 16 : index
        %swap3A_754 = tpu.vector_load %arg11[%swap3A_752, %swap3A_753] {strides = array<i32>} : memref<16x128xf32, #tpu.memory_space<vmem>>, vector<1x16xf32>,
        %swap3A_755 = vector.shape_cast %swap3A_754 : vector<1x16xf32> to vector<16xf32>
        %swap3A_756 = vector.shape_cast %broadcast_in_dim3A_744 : vector<16xf32> to vector<1x16xf32>
        tpu.vector_store %arg11[%swap3A_752, %swap3A_753], %swap3A_756 {strides = array<i32>} : memref<16x128xf32, #tpu.memory_space<vmem>>, vector<1x16xf32>,
        %swap3A_757 = arith.constant 15 : i32
        %swap3A_758 = arith.index_cast %swap3A_757 : i32 to index
        %swap3A_759 = arith.constant 32 : index
        %swap3A_760 = tpu.vector_load %arg11[%swap3A_758, %swap3A_759] {strides = array<i32>} : memref<16x128xf32, #tpu.memory_space<vmem>>, vector<1x16xf32>,
        %swap3A_761 = vector.shape_cast %swap3A_760 : vector<1x16xf32> to vector<16xf32>
        %swap3A_762 = vector.shape_cast %broadcast_in_dim3A_744 : vector<16xf32> to vector<1x16xf32>
        tpu.vector_store %arg11[%swap3A_758, %swap3A_759], %swap3A_762 {strides = array<i32>} : memref<16x128xf32, #tpu.memory_space<vmem>>, vector<1x16xf32>,
        %swap3A_763 = arith.constant 15 : i32
        %swap3A_764 = arith.index_cast %swap3A_763 : i32 to index
        %swap3A_765 = arith.constant 48 : index
        %swap3A_766 = tpu.vector_load %arg11[%swap3A_764, %swap3A_765] {strides = array<i32>} : memref<16x128xf32, #tpu.memory_space<vmem>>, vector<1x16xf32>,
        %swap3A_767 = vector.shape_cast %swap3A_766 : vector<1x16xf32> to vector<16xf32>
        %swap3A_768 = vector.shape_cast %broadcast_in_dim3A_744 : vector<16xf32> to vector<1x16xf32>
        tpu.vector_store %arg11[%swap3A_764, %swap3A_765], %swap3A_768 {strides = array<i32>} : memref<16x128xf32, #tpu.memory_space<vmem>>, vector<1x16xf32>,
        %swap3A_769 = arith.constant 15 : i32
        %swap3A_770 = arith.index_cast %swap3A_769 : i32 to index
        %swap3A_771 = arith.constant 64 : index
        %swap3A_772 = tpu.vector_load %arg11[%swap3A_770, %swap3A_771] {strides = array<i32>} : memref<16x128xf32, #tpu.memory_space<vmem>>, vector<1x16xf32>,
        %swap3A_773 = vector.shape_cast %swap3A_772 : vector<1x16xf32> to vector<16xf32>
        %swap3A_774 = vector.shape_cast %broadcast_in_dim3A_744 : vector<16xf32> to vector<1x16xf32>
        tpu.vector_store %arg11[%swap3A_770, %swap3A_771], %swap3A_774 {strides = array<i32>} : memref<16x128xf32, #tpu.memory_space<vmem>>, vector<1x16xf32>,
        %swap3A_775 = arith.constant 15 : i32
        %swap3A_776 = arith.index_cast %swap3A_775 : i32 to index
        %swap3A_777 = arith.constant 80 : index
        %swap3A_778 = tpu.vector_load %arg11[%swap3A_776, %swap3A_777] {strides = array<i32>} : memref<16x128xf32, #tpu.memory_space<vmem>>, vector<1x16xf32>,
        %swap3A_779 = vector.shape_cast %swap3A_778 : vector<1x16xf32> to vector<16xf32>
        %swap3A_780 = vector.shape_cast %broadcast_in_dim3A_744 : vector<16xf32> to vector<1x16xf32>
        tpu.vector_store %arg11[%swap3A_776, %swap3A_777], %swap3A_780 {strides = array<i32>} : memref<16x128xf32, #tpu.memory_space<vmem>>, vector<1x16xf32>,
        %swap3A_781 = arith.constant 15 : i32
        %swap3A_782 = arith.index_cast %swap3A_781 : i32 to index
        %swap3A_783 = arith.constant 96 : index
        %swap3A_784 = tpu.vector_load %arg11[%swap3A_782, %swap3A_783] {strides = array<i32>} : memref<16x128xf32, #tpu.memory_space<vmem>>, vector<1x16xf32>,
        %swap3A_785 = vector.shape_cast %swap3A_784 : vector<1x16xf32> to vector<16xf32>
        %swap3A_786 = vector.shape_cast %broadcast_in_dim3A_744 : vector<16xf32> to vector<1x16xf32>
        tpu.vector_store %arg11[%swap3A_782, %swap3A_783], %swap3A_786 {strides = array<i32>} : memref<16x128xf32, #tpu.memory_space<vmem>>, vector<1x16xf32>,
        %swap3A_787 = arith.constant 15 : i32
        %swap3A_788 = arith.index_cast %swap3A_787 : i32 to index
        %swap3A_789 = arith.constant 112 : index
        %swap3A_790 = tpu.vector_load %arg11[%swap3A_788, %swap3A_789] {strides = array<i32>} : memref<16x128xf32, #tpu.memory_space<vmem>>, vector<1x16xf32>,
        %swap3A_791 = vector.shape_cast %swap3A_790 : vector<1x16xf32> to vector<16xf32>
        %swap3A_792 = vector.shape_cast %broadcast_in_dim3A_744 : vector<16xf32> to vector<1x16xf32>
        tpu.vector_store %arg11[%swap3A_788, %swap3A_789], %swap3A_792 {strides = array<i32>} : memref<16x128xf32, #tpu.memory_space<vmem>>, vector<1x16xf32>,
      } else {
      }
      %mul3A_736 = arith.constant 32 : i32
      %mul3A_737 = arith.muli %add3A_699, %mul3A_736 : i32
      %add3A_738 = arith.addi %add3A, %mul3A_737 : i32
      %lt3A_739 = arith.constant 625 : i32
      %lt3A_740 = arith.cmpi slt, %add3A_738, %lt3A_739 : i32
      %convert_element_type3A_741 = arith.extui %lt3A_740 : i1 to i32
      %cond3A_742 = arith.constant 0 : i32
      %cond3A_743 = arith.cmpi ne, %convert_element_type3A_741, %cond3A_742 : i32
      scf.if %cond3A_743 {
        %mul3A_744 = arith.constant 32 : i32
        %mul3A_745 = arith.muli %add3A_699, %mul3A_744 : i32
        %add3A_746 = arith.addi %add3A, %mul3A_745 : i32
        %min3A_747 = arith.constant 624 : i32
        %min3A_748 = arith.minsi %add3A_746, %min3A_747 : i32
        %mul3A_749 = arith.constant 16 : i32
        %mul3A_750 = arith.muli %min3A_748, %mul3A_749 : i32
        %dma_start3A_751 = arith.constant 0 : i32
        %dma_start3A_752 = tpu.memref_slice %arg5[%mul3A_750, %dma_start3A_751] : memref<10000x128xf32, #tpu.memory_space<hbm>> -> memref<16x128xf32, #tpu.memory_space<hbm>>
        %dma_start3A_753 = arith.constant 0 : i32
        %dma_start3A_754 = tpu.memref_slice %arg5[%mul3A_750, %dma_start3A_753] : memref<10000x128xf32, #tpu.memory_space<hbm>> -> memref<16x128xf32, #tpu.memory_space<hbm>>
        tpu.enqueue_dma source(%arg11 : memref<16x128xf32, #tpu.memory_space<vmem>>) target(%dma_start3A_754 : memref<16x128xf32, #tpu.memory_space<hbm>>) target_semaphore(%arg18 : memref<!tpu.dma_semaphore, #tpu.memory_space<semaphore_mem>>)
      } else {
      }
    }
    %scan3A_638 = arith.constant 10 : i32
    %add3A_639 = arith.constant 576 : i32
    %add3A_640 = arith.addi %add3A, %add3A_639 : i32
    %lt3A = arith.constant 625 : i32
    %lt3A_641 = arith.cmpi slt, %add3A_640, %lt3A : i32
    %convert_element_type3A = arith.extui %lt3A_641 : i1 to i32
    %cond3A = arith.constant 0 : i32
    %cond3A_642 = arith.cmpi ne, %convert_element_type3A, %cond3A : i32
    scf.if %cond3A_642 {
      %add3A_650 = arith.constant 576 : i32
      %add3A_651 = arith.addi %add3A, %add3A_650 : i32
      %min3A_652 = arith.constant 624 : i32
      %min3A_653 = arith.minsi %add3A_651, %min3A_652 : i32
      %mul3A_654 = arith.constant 16 : i32
      %mul3A_655 = arith.muli %min3A_653, %mul3A_654 : i32
      %dma_wait3A_656 = arith.constant 0 : i32
      %dma_wait3A_657 = tpu.memref_slice %arg5[%mul3A_655, %dma_wait3A_656] : memref<10000x128xf32, #tpu.memory_space<hbm>> -> memref<16x128xf32, #tpu.memory_space<hbm>>
      %dma_wait3A_658 = arith.constant 0 : i32
      %dma_wait3A_659 = tpu.memref_slice %arg5[%mul3A_655, %dma_wait3A_658] : memref<10000x128xf32, #tpu.memory_space<hbm>> -> memref<16x128xf32, #tpu.memory_space<hbm>>
      tpu.wait_dma2 semaphore(%arg17 : memref<!tpu.dma_semaphore, #tpu.memory_space<semaphore_mem>>) src(%arg10 : memref<16x128xf32, #tpu.memory_space<vmem>>) dst(%dma_wait3A_659 : memref<16x128xf32, #tpu.memory_space<hbm>>)
    } else {
    }
    %add3A_643 = arith.constant 608 : i32
    %add3A_644 = arith.addi %add3A, %add3A_643 : i32
    %lt3A_645 = arith.constant 625 : i32
    %lt3A_646 = arith.cmpi slt, %add3A_644, %lt3A_645 : i32
    %convert_element_type3A_647 = arith.extui %lt3A_646 : i1 to i32
    %cond3A_648 = arith.constant 0 : i32
    %cond3A_649 = arith.cmpi ne, %convert_element_type3A_647, %cond3A_648 : i32
    scf.if %cond3A_649 {
      %add3A_650 = arith.constant 608 : i32
      %add3A_651 = arith.addi %add3A, %add3A_650 : i32
      %min3A_652 = arith.constant 624 : i32
      %min3A_653 = arith.minsi %add3A_651, %min3A_652 : i32
      %mul3A_654 = arith.constant 16 : i32
      %mul3A_655 = arith.muli %min3A_653, %mul3A_654 : i32
      %dma_wait3A_656 = arith.constant 0 : i32
      %dma_wait3A_657 = tpu.memref_slice %arg5[%mul3A_655, %dma_wait3A_656] : memref<10000x128xf32, #tpu.memory_space<hbm>> -> memref<16x128xf32, #tpu.memory_space<hbm>>
      %dma_wait3A_658 = arith.constant 0 : i32
      %dma_wait3A_659 = tpu.memref_slice %arg5[%mul3A_655, %dma_wait3A_658] : memref<10000x128xf32, #tpu.memory_space<hbm>> -> memref<16x128xf32, #tpu.memory_space<hbm>>
      tpu.wait_dma2 semaphore(%arg18 : memref<!tpu.dma_semaphore, #tpu.memory_space<semaphore_mem>>) src(%arg11 : memref<16x128xf32, #tpu.memory_space<vmem>>) dst(%dma_wait3A_659 : memref<16x128xf32, #tpu.memory_space<hbm>>)
    } else {
    }
    return
  }
}

module attributes {stable_mosaic.version = 14 : i64} {
  func.func @_mm_body(%arg0: i32, %arg1: memref<10000x128xbf16, #tpu.memory_space<vmem>>, %arg2: memref<1x128x128xbf16, #tpu.memory_space<vmem>>, %arg3: memref<1x10000x128xf32, #tpu.memory_space<vmem>>) attributes {dimension_semantics = [#tpu.dimension_semantics<arbitrary>], iteration_bounds = array<i64: 32>, scalar_prefetch = 0 : i64, scratch_operands = 0 : i64, tpu.core_type = #tpu.core_type<tc>, window_params = [{pipeline_mode = #tpu.pipeline_mode<synchronous>, transform_indices = @transform_0, window_bounds = array<i64: 10000, 128>}, {transform_indices = @transform_1, window_bounds = array<i64: 1, 128, 128>}, {transform_indices = @transform_2, window_bounds = array<i64: 1, 10000, 128>}]} {
    %get3A = arith.constant 0 : index
    %get3A_0 = arith.constant 0 : index
    %get3A_1 = vector.load %arg1[%get3A, %get3A_0] : memref<10000x128xbf16, #tpu.memory_space<vmem>>, vector<10000x128xbf16>
    %get3A_2 = arith.constant 0 : index
    %get3A_3 = arith.constant 0 : index
    %get3A_4 = arith.constant 0 : index
    %get3A_5 = vector.load %arg2[%get3A_2, %get3A_3, %get3A_4] : memref<1x128x128xbf16, #tpu.memory_space<vmem>>, vector<1x128x128xbf16>
    %get3A_6 = vector.shape_cast %get3A_5 : vector<1x128x128xbf16> to vector<128x128xbf16>
    %dot_general3A = arith.constant dense<0.000000e+00> : vector<10000x128xf32>
    %dot_general3A_7 = tpu.matmul %get3A_1, %get3A_6, %dot_general3A {dimension_numbers = #tpu.dot_dimension_numbers<[1], [0], [0], [1], [0, 0, 1, 1], [], []>, transpose_lhs_hint = false} : vector<10000x128xbf16>, vector<128x128xbf16>, vector<10000x128xf32> -> vector<10000x128xf32>
    %swap3A = arith.constant 0 : index
    %swap3A_8 = arith.constant 0 : index
    %swap3A_9 = arith.constant 0 : index
    %swap3A_10 = vector.load %arg3[%swap3A, %swap3A_8, %swap3A_9] : memref<1x10000x128xf32, #tpu.memory_space<vmem>>, vector<1x10000x128xf32>
    %swap3A_11 = vector.shape_cast %swap3A_10 : vector<1x10000x128xf32> to vector<10000x128xf32>
    %swap3A_12 = vector.shape_cast %dot_general3A_7 : vector<10000x128xf32> to vector<1x10000x128xf32>
    tpu.vector_store %arg3[%swap3A, %swap3A_8, %swap3A_9], %swap3A_12 {strides = array<i32>} : memref<1x10000x128xf32, #tpu.memory_space<vmem>>, vector<1x10000x128xf32>,
    return
  }
  func.func @transform_0(%arg0: i32) -> (i32, i32) {
    %c0_i32 = arith.constant 0 : i32
    %c0_i32_0 = arith.constant 0 : i32
    %c0_i32_1 = arith.constant 0 : i32
    return %c0_i32, %c0_i32_0 : i32, i32
  }
  func.func @transform_1(%arg0: i32) -> (i32, i32, i32) {
    %c0_i32 = arith.constant 0 : i32
    %c0_i32_0 = arith.constant 0 : i32
    %c0_i32_1 = arith.constant 0 : i32
    return %arg0, %c0_i32, %c0_i32_0 : i32, i32, i32
  }
  func.func @transform_2(%arg0: i32) -> (i32, i32, i32) {
    %c0_i32 = arith.constant 0 : i32
    %c0_i32_0 = arith.constant 0 : i32
    %c0_i32_1 = arith.constant 0 : i32
    return %arg0, %c0_i32, %c0_i32_0 : i32, i32, i32
  }
}

</mosaic_0001>

<sc_bundles>
// kernel: kernel.4.cloned.1.call-start
scs
__scs_entry_jumppad:
0x0: {  	(pc) =	sbr.rel $0x88, $3  }
0x1: {  	(tag) =	ssettag $0x0;
	lr =	simm.s32 $0x1  }
0x2: {  	[smem:$0x3F9D] =	sst lr;
	_ =	strace $0xD0000000  }
0x3: {  	_ = 	snop  }
0x4: {  	_ = 	snop  }
0x5: {  	_ = 	snop  }
0x6: {  	_ = 	snop  }
0x7: {  	_ = 	snop  }
__scs_overlays_trampoline_lowered:
0x8: {  	[smem:$0x3FAC] =	sst s0  }
0x9: {  	[smem:$0x3FAD] =	sst s1  }
0xa: {  	[smem:$0x3FAE] =	sst s2  }
0xb: {  	[smem:$0x3FAF] =	sst s3  }
0xc: {  	[smem:$0x3FB0] =	sst s4  }
0xd: {  	[smem:$0x3FB1] =	sst s5  }
0xe: {  	[smem:$0x3FB2] =	sst s6  }
0xf: {  	[smem:$0x3FB3] =	sst s7  }
0x10: {  	[smem:$0x3FB4] =	sst s8  }
0x11: {  	[smem:$0x3FB5] =	sst s9;
	s0 =	simm.s32 @!p0 $0x0  }
0x12: {  	s1 =	sld [smem:$0x3F9B];
	s0 =	simm.s32 @p0 $0x1  }
0x13: {  	[smem:$0x3FB6] =	sst s0;
	s0 =	simm.s32 @!p1 $0x0  }
0x14: {  	s2 =	sld [smem:$0x3F9A];
	s0 =	simm.s32 @p1 $0x1  }
0x15: {  	[smem:$0x3FB7] =	sst s0;
	s0 =	simm.s32 @!p2 $0x0  }
0x16: {  	s3 =	sld [smem:$0x3FDB];
	s0 =	simm.s32 @p2 $0x1  }
0x17: {  	s4 =	simm.s32 $0x1BF5;
	[smem:$0x3FB9] =	sst s0  }
0x18: {  	s0 =	sld [smem:$0x3F9C];
	_ =	swait.ge [sflag:s4], $0x0  }
0x19: {  	s7 =	sld [smem:$0x3F9D]  }
0x1a: {  	s8 =	sadd.s32 $0xFFFFE003, lr  }
0x1b: {  	s9 =	sadd.s32 $0xFFFFFEF7, lr;
	s5 =	simm.s32 $0xFFFFFFFF;
	p2 =	slt.u32 s8, $0xFFFFF086  }
0x1c: {  	p1 =	slt.u32 s9, $0xF7A;
	s5 =	simm.s32 @!p2 $0x0  }
0x1d: {  	s5 =	simm.s32 @p1 $0x1;
	p0 =	seq.s32 s7, s2  }
0x1e: {  	s7 =	smul.u32 @!p0 $0xF7A, s2;
	p2 =	seq.s32 @!p0 s5, $0x0  }
0x1f: {  	s9 =	smul.u32 $0xF7A, s1;
	s8 =	simm.s32 @!p0 $0x1BF5;
	p2 =	por !p2, p0  }
0x20: {  	[sflag:s8] =	ssyncset.s32 @!p0 $0xFFFFF086;
	s6 =	sadd.s32 @!p0 s3, s7;
	s7 =	simm.s32 @!p0 $0x108  }
0x21: {  	s3 =	sadd.s32 s3, s9;
	s6 =	sadd.s32 @!p0 $0x88, s6;
	s7 =	simm.s32 @p2 $0x1082  }
0x22: {  	[simem:s7], [sflag:s8] =	dma.local @!p0 [hbm:s6], $0xF7A  }
0x23: {  	s9 =	sor.u32 $0xD0000000, s2;
	s6 =	simm.s32 $0x108;
	_ =	swait.ge @!p0 [sflag:s8], $0x0  }
0x24: {  	s3 =	sadd.s32 $0x88, s3;
	s6 =	simm.s32 @!p1 $0x1082;
	[sflag:s4] =	ssyncset.s32 $0xFFFFF086  }
0x25: {  	[simem:s6], [sflag:s4] =	dma.local [hbm:s3], $0xF7A  }
0x26: {  	[smem:$0x3F9D] =	sst s1;
	(tag) =	ssettag s2;
	_ =	strace s9  }
0x27: {  	s1 =	sld [smem:$0x3FAD]  }
0x28: {  	s2 =	sld [smem:$0x3FAE]  }
0x29: {  	s4 =	sld [smem:$0x3FB0]  }
0x2a: {  	p0 =	seq.s32 s5, $0x0;
	s5 =	sld [smem:$0x3FB1]  }
0x2b: {  	s6 =	sld [smem:$0x3FB2]  }
0x2c: {  	s7 =	sld [smem:$0x3FB3]  }
0x2d: {  	s3 =	simm.s32 $0x108;
	s8 =	sld [smem:$0x3FB4]  }
0x2e: {  	s3 =	simm.s32 @!p0 $0x1082;
	s9 =	sld [smem:$0x3FB5]  }
0x2f: {  	lr =	sadd.s32 s0, s3;
	s0 =	sld [smem:$0x3FAC]  }
0x30: {  	s3 =	sld [smem:$0x3FAF]  }
0x31: {  	[smem:$0x3FB8] =	sst s10  }
0x32: {  	s10 =	sld [smem:$0x3FB6];
	_ =	sdelay $0x3  }
0x33: {  	p0 =	seq.s32 s10, $0x1;
	s10 =	sld [smem:$0x3FB8];
	_ =	sdelay $0x3  }
0x34: {  	[smem:$0x3FB8] =	sst s10  }
0x35: {  	s10 =	sld [smem:$0x3FB7];
	_ =	sdelay $0x3  }
0x36: {  	p1 =	seq.s32 s10, $0x1;
	s10 =	sld [smem:$0x3FB8];
	_ =	sdelay $0x3  }
0x37: {  	[smem:$0x3FB8] =	sst s10  }
0x38: {  	s10 =	sld [smem:$0x3FB9]  }
0x39: {  	_ = 	snop;
	(pc) =	sbr.ind lr, $3  }
0x3a: {  	_ = 	snop  }
0x3b: {  	_ = 	snop  }
0x3c: {  	p2 =	seq.s32 s10, $0x1;
	s10 =	sld [smem:$0x3FB8]  }
0x3d: {  	_ =	shalt  }
0x3e: {  	_ =	shalt  }
0x3f: {  	_ =	shalt  }
0x40: {  	_ =	shalt  }
0x41: {  	_ =	shalt  }
0x42: {  	_ =	shalt  }
0x43: {  	_ =	shalt  }
0x44: {  	_ =	shalt  }
0x45: {  	_ =	shalt  }
0x46: {  	_ =	shalt  }
0x47: {  	_ =	shalt  }
0x48: {  	_ =	shalt  }
0x49: {  	_ =	shalt  }
0x4a: {  	_ =	shalt  }
0x4b: {  	_ =	shalt  }
0x4c: {  	_ =	shalt  }
0x4d: {  	_ =	shalt  }
0x4e: {  	_ =	shalt  }
0x4f: {  	_ =	shalt  }
0x50: {  	_ =	shalt  }
0x51: {  	_ =	shalt  }
0x52: {  	_ =	shalt  }
0x53: {  	_ =	shalt  }
0x54: {  	_ =	shalt  }
0x55: {  	_ =	shalt  }
0x56: {  	_ =	shalt  }
0x57: {  	_ =	shalt  }
0x58: {  	_ =	shalt  }
0x59: {  	_ =	shalt  }
0x5a: {  	_ =	shalt  }
0x5b: {  	_ =	shalt  }
0x5c: {  	_ =	shalt  }
0x5d: {  	_ =	shalt  }
0x5e: {  	_ =	shalt  }
0x5f: {  	_ =	shalt  }
0x60: {  	_ =	shalt  }
0x61: {  	_ =	shalt  }
0x62: {  	_ =	shalt  }
0x63: {  	_ =	shalt  }
0x64: {  	_ =	shalt  }
0x65: {  	_ =	shalt  }
0x66: {  	_ =	shalt  }
0x67: {  	_ =	shalt  }
0x68: {  	_ =	shalt  }
0x69: {  	_ =	shalt  }
0x6a: {  	_ =	shalt  }
0x6b: {  	_ =	shalt  }
0x6c: {  	_ =	shalt  }
0x6d: {  	_ =	shalt  }
0x6e: {  	_ =	shalt  }
0x6f: {  	_ =	shalt  }
0x70: {  	_ =	shalt  }
0x71: {  	_ =	shalt  }
0x72: {  	_ =	shalt  }
0x73: {  	_ =	shalt  }
0x74: {  	_ =	shalt  }
0x75: {  	_ =	shalt  }
0x76: {  	_ =	shalt  }
0x77: {  	_ =	shalt  }
0x78: {  	_ =	shalt  }
0x79: {  	_ =	shalt  }
0x7a: {  	_ =	shalt  }
0x7b: {  	_ =	shalt  }
0x7c: {  	_ =	shalt  }
0x7d: {  	_ =	shalt  }
0x7e: {  	_ =	shalt  }
0x7f: {  	_ =	shalt  }
0x80: {  	_ =	shalt  }
0x81: {  	_ =	shalt  }
0x82: {  	_ =	shalt  }
0x83: {  	_ =	shalt  }
0x84: {  	_ =	shalt  }
0x85: {  	_ =	shalt  }
0x86: {  	_ =	shalt  }
0x87: {  	_ =	shalt  }
.Lfunc_end0:
.L_simem_size_0:
called_computation_lowered:
.L_overlay_start_0:
0x88: {  	s2 =	sld [smem:$0x3FD9]  }
0x89: {  	s3 =	sld [smem:$0x3FFE];
	_ =	sdelay $0x1  }
0x8a: {  	s1 =	srdreg.scid  }
0x8b: {  	s0 =	sand.u32 $0x1, s1  }
0x8c: {  	s17 =	sshll.u32 s0, $0xA;
	s2 =	sadd.s32 s3, s2  }
0x8d: {  	s2 =	sadd.s32 s2, s17  }
0x8e: {  	[smem:$0x3FC4] =	sst s2  }
0x8f: {  	_ = 	snop  }
0x90: {  	s2 =	sld [smem:$0x3FC6]  }
0x91: {  	s18 =	sld [smem:$0x3FD0];
	(tm) =	ssettm $0x1  }
0x92: {  	s4 =	sld [smem:$0x3FFB];
	_ =	sdelay $0x3  }
0x93: {  	_ =	strace s4  }
0x94: {  	s4 =	sld [smem:$0x3FFC];
	_ =	sdelay $0x3  }
0x95: {  	_ =	strace s4  }
0x96: {  	s4 =	sld [smem:$0x3FFD];
	_ =	sdelay $0x3  }
0x97: {  	_ =	strace s4  }
0x98: {  	_ =	strace $0x8FFFFFFF  }
0x99: {  	s19 =	sld [smem:$0x3FDB];
	_ =	sdelay $0x1  }
0x9a: {  	s5 =	simm.s32 $_scs_section_size  }
0x9b: {  	s6 =	simm.s32 $_size__tile_overlayer_lowered;
	s7 =	simm.s32 $_tile_overlayer_lowered  }
0x9c: {  	s22 =	simm.s32 $0x1BFF;
	s21 =	sshll.u32 s7, $0x1;
	s4 =	sadd.s32 s5, s19  }
0x9d: {  	s8 =	simm.s32 $0x0;
	s20 =	sshll.u32 s6, $0x1;
	s6 =	sadd.s32 s21, s4  }
0x9e: {  	[timem:s8], [sflag:s22] =	dma.local [hbm:s6], s20  }
0x9f: {  	_ =	swait.ge [sflag:s22], s20  }
0xa0: {  	s5 =	ssub.s32 $0x0, s20;
	[sflag:s22] =	ssyncset.done $0x0  }
0xa1: {  	[sflag:s22] =	ssyncadd.s32 s5;
	_ =	sdelay $0x1  }
0xa2: {  	s23 =	simm.s32 $0x1B8B  }
0xa3: {  	_ =	swait.ge [sflag:s23], $0x1  }
0xa4: {  	[sflag:s23] =	ssyncset.done $0x0  }
0xa5: {  	s25 =	simm.s32 $0x1B8E;
	s24 =	sld [smem:$0x3FFE];
	[sflag:s23] =	ssyncadd.s32 $0xFFFFFFFF  }
0xa6: {  	s26 =	simm.s32 $execute0_lowered;
	[smem:$0x3FD2] =	sst s25  }
0xa7: {  	s6 =	sshll.u32 s26, $0x1;
	_ =	strace $0x80000046;
	[dreg:$0x1] =	wrdreg $0xFFFFFFFF  }
0xa8: {  	s28 =	simm.s32 $_size_execute0_lowered;
	s4 =	sadd.s32 s4, s6;
	[dreg:$0x0] =	wrdreg $0x0  }
0xa9: {  	s6 =	sshll.u32 s28, $0x1;
	[dreg:$0x2] =	wrdreg s4  }
0xaa: {  	[dreg:$0x3] =	wrdreg s6  }
0xab: {  	[dreg:$0x4] =	wrdreg $0xC0  }
0xac: {  	_ =	task [dreg:s8], $0x5FFFF  }
0xad: {  	[dreg:$0x1] =	wrdreg $0xFFFFFFFF  }
0xae: {  	[dreg:$0x0] =	wrdreg $0x60  }
0xaf: {  	[dreg:$0x2] =	wrdreg s24  }
0xb0: {  	[dreg:$0x3] =	wrdreg s2  }
0xb1: {  	[dreg:$0x4] =	wrdreg s18  }
0xb2: {  	[dreg:$0x5] =	wrdreg $0x9  }
0xb3: {  	_ =	task.clear_ibuf [dreg:s8], $0x6FFFF;
	_ =	strace $0x90000046  }
0xb4: {  	s29 =	simm.s32 $0x9;
	_ =	strace $0x80000048  }
0xb5: {  	_ =	swait.ge [sflag:s29], $0x1  }
0xb6: {  	[sflag:s29] =	ssyncadd.s32 $0xFFFFFFFF  }
0xb7: {  	_ =	strace $0x90000048  }
0xb8: {  	_ =	sfence  }
0xb9: {  	s30 =	sld [smem:$0x0];
	_ =	sdelay $0x2  }
0xba: {  	s31 =	sshll.u32 s1, $0xD;
	s1 =	sshrl.u32 s1, $0x2  }
0xbb: {  	s3 =	sand.u32 $0x4000, s31;
	s1 =	sadd.s32 s1, s30  }
0xbc: {  	s0 =	sor.u32 s3, s0;
	s1 =	sshll.u32 s1, $0x11  }
0xbd: {  	s0 =	sor.u32 s1, s0  }
0xbe: {  	s0 =	sadd.s32 $0x8F2B, s0  }
0xbf: {  	[sflag:s0] =	ssyncadd.remote.s32 $0x1  }
0xc0: {  	_ =	sfence.sel $0xFFFF  }
0xc1: {  	[dreg:$0x0] =	wrdreg $0xFFFFFFFF;
	(pc) =	sbr.abs _section_cstart, $3  }
0xc2: {  	[dreg:$0x1] =	wrdreg $0xFFFFFFFF  }
0xc3: {  	_ =	task.clear_ibuf [dreg:s8], $0x2FFFF;
	_ =	strace $0x9FFFFFFF  }
0xc4: {  	(tm) =	ssettm $0x7FFFFFFF  }
0xc5: {  	_ =	shalt  }
tec
execute0_lowered:
.L_overlay_start_1:
0x0: {  	(tag) =	ssettag $0x1  }
0x1: {  	s0 =	rddreg [dreg:$0x0]  }
0x2: {  	s3 =	rddreg [dreg:$0x2];
	s4 =	simm.s32 $0x0;
	s1 =	srdreg.scid  }
0x3: {  	s2 =	stileid.u32;
	s15 =	simm.s32 $0x1;
	s16 =	simm.s32 $0x10  }
0x4: {  	s18 =	simm.s32 $0x2400;
	s31 =	simm.s32 $0x2;
	s13 =	simm.s32 $0x1F00  }
0x5: {  	s9 =	simm.s32 $0x1F80;
	s12 =	simm.s32 $0x2000;
	s14 =	simm.s32 $0x2100  }
0x6: {  	s17 =	simm.s32 $0x2180;
	s19 =	simm.s32 $0x2200;
	s20 =	simm.s32 $0x2280  }
0x7: {  	s21 =	simm.s32 $0x2300;
	s22 =	simm.s32 $0x2380;
	s23 =	simm.s32 $0x3  }
0x8: {  	s24 =	simm.s32 $0x4;
	s25 =	simm.s32 $0x5;
	[smem:$0x7FF] =	sst s4  }
0x9: {  	s1 =	sand.u32 $0x1, s1;
	s2 =	sshll.u32 s2, $0x1;
	s6 =	sadd.s32 $0x800, s0  }
0xa: {  	s7 =	sadd.s32 $0xA600, s0;
	s8 =	ssub.s32 $0x2, s1;
	s5 =	sor.u32 s1, s2  }
0xb: {  	_ =	strace $0x80000047;
	s26 =	sshrl.u32 s8, $0x1;
	s2 =	sshll.u32 s5, $0x6  }
0xc: {  	s10 =	sor.u32 $0x40, s5;
	s30 =	sor.u32 $0x60, s5;
	p0 =	sgt.u32 s5, $0x10  }
0xd: {  	s28 =	ssub.s32 s8, s26;
	s29 =	sadd.s32 s6, s2;
	[dreg:$0x6] =	wrdreg s30  }
0xe: {  	s2 =	simm.s32 $0x2C00;
	[dreg:$0x4] =	wrdreg s29;
	s1 =	sadd.s32 $0x800, s29  }
0xf: {  	s8 =	simm.s32 $0x2080;
	s0 =	smax.u32 s28, $0x1;
	[dreg:$0x5] =	wrdreg s1  }
0x10: {  	s26 =	simm.s32 $0x0;
	[dreg:$0x7] =	wrdreg s0;
	s1 =	simm.s32 $0x1E80  }
.LBB2_1:
0x11: {  	[dreg:$0x8] =	wrdreg s26  }
0x12: {  	s0 =	rddreg [dreg:$0x1];
	s11 =	simm.s32 $0x3400;
	s29 =	simm.s32 $0x7  }
0x13: {  	[tilespmem:s11], [sflag:$0x7] =	stream.linear.gather [hbm4b:s0+s4], $0x80, $0x38;
	[tilespmem:$0x3480] =	vst v63  }
0x14: {  	_ =	swait.ge [sflag:s29], $0x80  }
0x15: {  	[sflag:s29] =	ssyncset.done $0x0  }
0x16: {  	s30 =	rddreg [dreg:$0x4];
	[sflag:s29] =	ssyncadd.s32 $0xFFFFFF80  }
0x17: {  	[tilespmem:s4], [sflag:$0x1] =	stream.linear.gather [hbm4b:s30+s4], $0x200, $0x38;
	[tilespmem:$0x3480] =	vst v63  }
0x18: {  	_ =	swait.ge [sflag:s15], $0x200  }
0x19: {  	[sflag:s15] =	ssyncset.done $0x0  }
0x1a: {  	[sflag:s15] =	ssyncadd.s32 $0xFFFFFE00  }
0x1b: {  	s26 =	simm.s32 $0x200;
	s28 =	simm.s32 $0x0;
	v0 =	vld [tilespmem:$0x3400]  }
.LBB2_2:
0x1c: {  	p1 =	sne.s32 s26, $0x1E00;
	_ =	sdelay $0x2  }
0x1d: {  	s11 =	sshra.s32 s28, $0x2;
	s28 =	smov.u32 s26  }
0x1e: {  	[tilespmem:s11+$0x2400] =	vst v0  }
0x1f: {  	v0 =	vld [tilespmem:$0x3410];
	_ =	sdelay $0x4  }
0x20: {  	[tilespmem:s11+$0x2410] =	vst v0  }
0x21: {  	v0 =	vld [tilespmem:$0x3420];
	_ =	sdelay $0x4  }
0x22: {  	[tilespmem:s11+$0x2420] =	vst v0  }
0x23: {  	v0 =	vld [tilespmem:$0x3430];
	_ =	sdelay $0x4  }
0x24: {  	[tilespmem:s11+$0x2430] =	vst v0  }
0x25: {  	v0 =	vld [tilespmem:$0x3440];
	_ =	sdelay $0x4  }
0x26: {  	[tilespmem:s11+$0x2440] =	vst v0  }
0x27: {  	v0 =	vld [tilespmem:$0x3450];
	_ =	sdelay $0x4  }
0x28: {  	[tilespmem:s11+$0x2450] =	vst v0  }
0x29: {  	v0 =	vld [tilespmem:$0x3460];
	_ =	sdelay $0x4  }
0x2a: {  	[tilespmem:s11+$0x2460] =	vst v0  }
0x2b: {  	v0 =	vld [tilespmem:$0x3470];
	_ =	sdelay $0x1  }
.Ltmp0:
0x2c: {  	(pc) =	sbr.rel @p1 .LBB2_2-.Ltmp0, $3  }
0x2d: {  	_ =	sdelay $0x1  }
0x2e: {  	[tilespmem:s11+$0x2470] =	vst v0  }
0x2f: {  	s26 =	sadd.s32 $0x200, s26;
	v0 =	vld [tilespmem:$0x3400]  }
0x30: {  	_ =	sdelay $0x2  }
0x31: {  	s11 =	sshra.s32 s28, $0x2  }
0x32: {  	[tilespmem:s11+$0x2400] =	vst v0  }
0x33: {  	v0 =	vld [tilespmem:$0x3410];
	_ =	sdelay $0x4  }
0x34: {  	[tilespmem:s11+$0x2410] =	vst v0  }
0x35: {  	v0 =	vld [tilespmem:$0x3420];
	_ =	sdelay $0x4  }
0x36: {  	[tilespmem:s11+$0x2420] =	vst v0  }
0x37: {  	v0 =	vld [tilespmem:$0x3430];
	_ =	sdelay $0x4  }
0x38: {  	[tilespmem:s11+$0x2430] =	vst v0  }
0x39: {  	v0 =	vld [tilespmem:$0x3440];
	_ =	sdelay $0x4  }
0x3a: {  	[tilespmem:s11+$0x2440] =	vst v0  }
0x3b: {  	v0 =	vld [tilespmem:$0x3450];
	_ =	sdelay $0x4  }
0x3c: {  	[tilespmem:s11+$0x2450] =	vst v0  }
0x3d: {  	v0 =	vld [tilespmem:$0x3460];
	_ =	sdelay $0x4  }
0x3e: {  	[tilespmem:s11+$0x2460] =	vst v0  }
0x3f: {  	v0 =	vld [tilespmem:$0x3470];
	_ =	sdelay $0x4  }
0x40: {  	[tilespmem:s11+$0x2470] =	vst v0  }
0x41: {  	v0 =	vld [tilespmem:$0x0];
	_ =	sdelay $0x4  }
0x42: {  	s0 =	simm.s32 $0x400;
	[tilespmem:$0x400] =	vst v0  }
0x43: {  	[tilespmem:s18], [sflag:$0x3] =	stream.indirect.gather.add.f32 [hbm:s7], $0x80, s0, s16, $0xb8;
	[tilespmem:$0x3480] =	vst v63  }
0x44: {  	v33 =	vld [tilespmem:$0x10];
	_ =	sdelay $0x4  }
0x45: {  	v0 =	vadd.s32 $0x2710, v33  }
0x46: {  	s28 =	simm.s32 $0x480;
	[tilespmem:$0x480] =	vst v0  }
0x47: {  	[tilespmem:s18], [sflag:$0x3] =	stream.indirect.gather.add.f32 [hbm:s7], $0x80, s28, s16, $0xb8;
	[tilespmem:$0x3480] =	vst v63  }
0x48: {  	v34 =	vld [tilespmem:$0x20];
	_ =	sdelay $0x4  }
0x49: {  	v0 =	vadd.s32 $0x4E20, v34  }
0x4a: {  	s29 =	simm.s32 $0x500;
	[tilespmem:$0x500] =	vst v0  }
0x4b: {  	[tilespmem:s18], [sflag:$0x3] =	stream.indirect.gather.add.f32 [hbm:s7], $0x80, s29, s16, $0xb8;
	[tilespmem:$0x3480] =	vst v63  }
0x4c: {  	v35 =	vld [tilespmem:$0x30];
	_ =	sdelay $0x4  }
0x4d: {  	v0 =	vadd.s32 $0x7530, v35  }
0x4e: {  	s30 =	simm.s32 $0x580;
	[tilespmem:$0x580] =	vst v0  }
0x4f: {  	[tilespmem:s18], [sflag:$0x3] =	stream.indirect.gather.add.f32 [hbm:s7], $0x80, s30, s16, $0xb8;
	[tilespmem:$0x3480] =	vst v63  }
0x50: {  	v36 =	vld [tilespmem:$0x40];
	_ =	sdelay $0x4  }
0x51: {  	v0 =	vadd.s32 $0x9C40, v36  }
0x52: {  	s11 =	simm.s32 $0x600;
	[tilespmem:$0x600] =	vst v0  }
0x53: {  	[tilespmem:s18], [sflag:$0x3] =	stream.indirect.gather.add.f32 [hbm:s7], $0x80, s11, s16, $0xb8;
	[tilespmem:$0x3480] =	vst v63  }
0x54: {  	v37 =	vld [tilespmem:$0x50];
	_ =	sdelay $0x4  }
0x55: {  	v0 =	vadd.s32 $0xC350, v37  }
0x56: {  	s26 =	simm.s32 $0x680;
	[tilespmem:$0x680] =	vst v0  }
0x57: {  	[tilespmem:s18], [sflag:$0x3] =	stream.indirect.gather.add.f32 [hbm:s7], $0x80, s26, s16, $0xb8;
	[tilespmem:$0x3480] =	vst v63  }
0x58: {  	v38 =	vld [tilespmem:$0x60];
	_ =	sdelay $0x4  }
0x59: {  	v0 =	vadd.s32 $0xEA60, v38  }
0x5a: {  	s28 =	simm.s32 $0x700;
	[tilespmem:$0x700] =	vst v0  }
0x5b: {  	[tilespmem:s18], [sflag:$0x3] =	stream.indirect.gather.add.f32 [hbm:s7], $0x80, s28, s16, $0xb8;
	[tilespmem:$0x3480] =	vst v63  }
0x5c: {  	v39 =	vld [tilespmem:$0x70];
	_ =	sdelay $0x4  }
0x5d: {  	v0 =	vadd.s32 $0x11170, v39  }
0x5e: {  	s29 =	simm.s32 $0x780;
	[tilespmem:$0x780] =	vst v0  }
0x5f: {  	[tilespmem:s18], [sflag:$0x3] =	stream.indirect.gather.add.f32 [hbm:s7], $0x80, s29, s16, $0xb8;
	[tilespmem:$0x3480] =	vst v63  }
0x60: {  	v40 =	vld [tilespmem:$0x80];
	_ =	sdelay $0x4  }
0x61: {  	v0 =	vadd.s32 $0x13880, v40  }
0x62: {  	s30 =	simm.s32 $0x800;
	[tilespmem:$0x800] =	vst v0  }
0x63: {  	[tilespmem:s18], [sflag:$0x3] =	stream.indirect.gather.add.f32 [hbm:s7], $0x80, s30, s16, $0xb8;
	[tilespmem:$0x3480] =	vst v63  }
0x64: {  	v41 =	vld [tilespmem:$0x90];
	_ =	sdelay $0x4  }
0x65: {  	v0 =	vadd.s32 $0x15F90, v41  }
0x66: {  	s11 =	simm.s32 $0x880;
	[tilespmem:$0x880] =	vst v0  }
0x67: {  	[tilespmem:s18], [sflag:$0x3] =	stream.indirect.gather.add.f32 [hbm:s7], $0x80, s11, s16, $0xb8;
	[tilespmem:$0x3480] =	vst v63  }
0x68: {  	v42 =	vld [tilespmem:$0xA0];
	_ =	sdelay $0x4  }
0x69: {  	v0 =	vadd.s32 $0x186A0, v42  }
0x6a: {  	s26 =	simm.s32 $0x900;
	[tilespmem:$0x900] =	vst v0  }
0x6b: {  	[tilespmem:s18], [sflag:$0x3] =	stream.indirect.gather.add.f32 [hbm:s7], $0x80, s26, s16, $0xb8;
	[tilespmem:$0x3480] =	vst v63  }
0x6c: {  	v43 =	vld [tilespmem:$0xB0];
	_ =	sdelay $0x4  }
0x6d: {  	v0 =	vadd.s32 $0x1ADB0, v43  }
0x6e: {  	s28 =	simm.s32 $0x980;
	[tilespmem:$0x980] =	vst v0  }
0x6f: {  	[tilespmem:s18], [sflag:$0x3] =	stream.indirect.gather.add.f32 [hbm:s7], $0x80, s28, s16, $0xb8;
	[tilespmem:$0x3480] =	vst v63  }
0x70: {  	v44 =	vld [tilespmem:$0xC0];
	_ =	sdelay $0x4  }
0x71: {  	v0 =	vadd.s32 $0x1D4C0, v44  }
0x72: {  	s29 =	simm.s32 $0xA00;
	[tilespmem:$0xA00] =	vst v0  }
0x73: {  	[tilespmem:s18], [sflag:$0x3] =	stream.indirect.gather.add.f32 [hbm:s7], $0x80, s29, s16, $0xb8;
	[tilespmem:$0x3480] =	vst v63  }
0x74: {  	v45 =	vld [tilespmem:$0xD0];
	_ =	sdelay $0x4  }
0x75: {  	v0 =	vadd.s32 $0x1FBD0, v45  }
0x76: {  	s30 =	simm.s32 $0xA80;
	[tilespmem:$0xA80] =	vst v0  }
0x77: {  	[tilespmem:s18], [sflag:$0x3] =	stream.indirect.gather.add.f32 [hbm:s7], $0x80, s30, s16, $0xb8;
	[tilespmem:$0x3480] =	vst v63  }
0x78: {  	v46 =	vld [tilespmem:$0xE0];
	_ =	sdelay $0x4  }
0x79: {  	v0 =	vadd.s32 $0x222E0, v46  }
0x7a: {  	s11 =	simm.s32 $0xB00;
	[tilespmem:$0xB00] =	vst v0  }
0x7b: {  	[tilespmem:s18], [sflag:$0x3] =	stream.indirect.gather.add.f32 [hbm:s7], $0x80, s11, s16, $0xb8;
	[tilespmem:$0x3480] =	vst v63  }
0x7c: {  	v47 =	vld [tilespmem:$0xF0];
	_ =	sdelay $0x4  }
0x7d: {  	v0 =	vadd.s32 $0x249F0, v47  }
0x7e: {  	s26 =	simm.s32 $0xB80;
	[tilespmem:$0xB80] =	vst v0  }
0x7f: {  	[tilespmem:s18], [sflag:$0x3] =	stream.indirect.gather.add.f32 [hbm:s7], $0x80, s26, s16, $0xb8;
	[tilespmem:$0x3480] =	vst v63  }
0x80: {  	v48 =	vld [tilespmem:$0x100];
	_ =	sdelay $0x4  }
0x81: {  	v0 =	vadd.s32 $0x27100, v48  }
0x82: {  	s28 =	simm.s32 $0xC00;
	[tilespmem:$0xC00] =	vst v0  }
0x83: {  	[tilespmem:s18], [sflag:$0x3] =	stream.indirect.gather.add.f32 [hbm:s7], $0x80, s28, s16, $0xb8;
	[tilespmem:$0x3480] =	vst v63  }
0x84: {  	v49 =	vld [tilespmem:$0x110];
	_ =	sdelay $0x4  }
0x85: {  	v0 =	vadd.s32 $0x29810, v49  }
0x86: {  	s29 =	simm.s32 $0xC80;
	[tilespmem:$0xC80] =	vst v0  }
0x87: {  	[tilespmem:s18], [sflag:$0x3] =	stream.indirect.gather.add.f32 [hbm:s7], $0x80, s29, s16, $0xb8;
	[tilespmem:$0x3480] =	vst v63  }
0x88: {  	v50 =	vld [tilespmem:$0x120];
	_ =	sdelay $0x4  }
0x89: {  	v0 =	vadd.s32 $0x2BF20, v50  }
0x8a: {  	s30 =	simm.s32 $0xD00;
	[tilespmem:$0xD00] =	vst v0  }
0x8b: {  	[tilespmem:s18], [sflag:$0x3] =	stream.indirect.gather.add.f32 [hbm:s7], $0x80, s30, s16, $0xb8;
	[tilespmem:$0x3480] =	vst v63  }
0x8c: {  	v51 =	vld [tilespmem:$0x130];
	_ =	sdelay $0x4  }
0x8d: {  	v0 =	vadd.s32 $0x2E630, v51  }
0x8e: {  	s11 =	simm.s32 $0xD80;
	[tilespmem:$0xD80] =	vst v0  }
0x8f: {  	[tilespmem:s18], [sflag:$0x3] =	stream.indirect.gather.add.f32 [hbm:s7], $0x80, s11, s16, $0xb8;
	[tilespmem:$0x3480] =	vst v63  }
0x90: {  	v52 =	vld [tilespmem:$0x140];
	_ =	sdelay $0x4  }
0x91: {  	v0 =	vadd.s32 $0x30D40, v52  }
0x92: {  	s26 =	simm.s32 $0xE00;
	[tilespmem:$0xE00] =	vst v0  }
0x93: {  	[tilespmem:s18], [sflag:$0x3] =	stream.indirect.gather.add.f32 [hbm:s7], $0x80, s26, s16, $0xb8;
	[tilespmem:$0x3480] =	vst v63  }
0x94: {  	v53 =	vld [tilespmem:$0x150];
	_ =	sdelay $0x4  }
0x95: {  	v0 =	vadd.s32 $0x33450, v53  }
0x96: {  	s28 =	simm.s32 $0xE80;
	[tilespmem:$0xE80] =	vst v0  }
0x97: {  	[tilespmem:s18], [sflag:$0x3] =	stream.indirect.gather.add.f32 [hbm:s7], $0x80, s28, s16, $0xb8;
	[tilespmem:$0x3480] =	vst v63  }
0x98: {  	v54 =	vld [tilespmem:$0x160];
	_ =	sdelay $0x4  }
0x99: {  	v0 =	vadd.s32 $0x35B60, v54  }
0x9a: {  	s29 =	simm.s32 $0xF00;
	[tilespmem:$0xF00] =	vst v0  }
0x9b: {  	[tilespmem:s18], [sflag:$0x3] =	stream.indirect.gather.add.f32 [hbm:s7], $0x80, s29, s16, $0xb8;
	[tilespmem:$0x3480] =	vst v63  }
0x9c: {  	v55 =	vld [tilespmem:$0x170];
	_ =	sdelay $0x4  }
0x9d: {  	v0 =	vadd.s32 $0x38270, v55  }
0x9e: {  	s30 =	simm.s32 $0xF80;
	[tilespmem:$0xF80] =	vst v0  }
0x9f: {  	[tilespmem:s18], [sflag:$0x3] =	stream.indirect.gather.add.f32 [hbm:s7], $0x80, s30, s16, $0xb8;
	[tilespmem:$0x3480] =	vst v63  }
0xa0: {  	v56 =	vld [tilespmem:$0x180];
	_ =	sdelay $0x4  }
0xa1: {  	v0 =	vadd.s32 $0x3A980, v56  }
0xa2: {  	s11 =	simm.s32 $0x1000;
	[tilespmem:$0x1000] =	vst v0  }
0xa3: {  	[tilespmem:s18], [sflag:$0x3] =	stream.indirect.gather.add.f32 [hbm:s7], $0x80, s11, s16, $0xb8;
	[tilespmem:$0x3480] =	vst v63  }
0xa4: {  	v57 =	vld [tilespmem:$0x190];
	_ =	sdelay $0x4  }
0xa5: {  	v0 =	vadd.s32 $0x3D090, v57  }
0xa6: {  	s26 =	simm.s32 $0x1080;
	[tilespmem:$0x1080] =	vst v0  }
0xa7: {  	[tilespmem:s18], [sflag:$0x3] =	stream.indirect.gather.add.f32 [hbm:s7], $0x80, s26, s16, $0xb8;
	[tilespmem:$0x3480] =	vst v63  }
0xa8: {  	v58 =	vld [tilespmem:$0x1A0];
	_ =	sdelay $0x4  }
0xa9: {  	v0 =	vadd.s32 $0x3F7A0, v58  }
0xaa: {  	s28 =	simm.s32 $0x1100;
	[tilespmem:$0x1100] =	vst v0  }
0xab: {  	[tilespmem:s18], [sflag:$0x3] =	stream.indirect.gather.add.f32 [hbm:s7], $0x80, s28, s16, $0xb8;
	[tilespmem:$0x3480] =	vst v63  }
0xac: {  	v59 =	vld [tilespmem:$0x1B0];
	_ =	sdelay $0x4  }
0xad: {  	v0 =	vadd.s32 $0x41EB0, v59  }
0xae: {  	s29 =	simm.s32 $0x1180;
	[tilespmem:$0x1180] =	vst v0  }
0xaf: {  	[tilespmem:s18], [sflag:$0x3] =	stream.indirect.gather.add.f32 [hbm:s7], $0x80, s29, s16, $0xb8;
	[tilespmem:$0x3480] =	vst v63  }
0xb0: {  	v60 =	vld [tilespmem:$0x1C0];
	_ =	sdelay $0x4  }
0xb1: {  	v0 =	vadd.s32 $0x445C0, v60  }
0xb2: {  	s30 =	simm.s32 $0x1200;
	[tilespmem:$0x1200] =	vst v0  }
0xb3: {  	[tilespmem:s18], [sflag:$0x3] =	stream.indirect.gather.add.f32 [hbm:s7], $0x80, s30, s16, $0xb8;
	[tilespmem:$0x3480] =	vst v63  }
0xb4: {  	v61 =	vld [tilespmem:$0x1D0];
	_ =	sdelay $0x4  }
0xb5: {  	v0 =	vadd.s32 $0x46CD0, v61  }
0xb6: {  	s11 =	simm.s32 $0x1280;
	[tilespmem:$0x1280] =	vst v0  }
0xb7: {  	[tilespmem:s18], [sflag:$0x3] =	stream.indirect.gather.add.f32 [hbm:s7], $0x80, s11, s16, $0xb8;
	[tilespmem:$0x3480] =	vst v63  }
0xb8: {  	v62 =	vld [tilespmem:$0x1E0];
	_ =	sdelay $0x4  }
0xb9: {  	v0 =	vadd.s32 $0x493E0, v62  }
0xba: {  	s26 =	simm.s32 $0x1300;
	[tilespmem:$0x1300] =	vst v0  }
0xbb: {  	[tilespmem:s18], [sflag:$0x3] =	stream.indirect.gather.add.f32 [hbm:s7], $0x80, s26, s16, $0xb8;
	[tilespmem:$0x3480] =	vst v63  }
0xbc: {  	v63 =	vld [tilespmem:$0x1F0];
	_ =	sdelay $0x4  }
0xbd: {  	v0 =	vadd.s32 $0x4BAF0, v63  }
0xbe: {  	s28 =	simm.s32 $0x1380;
	[tilespmem:$0x1380] =	vst v0  }
0xbf: {  	[tilespmem:s18], [sflag:$0x3] =	stream.indirect.gather.add.f32 [hbm:s7], $0x80, s28, s16, $0xb8;
	[tilespmem:$0x3480] =	vst v63  }
0xc0: {  	s29 =	rddreg [dreg:$0x5];
	s30 =	simm.s32 $0x200;
	s26 =	simm.s32 $0x0  }
0xc1: {  	[tilespmem:s30], [sflag:$0x2] =	stream.linear.gather [hbm4b:s29+s26], $0x200, $0x38;
	[tilespmem:$0x3480] =	vst v63  }
.LBB2_4:
0xc2: {  	p1 =	seq.s32 s26, $0x0  }
0xc3: {  	s11 =	simm.s32 @!p1 $0x6  }
0xc4: {  	_ =	swait.ge @!p1 [sflag:s11], $0x800  }
0xc5: {  	[sflag:s11] =	ssyncset.done @!p1 $0x0  }
0xc6: {  	[sflag:s11] =	ssyncadd.s32 @!p1 $0xFFFFF800  }
0xc7: {  	_ =	swait.ge [sflag:s31], $0x200  }
0xc8: {  	[sflag:s31] =	ssyncset.done $0x0  }
0xc9: {  	[sflag:s31] =	ssyncadd.s32 $0xFFFFFE00  }
0xca: {  	s28 =	sshll.u32 s26, $0x6;
	s29 =	simm.s32 $0x200;
	s30 =	simm.s32 $0x0;
	v0 =	vld [tilespmem:$0x3400]  }
.LBB2_5:
0xcb: {  	p1 =	sne.s32 s29, $0x1E00;
	_ =	sdelay $0x2  }
0xcc: {  	s11 =	sshra.s32 s30, $0x2;
	s30 =	smov.u32 s29  }
0xcd: {  	[tilespmem:s11+$0x2C00] =	vst v0  }
0xce: {  	v0 =	vld [tilespmem:$0x3410];
	_ =	sdelay $0x4  }
0xcf: {  	[tilespmem:s11+$0x2C10] =	vst v0  }
0xd0: {  	v0 =	vld [tilespmem:$0x3420];
	_ =	sdelay $0x4  }
0xd1: {  	[tilespmem:s11+$0x2C20] =	vst v0  }
0xd2: {  	v0 =	vld [tilespmem:$0x3430];
	_ =	sdelay $0x4  }
0xd3: {  	[tilespmem:s11+$0x2C30] =	vst v0  }
0xd4: {  	v0 =	vld [tilespmem:$0x3440];
	_ =	sdelay $0x4  }
0xd5: {  	[tilespmem:s11+$0x2C40] =	vst v0  }
0xd6: {  	v0 =	vld [tilespmem:$0x3450];
	_ =	sdelay $0x4  }
0xd7: {  	[tilespmem:s11+$0x2C50] =	vst v0  }
0xd8: {  	v0 =	vld [tilespmem:$0x3460];
	_ =	sdelay $0x4  }
0xd9: {  	[tilespmem:s11+$0x2C60] =	vst v0  }
0xda: {  	v0 =	vld [tilespmem:$0x3470];
	_ =	sdelay $0x1  }
.Ltmp1:
0xdb: {  	(pc) =	sbr.rel @p1 .LBB2_5-.Ltmp1, $3  }
0xdc: {  	_ =	sdelay $0x1  }
0xdd: {  	[tilespmem:s11+$0x2C70] =	vst v0  }
0xde: {  	s29 =	sadd.s32 $0x200, s29;
	v0 =	vld [tilespmem:$0x3400]  }
0xdf: {  	_ =	sdelay $0x2  }
0xe0: {  	s11 =	sshra.s32 s30, $0x2  }
0xe1: {  	[tilespmem:s11+$0x2C00] =	vst v0  }
0xe2: {  	v0 =	vld [tilespmem:$0x3410];
	_ =	sdelay $0x4  }
0xe3: {  	[tilespmem:s11+$0x2C10] =	vst v0  }
0xe4: {  	v0 =	vld [tilespmem:$0x3420];
	_ =	sdelay $0x4  }
0xe5: {  	[tilespmem:s11+$0x2C20] =	vst v0  }
0xe6: {  	v0 =	vld [tilespmem:$0x3430];
	_ =	sdelay $0x4  }
0xe7: {  	[tilespmem:s11+$0x2C30] =	vst v0  }
0xe8: {  	v0 =	vld [tilespmem:$0x3440];
	_ =	sdelay $0x4  }
0xe9: {  	[tilespmem:s11+$0x2C40] =	vst v0  }
0xea: {  	v0 =	vld [tilespmem:$0x3450];
	_ =	sdelay $0x4  }
0xeb: {  	[tilespmem:s11+$0x2C50] =	vst v0  }
0xec: {  	v0 =	vld [tilespmem:$0x3460];
	_ =	sdelay $0x4  }
0xed: {  	[tilespmem:s11+$0x2C60] =	vst v0  }
0xee: {  	v0 =	vld [tilespmem:$0x3470];
	_ =	sdelay $0x4  }
0xef: {  	[tilespmem:s11+$0x2C70] =	vst v0  }
0xf0: {  	v0 =	vld [tilespmem:$0x200];
	_ =	sdelay $0x4  }
0xf1: {  	s0 =	simm.s32 $0x1400;
	[tilespmem:$0x1400] =	vst v0  }
0xf2: {  	[tilespmem:s2], [sflag:$0x4] =	stream.indirect.gather.add.f32 [hbm:s7], $0x80, s0, s16, $0xb8;
	[tilespmem:$0x3480] =	vst v63  }
0xf3: {  	v0 =	vld [tilespmem:$0x210];
	_ =	sdelay $0x4  }
0xf4: {  	v0 =	vadd.s32 $0x2710, v0  }
0xf5: {  	s11 =	simm.s32 $0x1480;
	[tilespmem:$0x1480] =	vst v0  }
0xf6: {  	[tilespmem:s2], [sflag:$0x4] =	stream.indirect.gather.add.f32 [hbm:s7], $0x80, s11, s16, $0xb8;
	[tilespmem:$0x3480] =	vst v63  }
0xf7: {  	v0 =	vld [tilespmem:$0x220];
	_ =	sdelay $0x4  }
0xf8: {  	v0 =	vadd.s32 $0x4E20, v0  }
0xf9: {  	s11 =	simm.s32 $0x1500;
	[tilespmem:$0x1500] =	vst v0  }
0xfa: {  	[tilespmem:s2], [sflag:$0x4] =	stream.indirect.gather.add.f32 [hbm:s7], $0x80, s11, s16, $0xb8;
	[tilespmem:$0x3480] =	vst v63  }
0xfb: {  	v0 =	vld [tilespmem:$0x230];
	_ =	sdelay $0x4  }
0xfc: {  	v0 =	vadd.s32 $0x7530, v0  }
0xfd: {  	s11 =	simm.s32 $0x1580;
	[tilespmem:$0x1580] =	vst v0  }
0xfe: {  	[tilespmem:s2], [sflag:$0x4] =	stream.indirect.gather.add.f32 [hbm:s7], $0x80, s11, s16, $0xb8;
	[tilespmem:$0x3480] =	vst v63  }
0xff: {  	v0 =	vld [tilespmem:$0x240];
	_ =	sdelay $0x4  }
0x100: {  	v0 =	vadd.s32 $0x9C40, v0  }
0x101: {  	s11 =	simm.s32 $0x1600;
	[tilespmem:$0x1600] =	vst v0  }
0x102: {  	[tilespmem:s2], [sflag:$0x4] =	stream.indirect.gather.add.f32 [hbm:s7], $0x80, s11, s16, $0xb8;
	[tilespmem:$0x3480] =	vst v63  }
0x103: {  	v0 =	vld [tilespmem:$0x250];
	_ =	sdelay $0x4  }
0x104: {  	v0 =	vadd.s32 $0xC350, v0  }
0x105: {  	s11 =	simm.s32 $0x1680;
	[tilespmem:$0x1680] =	vst v0  }
0x106: {  	[tilespmem:s2], [sflag:$0x4] =	stream.indirect.gather.add.f32 [hbm:s7], $0x80, s11, s16, $0xb8;
	[tilespmem:$0x3480] =	vst v63  }
0x107: {  	v0 =	vld [tilespmem:$0x260];
	_ =	sdelay $0x4  }
0x108: {  	v0 =	vadd.s32 $0xEA60, v0  }
0x109: {  	s11 =	simm.s32 $0x1700;
	[tilespmem:$0x1700] =	vst v0  }
0x10a: {  	[tilespmem:s2], [sflag:$0x4] =	stream.indirect.gather.add.f32 [hbm:s7], $0x80, s11, s16, $0xb8;
	[tilespmem:$0x3480] =	vst v63  }
0x10b: {  	v0 =	vld [tilespmem:$0x270];
	_ =	sdelay $0x4  }
0x10c: {  	v0 =	vadd.s32 $0x11170, v0  }
0x10d: {  	s11 =	simm.s32 $0x1780;
	[tilespmem:$0x1780] =	vst v0  }
0x10e: {  	[tilespmem:s2], [sflag:$0x4] =	stream.indirect.gather.add.f32 [hbm:s7], $0x80, s11, s16, $0xb8;
	[tilespmem:$0x3480] =	vst v63  }
0x10f: {  	v0 =	vld [tilespmem:$0x280];
	_ =	sdelay $0x4  }
0x110: {  	v0 =	vadd.s32 $0x13880, v0  }
0x111: {  	s11 =	simm.s32 $0x1800;
	[tilespmem:$0x1800] =	vst v0  }
0x112: {  	[tilespmem:s2], [sflag:$0x4] =	stream.indirect.gather.add.f32 [hbm:s7], $0x80, s11, s16, $0xb8;
	[tilespmem:$0x3480] =	vst v63  }
0x113: {  	v0 =	vld [tilespmem:$0x290];
	_ =	sdelay $0x4  }
0x114: {  	v0 =	vadd.s32 $0x15F90, v0  }
0x115: {  	s11 =	simm.s32 $0x1880;
	[tilespmem:$0x1880] =	vst v0  }
0x116: {  	[tilespmem:s2], [sflag:$0x4] =	stream.indirect.gather.add.f32 [hbm:s7], $0x80, s11, s16, $0xb8;
	[tilespmem:$0x3480] =	vst v63  }
0x117: {  	v0 =	vld [tilespmem:$0x2A0];
	_ =	sdelay $0x4  }
0x118: {  	v0 =	vadd.s32 $0x186A0, v0  }
0x119: {  	s11 =	simm.s32 $0x1900;
	[tilespmem:$0x1900] =	vst v0  }
0x11a: {  	[tilespmem:s2], [sflag:$0x4] =	stream.indirect.gather.add.f32 [hbm:s7], $0x80, s11, s16, $0xb8;
	[tilespmem:$0x3480] =	vst v63  }
0x11b: {  	v0 =	vld [tilespmem:$0x2B0];
	_ =	sdelay $0x4  }
0x11c: {  	v0 =	vadd.s32 $0x1ADB0, v0  }
0x11d: {  	s11 =	simm.s32 $0x1980;
	[tilespmem:$0x1980] =	vst v0  }
0x11e: {  	[tilespmem:s2], [sflag:$0x4] =	stream.indirect.gather.add.f32 [hbm:s7], $0x80, s11, s16, $0xb8;
	[tilespmem:$0x3480] =	vst v63  }
0x11f: {  	v0 =	vld [tilespmem:$0x2C0];
	_ =	sdelay $0x4  }
0x120: {  	v0 =	vadd.s32 $0x1D4C0, v0  }
0x121: {  	s11 =	simm.s32 $0x1A00;
	[tilespmem:$0x1A00] =	vst v0  }
0x122: {  	[tilespmem:s2], [sflag:$0x4] =	stream.indirect.gather.add.f32 [hbm:s7], $0x80, s11, s16, $0xb8;
	[tilespmem:$0x3480] =	vst v63  }
0x123: {  	v0 =	vld [tilespmem:$0x2D0];
	_ =	sdelay $0x4  }
0x124: {  	v0 =	vadd.s32 $0x1FBD0, v0  }
0x125: {  	s11 =	simm.s32 $0x1A80;
	[tilespmem:$0x1A80] =	vst v0  }
0x126: {  	[tilespmem:s2], [sflag:$0x4] =	stream.indirect.gather.add.f32 [hbm:s7], $0x80, s11, s16, $0xb8;
	[tilespmem:$0x3480] =	vst v63  }
0x127: {  	v0 =	vld [tilespmem:$0x2E0];
	_ =	sdelay $0x4  }
0x128: {  	v0 =	vadd.s32 $0x222E0, v0  }
0x129: {  	s11 =	simm.s32 $0x1B00;
	[tilespmem:$0x1B00] =	vst v0  }
0x12a: {  	[tilespmem:s2], [sflag:$0x4] =	stream.indirect.gather.add.f32 [hbm:s7], $0x80, s11, s16, $0xb8;
	[tilespmem:$0x3480] =	vst v63  }
0x12b: {  	v0 =	vld [tilespmem:$0x2F0];
	_ =	sdelay $0x4  }
0x12c: {  	v0 =	vadd.s32 $0x249F0, v0  }
0x12d: {  	s11 =	simm.s32 $0x1B80;
	[tilespmem:$0x1B80] =	vst v0  }
0x12e: {  	[tilespmem:s2], [sflag:$0x4] =	stream.indirect.gather.add.f32 [hbm:s7], $0x80, s11, s16, $0xb8;
	[tilespmem:$0x3480] =	vst v63  }
0x12f: {  	v0 =	vld [tilespmem:$0x300];
	_ =	sdelay $0x4  }
0x130: {  	v0 =	vadd.s32 $0x27100, v0  }
0x131: {  	s11 =	simm.s32 $0x1C00;
	[tilespmem:$0x1C00] =	vst v0  }
0x132: {  	[tilespmem:s2], [sflag:$0x4] =	stream.indirect.gather.add.f32 [hbm:s7], $0x80, s11, s16, $0xb8;
	[tilespmem:$0x3480] =	vst v63  }
0x133: {  	v0 =	vld [tilespmem:$0x310];
	_ =	sdelay $0x4  }
0x134: {  	v0 =	vadd.s32 $0x29810, v0  }
0x135: {  	s11 =	simm.s32 $0x1C80;
	[tilespmem:$0x1C80] =	vst v0  }
0x136: {  	[tilespmem:s2], [sflag:$0x4] =	stream.indirect.gather.add.f32 [hbm:s7], $0x80, s11, s16, $0xb8;
	[tilespmem:$0x3480] =	vst v63  }
0x137: {  	v0 =	vld [tilespmem:$0x320];
	_ =	sdelay $0x4  }
0x138: {  	v0 =	vadd.s32 $0x2BF20, v0  }
0x139: {  	s11 =	simm.s32 $0x1D00;
	[tilespmem:$0x1D00] =	vst v0  }
0x13a: {  	[tilespmem:s2], [sflag:$0x4] =	stream.indirect.gather.add.f32 [hbm:s7], $0x80, s11, s16, $0xb8;
	[tilespmem:$0x3480] =	vst v63  }
0x13b: {  	v0 =	vld [tilespmem:$0x330];
	_ =	sdelay $0x4  }
0x13c: {  	v0 =	vadd.s32 $0x2E630, v0  }
0x13d: {  	s11 =	simm.s32 $0x1D80;
	[tilespmem:$0x1D80] =	vst v0  }
0x13e: {  	[tilespmem:s2], [sflag:$0x4] =	stream.indirect.gather.add.f32 [hbm:s7], $0x80, s11, s16, $0xb8;
	[tilespmem:$0x3480] =	vst v63  }
0x13f: {  	v0 =	vld [tilespmem:$0x340];
	_ =	sdelay $0x4  }
0x140: {  	v0 =	vadd.s32 $0x30D40, v0  }
0x141: {  	s11 =	simm.s32 $0x1E00;
	[tilespmem:$0x1E00] =	vst v0  }
0x142: {  	[tilespmem:s2], [sflag:$0x4] =	stream.indirect.gather.add.f32 [hbm:s7], $0x80, s11, s16, $0xb8;
	[tilespmem:$0x3480] =	vst v63  }
0x143: {  	v0 =	vld [tilespmem:$0x350];
	_ =	sdelay $0x4  }
0x144: {  	v0 =	vadd.s32 $0x33450, v0  }
0x145: {  	[tilespmem:$0x1E80] =	vst v0  }
0x146: {  	[tilespmem:s2], [sflag:$0x4] =	stream.indirect.gather.add.f32 [hbm:s7], $0x80, s1, s16, $0xb8;
	[tilespmem:$0x3480] =	vst v63  }
0x147: {  	v0 =	vld [tilespmem:$0x360];
	_ =	sdelay $0x4  }
0x148: {  	v0 =	vadd.s32 $0x35B60, v0  }
0x149: {  	[tilespmem:$0x1F00] =	vst v0  }
0x14a: {  	[tilespmem:s2], [sflag:$0x4] =	stream.indirect.gather.add.f32 [hbm:s7], $0x80, s13, s16, $0xb8;
	[tilespmem:$0x3480] =	vst v63  }
0x14b: {  	v0 =	vld [tilespmem:$0x370];
	_ =	sdelay $0x4  }
0x14c: {  	v0 =	vadd.s32 $0x38270, v0  }
0x14d: {  	[tilespmem:$0x1F80] =	vst v0  }
0x14e: {  	[tilespmem:s2], [sflag:$0x4] =	stream.indirect.gather.add.f32 [hbm:s7], $0x80, s9, s16, $0xb8;
	[tilespmem:$0x3480] =	vst v63  }
0x14f: {  	v0 =	vld [tilespmem:$0x380];
	_ =	sdelay $0x4  }
0x150: {  	v0 =	vadd.s32 $0x3A980, v0  }
0x151: {  	[tilespmem:$0x2000] =	vst v0  }
0x152: {  	[tilespmem:s2], [sflag:$0x4] =	stream.indirect.gather.add.f32 [hbm:s7], $0x80, s12, s16, $0xb8;
	[tilespmem:$0x3480] =	vst v63  }
0x153: {  	v0 =	vld [tilespmem:$0x390];
	_ =	sdelay $0x4  }
0x154: {  	v0 =	vadd.s32 $0x3D090, v0  }
0x155: {  	[tilespmem:$0x2080] =	vst v0  }
0x156: {  	[tilespmem:s2], [sflag:$0x4] =	stream.indirect.gather.add.f32 [hbm:s7], $0x80, s8, s16, $0xb8;
	[tilespmem:$0x3480] =	vst v63  }
0x157: {  	v0 =	vld [tilespmem:$0x3A0];
	_ =	sdelay $0x4  }
0x158: {  	v0 =	vadd.s32 $0x3F7A0, v0  }
0x159: {  	[tilespmem:$0x2100] =	vst v0  }
0x15a: {  	[tilespmem:s2], [sflag:$0x4] =	stream.indirect.gather.add.f32 [hbm:s7], $0x80, s14, s16, $0xb8;
	[tilespmem:$0x3480] =	vst v63  }
0x15b: {  	v0 =	vld [tilespmem:$0x3B0];
	_ =	sdelay $0x4  }
0x15c: {  	v0 =	vadd.s32 $0x41EB0, v0  }
0x15d: {  	[tilespmem:$0x2180] =	vst v0  }
0x15e: {  	[tilespmem:s2], [sflag:$0x4] =	stream.indirect.gather.add.f32 [hbm:s7], $0x80, s17, s16, $0xb8;
	[tilespmem:$0x3480] =	vst v63  }
0x15f: {  	v0 =	vld [tilespmem:$0x3C0];
	_ =	sdelay $0x4  }
0x160: {  	v0 =	vadd.s32 $0x445C0, v0  }
0x161: {  	[tilespmem:$0x2200] =	vst v0  }
0x162: {  	[tilespmem:s2], [sflag:$0x4] =	stream.indirect.gather.add.f32 [hbm:s7], $0x80, s19, s16, $0xb8;
	[tilespmem:$0x3480] =	vst v63  }
0x163: {  	v0 =	vld [tilespmem:$0x3D0];
	_ =	sdelay $0x4  }
0x164: {  	v0 =	vadd.s32 $0x46CD0, v0  }
0x165: {  	[tilespmem:$0x2280] =	vst v0  }
0x166: {  	[tilespmem:s2], [sflag:$0x4] =	stream.indirect.gather.add.f32 [hbm:s7], $0x80, s20, s16, $0xb8;
	[tilespmem:$0x3480] =	vst v63  }
0x167: {  	v0 =	vld [tilespmem:$0x3E0];
	_ =	sdelay $0x4  }
0x168: {  	v0 =	vadd.s32 $0x493E0, v0  }
0x169: {  	[tilespmem:$0x2300] =	vst v0  }
0x16a: {  	[tilespmem:s2], [sflag:$0x4] =	stream.indirect.gather.add.f32 [hbm:s7], $0x80, s21, s16, $0xb8;
	[tilespmem:$0x3480] =	vst v63  }
0x16b: {  	v0 =	vld [tilespmem:$0x3F0];
	_ =	sdelay $0x2  }
0x16c: {  	p1 =	seq.s32 s26, $0x9  }
0x16d: {  	s11 =	sadd.s32 @!p1 s10, s28  }
0x16e: {  	s11 =	smin.u32 @!p1 s11, $0x270;
	v0 =	vadd.s32 $0x4BAF0, v0  }
0x16f: {  	s11 =	sshll.u32 @!p1 s11, $0x6;
	[tilespmem:$0x2380] =	vst v0  }
0x170: {  	[tilespmem:s2], [sflag:$0x4] =	stream.indirect.gather.add.f32 [hbm:s7], $0x80, s22, s16, $0xb8;
	[tilespmem:$0x3480] =	vst v63  }
0x171: {  	s29 =	simm.s32 @!p1 $0x0;
	s11 =	sadd.s32 @!p1 s6, s11  }
0x172: {  	[tilespmem:s29], [sflag:$0x1] =	stream.linear.gather @!p1 [hbm4b:s11+s29], $0x200, $0x38;
	[tilespmem:$0x3480] =	vst v63  }
0x173: {  	_ =	swait.ge [sflag:s23], $0x800  }
0x174: {  	[sflag:s23] =	ssyncset.done $0x0  }
0x175: {  	[sflag:s23] =	ssyncadd.s32 $0xFFFFF800  }
0x176: {  	_ =	swait.ge [sflag:s23], $0x800  }
0x177: {  	[sflag:s23] =	ssyncset.done $0x0  }
0x178: {  	[sflag:s23] =	ssyncadd.s32 $0xFFFFF800  }
0x179: {  	_ =	swait.ge [sflag:s23], $0x800  }
0x17a: {  	[sflag:s23] =	ssyncset.done $0x0  }
0x17b: {  	[sflag:s23] =	ssyncadd.s32 $0xFFFFF800  }
0x17c: {  	_ =	swait.ge [sflag:s23], $0x800  }
0x17d: {  	[sflag:s23] =	ssyncset.done $0x0  }
0x17e: {  	[sflag:s23] =	ssyncadd.s32 $0xFFFFF800  }
0x17f: {  	_ =	swait.ge [sflag:s23], $0x800  }
0x180: {  	[sflag:s23] =	ssyncset.done $0x0  }
0x181: {  	[sflag:s23] =	ssyncadd.s32 $0xFFFFF800  }
0x182: {  	_ =	swait.ge [sflag:s23], $0x800  }
0x183: {  	[sflag:s23] =	ssyncset.done $0x0  }
0x184: {  	[sflag:s23] =	ssyncadd.s32 $0xFFFFF800  }
0x185: {  	_ =	swait.ge [sflag:s23], $0x800  }
0x186: {  	[sflag:s23] =	ssyncset.done $0x0  }
0x187: {  	[sflag:s23] =	ssyncadd.s32 $0xFFFFF800  }
0x188: {  	_ =	swait.ge [sflag:s23], $0x800  }
0x189: {  	[sflag:s23] =	ssyncset.done $0x0  }
0x18a: {  	[sflag:s23] =	ssyncadd.s32 $0xFFFFF800  }
0x18b: {  	_ =	swait.ge [sflag:s23], $0x800  }
0x18c: {  	[sflag:s23] =	ssyncset.done $0x0  }
0x18d: {  	[sflag:s23] =	ssyncadd.s32 $0xFFFFF800  }
0x18e: {  	_ =	swait.ge [sflag:s23], $0x800  }
0x18f: {  	[sflag:s23] =	ssyncset.done $0x0  }
0x190: {  	[sflag:s23] =	ssyncadd.s32 $0xFFFFF800  }
0x191: {  	_ =	swait.ge [sflag:s23], $0x800  }
0x192: {  	[sflag:s23] =	ssyncset.done $0x0  }
0x193: {  	[sflag:s23] =	ssyncadd.s32 $0xFFFFF800  }
0x194: {  	_ =	swait.ge [sflag:s23], $0x800  }
0x195: {  	[sflag:s23] =	ssyncset.done $0x0  }
0x196: {  	[sflag:s23] =	ssyncadd.s32 $0xFFFFF800  }
0x197: {  	_ =	swait.ge [sflag:s23], $0x800  }
0x198: {  	[sflag:s23] =	ssyncset.done $0x0  }
0x199: {  	[sflag:s23] =	ssyncadd.s32 $0xFFFFF800  }
0x19a: {  	_ =	swait.ge [sflag:s23], $0x800  }
0x19b: {  	[sflag:s23] =	ssyncset.done $0x0  }
0x19c: {  	[sflag:s23] =	ssyncadd.s32 $0xFFFFF800  }
0x19d: {  	_ =	swait.ge [sflag:s23], $0x800  }
0x19e: {  	[sflag:s23] =	ssyncset.done $0x0  }
0x19f: {  	[sflag:s23] =	ssyncadd.s32 $0xFFFFF800  }
0x1a0: {  	_ =	swait.ge [sflag:s23], $0x800  }
0x1a1: {  	[sflag:s23] =	ssyncset.done $0x0  }
0x1a2: {  	[sflag:s23] =	ssyncadd.s32 $0xFFFFF800  }
0x1a3: {  	_ =	swait.ge [sflag:s23], $0x800  }
0x1a4: {  	[sflag:s23] =	ssyncset.done $0x0  }
0x1a5: {  	[sflag:s23] =	ssyncadd.s32 $0xFFFFF800  }
0x1a6: {  	_ =	swait.ge [sflag:s23], $0x800  }
0x1a7: {  	[sflag:s23] =	ssyncset.done $0x0  }
0x1a8: {  	[sflag:s23] =	ssyncadd.s32 $0xFFFFF800  }
0x1a9: {  	_ =	swait.ge [sflag:s23], $0x800  }
0x1aa: {  	[sflag:s23] =	ssyncset.done $0x0  }
0x1ab: {  	[sflag:s23] =	ssyncadd.s32 $0xFFFFF800  }
0x1ac: {  	_ =	swait.ge [sflag:s23], $0x800  }
0x1ad: {  	[sflag:s23] =	ssyncset.done $0x0  }
0x1ae: {  	[sflag:s23] =	ssyncadd.s32 $0xFFFFF800  }
0x1af: {  	_ =	swait.ge [sflag:s23], $0x800  }
0x1b0: {  	[sflag:s23] =	ssyncset.done $0x0  }
0x1b1: {  	[sflag:s23] =	ssyncadd.s32 $0xFFFFF800  }
0x1b2: {  	_ =	swait.ge [sflag:s23], $0x800  }
0x1b3: {  	[sflag:s23] =	ssyncset.done $0x0  }
0x1b4: {  	[sflag:s23] =	ssyncadd.s32 $0xFFFFF800  }
0x1b5: {  	_ =	swait.ge [sflag:s23], $0x800  }
0x1b6: {  	[sflag:s23] =	ssyncset.done $0x0  }
0x1b7: {  	[sflag:s23] =	ssyncadd.s32 $0xFFFFF800  }
0x1b8: {  	_ =	swait.ge [sflag:s23], $0x800  }
0x1b9: {  	[sflag:s23] =	ssyncset.done $0x0  }
0x1ba: {  	[sflag:s23] =	ssyncadd.s32 $0xFFFFF800  }
0x1bb: {  	_ =	swait.ge [sflag:s23], $0x800  }
0x1bc: {  	[sflag:s23] =	ssyncset.done $0x0  }
0x1bd: {  	[sflag:s23] =	ssyncadd.s32 $0xFFFFF800  }
0x1be: {  	_ =	swait.ge [sflag:s23], $0x800  }
0x1bf: {  	[sflag:s23] =	ssyncset.done $0x0  }
0x1c0: {  	[sflag:s23] =	ssyncadd.s32 $0xFFFFF800  }
0x1c1: {  	_ =	swait.ge [sflag:s23], $0x800  }
0x1c2: {  	[sflag:s23] =	ssyncset.done $0x0  }
0x1c3: {  	[sflag:s23] =	ssyncadd.s32 $0xFFFFF800  }
0x1c4: {  	_ =	swait.ge [sflag:s23], $0x800  }
0x1c5: {  	[sflag:s23] =	ssyncset.done $0x0  }
0x1c6: {  	[sflag:s23] =	ssyncadd.s32 $0xFFFFF800  }
0x1c7: {  	_ =	swait.ge [sflag:s23], $0x800  }
0x1c8: {  	[sflag:s23] =	ssyncset.done $0x0  }
0x1c9: {  	[sflag:s23] =	ssyncadd.s32 $0xFFFFF800  }
0x1ca: {  	_ =	swait.ge [sflag:s23], $0x800  }
0x1cb: {  	[sflag:s23] =	ssyncset.done $0x0  }
0x1cc: {  	[sflag:s23] =	ssyncadd.s32 $0xFFFFF800  }
0x1cd: {  	_ =	swait.ge [sflag:s23], $0x800  }
0x1ce: {  	[sflag:s23] =	ssyncset.done $0x0  }
0x1cf: {  	[sflag:s23] =	ssyncadd.s32 $0xFFFFF800  }
0x1d0: {  	_ =	swait.ge [sflag:s23], $0x800  }
0x1d1: {  	[sflag:s23] =	ssyncset.done $0x0  }
0x1d2: {  	s30 =	simm.s32 $0x0;
	[sflag:s23] =	ssyncadd.s32 $0xFFFFF800  }
0x1d3: {  	v6 =	vld [tilespmem:s30+$0x2400]  }
0x1d4: {  	v5 =	vld [tilespmem:s30+$0x2410]  }
0x1d5: {  	v4 =	vld [tilespmem:s30+$0x2420]  }
0x1d6: {  	v3 =	vld [tilespmem:s30+$0x2430]  }
0x1d7: {  	v2 =	vld [tilespmem:s30+$0x2440]  }
0x1d8: {  	v1 =	vld [tilespmem:s30+$0x2450];
	v0 =	vmin.f32 v6, $0.0e+00  }
0x1d9: {  	s29 =	simm.s32 $0x200;
	v8 =	vmin.f32 v5, $0.0e+00;
	v7 =	vmul.f32 $1.442695020e+00, v0;
	v0 =	vld [tilespmem:s30+$0x2460]  }
.LBB2_7:
0x1da: {  	p2 =	sne.s32 s29, $0x1E00;
	v8 =	vmul.f32 $1.442695020e+00, v8;
	v9 =	vmin.f32 v4, $0.0e+00;
	v10 =	vld [tilespmem:s30+$0x2470]  }
0x1db: {  	v9 =	vmul.f32 $1.442695020e+00, v9;
	v11 =	vmin.f32 v3, $0.0e+00;
	(erf) = vpow2.f32 v7  }
0x1dc: {  	v7 =	vmul.f32 $1.442695020e+00, v11;
	v11 =	vmin.f32 v2, $0.0e+00;
	(erf) = vpow2.f32 v8  }
0x1dd: {  	v8 =	vmul.f32 $1.442695020e+00, v11;
	v11 =	vmin.f32 v1, $0.0e+00;
	(erf) = vpow2.f32 v9  }
0x1de: {  	v9 =	vmul.f32 $1.442695020e+00, v11;
	v11 =	vmin.f32 v0, $0.0e+00;
	(erf) = vpow2.f32 v7  }
0x1df: {  	v7 =	vmul.f32 $1.442695020e+00, v11;
	v11 =	vmin.f32 v10, $0.0e+00;
	(erf) = vpow2.f32 v8  }
0x1e0: {  	v8 =	vmul.f32 $1.442695020e+00, v11;
	(erf) = vpow2.f32 v9  }
0x1e1: {  	(erf) = vpow2.f32 v7  }
0x1e2: {  	(erf) = vpow2.f32 v8;
	_ =	sdelay $0x1  }
0x1e3: {  	v7 =	vpop (erf)  }
0x1e4: {  	v7 =	vadd.f32 $-1.000000000e+00, v7;
	v8 =	vpop (erf)  }
0x1e5: {  	vm0 =	vgt.f32 v6, $0.0e+00;
	v8 =	vadd.f32 $-1.000000000e+00, v8;
	v9 =	vpop (erf)  }
0x1e6: {  	v6 =	vsel vm0, v6, v7;
	vm0 =	vgt.f32 v5, $0.0e+00;
	v7 =	vadd.f32 $-1.000000000e+00, v9;
	v9 =	vpop (erf)  }
0x1e7: {  	s11 =	sshra.s32 s29, $0x2;
	[tilespmem:s30+$0x2400] =	vst v6;
	v5 =	vsel vm0, v5, v8;
	vm0 =	vgt.f32 v4, $0.0e+00;
	v8 =	vadd.f32 $-1.000000000e+00, v9;
	v9 =	vpop (erf)  }
0x1e8: {  	v6 =	vld [tilespmem:s11+$0x2400];
	[tilespmem:s30+$0x2410] =	vst v5;
	v4 =	vsel vm0, v4, v7;
	vm0 =	vgt.f32 v3, $0.0e+00;
	v7 =	vadd.f32 $-1.000000000e+00, v9;
	v9 =	vpop (erf)  }
0x1e9: {  	v5 =	vld [tilespmem:s11+$0x2410];
	[tilespmem:s30+$0x2420] =	vst v4;
	v3 =	vsel vm0, v3, v8;
	vm0 =	vgt.f32 v2, $0.0e+00;
	v8 =	vadd.f32 $-1.000000000e+00, v9;
	v9 =	vpop (erf)  }
.Ltmp2:
0x1ea: {  	v4 =	vld [tilespmem:s11+$0x2420];
	[tilespmem:s30+$0x2430] =	vst v3;
	v2 =	vsel vm0, v2, v7;
	vm0 =	vgt.f32 v1, $0.0e+00;
	v7 =	vadd.f32 $-1.000000000e+00, v9;
	v9 =	vpop (erf);
	(pc) =	sbr.rel @p2 .LBB2_7-.Ltmp2, $4  }
0x1eb: {  	v3 =	vld [tilespmem:s11+$0x2430];
	[tilespmem:s30+$0x2440] =	vst v2;
	v1 =	vsel vm0, v1, v8;
	vm0 =	vgt.f32 v0, $0.0e+00;
	v8 =	vadd.f32 $-1.000000000e+00, v9  }
0x1ec: {  	v2 =	vld [tilespmem:s11+$0x2440];
	[tilespmem:s30+$0x2450] =	vst v1;
	v0 =	vsel vm0, v0, v7;
	vm0 =	vgt.f32 v10, $0.0e+00  }
0x1ed: {  	v7 =	vmin.f32 v6, $0.0e+00;
	v1 =	vld [tilespmem:s11+$0x2450];
	[tilespmem:s30+$0x2460] =	vst v0;
	v9 =	vsel vm0, v10, v8  }
0x1ee: {  	s29 =	sadd.s32 $0x200, s29;
	v7 =	vmul.f32 $1.442695020e+00, v7;
	v8 =	vmin.f32 v5, $0.0e+00;
	v0 =	vld [tilespmem:s11+$0x2460];
	[tilespmem:s30+$0x2470] =	vst v9;
	s30 =	smov.u32 s11  }
0x1ef: {  	v8 =	vmul.f32 $1.442695020e+00, v8;
	v9 =	vmin.f32 v4, $0.0e+00;
	v10 =	vld [tilespmem:s30+$0x2470]  }
0x1f0: {  	v9 =	vmul.f32 $1.442695020e+00, v9;
	v11 =	vmin.f32 v3, $0.0e+00;
	(erf) = vpow2.f32 v7  }
0x1f1: {  	v40 =	vmul.f32 $1.442695020e+00, v11;
	v41 =	vmin.f32 v2, $0.0e+00;
	(erf) = vpow2.f32 v8  }
0x1f2: {  	v42 =	vmul.f32 $1.442695020e+00, v41;
	v43 =	vmin.f32 v1, $0.0e+00;
	(erf) = vpow2.f32 v9  }
0x1f3: {  	v44 =	vmul.f32 $1.442695020e+00, v43;
	v45 =	vmin.f32 v0, $0.0e+00;
	(erf) = vpow2.f32 v40  }
0x1f4: {  	v46 =	vmul.f32 $1.442695020e+00, v45;
	v47 =	vmin.f32 v10, $0.0e+00;
	(erf) = vpow2.f32 v42  }
0x1f5: {  	v48 =	vmul.f32 $1.442695020e+00, v47;
	(erf) = vpow2.f32 v44  }
0x1f6: {  	(erf) = vpow2.f32 v46  }
0x1f7: {  	(erf) = vpow2.f32 v48;
	_ =	sdelay $0x1  }
0x1f8: {  	v49 =	vpop (erf)  }
0x1f9: {  	v7 =	vadd.f32 $-1.000000000e+00, v49;
	v50 =	vpop (erf)  }
0x1fa: {  	vm0 =	vgt.f32 v6, $0.0e+00;
	v8 =	vadd.f32 $-1.000000000e+00, v50;
	v51 =	vpop (erf)  }
0x1fb: {  	vm9 =	vgt.f32 v5, $0.0e+00;
	v6 =	vsel vm0, v6, v7;
	v52 =	vadd.f32 $-1.000000000e+00, v51;
	v53 =	vpop (erf)  }
0x1fc: {  	vm10 =	vgt.f32 v4, $0.0e+00;
	[tilespmem:s30+$0x2400] =	vst v6;
	v5 =	vsel vm9, v5, v8;
	v54 =	vadd.f32 $-1.000000000e+00, v53;
	v55 =	vpop (erf)  }
0x1fd: {  	vm11 =	vgt.f32 v3, $0.0e+00;
	[tilespmem:s30+$0x2410] =	vst v5;
	v4 =	vsel vm10, v4, v52;
	v56 =	vadd.f32 $-1.000000000e+00, v55;
	v57 =	vpop (erf)  }
0x1fe: {  	vm12 =	vgt.f32 v2, $0.0e+00;
	[tilespmem:s30+$0x2420] =	vst v4;
	v3 =	vsel vm11, v3, v54;
	v58 =	vadd.f32 $-1.000000000e+00, v57;
	v59 =	vpop (erf)  }
0x1ff: {  	vm13 =	vgt.f32 v1, $0.0e+00;
	[tilespmem:s30+$0x2430] =	vst v3;
	v2 =	vsel vm12, v2, v56;
	v60 =	vadd.f32 $-1.000000000e+00, v59;
	v61 =	vpop (erf)  }
.Ltmp3:
0x200: {  	vm14 =	vgt.f32 v0, $0.0e+00;
	[tilespmem:s30+$0x2440] =	vst v2;
	v1 =	vsel vm13, v1, v58;
	v62 =	vadd.f32 $-1.000000000e+00, v61;
	(pc) =	sbr.rel @p1 .LBB2_12-.Ltmp3, $4  }
0x201: {  	s29 =	sor.u32 s5, s28;
	vm15 =	vgt.f32 v10, $0.0e+00;
	[tilespmem:s30+$0x2450] =	vst v1;
	v0 =	vsel vm14, v0, v60  }
0x202: {  	s11 =	sshll.u32 s29, $0x8;
	[tilespmem:s30+$0x2460] =	vst v0;
	v63 =	vsel vm15, v10, v62  }
0x203: {  	s11 =	sadd.s32 s3, s11;
	[tilespmem:s30+$0x2470] =	vst v63  }
0x204: {  	[hbm4b:s11+s4] =	stream.linear.scatter [tilespmem:s18], [sflag:$0x5], $0x800, $0x38;
	[tilespmem:$0x3480] =	vst v63  }
0x205: {  	_ =	swait.ge [sflag:s25], $0x800  }
0x206: {  	[sflag:s25] =	ssyncset.done $0x0  }
0x207: {  	[sflag:s25] =	ssyncadd.s32 $0xFFFFF800  }
0x208: {  	_ =	swait.ge [sflag:s15], $0x200  }
0x209: {  	[sflag:s15] =	ssyncset.done $0x0  }
0x20a: {  	[sflag:s15] =	ssyncadd.s32 $0xFFFFFE00  }
0x20b: {  	s30 =	simm.s32 $0x0;
	s11 =	simm.s32 $0x200;
	v0 =	vld [tilespmem:$0x3400]  }
.LBB2_10:
0x20c: {  	p1 =	sne.s32 s11, $0x1E00;
	_ =	sdelay $0x2  }
0x20d: {  	s0 =	sshra.s32 s30, $0x2;
	s30 =	smov.u32 s11  }
0x20e: {  	[tilespmem:s0+$0x2400] =	vst v0  }
0x20f: {  	v0 =	vld [tilespmem:$0x3410];
	_ =	sdelay $0x4  }
0x210: {  	[tilespmem:s0+$0x2410] =	vst v0  }
0x211: {  	v0 =	vld [tilespmem:$0x3420];
	_ =	sdelay $0x4  }
0x212: {  	[tilespmem:s0+$0x2420] =	vst v0  }
0x213: {  	v0 =	vld [tilespmem:$0x3430];
	_ =	sdelay $0x4  }
0x214: {  	[tilespmem:s0+$0x2430] =	vst v0  }
0x215: {  	v0 =	vld [tilespmem:$0x3440];
	_ =	sdelay $0x4  }
0x216: {  	[tilespmem:s0+$0x2440] =	vst v0  }
0x217: {  	v0 =	vld [tilespmem:$0x3450];
	_ =	sdelay $0x4  }
0x218: {  	[tilespmem:s0+$0x2450] =	vst v0  }
0x219: {  	v0 =	vld [tilespmem:$0x3460];
	_ =	sdelay $0x4  }
0x21a: {  	[tilespmem:s0+$0x2460] =	vst v0  }
0x21b: {  	v0 =	vld [tilespmem:$0x3470];
	_ =	sdelay $0x1  }
.Ltmp4:
0x21c: {  	(pc) =	sbr.rel @p1 .LBB2_10-.Ltmp4, $3  }
0x21d: {  	_ =	sdelay $0x1  }
0x21e: {  	[tilespmem:s0+$0x2470] =	vst v0  }
0x21f: {  	s11 =	sadd.s32 $0x200, s11;
	v0 =	vld [tilespmem:$0x3400]  }
0x220: {  	_ =	sdelay $0x2  }
0x221: {  	s0 =	sshra.s32 s30, $0x2  }
0x222: {  	[tilespmem:s0+$0x2400] =	vst v0  }
0x223: {  	v0 =	vld [tilespmem:$0x3410];
	_ =	sdelay $0x4  }
0x224: {  	[tilespmem:s0+$0x2410] =	vst v0  }
0x225: {  	v0 =	vld [tilespmem:$0x3420];
	_ =	sdelay $0x4  }
0x226: {  	[tilespmem:s0+$0x2420] =	vst v0  }
0x227: {  	v0 =	vld [tilespmem:$0x3430];
	_ =	sdelay $0x4  }
0x228: {  	[tilespmem:s0+$0x2430] =	vst v0  }
0x229: {  	v0 =	vld [tilespmem:$0x3440];
	_ =	sdelay $0x4  }
0x22a: {  	[tilespmem:s0+$0x2440] =	vst v0  }
0x22b: {  	v0 =	vld [tilespmem:$0x3450];
	_ =	sdelay $0x4  }
0x22c: {  	[tilespmem:s0+$0x2450] =	vst v0  }
0x22d: {  	v0 =	vld [tilespmem:$0x3460];
	_ =	sdelay $0x4  }
0x22e: {  	[tilespmem:s0+$0x2460] =	vst v0  }
0x22f: {  	v0 =	vld [tilespmem:$0x3470];
	_ =	sdelay $0x4  }
0x230: {  	[tilespmem:s0+$0x2470] =	vst v0  }
0x231: {  	v0 =	vld [tilespmem:$0x0];
	_ =	sdelay $0x4  }
0x232: {  	s30 =	simm.s32 $0x400;
	[tilespmem:$0x400] =	vst v0  }
0x233: {  	[tilespmem:s18], [sflag:$0x3] =	stream.indirect.gather.add.f32 [hbm:s7], $0x80, s30, s16, $0xb8;
	[tilespmem:$0x3480] =	vst v63  }
0x234: {  	v33 =	vld [tilespmem:$0x10];
	_ =	sdelay $0x4  }
0x235: {  	v0 =	vadd.s32 $0x2710, v33  }
0x236: {  	s11 =	simm.s32 $0x480;
	[tilespmem:$0x480] =	vst v0  }
0x237: {  	[tilespmem:s18], [sflag:$0x3] =	stream.indirect.gather.add.f32 [hbm:s7], $0x80, s11, s16, $0xb8;
	[tilespmem:$0x3480] =	vst v63  }
0x238: {  	v34 =	vld [tilespmem:$0x20];
	_ =	sdelay $0x4  }
0x239: {  	v0 =	vadd.s32 $0x4E20, v34  }
0x23a: {  	s30 =	simm.s32 $0x500;
	[tilespmem:$0x500] =	vst v0  }
0x23b: {  	[tilespmem:s18], [sflag:$0x3] =	stream.indirect.gather.add.f32 [hbm:s7], $0x80, s30, s16, $0xb8;
	[tilespmem:$0x3480] =	vst v63  }
0x23c: {  	v35 =	vld [tilespmem:$0x30];
	_ =	sdelay $0x4  }
0x23d: {  	v0 =	vadd.s32 $0x7530, v35  }
0x23e: {  	s11 =	simm.s32 $0x580;
	[tilespmem:$0x580] =	vst v0  }
0x23f: {  	[tilespmem:s18], [sflag:$0x3] =	stream.indirect.gather.add.f32 [hbm:s7], $0x80, s11, s16, $0xb8;
	[tilespmem:$0x3480] =	vst v63  }
0x240: {  	v36 =	vld [tilespmem:$0x40];
	_ =	sdelay $0x4  }
0x241: {  	v0 =	vadd.s32 $0x9C40, v36  }
0x242: {  	s30 =	simm.s32 $0x600;
	[tilespmem:$0x600] =	vst v0  }
0x243: {  	[tilespmem:s18], [sflag:$0x3] =	stream.indirect.gather.add.f32 [hbm:s7], $0x80, s30, s16, $0xb8;
	[tilespmem:$0x3480] =	vst v63  }
0x244: {  	v37 =	vld [tilespmem:$0x50];
	_ =	sdelay $0x4  }
0x245: {  	v0 =	vadd.s32 $0xC350, v37  }
0x246: {  	s11 =	simm.s32 $0x680;
	[tilespmem:$0x680] =	vst v0  }
0x247: {  	[tilespmem:s18], [sflag:$0x3] =	stream.indirect.gather.add.f32 [hbm:s7], $0x80, s11, s16, $0xb8;
	[tilespmem:$0x3480] =	vst v63  }
0x248: {  	v38 =	vld [tilespmem:$0x60];
	_ =	sdelay $0x4  }
0x249: {  	v0 =	vadd.s32 $0xEA60, v38  }
0x24a: {  	s30 =	simm.s32 $0x700;
	[tilespmem:$0x700] =	vst v0  }
0x24b: {  	[tilespmem:s18], [sflag:$0x3] =	stream.indirect.gather.add.f32 [hbm:s7], $0x80, s30, s16, $0xb8;
	[tilespmem:$0x3480] =	vst v63  }
0x24c: {  	v39 =	vld [tilespmem:$0x70];
	_ =	sdelay $0x4  }
0x24d: {  	v0 =	vadd.s32 $0x11170, v39  }
0x24e: {  	s11 =	simm.s32 $0x780;
	[tilespmem:$0x780] =	vst v0  }
0x24f: {  	[tilespmem:s18], [sflag:$0x3] =	stream.indirect.gather.add.f32 [hbm:s7], $0x80, s11, s16, $0xb8;
	[tilespmem:$0x3480] =	vst v63  }
0x250: {  	v40 =	vld [tilespmem:$0x80];
	_ =	sdelay $0x4  }
0x251: {  	v0 =	vadd.s32 $0x13880, v40  }
0x252: {  	s30 =	simm.s32 $0x800;
	[tilespmem:$0x800] =	vst v0  }
0x253: {  	[tilespmem:s18], [sflag:$0x3] =	stream.indirect.gather.add.f32 [hbm:s7], $0x80, s30, s16, $0xb8;
	[tilespmem:$0x3480] =	vst v63  }
0x254: {  	v41 =	vld [tilespmem:$0x90];
	_ =	sdelay $0x4  }
0x255: {  	v0 =	vadd.s32 $0x15F90, v41  }
0x256: {  	s11 =	simm.s32 $0x880;
	[tilespmem:$0x880] =	vst v0  }
0x257: {  	[tilespmem:s18], [sflag:$0x3] =	stream.indirect.gather.add.f32 [hbm:s7], $0x80, s11, s16, $0xb8;
	[tilespmem:$0x3480] =	vst v63  }
0x258: {  	v42 =	vld [tilespmem:$0xA0];
	_ =	sdelay $0x4  }
0x259: {  	v0 =	vadd.s32 $0x186A0, v42  }
0x25a: {  	s30 =	simm.s32 $0x900;
	[tilespmem:$0x900] =	vst v0  }
0x25b: {  	[tilespmem:s18], [sflag:$0x3] =	stream.indirect.gather.add.f32 [hbm:s7], $0x80, s30, s16, $0xb8;
	[tilespmem:$0x3480] =	vst v63  }
0x25c: {  	v43 =	vld [tilespmem:$0xB0];
	_ =	sdelay $0x4  }
0x25d: {  	v0 =	vadd.s32 $0x1ADB0, v43  }
0x25e: {  	s11 =	simm.s32 $0x980;
	[tilespmem:$0x980] =	vst v0  }
0x25f: {  	[tilespmem:s18], [sflag:$0x3] =	stream.indirect.gather.add.f32 [hbm:s7], $0x80, s11, s16, $0xb8;
	[tilespmem:$0x3480] =	vst v63  }
0x260: {  	v44 =	vld [tilespmem:$0xC0];
	_ =	sdelay $0x4  }
0x261: {  	v0 =	vadd.s32 $0x1D4C0, v44  }
0x262: {  	s30 =	simm.s32 $0xA00;
	[tilespmem:$0xA00] =	vst v0  }
0x263: {  	[tilespmem:s18], [sflag:$0x3] =	stream.indirect.gather.add.f32 [hbm:s7], $0x80, s30, s16, $0xb8;
	[tilespmem:$0x3480] =	vst v63  }
0x264: {  	v45 =	vld [tilespmem:$0xD0];
	_ =	sdelay $0x4  }
0x265: {  	v0 =	vadd.s32 $0x1FBD0, v45  }
0x266: {  	s11 =	simm.s32 $0xA80;
	[tilespmem:$0xA80] =	vst v0  }
0x267: {  	[tilespmem:s18], [sflag:$0x3] =	stream.indirect.gather.add.f32 [hbm:s7], $0x80, s11, s16, $0xb8;
	[tilespmem:$0x3480] =	vst v63  }
0x268: {  	v46 =	vld [tilespmem:$0xE0];
	_ =	sdelay $0x4  }
0x269: {  	v0 =	vadd.s32 $0x222E0, v46  }
0x26a: {  	s30 =	simm.s32 $0xB00;
	[tilespmem:$0xB00] =	vst v0  }
0x26b: {  	[tilespmem:s18], [sflag:$0x3] =	stream.indirect.gather.add.f32 [hbm:s7], $0x80, s30, s16, $0xb8;
	[tilespmem:$0x3480] =	vst v63  }
0x26c: {  	v47 =	vld [tilespmem:$0xF0];
	_ =	sdelay $0x4  }
0x26d: {  	v0 =	vadd.s32 $0x249F0, v47  }
0x26e: {  	s11 =	simm.s32 $0xB80;
	[tilespmem:$0xB80] =	vst v0  }
0x26f: {  	[tilespmem:s18], [sflag:$0x3] =	stream.indirect.gather.add.f32 [hbm:s7], $0x80, s11, s16, $0xb8;
	[tilespmem:$0x3480] =	vst v63  }
0x270: {  	v48 =	vld [tilespmem:$0x100];
	_ =	sdelay $0x4  }
0x271: {  	v0 =	vadd.s32 $0x27100, v48  }
0x272: {  	s30 =	simm.s32 $0xC00;
	[tilespmem:$0xC00] =	vst v0  }
0x273: {  	[tilespmem:s18], [sflag:$0x3] =	stream.indirect.gather.add.f32 [hbm:s7], $0x80, s30, s16, $0xb8;
	[tilespmem:$0x3480] =	vst v63  }
0x274: {  	v49 =	vld [tilespmem:$0x110];
	_ =	sdelay $0x4  }
0x275: {  	v0 =	vadd.s32 $0x29810, v49  }
0x276: {  	s11 =	simm.s32 $0xC80;
	[tilespmem:$0xC80] =	vst v0  }
0x277: {  	[tilespmem:s18], [sflag:$0x3] =	stream.indirect.gather.add.f32 [hbm:s7], $0x80, s11, s16, $0xb8;
	[tilespmem:$0x3480] =	vst v63  }
0x278: {  	v50 =	vld [tilespmem:$0x120];
	_ =	sdelay $0x4  }
0x279: {  	v0 =	vadd.s32 $0x2BF20, v50  }
0x27a: {  	s30 =	simm.s32 $0xD00;
	[tilespmem:$0xD00] =	vst v0  }
0x27b: {  	[tilespmem:s18], [sflag:$0x3] =	stream.indirect.gather.add.f32 [hbm:s7], $0x80, s30, s16, $0xb8;
	[tilespmem:$0x3480] =	vst v63  }
0x27c: {  	v51 =	vld [tilespmem:$0x130];
	_ =	sdelay $0x4  }
0x27d: {  	v0 =	vadd.s32 $0x2E630, v51  }
0x27e: {  	s11 =	simm.s32 $0xD80;
	[tilespmem:$0xD80] =	vst v0  }
0x27f: {  	[tilespmem:s18], [sflag:$0x3] =	stream.indirect.gather.add.f32 [hbm:s7], $0x80, s11, s16, $0xb8;
	[tilespmem:$0x3480] =	vst v63  }
0x280: {  	v52 =	vld [tilespmem:$0x140];
	_ =	sdelay $0x4  }
0x281: {  	v0 =	vadd.s32 $0x30D40, v52  }
0x282: {  	s30 =	simm.s32 $0xE00;
	[tilespmem:$0xE00] =	vst v0  }
0x283: {  	[tilespmem:s18], [sflag:$0x3] =	stream.indirect.gather.add.f32 [hbm:s7], $0x80, s30, s16, $0xb8;
	[tilespmem:$0x3480] =	vst v63  }
0x284: {  	v53 =	vld [tilespmem:$0x150];
	_ =	sdelay $0x4  }
0x285: {  	v0 =	vadd.s32 $0x33450, v53  }
0x286: {  	s11 =	simm.s32 $0xE80;
	[tilespmem:$0xE80] =	vst v0  }
0x287: {  	[tilespmem:s18], [sflag:$0x3] =	stream.indirect.gather.add.f32 [hbm:s7], $0x80, s11, s16, $0xb8;
	[tilespmem:$0x3480] =	vst v63  }
0x288: {  	v54 =	vld [tilespmem:$0x160];
	_ =	sdelay $0x4  }
0x289: {  	v0 =	vadd.s32 $0x35B60, v54  }
0x28a: {  	s30 =	simm.s32 $0xF00;
	[tilespmem:$0xF00] =	vst v0  }
0x28b: {  	[tilespmem:s18], [sflag:$0x3] =	stream.indirect.gather.add.f32 [hbm:s7], $0x80, s30, s16, $0xb8;
	[tilespmem:$0x3480] =	vst v63  }
0x28c: {  	v55 =	vld [tilespmem:$0x170];
	_ =	sdelay $0x4  }
0x28d: {  	v0 =	vadd.s32 $0x38270, v55  }
0x28e: {  	s11 =	simm.s32 $0xF80;
	[tilespmem:$0xF80] =	vst v0  }
0x28f: {  	[tilespmem:s18], [sflag:$0x3] =	stream.indirect.gather.add.f32 [hbm:s7], $0x80, s11, s16, $0xb8;
	[tilespmem:$0x3480] =	vst v63  }
0x290: {  	v56 =	vld [tilespmem:$0x180];
	_ =	sdelay $0x4  }
0x291: {  	v0 =	vadd.s32 $0x3A980, v56  }
0x292: {  	s30 =	simm.s32 $0x1000;
	[tilespmem:$0x1000] =	vst v0  }
0x293: {  	[tilespmem:s18], [sflag:$0x3] =	stream.indirect.gather.add.f32 [hbm:s7], $0x80, s30, s16, $0xb8;
	[tilespmem:$0x3480] =	vst v63  }
0x294: {  	v57 =	vld [tilespmem:$0x190];
	_ =	sdelay $0x4  }
0x295: {  	v0 =	vadd.s32 $0x3D090, v57  }
0x296: {  	s11 =	simm.s32 $0x1080;
	[tilespmem:$0x1080] =	vst v0  }
0x297: {  	[tilespmem:s18], [sflag:$0x3] =	stream.indirect.gather.add.f32 [hbm:s7], $0x80, s11, s16, $0xb8;
	[tilespmem:$0x3480] =	vst v63  }
0x298: {  	v58 =	vld [tilespmem:$0x1A0];
	_ =	sdelay $0x4  }
0x299: {  	v0 =	vadd.s32 $0x3F7A0, v58  }
0x29a: {  	s30 =	simm.s32 $0x1100;
	[tilespmem:$0x1100] =	vst v0  }
0x29b: {  	[tilespmem:s18], [sflag:$0x3] =	stream.indirect.gather.add.f32 [hbm:s7], $0x80, s30, s16, $0xb8;
	[tilespmem:$0x3480] =	vst v63  }
0x29c: {  	v59 =	vld [tilespmem:$0x1B0];
	_ =	sdelay $0x4  }
0x29d: {  	v0 =	vadd.s32 $0x41EB0, v59  }
0x29e: {  	s11 =	simm.s32 $0x1180;
	[tilespmem:$0x1180] =	vst v0  }
0x29f: {  	[tilespmem:s18], [sflag:$0x3] =	stream.indirect.gather.add.f32 [hbm:s7], $0x80, s11, s16, $0xb8;
	[tilespmem:$0x3480] =	vst v63  }
0x2a0: {  	v60 =	vld [tilespmem:$0x1C0];
	_ =	sdelay $0x4  }
0x2a1: {  	v0 =	vadd.s32 $0x445C0, v60  }
0x2a2: {  	s30 =	simm.s32 $0x1200;
	[tilespmem:$0x1200] =	vst v0  }
0x2a3: {  	[tilespmem:s18], [sflag:$0x3] =	stream.indirect.gather.add.f32 [hbm:s7], $0x80, s30, s16, $0xb8;
	[tilespmem:$0x3480] =	vst v63  }
0x2a4: {  	v61 =	vld [tilespmem:$0x1D0];
	_ =	sdelay $0x4  }
0x2a5: {  	v0 =	vadd.s32 $0x46CD0, v61  }
0x2a6: {  	s11 =	simm.s32 $0x1280;
	[tilespmem:$0x1280] =	vst v0  }
0x2a7: {  	[tilespmem:s18], [sflag:$0x3] =	stream.indirect.gather.add.f32 [hbm:s7], $0x80, s11, s16, $0xb8;
	[tilespmem:$0x3480] =	vst v63  }
0x2a8: {  	v62 =	vld [tilespmem:$0x1E0];
	_ =	sdelay $0x4  }
0x2a9: {  	v0 =	vadd.s32 $0x493E0, v62  }
0x2aa: {  	s30 =	simm.s32 $0x1300;
	[tilespmem:$0x1300] =	vst v0  }
0x2ab: {  	[tilespmem:s18], [sflag:$0x3] =	stream.indirect.gather.add.f32 [hbm:s7], $0x80, s30, s16, $0xb8;
	[tilespmem:$0x3480] =	vst v63  }
0x2ac: {  	v63 =	vld [tilespmem:$0x1F0];
	_ =	sdelay $0x2  }
0x2ad: {  	s30 =	rddreg [dreg:$0x6]  }
0x2ae: {  	s0 =	sadd.s32 s30, s28  }
0x2af: {  	s0 =	smin.u32 s0, $0x270;
	v0 =	vadd.s32 $0x4BAF0, v63  }
0x2b0: {  	s11 =	simm.s32 $0x1380;
	s0 =	sshll.u32 s0, $0x6;
	[tilespmem:$0x1380] =	vst v0  }
0x2b1: {  	[tilespmem:s18], [sflag:$0x3] =	stream.indirect.gather.add.f32 [hbm:s7], $0x80, s11, s16, $0xb8;
	[tilespmem:$0x3480] =	vst v63  }
0x2b2: {  	s0 =	sadd.s32 s6, s0;
	s11 =	simm.s32 $0x200  }
0x2b3: {  	[tilespmem:s11], [sflag:$0x2] =	stream.linear.gather [hbm4b:s0+s4], $0x200, $0x38;
	[tilespmem:$0x3480] =	vst v63  }
.LBB2_12:
0x2b4: {  	_ =	swait.ge [sflag:s24], $0x800  }
0x2b5: {  	[sflag:s24] =	ssyncset.done $0x0  }
0x2b6: {  	[sflag:s24] =	ssyncadd.s32 $0xFFFFF800  }
0x2b7: {  	_ =	swait.ge [sflag:s24], $0x800  }
0x2b8: {  	[sflag:s24] =	ssyncset.done $0x0  }
0x2b9: {  	[sflag:s24] =	ssyncadd.s32 $0xFFFFF800  }
0x2ba: {  	_ =	swait.ge [sflag:s24], $0x800  }
0x2bb: {  	[sflag:s24] =	ssyncset.done $0x0  }
0x2bc: {  	[sflag:s24] =	ssyncadd.s32 $0xFFFFF800  }
0x2bd: {  	_ =	swait.ge [sflag:s24], $0x800  }
0x2be: {  	[sflag:s24] =	ssyncset.done $0x0  }
0x2bf: {  	[sflag:s24] =	ssyncadd.s32 $0xFFFFF800  }
0x2c0: {  	_ =	swait.ge [sflag:s24], $0x800  }
0x2c1: {  	[sflag:s24] =	ssyncset.done $0x0  }
0x2c2: {  	[sflag:s24] =	ssyncadd.s32 $0xFFFFF800  }
0x2c3: {  	_ =	swait.ge [sflag:s24], $0x800  }
0x2c4: {  	[sflag:s24] =	ssyncset.done $0x0  }
0x2c5: {  	[sflag:s24] =	ssyncadd.s32 $0xFFFFF800  }
0x2c6: {  	_ =	swait.ge [sflag:s24], $0x800  }
0x2c7: {  	[sflag:s24] =	ssyncset.done $0x0  }
0x2c8: {  	[sflag:s24] =	ssyncadd.s32 $0xFFFFF800  }
0x2c9: {  	_ =	swait.ge [sflag:s24], $0x800  }
0x2ca: {  	[sflag:s24] =	ssyncset.done $0x0  }
0x2cb: {  	[sflag:s24] =	ssyncadd.s32 $0xFFFFF800  }
0x2cc: {  	_ =	swait.ge [sflag:s24], $0x800  }
0x2cd: {  	[sflag:s24] =	ssyncset.done $0x0  }
0x2ce: {  	[sflag:s24] =	ssyncadd.s32 $0xFFFFF800  }
0x2cf: {  	_ =	swait.ge [sflag:s24], $0x800  }
0x2d0: {  	[sflag:s24] =	ssyncset.done $0x0  }
0x2d1: {  	[sflag:s24] =	ssyncadd.s32 $0xFFFFF800  }
0x2d2: {  	_ =	swait.ge [sflag:s24], $0x800  }
0x2d3: {  	[sflag:s24] =	ssyncset.done $0x0  }
0x2d4: {  	[sflag:s24] =	ssyncadd.s32 $0xFFFFF800  }
0x2d5: {  	_ =	swait.ge [sflag:s24], $0x800  }
0x2d6: {  	[sflag:s24] =	ssyncset.done $0x0  }
0x2d7: {  	[sflag:s24] =	ssyncadd.s32 $0xFFFFF800  }
0x2d8: {  	_ =	swait.ge [sflag:s24], $0x800  }
0x2d9: {  	[sflag:s24] =	ssyncset.done $0x0  }
0x2da: {  	[sflag:s24] =	ssyncadd.s32 $0xFFFFF800  }
0x2db: {  	_ =	swait.ge [sflag:s24], $0x800  }
0x2dc: {  	[sflag:s24] =	ssyncset.done $0x0  }
0x2dd: {  	[sflag:s24] =	ssyncadd.s32 $0xFFFFF800  }
0x2de: {  	_ =	swait.ge [sflag:s24], $0x800  }
0x2df: {  	[sflag:s24] =	ssyncset.done $0x0  }
0x2e0: {  	[sflag:s24] =	ssyncadd.s32 $0xFFFFF800  }
0x2e1: {  	_ =	swait.ge [sflag:s24], $0x800  }
0x2e2: {  	[sflag:s24] =	ssyncset.done $0x0  }
0x2e3: {  	[sflag:s24] =	ssyncadd.s32 $0xFFFFF800  }
0x2e4: {  	_ =	swait.ge [sflag:s24], $0x800  }
0x2e5: {  	[sflag:s24] =	ssyncset.done $0x0  }
0x2e6: {  	[sflag:s24] =	ssyncadd.s32 $0xFFFFF800  }
0x2e7: {  	_ =	swait.ge [sflag:s24], $0x800  }
0x2e8: {  	[sflag:s24] =	ssyncset.done $0x0  }
0x2e9: {  	[sflag:s24] =	ssyncadd.s32 $0xFFFFF800  }
0x2ea: {  	_ =	swait.ge [sflag:s24], $0x800  }
0x2eb: {  	[sflag:s24] =	ssyncset.done $0x0  }
0x2ec: {  	[sflag:s24] =	ssyncadd.s32 $0xFFFFF800  }
0x2ed: {  	_ =	swait.ge [sflag:s24], $0x800  }
0x2ee: {  	[sflag:s24] =	ssyncset.done $0x0  }
0x2ef: {  	[sflag:s24] =	ssyncadd.s32 $0xFFFFF800  }
0x2f0: {  	_ =	swait.ge [sflag:s24], $0x800  }
0x2f1: {  	[sflag:s24] =	ssyncset.done $0x0  }
0x2f2: {  	[sflag:s24] =	ssyncadd.s32 $0xFFFFF800  }
0x2f3: {  	_ =	swait.ge [sflag:s24], $0x800  }
0x2f4: {  	[sflag:s24] =	ssyncset.done $0x0  }
0x2f5: {  	[sflag:s24] =	ssyncadd.s32 $0xFFFFF800  }
0x2f6: {  	_ =	swait.ge [sflag:s24], $0x800  }
0x2f7: {  	[sflag:s24] =	ssyncset.done $0x0  }
0x2f8: {  	[sflag:s24] =	ssyncadd.s32 $0xFFFFF800  }
0x2f9: {  	_ =	swait.ge [sflag:s24], $0x800  }
0x2fa: {  	[sflag:s24] =	ssyncset.done $0x0  }
0x2fb: {  	[sflag:s24] =	ssyncadd.s32 $0xFFFFF800  }
0x2fc: {  	_ =	swait.ge [sflag:s24], $0x800  }
0x2fd: {  	[sflag:s24] =	ssyncset.done $0x0  }
0x2fe: {  	[sflag:s24] =	ssyncadd.s32 $0xFFFFF800  }
0x2ff: {  	_ =	swait.ge [sflag:s24], $0x800  }
0x300: {  	[sflag:s24] =	ssyncset.done $0x0  }
0x301: {  	[sflag:s24] =	ssyncadd.s32 $0xFFFFF800  }
0x302: {  	_ =	swait.ge [sflag:s24], $0x800  }
0x303: {  	[sflag:s24] =	ssyncset.done $0x0  }
0x304: {  	[sflag:s24] =	ssyncadd.s32 $0xFFFFF800  }
0x305: {  	_ =	swait.ge [sflag:s24], $0x800  }
0x306: {  	[sflag:s24] =	ssyncset.done $0x0  }
0x307: {  	[sflag:s24] =	ssyncadd.s32 $0xFFFFF800  }
0x308: {  	_ =	swait.ge [sflag:s24], $0x800  }
0x309: {  	[sflag:s24] =	ssyncset.done $0x0  }
0x30a: {  	[sflag:s24] =	ssyncadd.s32 $0xFFFFF800  }
0x30b: {  	_ =	swait.ge [sflag:s24], $0x800  }
0x30c: {  	[sflag:s24] =	ssyncset.done $0x0  }
0x30d: {  	[sflag:s24] =	ssyncadd.s32 $0xFFFFF800  }
0x30e: {  	_ =	swait.ge [sflag:s24], $0x800  }
0x30f: {  	[sflag:s24] =	ssyncset.done $0x0  }
0x310: {  	[sflag:s24] =	ssyncadd.s32 $0xFFFFF800  }
0x311: {  	_ =	swait.ge [sflag:s24], $0x800  }
0x312: {  	[sflag:s24] =	ssyncset.done $0x0  }
0x313: {  	s28 =	simm.s32 $0x0;
	[sflag:s24] =	ssyncadd.s32 $0xFFFFF800  }
0x314: {  	v6 =	vld [tilespmem:s28+$0x2C00]  }
0x315: {  	v5 =	vld [tilespmem:s28+$0x2C10]  }
0x316: {  	v4 =	vld [tilespmem:s28+$0x2C20]  }
0x317: {  	v3 =	vld [tilespmem:s28+$0x2C30]  }
0x318: {  	v2 =	vld [tilespmem:s28+$0x2C40]  }
0x319: {  	v1 =	vld [tilespmem:s28+$0x2C50];
	v0 =	vmin.f32 v6, $0.0e+00  }
0x31a: {  	s30 =	simm.s32 $0x200;
	v8 =	vmin.f32 v5, $0.0e+00;
	v7 =	vmul.f32 $1.442695020e+00, v0;
	v0 =	vld [tilespmem:s28+$0x2C60]  }
.LBB2_13:
0x31b: {  	p1 =	sne.s32 s30, $0x1E00;
	v8 =	vmul.f32 $1.442695020e+00, v8;
	v9 =	vmin.f32 v4, $0.0e+00;
	v10 =	vld [tilespmem:s28+$0x2C70]  }
0x31c: {  	v9 =	vmul.f32 $1.442695020e+00, v9;
	v11 =	vmin.f32 v3, $0.0e+00;
	(erf) = vpow2.f32 v7  }
0x31d: {  	v7 =	vmul.f32 $1.442695020e+00, v11;
	v11 =	vmin.f32 v2, $0.0e+00;
	(erf) = vpow2.f32 v8  }
0x31e: {  	v8 =	vmul.f32 $1.442695020e+00, v11;
	v11 =	vmin.f32 v1, $0.0e+00;
	(erf) = vpow2.f32 v9  }
0x31f: {  	v9 =	vmul.f32 $1.442695020e+00, v11;
	v11 =	vmin.f32 v0, $0.0e+00;
	(erf) = vpow2.f32 v7  }
0x320: {  	v7 =	vmul.f32 $1.442695020e+00, v11;
	v11 =	vmin.f32 v10, $0.0e+00;
	(erf) = vpow2.f32 v8  }
0x321: {  	v8 =	vmul.f32 $1.442695020e+00, v11;
	(erf) = vpow2.f32 v9  }
0x322: {  	(erf) = vpow2.f32 v7  }
0x323: {  	(erf) = vpow2.f32 v8;
	_ =	sdelay $0x1  }
0x324: {  	v7 =	vpop (erf)  }
0x325: {  	v7 =	vadd.f32 $-1.000000000e+00, v7;
	v8 =	vpop (erf)  }
0x326: {  	vm0 =	vgt.f32 v6, $0.0e+00;
	v8 =	vadd.f32 $-1.000000000e+00, v8;
	v9 =	vpop (erf)  }
0x327: {  	v6 =	vsel vm0, v6, v7;
	vm0 =	vgt.f32 v5, $0.0e+00;
	v7 =	vadd.f32 $-1.000000000e+00, v9;
	v9 =	vpop (erf)  }
0x328: {  	s0 =	sshra.s32 s30, $0x2;
	[tilespmem:s28+$0x2C00] =	vst v6;
	v5 =	vsel vm0, v5, v8;
	vm0 =	vgt.f32 v4, $0.0e+00;
	v8 =	vadd.f32 $-1.000000000e+00, v9;
	v9 =	vpop (erf)  }
0x329: {  	v6 =	vld [tilespmem:s0+$0x2C00];
	[tilespmem:s28+$0x2C10] =	vst v5;
	v4 =	vsel vm0, v4, v7;
	vm0 =	vgt.f32 v3, $0.0e+00;
	v7 =	vadd.f32 $-1.000000000e+00, v9;
	v9 =	vpop (erf)  }
0x32a: {  	v5 =	vld [tilespmem:s0+$0x2C10];
	[tilespmem:s28+$0x2C20] =	vst v4;
	v3 =	vsel vm0, v3, v8;
	vm0 =	vgt.f32 v2, $0.0e+00;
	v8 =	vadd.f32 $-1.000000000e+00, v9;
	v9 =	vpop (erf)  }
.Ltmp5:
0x32b: {  	v4 =	vld [tilespmem:s0+$0x2C20];
	[tilespmem:s28+$0x2C30] =	vst v3;
	v2 =	vsel vm0, v2, v7;
	vm0 =	vgt.f32 v1, $0.0e+00;
	v7 =	vadd.f32 $-1.000000000e+00, v9;
	v9 =	vpop (erf);
	(pc) =	sbr.rel @p1 .LBB2_13-.Ltmp5, $4  }
0x32c: {  	v3 =	vld [tilespmem:s0+$0x2C30];
	[tilespmem:s28+$0x2C40] =	vst v2;
	v1 =	vsel vm0, v1, v8;
	vm0 =	vgt.f32 v0, $0.0e+00;
	v8 =	vadd.f32 $-1.000000000e+00, v9  }
0x32d: {  	v2 =	vld [tilespmem:s0+$0x2C40];
	[tilespmem:s28+$0x2C50] =	vst v1;
	v0 =	vsel vm0, v0, v7;
	vm0 =	vgt.f32 v10, $0.0e+00  }
0x32e: {  	v7 =	vmin.f32 v6, $0.0e+00;
	v1 =	vld [tilespmem:s0+$0x2C50];
	[tilespmem:s28+$0x2C60] =	vst v0;
	v9 =	vsel vm0, v10, v8  }
0x32f: {  	s30 =	sadd.s32 $0x200, s30;
	v7 =	vmul.f32 $1.442695020e+00, v7;
	v8 =	vmin.f32 v5, $0.0e+00;
	v0 =	vld [tilespmem:s0+$0x2C60];
	[tilespmem:s28+$0x2C70] =	vst v9;
	s28 =	smov.u32 s0  }
0x330: {  	v8 =	vmul.f32 $1.442695020e+00, v8;
	v9 =	vmin.f32 v4, $0.0e+00;
	v10 =	vld [tilespmem:s28+$0x2C70]  }
0x331: {  	v9 =	vmul.f32 $1.442695020e+00, v9;
	v11 =	vmin.f32 v3, $0.0e+00;
	(erf) = vpow2.f32 v7  }
0x332: {  	v40 =	vmul.f32 $1.442695020e+00, v11;
	v41 =	vmin.f32 v2, $0.0e+00;
	(erf) = vpow2.f32 v8  }
0x333: {  	v42 =	vmul.f32 $1.442695020e+00, v41;
	v43 =	vmin.f32 v1, $0.0e+00;
	(erf) = vpow2.f32 v9  }
0x334: {  	v44 =	vmul.f32 $1.442695020e+00, v43;
	v45 =	vmin.f32 v0, $0.0e+00;
	(erf) = vpow2.f32 v40  }
0x335: {  	v46 =	vmul.f32 $1.442695020e+00, v45;
	v47 =	vmin.f32 v10, $0.0e+00;
	(erf) = vpow2.f32 v42  }
0x336: {  	v48 =	vmul.f32 $1.442695020e+00, v47;
	(erf) = vpow2.f32 v44  }
0x337: {  	(erf) = vpow2.f32 v46  }
0x338: {  	(erf) = vpow2.f32 v48;
	_ =	sdelay $0x1  }
0x339: {  	v49 =	vpop (erf)  }
0x33a: {  	v7 =	vadd.f32 $-1.000000000e+00, v49;
	v50 =	vpop (erf)  }
0x33b: {  	vm0 =	vgt.f32 v6, $0.0e+00;
	v8 =	vadd.f32 $-1.000000000e+00, v50;
	v51 =	vpop (erf)  }
0x33c: {  	vm9 =	vgt.f32 v5, $0.0e+00;
	v6 =	vsel vm0, v6, v7;
	v52 =	vadd.f32 $-1.000000000e+00, v51;
	v53 =	vpop (erf)  }
0x33d: {  	vm10 =	vgt.f32 v4, $0.0e+00;
	[tilespmem:s28+$0x2C00] =	vst v6;
	v5 =	vsel vm9, v5, v8;
	v54 =	vadd.f32 $-1.000000000e+00, v53;
	v55 =	vpop (erf)  }
0x33e: {  	vm11 =	vgt.f32 v3, $0.0e+00;
	[tilespmem:s28+$0x2C10] =	vst v5;
	v4 =	vsel vm10, v4, v52;
	v56 =	vadd.f32 $-1.000000000e+00, v55;
	v57 =	vpop (erf)  }
0x33f: {  	vm12 =	vgt.f32 v2, $0.0e+00;
	[tilespmem:s28+$0x2C20] =	vst v4;
	v3 =	vsel vm11, v3, v54;
	v58 =	vadd.f32 $-1.000000000e+00, v57;
	v59 =	vpop (erf)  }
0x340: {  	vm13 =	vgt.f32 v1, $0.0e+00;
	[tilespmem:s28+$0x2C30] =	vst v3;
	v2 =	vsel vm12, v2, v56;
	v60 =	vadd.f32 $-1.000000000e+00, v59;
	v61 =	vpop (erf)  }
0x341: {  	vm14 =	vgt.f32 v0, $0.0e+00;
	[tilespmem:s28+$0x2C40] =	vst v2;
	v1 =	vsel vm13, v1, v58;
	v62 =	vadd.f32 $-1.000000000e+00, v61  }
0x342: {  	s11 =	sor.u32 $0x20, s29;
	vm15 =	vgt.f32 v10, $0.0e+00;
	[tilespmem:s28+$0x2C50] =	vst v1;
	v0 =	vsel vm14, v0, v60  }
0x343: {  	p1 =	slt.u32 s11, $0x270;
	[tilespmem:s28+$0x2C60] =	vst v0;
	v63 =	vsel vm15, v10, v62  }
0x344: {  	v0 =	vimm.f32 @!p1 $0.0e+00;
	[tilespmem:s28+$0x2C70] =	vst v63  }
0x345: {  	[tilespmem:$0x3380] =	vst @!p1 v0  }
0x346: {  	[tilespmem:$0x3390] =	vst @!p1 v0  }
0x347: {  	[tilespmem:$0x33A0] =	vst @!p1 v0  }
0x348: {  	[tilespmem:$0x33B0] =	vst @!p1 v0  }
0x349: {  	[tilespmem:$0x33C0] =	vst @!p1 v0  }
0x34a: {  	[tilespmem:$0x33D0] =	vst @!p1 v0  }
0x34b: {  	s26 =	sadd.s32 $0x1, s26;
	p2 =	sne.s32 @!p1 s29, $0x250;
	[tilespmem:$0x33E0] =	vst @!p1 v0  }
0x34c: {  	p2 =	por p1, !p2;
	[tilespmem:$0x33F0] =	vst @!p1 v0;
	p1 =	sne.s32 s26, $0xA  }
.Ltmp6:
0x34d: {  	_ = 	snop;
	(pc) =	sbr.rel @p1 .LBB2_4-.Ltmp6, $4  }
0x34e: {  	s0 =	smin.u32 @p2 s11, $0x270  }
0x34f: {  	s0 =	sshll.u32 @p2 s0, $0x8  }
0x350: {  	s0 =	sadd.s32 @p2 s3, s0  }
0x351: {  	[hbm4b:s0+s4] =	stream.linear.scatter @p2 [tilespmem:s2], [sflag:$0x6], $0x800, $0x38;
	[tilespmem:$0x3480] =	vst v63  }
0x352: {  	_ =	swait.ge [sflag:s25], $0x800  }
0x353: {  	[sflag:s25] =	ssyncset.done $0x0  }
0x354: {  	s0 =	simm.s32 @!p0 $0x6;
	[sflag:s25] =	ssyncadd.s32 $0xFFFFF800  }
0x355: {  	_ =	swait.ge @!p0 [sflag:s0], $0x800  }
0x356: {  	s26 =	rddreg [dreg:$0x8]  }
0x357: {  	s11 =	rddreg [dreg:$0x7];
	s26 =	sadd.s32 $0x1, s26  }
0x358: {  	p1 =	sne.s32 s26, s11  }
.Ltmp7:
0x359: {  	_ = 	snop;
	(pc) =	sbr.rel @p1 .LBB2_1-.Ltmp7, $3  }
0x35a: {  	_ =	sdelay $0x1  }
0x35b: {  	[sflag:s0] =	ssyncset.done @!p0 $0x0  }
0x35c: {  	[sflag:s0] =	ssyncadd.s32 @!p0 $0xFFFFF800  }
0x35d: {  	_ =	sfence.sel $0x180000  }
0x35e: {  	[bflag:$0x0] =	sbarrier.arrive $0xFFFF  }
0x35f: {  	_ =	strace $0x90000047  }
0x360: {  	s0 =	stileid.u32;
	[bflag:$0x2] =	sbarrier.arrive $0xFFFF  }
0x361: {  	p0 =	sne.s32 s0, $0x0;
	s0 =	rddreg [dreg:$0x3]  }
0x362: {  	s0 =	sadd.s32 @!p0 $0x100000, s0  }
0x363: {  	[sflag:s0] =	ssyncadd.tile.s32 @!p0 $0x1;
	_ =	shalt  }
.Lfunc_end2:
_tile_overlayer_lowered:
.L_overlay_start_2:
0x364: {  	(tag) =	ssettag $0x2  }
0x365: {  	s0 =	rddreg [dreg:$0x0];
	s2 =	stileid.u32  }
0x366: {  	s1 =	rddreg [dreg:$0x1];
	p0 =	sne.s32 s2, $0x0  }
0x367: {  	s3 =	rddreg [dreg:$0x2];
	[bflag:$0x3] =	sbarrier.arrive $0xFFFF;
	s2 =	simm.s32 @!p0 $0x1C07  }
0x368: {  	[timem:s3], [sflag:s2] =	dma.local @!p0 [hbm:s0], s1  }
0x369: {  	s0 =	simm.s32 @!p0 $0x7  }
0x36a: {  	_ =	swait.ge @!p0 [sflag:s0], s1  }
0x36b: {  	s1 =	ssub.s32 @!p0 $0x0, s1;
	[sflag:s0] =	ssyncset.done @!p0 $0x0  }
0x36c: {  	[sflag:s0] =	ssyncadd.s32 @!p0 s1  }
0x36d: {  	[bflag:$0x3] =	sbarrier.arrive $0xFFFF  }
0x36e: {  	_ =	shalt  }

</sc_bundles>
